<compile_context>
chip_gen: v7x
topology: tpu7x:2x2x1
jax: 0.10.2.dev20260603
libtpu: 0.0.44.dev20260713+nightly
codegen_flags: <defaults>
</compile_context>

<pallas_src>
import functools

import jax
import jax.numpy as jnp
from jax import lax
from jax.experimental import pallas as pl
from jax.experimental.pallas import tpu as pltpu
from jax.experimental.pallas import tpu_sc as plsc

N = 10000
E = 160000
F_DIM = 512
C1 = 256
NP = 10240

_NC = 2
_NS = 16
_NW = _NC * _NS

_CK = 128
_NCHUNK = E // _CK
_CSLAB = C1 // _NW


def _mesh():
    return plsc.VectorSubcoreMesh(
        core_axis_name="c", subcore_axis_name="s",
        num_cores=_NC, num_subcores=_NS,
    )


def _sc_degree(src, weights):
    kiters = (_NCHUNK + _NW - 1) // _NW

    @functools.partial(
        pl.kernel,
        out_type=jax.ShapeDtypeStruct((_NW, NP), jnp.float32),
        mesh=_mesh(),
        scratch_types=[
            pltpu.VMEM((NP,), jnp.float32),
            pltpu.VMEM((_CK,), jnp.int32),
            pltpu.VMEM((_CK,), jnp.float32),
        ],
        compiler_params=pltpu.CompilerParams(needs_layout_passes=False),
    )
    def k(src_h, w_h, parts_h, acc_v, idx_v, wv_v):
        wid = lax.axis_index("s") * _NC + lax.axis_index("c")

        @plsc.parallel_loop(0, NP // 16, unroll=4)
        def _zero(i):
            acc_v[pl.ds(i * 16, 16)] = jnp.zeros((16,), jnp.float32)

        @pl.loop(0, kiters)
        def _chunks(kk):
            ch = wid + kk * _NW

            @pl.when(ch < _NCHUNK)
            def _():
                off = ch * _CK
                pltpu.sync_copy(src_h.at[pl.ds(off, _CK)], idx_v)
                pltpu.sync_copy(w_h.at[pl.ds(off, _CK)], wv_v)

                @plsc.parallel_loop(0, _CK // 16, unroll=4)
                def _j(j):
                    i16 = idx_v[pl.ds(j * 16, 16)]
                    w16 = wv_v[pl.ds(j * 16, 16)]
                    plsc.addupdate_scatter(acc_v, [i16], w16)

        pltpu.sync_copy(acc_v, parts_h.at[wid])

    return k(src, weights)


_GEW = E // _NW
_GCK = 104
_GFULL = _GEW // _GCK
_GTAIL = _GEW - _GFULL * _GCK


def _sc_gather2(table, src, dst):
    @functools.partial(
        pl.kernel,
        out_type=(
            jax.ShapeDtypeStruct((E, C1), jnp.float32),
            jax.ShapeDtypeStruct((E, C1), jnp.float32),
        ),
        mesh=_mesh(),
        scratch_types=[
            pltpu.VMEM((_GEW,), jnp.int32),
            pltpu.VMEM((_GEW,), jnp.int32),
            pltpu.VMEM((_GCK, C1), jnp.float32),
            pltpu.VMEM((_GCK, C1), jnp.float32),
            pltpu.VMEM((_GCK, C1), jnp.float32),
            pltpu.VMEM((_GCK, C1), jnp.float32),
            pltpu.VMEM((_GTAIL, C1), jnp.float32),
            pltpu.VMEM((_GTAIL, C1), jnp.float32),
            pltpu.SemaphoreType.DMA,
            pltpu.SemaphoreType.DMA,
        ],
    )
    def k(tab_h, src_h, dst_h, outs_h, outd_h,
          idxs_v, idxd_v, rsa_v, rda_v, rsb_v, rdb_v, rst_v, rdt_v,
          sema, semb):
        wid = lax.axis_index("s") * _NC + lax.axis_index("c")
        base = wid * _GEW

        pltpu.sync_copy(src_h.at[pl.ds(base, _GEW)], idxs_v)
        pltpu.sync_copy(dst_h.at[pl.ds(base, _GEW)], idxd_v)

        def fire(j, rs, rd, sem):
            o = j * _GCK
            s = pltpu.async_copy(tab_h.at[idxs_v.at[pl.ds(o, _GCK)]], rs, sem)
            d = pltpu.async_copy(tab_h.at[idxd_v.at[pl.ds(o, _GCK)]], rd, sem)
            return s, d

        def wait(rs, rd, sem):
            pltpu.make_async_copy(tab_h.at[idxs_v.at[pl.ds(0, _GCK)]], rs,
                                  sem).wait()
            pltpu.make_async_copy(tab_h.at[idxd_v.at[pl.ds(0, _GCK)]], rd,
                                  sem).wait()

        def write(j, rs, rd):
            o = base + j * _GCK
            pltpu.sync_copy(rs, outs_h.at[pl.ds(o, _GCK)])
            pltpu.sync_copy(rd, outd_h.at[pl.ds(o, _GCK)])

        fire(0, rsa_v, rda_v, sema)

        @pl.loop(0, _GFULL // 2)
        def _pairs(m):
            ja = 2 * m
            fire(ja + 1, rsb_v, rdb_v, semb)
            wait(rsa_v, rda_v, sema)
            write(ja, rsa_v, rda_v)

            @pl.when(ja + 2 < _GFULL)
            def _():
                fire(ja + 2, rsa_v, rda_v, sema)

            wait(rsb_v, rdb_v, semb)
            write(ja + 1, rsb_v, rdb_v)

        to = _GFULL * _GCK
        s = pltpu.async_copy(tab_h.at[idxs_v.at[pl.ds(to, _GTAIL)]], rst_v,
                             sema)
        d = pltpu.async_copy(tab_h.at[idxd_v.at[pl.ds(to, _GTAIL)]], rdt_v,
                             sema)
        s.wait()
        d.wait()
        pltpu.sync_copy(rst_v, outs_h.at[pl.ds(base + to, _GTAIL)])
        pltpu.sync_copy(rdt_v, outd_h.at[pl.ds(base + to, _GTAIL)])

    return k(table, src, dst)


_SCK = 640
_SNCH = E // _SCK


def _sc_scatter_t(vt, src):
    @functools.partial(
        pl.kernel,
        out_type=jax.ShapeDtypeStruct((C1, NP), jnp.float32),
        mesh=_mesh(),
        scratch_types=[
            pltpu.VMEM((_CSLAB, NP), jnp.float32),
            [pltpu.VMEM((_SCK,), jnp.int32)] * 2,
            [pltpu.VMEM((_CSLAB, _SCK), jnp.float32)] * 2,
            [pltpu.SemaphoreType.DMA] * 2,
        ],
        compiler_params=pltpu.CompilerParams(needs_layout_passes=False),
    )
    def k(vt_h, src_h, acct_h, acc_v, idx_bufs, slab_bufs, sems):
        wid = lax.axis_index("s") * _NC + lax.axis_index("c")
        r0 = wid * _CSLAB

        @plsc.parallel_loop(0, NP // 16, unroll=4)
        def _zero(i):
            for c in range(_CSLAB):
                acc_v[c, pl.ds(i * 16, 16)] = jnp.zeros((16,), jnp.float32)

        def fire(ch, t):
            off = ch * _SCK
            pltpu.async_copy(src_h.at[pl.ds(off, _SCK)], idx_bufs[t], sems[t])
            pltpu.async_copy(vt_h.at[pl.ds(r0, _CSLAB), pl.ds(off, _SCK)],
                             slab_bufs[t], sems[t])

        def wait(t):
            pltpu.make_async_copy(src_h.at[pl.ds(0, _SCK)], idx_bufs[t],
                                  sems[t]).wait()
            pltpu.make_async_copy(vt_h.at[pl.ds(0, _CSLAB), pl.ds(0, _SCK)],
                                  slab_bufs[t], sems[t]).wait()

        def process(t):
            idx_v, slab_v = idx_bufs[t], slab_bufs[t]

            @plsc.parallel_loop(0, _SCK // 16, unroll=4)
            def _j(j):
                i16 = idx_v[pl.ds(j * 16, 16)]
                for c in range(_CSLAB):
                    v16 = slab_v[c, pl.ds(j * 16, 16)]
                    c16 = jnp.full((16,), c, jnp.int32)
                    plsc.addupdate_scatter(acc_v, [c16, i16], v16)

        for t in range(2):
            fire(t, t)

        @pl.loop(0, _SNCH // 2)
        def _pairs(m):
            ja = 2 * m
            for t in range(2):
                wait(t)
                process(t)

                @pl.when(ja + t + 2 < _SNCH)
                def _():
                    fire(ja + t + 2, t)

        pltpu.sync_copy(acc_v, acct_h.at[pl.ds(r0, _CSLAB)])

    return k(vt, src)


def _tc_embed(features, embed_W, embed_b):
    bn = 1000

    def body(f_ref, w_ref, b_ref, o_ref):
        o_ref[...] = (
            jnp.dot(f_ref[...], w_ref[...], preferred_element_type=jnp.float32)
            + b_ref[...]
        )

    return pl.pallas_call(
        body,
        grid=(N // bn,),
        in_specs=[
            pl.BlockSpec((bn, F_DIM), lambda i: (i, 0)),
            pl.BlockSpec((F_DIM, C1), lambda i: (0, 0)),
            pl.BlockSpec((1, C1), lambda i: (0, 0)),
        ],
        out_specs=pl.BlockSpec((bn, C1), lambda i: (i, 0)),
        out_shape=jax.ShapeDtypeStruct((N, C1), jnp.float32),
    )(features, embed_W, embed_b)


def _tc_ns_reduce(parts):
    def body(p_ref, inv_ref):
        ns = lax.dot_general(
            jnp.ones((1, _NW), jnp.float32), p_ref[...],
            (((1,), (0,)), ((), ())), preferred_element_type=jnp.float32,
        ) + 1e-8
        inv_ref[...] = 1.0 / ns

    return pl.pallas_call(
        body,
        grid=(1,),
        in_specs=[pl.BlockSpec((_NW, NP), lambda i: (0, 0))],
        out_specs=pl.BlockSpec((1, NP), lambda i: (0, 0)),
        out_shape=jax.ShapeDtypeStruct((1, NP), jnp.float32),
    )(parts)


def _nt_matmul(a, b):
    return lax.dot_general(
        a, b, (((1,), (1,)), ((), ())), preferred_element_type=jnp.float32
    )


def _edge_zt(s_ref, d_ref, wt1_ref, wt2_ref, b_ref, wr_ref):
    s = s_ref[...]
    d = d_ref[...]
    x1 = (s + d) * 0.5
    x2 = jnp.abs(s - d)
    return _nt_matmul(wt1_ref[...], x1) + _nt_matmul(wt2_ref[...], x2) + b_ref[...]


def _tc_edge1(sg, dg, wt1, wt2, b_col, w_row):
    be = 1280

    def body(s_ref, d_ref, wt1_ref, wt2_ref, b_ref, wr_ref, o_ref):
        zt = _edge_zt(s_ref, d_ref, wt1_ref, wt2_ref, b_ref, wr_ref)
        o_ref[...] = zt * wr_ref[...]

    return pl.pallas_call(
        body,
        grid=(E // be,),
        in_specs=[
            pl.BlockSpec((be, C1), lambda i: (i, 0)),
            pl.BlockSpec((be, C1), lambda i: (i, 0)),
            pl.BlockSpec((C1, C1), lambda i: (0, 0)),
            pl.BlockSpec((C1, C1), lambda i: (0, 0)),
            pl.BlockSpec((C1, 1), lambda i: (0, 0)),
            pl.BlockSpec((1, be), lambda i: (0, i)),
        ],
        out_specs=pl.BlockSpec((C1, be), lambda i: (0, i)),
        out_shape=jax.ShapeDtypeStruct((C1, E), jnp.float32),
    )(sg, dg, wt1, wt2, b_col, w_row)


def _tc_edge2(sg, dg, wt1, wt2, b_col, w_row, eye):
    be = 1280

    def body(s_ref, d_ref, wt1_ref, wt2_ref, b_ref, wr_ref, eye_ref,
             p_ref, vt_ref):
        zt = _edge_zt(s_ref, d_ref, wt1_ref, wt2_ref, b_ref, wr_ref)
        zmax = jnp.max(zt, axis=0, keepdims=True)
        ez = jnp.exp(zt - zmax)
        pt = ez / jnp.sum(ez, axis=0, keepdims=True)
        vt_ref[...] = pt * wr_ref[...]
        p_ref[...] = lax.dot_general(
            pt, eye_ref[...], (((0,), (0,)), ((), ())),
            preferred_element_type=jnp.float32,
        )

    return pl.pallas_call(
        body,
        grid=(E // be,),
        in_specs=[
            pl.BlockSpec((be, C1), lambda i: (i, 0)),
            pl.BlockSpec((be, C1), lambda i: (i, 0)),
            pl.BlockSpec((C1, C1), lambda i: (0, 0)),
            pl.BlockSpec((C1, C1), lambda i: (0, 0)),
            pl.BlockSpec((C1, 1), lambda i: (0, 0)),
            pl.BlockSpec((1, be), lambda i: (0, i)),
            pl.BlockSpec((C1, C1), lambda i: (0, 0)),
        ],
        out_specs=[
            pl.BlockSpec((be, C1), lambda i: (i, 0)),
            pl.BlockSpec((C1, be), lambda i: (0, i)),
        ],
        out_shape=[
            jax.ShapeDtypeStruct((E, C1), jnp.float32),
            jax.ShapeDtypeStruct((C1, E), jnp.float32),
        ],
    )(sg, dg, wt1, wt2, b_col, w_row, eye)


def _tc_norm_t(acct, inv_ns, eye, with_raw):
    bn = 1024

    def body(a_ref, i_ref, eye_ref, o_ref, *rest):
        a = a_ref[...]
        o_ref[...] = lax.dot_general(
            a * i_ref[...], eye_ref[...], (((0,), (0,)), ((), ())),
            preferred_element_type=jnp.float32,
        )
        if with_raw:
            rest[0][...] = lax.dot_general(
                a, eye_ref[...], (((0,), (0,)), ((), ())),
                preferred_element_type=jnp.float32,
            )

    out_specs = [pl.BlockSpec((bn, C1), lambda i: (i, 0))]
    out_shape = [jax.ShapeDtypeStruct((NP, C1), jnp.float32)]
    if with_raw:
        out_specs.append(pl.BlockSpec((bn, C1), lambda i: (i, 0)))
        out_shape.append(jax.ShapeDtypeStruct((NP, C1), jnp.float32))

    return pl.pallas_call(
        body,
        grid=(NP // bn,),
        in_specs=[
            pl.BlockSpec((C1, bn), lambda i: (0, i)),
            pl.BlockSpec((1, bn), lambda i: (0, i)),
            pl.BlockSpec((C1, C1), lambda i: (0, 0)),
        ],
        out_specs=out_specs,
        out_shape=out_shape,
    )(acct, inv_ns, eye)


def kernel(features, edges, weights, embed_W, embed_b, trans_W, trans_b):
    src = edges[:, 0]
    dst = edges[:, 1]
    w_row = weights.reshape(1, E)
    b1 = embed_b.reshape(1, C1)
    b2 = trans_b.reshape(C1, 1)
    wt1 = trans_W[:C1].T
    wt2 = trans_W[C1:].T
    eye = jnp.eye(C1, dtype=jnp.float32)

    embed0 = _tc_embed(features, embed_W, b1)
    parts = _sc_degree(src, weights)
    inv_ns = _tc_ns_reduce(parts)

    sg, dg = _sc_gather2(embed0, src, dst)
    v1t = _tc_edge1(sg, dg, wt1, wt2, b2, w_row)
    acct1 = _sc_scatter_t(v1t, src)
    (embed1,) = _tc_norm_t(acct1, inv_ns, eye, with_raw=False)

    sg2, dg2 = _sc_gather2(embed1, src, dst)
    poss_edge, v2t = _tc_edge2(sg2, dg2, wt1, wt2, b2, w_row, eye)
    acct2 = _sc_scatter_t(v2t, src)
    poss_node, recall_node = _tc_norm_t(acct2, inv_ns, eye, with_raw=True)

    return poss_node[:N], poss_edge, recall_node[:N]

# --- scband reference (transcript-rebuilt; emitter-appended) ---
"""Pipeline reference for scband-embedding-p-multi-layer-39479339385297 (READ-ONLY COPY).

The authoritative reference and input builder live on the scoring server;
editing this copy changes nothing except your own understanding.
"""

import jax, jax.numpy as jnp
import numpy as np

N = 10000
E = 160000
F_DIM = 512
C1 = 256  # num_class + 1
RECURSION = 2

def setup_inputs(seed: int = 0) -> dict:
    key = jax.random.key(seed)
    ks = jax.random.split(key, 8)
    features = jax.random.normal(ks[0], (N, F_DIM), dtype=jnp.float32)
    edges = jax.random.randint(ks[1], (E, 2), 0, N, dtype=jnp.int32)
    weights = jax.random.uniform(ks[2], (E,), dtype=jnp.float32)
    # learned parameters (nn.Linear: feature_dim -> C1, and 2*C1 -> C1)
    embed_W = jax.random.normal(ks[3], (F_DIM, C1), dtype=jnp.float32) / np.sqrt(F_DIM)
    embed_b = jnp.zeros((C1,), dtype=jnp.float32)
    trans_W = jax.random.normal(ks[4], (2 * C1, C1), dtype=jnp.float32) / np.sqrt(2 * C1)
    trans_b = jnp.zeros((C1,), dtype=jnp.float32)
    return {"features": features, "edges": edges, "weights": weights,
            "embed_W": embed_W, "embed_b": embed_b,
            "trans_W": trans_W, "trans_b": trans_b}

def _operator_sy2(src, dst):
    E1 = (src + dst) / 2.0
    E2 = jnp.abs(src - dst)
    return jnp.concatenate([E1, E2], axis=1)

def _forward_withEdge(poss_edge, src_idx, weights, neigh_sum):
    value = poss_edge * weights[:, None]
    poss_node = jnp.zeros((N, poss_edge.shape[1]), dtype=poss_edge.dtype).at[src_idx].add(value)
    recall_node = poss_node
    poss_node_norm = poss_node / neigh_sum
    return poss_node_norm, poss_edge, recall_node

def reference(features, edges, weights, embed_W, embed_b, trans_W, trans_b):
    src = edges[:, 0]
    dst = edges[:, 1]
    # neighbours_sum(): weighted in-degree per node (scatter-add of edge weights at src)
    neigh_sum = jnp.zeros((N,), jnp.float32).at[src].add(weights)[:, None] + 1e-8
    embed = features @ embed_W + embed_b
    E_feat = None
    for layer in range(1, RECURSION + 1):
        src_embed = embed[src]
        dst_embed = embed[dst]
        E_feat = _operator_sy2(src_embed, dst_embed) @ trans_W + trans_b
        if layer != RECURSION:
            embed, _, _ = _forward_withEdge(E_feat, src, weights, neigh_sum)
    poss_edge = jax.nn.softmax(E_feat, axis=1)
    poss_node, poss_edge, recall_node = _forward_withEdge(poss_edge, src, weights, neigh_sum)
    return poss_node, poss_edge, recall_node

if __name__ == "__main__":
    import jax
    _d = setup_inputs()
    print(jax.jit(kernel)(*tuple(_d.values())))

</pallas_src>

<mosaic_0001>
#map = affine_map<(d0, d1) -> (0, 0)>
#map1 = affine_map<(d0, d1) -> (0)>
module attributes {stable_mosaic.version = 14 : i64} {
  func.func @k(%arg0: i32, %arg1: i32, %arg2: memref<10000x256xf32, #tpu.memory_space<hbm>>, %arg3: memref<160000xi32, #tpu.memory_space<hbm>>, %arg4: memref<160000xi32, #tpu.memory_space<hbm>>, %arg5: memref<160000x256xf32, #tpu.memory_space<hbm>>, %arg6: memref<160000x256xf32, #tpu.memory_space<hbm>>, %arg7: memref<5000xi32, #tpu.memory_space<vmem>>, %arg8: memref<5000xi32, #tpu.memory_space<vmem>>, %arg9: memref<104x256xf32, #tpu.memory_space<vmem>>, %arg10: memref<104x256xf32, #tpu.memory_space<vmem>>, %arg11: memref<104x256xf32, #tpu.memory_space<vmem>>, %arg12: memref<104x256xf32, #tpu.memory_space<vmem>>, %arg13: memref<8x256xf32, #tpu.memory_space<vmem>>, %arg14: memref<8x256xf32, #tpu.memory_space<vmem>>, %arg15: memref<!tpu.dma_semaphore, #tpu.memory_space<semaphore_mem>>, %arg16: memref<!tpu.dma_semaphore, #tpu.memory_space<semaphore_mem>>) attributes {dimension_semantics = [#tpu.dimension_semantics<core_parallel>, #tpu.dimension_semantics<subcore_parallel>], iteration_bounds = array<i64: 2, 16>, scalar_prefetch = 0 : i64, scratch_operands = 10 : i64, tpu.core_type = #tpu.core_type<sc_vector_subcore>, window_params = [{transform_indices = #map}, {transform_indices = #map1}, {transform_indices = #map1}, {transform_indices = #map}, {transform_indices = #map}]} {
    %mul3A = arith.constant 2 : i32
    %mul3A_0 = arith.muli %arg1, %mul3A : i32
    %add3A = arith.addi %mul3A_0, %arg0 : i32
    %mul3A_1 = arith.constant 5000 : i32
    %mul3A_2 = arith.muli %add3A, %mul3A_1 : i32
    "tpu.region"() ({
      %run_scoped3A = tpu.sem_alloc : memref<!tpu.dma_semaphore, #tpu.memory_space<semaphore_mem>>
      %dma_start3A_39 = tpu.memref_slice %arg3[%mul3A_2] : memref<160000xi32, #tpu.memory_space<hbm>> -> memref<5000xi32, #tpu.memory_space<hbm>>
      %dma_start3A_40 = tpu.memref_slice %arg3[%mul3A_2] : memref<160000xi32, #tpu.memory_space<hbm>> -> memref<5000xi32, #tpu.memory_space<hbm>>
      tpu.enqueue_dma source(%dma_start3A_40 : memref<5000xi32, #tpu.memory_space<hbm>>) target(%arg7 : memref<5000xi32, #tpu.memory_space<vmem>>) target_semaphore(%run_scoped3A : memref<!tpu.dma_semaphore, #tpu.memory_space<semaphore_mem>>)
      %dma_wait3A_41 = tpu.memref_slice %arg3[%mul3A_2] : memref<160000xi32, #tpu.memory_space<hbm>> -> memref<5000xi32, #tpu.memory_space<hbm>>
      %dma_wait3A_42 = tpu.memref_slice %arg3[%mul3A_2] : memref<160000xi32, #tpu.memory_space<hbm>> -> memref<5000xi32, #tpu.memory_space<hbm>>
      tpu.wait_dma2 semaphore(%run_scoped3A : memref<!tpu.dma_semaphore, #tpu.memory_space<semaphore_mem>>) src(%dma_wait3A_42 : memref<5000xi32, #tpu.memory_space<hbm>>) dst(%arg7 : memref<5000xi32, #tpu.memory_space<vmem>>)
      tpu.yield
    }) : () -> ()
    "tpu.region"() ({
      %run_scoped3A = tpu.sem_alloc : memref<!tpu.dma_semaphore, #tpu.memory_space<semaphore_mem>>
      %dma_start3A_39 = tpu.memref_slice %arg4[%mul3A_2] : memref<160000xi32, #tpu.memory_space<hbm>> -> memref<5000xi32, #tpu.memory_space<hbm>>
      %dma_start3A_40 = tpu.memref_slice %arg4[%mul3A_2] : memref<160000xi32, #tpu.memory_space<hbm>> -> memref<5000xi32, #tpu.memory_space<hbm>>
      tpu.enqueue_dma source(%dma_start3A_40 : memref<5000xi32, #tpu.memory_space<hbm>>) target(%arg8 : memref<5000xi32, #tpu.memory_space<vmem>>) target_semaphore(%run_scoped3A : memref<!tpu.dma_semaphore, #tpu.memory_space<semaphore_mem>>)
      %dma_wait3A_41 = tpu.memref_slice %arg4[%mul3A_2] : memref<160000xi32, #tpu.memory_space<hbm>> -> memref<5000xi32, #tpu.memory_space<hbm>>
      %dma_wait3A_42 = tpu.memref_slice %arg4[%mul3A_2] : memref<160000xi32, #tpu.memory_space<hbm>> -> memref<5000xi32, #tpu.memory_space<hbm>>
      tpu.wait_dma2 semaphore(%run_scoped3A : memref<!tpu.dma_semaphore, #tpu.memory_space<semaphore_mem>>) src(%dma_wait3A_42 : memref<5000xi32, #tpu.memory_space<hbm>>) dst(%arg8 : memref<5000xi32, #tpu.memory_space<vmem>>)
      tpu.yield
    }) : () -> ()
    %dma_start3A = arith.constant 0 : i32
    %dma_start3A_3 = tpu.memref_slice %arg7[%dma_start3A] : memref<5000xi32, #tpu.memory_space<vmem>> -> memref<104xi32, #tpu.memory_space<vmem>>
    %dma_start3A_4 = arith.constant 0 : i32
    %dma_start3A_5 = arith.constant 0 : i32
    %dma_start3A_6 = tpu.memref_slice %arg2[%dma_start3A_4, %dma_start3A_5] : memref<10000x256xf32, #tpu.memory_space<hbm>> -> memref<10000x256xf32, #tpu.memory_space<hbm>>
    tpu.enqueue_indirect_dma source(%dma_start3A_6 : memref<10000x256xf32, #tpu.memory_space<hbm>>) target(%arg9 : memref<104x256xf32, #tpu.memory_space<vmem>>) offsets(%dma_start3A_3 : memref<104xi32, #tpu.memory_space<vmem>>) semaphore(%arg15 : memref<!tpu.dma_semaphore, #tpu.memory_space<semaphore_mem>>)
    %dma_start3A_7 = arith.constant 0 : i32
    %dma_start3A_8 = tpu.memref_slice %arg8[%dma_start3A_7] : memref<5000xi32, #tpu.memory_space<vmem>> -> memref<104xi32, #tpu.memory_space<vmem>>
    %dma_start3A_9 = arith.constant 0 : i32
    %dma_start3A_10 = arith.constant 0 : i32
    %dma_start3A_11 = tpu.memref_slice %arg2[%dma_start3A_9, %dma_start3A_10] : memref<10000x256xf32, #tpu.memory_space<hbm>> -> memref<10000x256xf32, #tpu.memory_space<hbm>>
    tpu.enqueue_indirect_dma source(%dma_start3A_11 : memref<10000x256xf32, #tpu.memory_space<hbm>>) target(%arg10 : memref<104x256xf32, #tpu.memory_space<vmem>>) offsets(%dma_start3A_8 : memref<104xi32, #tpu.memory_space<vmem>>) semaphore(%arg15 : memref<!tpu.dma_semaphore, #tpu.memory_space<semaphore_mem>>)
    %scan3A = arith.constant 0 : i32
    %scan3A_12 = arith.constant 24 : i32
    %scan3A_13 = arith.addi %scan3A, %scan3A_12 : i32
    %scan3A_14 = arith.constant 1 : i32
    scf.for %scan3A_39 = %scan3A to %scan3A_13 step %scan3A_14  : i32 {
      %mul3A_40 = arith.constant 1 : i32
      %mul3A_41 = arith.muli %scan3A_39, %mul3A_40 : i32
      %add3A_42 = arith.constant 0 : i32
      %add3A_43 = arith.addi %add3A_42, %mul3A_41 : i32
      %mul3A_44 = arith.constant 2 : i32
      %mul3A_45 = arith.muli %mul3A_44, %add3A_43 : i32
      %add3A_46 = arith.constant 1 : i32
      %add3A_47 = arith.addi %mul3A_45, %add3A_46 : i32
      %mul3A_48 = arith.constant 104 : i32
      %mul3A_49 = arith.muli %add3A_47, %mul3A_48 : i32
      %dma_start3A_50 = tpu.memref_slice %arg7[%mul3A_49] : memref<5000xi32, #tpu.memory_space<vmem>> -> memref<104xi32, #tpu.memory_space<vmem>>
      %dma_start3A_51 = arith.constant 0 : i32
      %dma_start3A_52 = arith.constant 0 : i32
      %dma_start3A_53 = tpu.memref_slice %arg2[%dma_start3A_51, %dma_start3A_52] : memref<10000x256xf32, #tpu.memory_space<hbm>> -> memref<10000x256xf32, #tpu.memory_space<hbm>>
      tpu.enqueue_indirect_dma source(%dma_start3A_53 : memref<10000x256xf32, #tpu.memory_space<hbm>>) target(%arg11 : memref<104x256xf32, #tpu.memory_space<vmem>>) offsets(%dma_start3A_50 : memref<104xi32, #tpu.memory_space<vmem>>) semaphore(%arg16 : memref<!tpu.dma_semaphore, #tpu.memory_space<semaphore_mem>>)
      %dma_start3A_54 = tpu.memref_slice %arg8[%mul3A_49] : memref<5000xi32, #tpu.memory_space<vmem>> -> memref<104xi32, #tpu.memory_space<vmem>>
      %dma_start3A_55 = arith.constant 0 : i32
      %dma_start3A_56 = arith.constant 0 : i32
      %dma_start3A_57 = tpu.memref_slice %arg2[%dma_start3A_55, %dma_start3A_56] : memref<10000x256xf32, #tpu.memory_space<hbm>> -> memref<10000x256xf32, #tpu.memory_space<hbm>>
      tpu.enqueue_indirect_dma source(%dma_start3A_57 : memref<10000x256xf32, #tpu.memory_space<hbm>>) target(%arg12 : memref<104x256xf32, #tpu.memory_space<vmem>>) offsets(%dma_start3A_54 : memref<104xi32, #tpu.memory_space<vmem>>) semaphore(%arg16 : memref<!tpu.dma_semaphore, #tpu.memory_space<semaphore_mem>>)
      %dma_wait3A_58 = arith.constant 0 : i32
      %dma_wait3A_59 = tpu.memref_slice %arg7[%dma_wait3A_58] : memref<5000xi32, #tpu.memory_space<vmem>> -> memref<104xi32, #tpu.memory_space<vmem>>
      %dma_wait3A_60 = arith.constant 0 : i32
      %dma_wait3A_61 = arith.constant 0 : i32
      %dma_wait3A_62 = tpu.memref_slice %arg2[%dma_wait3A_60, %dma_wait3A_61] : memref<10000x256xf32, #tpu.memory_space<hbm>> -> memref<10000x256xf32, #tpu.memory_space<hbm>>
      tpu.wait_indirect_dma semaphore(%arg15 : memref<!tpu.dma_semaphore, #tpu.memory_space<semaphore_mem>>) src(%dma_wait3A_62 : memref<10000x256xf32, #tpu.memory_space<hbm>>) dst(%arg9 : memref<104x256xf32, #tpu.memory_space<vmem>>)
      %dma_wait3A_63 = arith.constant 0 : i32
      %dma_wait3A_64 = tpu.memref_slice %arg8[%dma_wait3A_63] : memref<5000xi32, #tpu.memory_space<vmem>> -> memref<104xi32, #tpu.memory_space<vmem>>
      %dma_wait3A_65 = arith.constant 0 : i32
      %dma_wait3A_66 = arith.constant 0 : i32
      %dma_wait3A_67 = tpu.memref_slice %arg2[%dma_wait3A_65, %dma_wait3A_66] : memref<10000x256xf32, #tpu.memory_space<hbm>> -> memref<10000x256xf32, #tpu.memory_space<hbm>>
      tpu.wait_indirect_dma semaphore(%arg15 : memref<!tpu.dma_semaphore, #tpu.memory_space<semaphore_mem>>) src(%dma_wait3A_67 : memref<10000x256xf32, #tpu.memory_space<hbm>>) dst(%arg10 : memref<104x256xf32, #tpu.memory_space<vmem>>)
      %mul3A_68 = arith.constant 104 : i32
      %mul3A_69 = arith.muli %mul3A_45, %mul3A_68 : i32
      %add3A_70 = arith.addi %mul3A_2, %mul3A_69 : i32
      "tpu.region"() ({
        %run_scoped3A = tpu.sem_alloc : memref<!tpu.dma_semaphore, #tpu.memory_space<semaphore_mem>>
        %dma_start3A_90 = arith.constant 0 : i32
        %dma_start3A_91 = tpu.memref_slice %arg5[%add3A_70, %dma_start3A_90] : memref<160000x256xf32, #tpu.memory_space<hbm>> -> memref<104x256xf32, #tpu.memory_space<hbm>>
        %dma_start3A_92 = arith.constant 0 : i32
        %dma_start3A_93 = tpu.memref_slice %arg5[%add3A_70, %dma_start3A_92] : memref<160000x256xf32, #tpu.memory_space<hbm>> -> memref<104x256xf32, #tpu.memory_space<hbm>>
        tpu.enqueue_dma source(%arg9 : memref<104x256xf32, #tpu.memory_space<vmem>>) target(%dma_start3A_93 : memref<104x256xf32, #tpu.memory_space<hbm>>) target_semaphore(%run_scoped3A : memref<!tpu.dma_semaphore, #tpu.memory_space<semaphore_mem>>)
        %dma_wait3A_94 = arith.constant 0 : i32
        %dma_wait3A_95 = tpu.memref_slice %arg5[%add3A_70, %dma_wait3A_94] : memref<160000x256xf32, #tpu.memory_space<hbm>> -> memref<104x256xf32, #tpu.memory_space<hbm>>
        %dma_wait3A_96 = arith.constant 0 : i32
        %dma_wait3A_97 = tpu.memref_slice %arg5[%add3A_70, %dma_wait3A_96] : memref<160000x256xf32, #tpu.memory_space<hbm>> -> memref<104x256xf32, #tpu.memory_space<hbm>>
        tpu.wait_dma2 semaphore(%run_scoped3A : memref<!tpu.dma_semaphore, #tpu.memory_space<semaphore_mem>>) src(%arg9 : memref<104x256xf32, #tpu.memory_space<vmem>>) dst(%dma_wait3A_97 : memref<104x256xf32, #tpu.memory_space<hbm>>)
        tpu.yield
      }) : () -> ()
      "tpu.region"() ({
        %run_scoped3A = tpu.sem_alloc : memref<!tpu.dma_semaphore, #tpu.memory_space<semaphore_mem>>
        %dma_start3A_90 = arith.constant 0 : i32
        %dma_start3A_91 = tpu.memref_slice %arg6[%add3A_70, %dma_start3A_90] : memref<160000x256xf32, #tpu.memory_space<hbm>> -> memref<104x256xf32, #tpu.memory_space<hbm>>
        %dma_start3A_92 = arith.constant 0 : i32
        %dma_start3A_93 = tpu.memref_slice %arg6[%add3A_70, %dma_start3A_92] : memref<160000x256xf32, #tpu.memory_space<hbm>> -> memref<104x256xf32, #tpu.memory_space<hbm>>
        tpu.enqueue_dma source(%arg10 : memref<104x256xf32, #tpu.memory_space<vmem>>) target(%dma_start3A_93 : memref<104x256xf32, #tpu.memory_space<hbm>>) target_semaphore(%run_scoped3A : memref<!tpu.dma_semaphore, #tpu.memory_space<semaphore_mem>>)
        %dma_wait3A_94 = arith.constant 0 : i32
        %dma_wait3A_95 = tpu.memref_slice %arg6[%add3A_70, %dma_wait3A_94] : memref<160000x256xf32, #tpu.memory_space<hbm>> -> memref<104x256xf32, #tpu.memory_space<hbm>>
        %dma_wait3A_96 = arith.constant 0 : i32
        %dma_wait3A_97 = tpu.memref_slice %arg6[%add3A_70, %dma_wait3A_96] : memref<160000x256xf32, #tpu.memory_space<hbm>> -> memref<104x256xf32, #tpu.memory_space<hbm>>
        tpu.wait_dma2 semaphore(%run_scoped3A : memref<!tpu.dma_semaphore, #tpu.memory_space<semaphore_mem>>) src(%arg10 : memref<104x256xf32, #tpu.memory_space<vmem>>) dst(%dma_wait3A_97 : memref<104x256xf32, #tpu.memory_space<hbm>>)
        tpu.yield
      }) : () -> ()
      %add3A_71 = arith.constant 2 : i32
      %add3A_72 = arith.addi %mul3A_45, %add3A_71 : i32
      %lt3A = arith.constant 48 : i32
      %lt3A_73 = arith.cmpi slt, %add3A_72, %lt3A : i32
      %convert_element_type3A = arith.extui %lt3A_73 : i1 to i32
      %cond3A = arith.constant 0 : i32
      %cond3A_74 = arith.cmpi ne, %convert_element_type3A, %cond3A : i32
      scf.if %cond3A_74 {
        %add3A_90 = arith.constant 2 : i32
        %add3A_91 = arith.addi %mul3A_45, %add3A_90 : i32
        %mul3A_92 = arith.constant 104 : i32
        %mul3A_93 = arith.muli %add3A_91, %mul3A_92 : i32
        %dma_start3A_94 = tpu.memref_slice %arg7[%mul3A_93] : memref<5000xi32, #tpu.memory_space<vmem>> -> memref<104xi32, #tpu.memory_space<vmem>>
        %dma_start3A_95 = arith.constant 0 : i32
        %dma_start3A_96 = arith.constant 0 : i32
        %dma_start3A_97 = tpu.memref_slice %arg2[%dma_start3A_95, %dma_start3A_96] : memref<10000x256xf32, #tpu.memory_space<hbm>> -> memref<10000x256xf32, #tpu.memory_space<hbm>>
        tpu.enqueue_indirect_dma source(%dma_start3A_97 : memref<10000x256xf32, #tpu.memory_space<hbm>>) target(%arg9 : memref<104x256xf32, #tpu.memory_space<vmem>>) offsets(%dma_start3A_94 : memref<104xi32, #tpu.memory_space<vmem>>) semaphore(%arg15 : memref<!tpu.dma_semaphore, #tpu.memory_space<semaphore_mem>>)
        %dma_start3A_98 = tpu.memref_slice %arg8[%mul3A_93] : memref<5000xi32, #tpu.memory_space<vmem>> -> memref<104xi32, #tpu.memory_space<vmem>>
        %dma_start3A_99 = arith.constant 0 : i32
        %dma_start3A_100 = arith.constant 0 : i32
        %dma_start3A_101 = tpu.memref_slice %arg2[%dma_start3A_99, %dma_start3A_100] : memref<10000x256xf32, #tpu.memory_space<hbm>> -> memref<10000x256xf32, #tpu.memory_space<hbm>>
        tpu.enqueue_indirect_dma source(%dma_start3A_101 : memref<10000x256xf32, #tpu.memory_space<hbm>>) target(%arg10 : memref<104x256xf32, #tpu.memory_space<vmem>>) offsets(%dma_start3A_98 : memref<104xi32, #tpu.memory_space<vmem>>) semaphore(%arg15 : memref<!tpu.dma_semaphore, #tpu.memory_space<semaphore_mem>>)
      } else {
      }
      %dma_wait3A_75 = arith.constant 0 : i32
      %dma_wait3A_76 = tpu.memref_slice %arg7[%dma_wait3A_75] : memref<5000xi32, #tpu.memory_space<vmem>> -> memref<104xi32, #tpu.memory_space<vmem>>
      %dma_wait3A_77 = arith.constant 0 : i32
      %dma_wait3A_78 = arith.constant 0 : i32
      %dma_wait3A_79 = tpu.memref_slice %arg2[%dma_wait3A_77, %dma_wait3A_78] : memref<10000x256xf32, #tpu.memory_space<hbm>> -> memref<10000x256xf32, #tpu.memory_space<hbm>>
      tpu.wait_indirect_dma semaphore(%arg16 : memref<!tpu.dma_semaphore, #tpu.memory_space<semaphore_mem>>) src(%dma_wait3A_79 : memref<10000x256xf32, #tpu.memory_space<hbm>>) dst(%arg11 : memref<104x256xf32, #tpu.memory_space<vmem>>)
      %dma_wait3A_80 = arith.constant 0 : i32
      %dma_wait3A_81 = tpu.memref_slice %arg8[%dma_wait3A_80] : memref<5000xi32, #tpu.memory_space<vmem>> -> memref<104xi32, #tpu.memory_space<vmem>>
      %dma_wait3A_82 = arith.constant 0 : i32
      %dma_wait3A_83 = arith.constant 0 : i32
      %dma_wait3A_84 = tpu.memref_slice %arg2[%dma_wait3A_82, %dma_wait3A_83] : memref<10000x256xf32, #tpu.memory_space<hbm>> -> memref<10000x256xf32, #tpu.memory_space<hbm>>
      tpu.wait_indirect_dma semaphore(%arg16 : memref<!tpu.dma_semaphore, #tpu.memory_space<semaphore_mem>>) src(%dma_wait3A_84 : memref<10000x256xf32, #tpu.memory_space<hbm>>) dst(%arg12 : memref<104x256xf32, #tpu.memory_space<vmem>>)
      %add3A_85 = arith.constant 1 : i32
      %add3A_86 = arith.addi %mul3A_45, %add3A_85 : i32
      %mul3A_87 = arith.constant 104 : i32
      %mul3A_88 = arith.muli %add3A_86, %mul3A_87 : i32
      %add3A_89 = arith.addi %mul3A_2, %mul3A_88 : i32
      "tpu.region"() ({
        %run_scoped3A = tpu.sem_alloc : memref<!tpu.dma_semaphore, #tpu.memory_space<semaphore_mem>>
        %dma_start3A_90 = arith.constant 0 : i32
        %dma_start3A_91 = tpu.memref_slice %arg5[%add3A_89, %dma_start3A_90] : memref<160000x256xf32, #tpu.memory_space<hbm>> -> memref<104x256xf32, #tpu.memory_space<hbm>>
        %dma_start3A_92 = arith.constant 0 : i32
        %dma_start3A_93 = tpu.memref_slice %arg5[%add3A_89, %dma_start3A_92] : memref<160000x256xf32, #tpu.memory_space<hbm>> -> memref<104x256xf32, #tpu.memory_space<hbm>>
        tpu.enqueue_dma source(%arg11 : memref<104x256xf32, #tpu.memory_space<vmem>>) target(%dma_start3A_93 : memref<104x256xf32, #tpu.memory_space<hbm>>) target_semaphore(%run_scoped3A : memref<!tpu.dma_semaphore, #tpu.memory_space<semaphore_mem>>)
        %dma_wait3A_94 = arith.constant 0 : i32
        %dma_wait3A_95 = tpu.memref_slice %arg5[%add3A_89, %dma_wait3A_94] : memref<160000x256xf32, #tpu.memory_space<hbm>> -> memref<104x256xf32, #tpu.memory_space<hbm>>
        %dma_wait3A_96 = arith.constant 0 : i32
        %dma_wait3A_97 = tpu.memref_slice %arg5[%add3A_89, %dma_wait3A_96] : memref<160000x256xf32, #tpu.memory_space<hbm>> -> memref<104x256xf32, #tpu.memory_space<hbm>>
        tpu.wait_dma2 semaphore(%run_scoped3A : memref<!tpu.dma_semaphore, #tpu.memory_space<semaphore_mem>>) src(%arg11 : memref<104x256xf32, #tpu.memory_space<vmem>>) dst(%dma_wait3A_97 : memref<104x256xf32, #tpu.memory_space<hbm>>)
        tpu.yield
      }) : () -> ()
      "tpu.region"() ({
        %run_scoped3A = tpu.sem_alloc : memref<!tpu.dma_semaphore, #tpu.memory_space<semaphore_mem>>
        %dma_start3A_90 = arith.constant 0 : i32
        %dma_start3A_91 = tpu.memref_slice %arg6[%add3A_89, %dma_start3A_90] : memref<160000x256xf32, #tpu.memory_space<hbm>> -> memref<104x256xf32, #tpu.memory_space<hbm>>
        %dma_start3A_92 = arith.constant 0 : i32
        %dma_start3A_93 = tpu.memref_slice %arg6[%add3A_89, %dma_start3A_92] : memref<160000x256xf32, #tpu.memory_space<hbm>> -> memref<104x256xf32, #tpu.memory_space<hbm>>
        tpu.enqueue_dma source(%arg12 : memref<104x256xf32, #tpu.memory_space<vmem>>) target(%dma_start3A_93 : memref<104x256xf32, #tpu.memory_space<hbm>>) target_semaphore(%run_scoped3A : memref<!tpu.dma_semaphore, #tpu.memory_space<semaphore_mem>>)
        %dma_wait3A_94 = arith.constant 0 : i32
        %dma_wait3A_95 = tpu.memref_slice %arg6[%add3A_89, %dma_wait3A_94] : memref<160000x256xf32, #tpu.memory_space<hbm>> -> memref<104x256xf32, #tpu.memory_space<hbm>>
        %dma_wait3A_96 = arith.constant 0 : i32
        %dma_wait3A_97 = tpu.memref_slice %arg6[%add3A_89, %dma_wait3A_96] : memref<160000x256xf32, #tpu.memory_space<hbm>> -> memref<104x256xf32, #tpu.memory_space<hbm>>
        tpu.wait_dma2 semaphore(%run_scoped3A : memref<!tpu.dma_semaphore, #tpu.memory_space<semaphore_mem>>) src(%arg12 : memref<104x256xf32, #tpu.memory_space<vmem>>) dst(%dma_wait3A_97 : memref<104x256xf32, #tpu.memory_space<hbm>>)
        tpu.yield
      }) : () -> ()
    }
    %scan3A_15 = arith.constant 24 : i32
    %dma_start3A_16 = arith.constant 4992 : i32
    %dma_start3A_17 = tpu.memref_slice %arg7[%dma_start3A_16] : memref<5000xi32, #tpu.memory_space<vmem>> -> memref<8xi32, #tpu.memory_space<vmem>>
    %dma_start3A_18 = arith.constant 0 : i32
    %dma_start3A_19 = arith.constant 0 : i32
    %dma_start3A_20 = tpu.memref_slice %arg2[%dma_start3A_18, %dma_start3A_19] : memref<10000x256xf32, #tpu.memory_space<hbm>> -> memref<10000x256xf32, #tpu.memory_space<hbm>>
    tpu.enqueue_indirect_dma source(%dma_start3A_20 : memref<10000x256xf32, #tpu.memory_space<hbm>>) target(%arg13 : memref<8x256xf32, #tpu.memory_space<vmem>>) offsets(%dma_start3A_17 : memref<8xi32, #tpu.memory_space<vmem>>) semaphore(%arg15 : memref<!tpu.dma_semaphore, #tpu.memory_space<semaphore_mem>>)
    %dma_start3A_21 = arith.constant 4992 : i32
    %dma_start3A_22 = tpu.memref_slice %arg8[%dma_start3A_21] : memref<5000xi32, #tpu.memory_space<vmem>> -> memref<8xi32, #tpu.memory_space<vmem>>
    %dma_start3A_23 = arith.constant 0 : i32
    %dma_start3A_24 = arith.constant 0 : i32
    %dma_start3A_25 = tpu.memref_slice %arg2[%dma_start3A_23, %dma_start3A_24] : memref<10000x256xf32, #tpu.memory_space<hbm>> -> memref<10000x256xf32, #tpu.memory_space<hbm>>
    tpu.enqueue_indirect_dma source(%dma_start3A_25 : memref<10000x256xf32, #tpu.memory_space<hbm>>) target(%arg14 : memref<8x256xf32, #tpu.memory_space<vmem>>) offsets(%dma_start3A_22 : memref<8xi32, #tpu.memory_space<vmem>>) semaphore(%arg15 : memref<!tpu.dma_semaphore, #tpu.memory_space<semaphore_mem>>)
    %dma_wait3A = arith.constant 4992 : i32
    %dma_wait3A_26 = tpu.memref_slice %arg7[%dma_wait3A] : memref<5000xi32, #tpu.memory_space<vmem>> -> memref<8xi32, #tpu.memory_space<vmem>>
    %dma_wait3A_27 = arith.constant 0 : i32
    %dma_wait3A_28 = arith.constant 0 : i32
    %dma_wait3A_29 = tpu.memref_slice %arg2[%dma_wait3A_27, %dma_wait3A_28] : memref<10000x256xf32, #tpu.memory_space<hbm>> -> memref<10000x256xf32, #tpu.memory_space<hbm>>
    tpu.wait_indirect_dma semaphore(%arg15 : memref<!tpu.dma_semaphore, #tpu.memory_space<semaphore_mem>>) src(%dma_wait3A_29 : memref<10000x256xf32, #tpu.memory_space<hbm>>) dst(%arg13 : memref<8x256xf32, #tpu.memory_space<vmem>>)
    %dma_wait3A_30 = arith.constant 4992 : i32
    %dma_wait3A_31 = tpu.memref_slice %arg8[%dma_wait3A_30] : memref<5000xi32, #tpu.memory_space<vmem>> -> memref<8xi32, #tpu.memory_space<vmem>>
    %dma_wait3A_32 = arith.constant 0 : i32
    %dma_wait3A_33 = arith.constant 0 : i32
    %dma_wait3A_34 = tpu.memref_slice %arg2[%dma_wait3A_32, %dma_wait3A_33] : memref<10000x256xf32, #tpu.memory_space<hbm>> -> memref<10000x256xf32, #tpu.memory_space<hbm>>
    tpu.wait_indirect_dma semaphore(%arg15 : memref<!tpu.dma_semaphore, #tpu.memory_space<semaphore_mem>>) src(%dma_wait3A_34 : memref<10000x256xf32, #tpu.memory_space<hbm>>) dst(%arg14 : memref<8x256xf32, #tpu.memory_space<vmem>>)
    %add3A_35 = arith.constant 4992 : i32
    %add3A_36 = arith.addi %mul3A_2, %add3A_35 : i32
    "tpu.region"() ({
      %run_scoped3A = tpu.sem_alloc : memref<!tpu.dma_semaphore, #tpu.memory_space<semaphore_mem>>
      %dma_start3A_39 = arith.constant 0 : i32
      %dma_start3A_40 = tpu.memref_slice %arg5[%add3A_36, %dma_start3A_39] : memref<160000x256xf32, #tpu.memory_space<hbm>> -> memref<8x256xf32, #tpu.memory_space<hbm>>
      %dma_start3A_41 = arith.constant 0 : i32
      %dma_start3A_42 = tpu.memref_slice %arg5[%add3A_36, %dma_start3A_41] : memref<160000x256xf32, #tpu.memory_space<hbm>> -> memref<8x256xf32, #tpu.memory_space<hbm>>
      tpu.enqueue_dma source(%arg13 : memref<8x256xf32, #tpu.memory_space<vmem>>) target(%dma_start3A_42 : memref<8x256xf32, #tpu.memory_space<hbm>>) target_semaphore(%run_scoped3A : memref<!tpu.dma_semaphore, #tpu.memory_space<semaphore_mem>>)
      %dma_wait3A_43 = arith.constant 0 : i32
      %dma_wait3A_44 = tpu.memref_slice %arg5[%add3A_36, %dma_wait3A_43] : memref<160000x256xf32, #tpu.memory_space<hbm>> -> memref<8x256xf32, #tpu.memory_space<hbm>>
      %dma_wait3A_45 = arith.constant 0 : i32
      %dma_wait3A_46 = tpu.memref_slice %arg5[%add3A_36, %dma_wait3A_45] : memref<160000x256xf32, #tpu.memory_space<hbm>> -> memref<8x256xf32, #tpu.memory_space<hbm>>
      tpu.wait_dma2 semaphore(%run_scoped3A : memref<!tpu.dma_semaphore, #tpu.memory_space<semaphore_mem>>) src(%arg13 : memref<8x256xf32, #tpu.memory_space<vmem>>) dst(%dma_wait3A_46 : memref<8x256xf32, #tpu.memory_space<hbm>>)
      tpu.yield
    }) : () -> ()
    %add3A_37 = arith.constant 4992 : i32
    %add3A_38 = arith.addi %mul3A_2, %add3A_37 : i32
    "tpu.region"() ({
      %run_scoped3A = tpu.sem_alloc : memref<!tpu.dma_semaphore, #tpu.memory_space<semaphore_mem>>
      %dma_start3A_39 = arith.constant 0 : i32
      %dma_start3A_40 = tpu.memref_slice %arg6[%add3A_38, %dma_start3A_39] : memref<160000x256xf32, #tpu.memory_space<hbm>> -> memref<8x256xf32, #tpu.memory_space<hbm>>
      %dma_start3A_41 = arith.constant 0 : i32
      %dma_start3A_42 = tpu.memref_slice %arg6[%add3A_38, %dma_start3A_41] : memref<160000x256xf32, #tpu.memory_space<hbm>> -> memref<8x256xf32, #tpu.memory_space<hbm>>
      tpu.enqueue_dma source(%arg14 : memref<8x256xf32, #tpu.memory_space<vmem>>) target(%dma_start3A_42 : memref<8x256xf32, #tpu.memory_space<hbm>>) target_semaphore(%run_scoped3A : memref<!tpu.dma_semaphore, #tpu.memory_space<semaphore_mem>>)
      %dma_wait3A_43 = arith.constant 0 : i32
      %dma_wait3A_44 = tpu.memref_slice %arg6[%add3A_38, %dma_wait3A_43] : memref<160000x256xf32, #tpu.memory_space<hbm>> -> memref<8x256xf32, #tpu.memory_space<hbm>>
      %dma_wait3A_45 = arith.constant 0 : i32
      %dma_wait3A_46 = tpu.memref_slice %arg6[%add3A_38, %dma_wait3A_45] : memref<160000x256xf32, #tpu.memory_space<hbm>> -> memref<8x256xf32, #tpu.memory_space<hbm>>
      tpu.wait_dma2 semaphore(%run_scoped3A : memref<!tpu.dma_semaphore, #tpu.memory_space<semaphore_mem>>) src(%arg14 : memref<8x256xf32, #tpu.memory_space<vmem>>) dst(%dma_wait3A_46 : memref<8x256xf32, #tpu.memory_space<hbm>>)
      tpu.yield
    }) : () -> ()
    return
  }
}

#map = affine_map<(d0, d1) -> (0)>
#map1 = affine_map<(d0, d1) -> (0, 0)>
module attributes {stable_mosaic.version = 14 : i64} {
  func.func @k(%arg0: i32, %arg1: i32, %arg2: memref<160000xi32, #tpu.memory_space<hbm>>, %arg3: memref<160000xf32, #tpu.memory_space<hbm>>, %arg4: memref<32x10240xf32, #tpu.memory_space<hbm>>, %arg5: memref<10240xf32, #tpu.memory_space<vmem>>, %arg6: memref<128xi32, #tpu.memory_space<vmem>>, %arg7: memref<128xf32, #tpu.memory_space<vmem>>) attributes {dimension_semantics = [#tpu.dimension_semantics<core_parallel>, #tpu.dimension_semantics<subcore_parallel>], iteration_bounds = array<i64: 2, 16>, scalar_prefetch = 0 : i64, scratch_operands = 3 : i64, tpu.core_type = #tpu.core_type<sc_vector_subcore>, window_params = [{transform_indices = #map}, {transform_indices = #map}, {transform_indices = #map1}]} {
    %mul3A = arith.constant 2 : i32
    %mul3A_0 = arith.muli %arg1, %mul3A : i32
    %add3A = arith.addi %mul3A_0, %arg0 : i32
    %parallel_loop3A = arith.constant 0 : i32
    %parallel_loop3A_1 = arith.constant 640 : i32
    %parallel_loop3A_2 = arith.constant 1 : i32
    scf.for %parallel_loop3A_7 = %parallel_loop3A to %parallel_loop3A_1 step %parallel_loop3A_2  : i32 {
      %parallel_loop3A_8 = arith.constant 0.000000e+00 : f32
      %parallel_loop3A_9 = vector.broadcast %parallel_loop3A_8 : f32 to vector<16xf32>
      %parallel_loop3A_10 = arith.constant 16 : i32
      %parallel_loop3A_11 = arith.muli %parallel_loop3A_7, %parallel_loop3A_10 : i32
      %parallel_loop3A_12 = arith.index_cast %parallel_loop3A_11 : i32 to index
      %parallel_loop3A_13 = tpu.vector_load %arg5[%parallel_loop3A_12] {strides = array<i32>} : memref<10240xf32, #tpu.memory_space<vmem>>, vector<16xf32>,
      tpu.vector_store %arg5[%parallel_loop3A_12], %parallel_loop3A_9 {strides = array<i32>} : memref<10240xf32, #tpu.memory_space<vmem>>, vector<16xf32>,
    } {sc.loop_unroll_factor = 4 : i64, sc.parallel_access}
    %scan3A = arith.constant 0 : i32
    %scan3A_3 = arith.constant 40 : i32
    %scan3A_4 = arith.addi %scan3A, %scan3A_3 : i32
    %scan3A_5 = arith.constant 1 : i32
    scf.for %scan3A_7 = %scan3A to %scan3A_4 step %scan3A_5  : i32 {
      %mul3A_8 = arith.constant 1 : i32
      %mul3A_9 = arith.muli %scan3A_7, %mul3A_8 : i32
      %add3A_10 = arith.constant 0 : i32
      %add3A_11 = arith.addi %add3A_10, %mul3A_9 : i32
      %mul3A_12 = arith.constant 32 : i32
      %mul3A_13 = arith.muli %add3A_11, %mul3A_12 : i32
      %add3A_14 = arith.addi %add3A, %mul3A_13 : i32
      %lt3A = arith.constant 1250 : i32
      %lt3A_15 = arith.cmpi slt, %add3A_14, %lt3A : i32
      %convert_element_type3A = arith.extui %lt3A_15 : i1 to i32
      %cond3A = arith.constant 0 : i32
      %cond3A_16 = arith.cmpi ne, %convert_element_type3A, %cond3A : i32
      scf.if %cond3A_16 {
        %mul3A_17 = arith.constant 128 : i32
        %mul3A_18 = arith.muli %add3A_14, %mul3A_17 : i32
        "tpu.region"() ({
          %run_scoped3A = tpu.sem_alloc : memref<!tpu.dma_semaphore, #tpu.memory_space<semaphore_mem>>
          %dma_start3A = tpu.memref_slice %arg2[%mul3A_18] : memref<160000xi32, #tpu.memory_space<hbm>> -> memref<128xi32, #tpu.memory_space<hbm>>
          %dma_start3A_22 = tpu.memref_slice %arg2[%mul3A_18] : memref<160000xi32, #tpu.memory_space<hbm>> -> memref<128xi32, #tpu.memory_space<hbm>>
          tpu.enqueue_dma source(%dma_start3A_22 : memref<128xi32, #tpu.memory_space<hbm>>) target(%arg6 : memref<128xi32, #tpu.memory_space<vmem>>) target_semaphore(%run_scoped3A : memref<!tpu.dma_semaphore, #tpu.memory_space<semaphore_mem>>)
          %dma_wait3A = tpu.memref_slice %arg2[%mul3A_18] : memref<160000xi32, #tpu.memory_space<hbm>> -> memref<128xi32, #tpu.memory_space<hbm>>
          %dma_wait3A_23 = tpu.memref_slice %arg2[%mul3A_18] : memref<160000xi32, #tpu.memory_space<hbm>> -> memref<128xi32, #tpu.memory_space<hbm>>
          tpu.wait_dma2 semaphore(%run_scoped3A : memref<!tpu.dma_semaphore, #tpu.memory_space<semaphore_mem>>) src(%dma_wait3A_23 : memref<128xi32, #tpu.memory_space<hbm>>) dst(%arg6 : memref<128xi32, #tpu.memory_space<vmem>>)
          tpu.yield
        }) : () -> ()
        "tpu.region"() ({
          %run_scoped3A = tpu.sem_alloc : memref<!tpu.dma_semaphore, #tpu.memory_space<semaphore_mem>>
          %dma_start3A = tpu.memref_slice %arg3[%mul3A_18] : memref<160000xf32, #tpu.memory_space<hbm>> -> memref<128xf32, #tpu.memory_space<hbm>>
          %dma_start3A_22 = tpu.memref_slice %arg3[%mul3A_18] : memref<160000xf32, #tpu.memory_space<hbm>> -> memref<128xf32, #tpu.memory_space<hbm>>
          tpu.enqueue_dma source(%dma_start3A_22 : memref<128xf32, #tpu.memory_space<hbm>>) target(%arg7 : memref<128xf32, #tpu.memory_space<vmem>>) target_semaphore(%run_scoped3A : memref<!tpu.dma_semaphore, #tpu.memory_space<semaphore_mem>>)
          %dma_wait3A = tpu.memref_slice %arg3[%mul3A_18] : memref<160000xf32, #tpu.memory_space<hbm>> -> memref<128xf32, #tpu.memory_space<hbm>>
          %dma_wait3A_23 = tpu.memref_slice %arg3[%mul3A_18] : memref<160000xf32, #tpu.memory_space<hbm>> -> memref<128xf32, #tpu.memory_space<hbm>>
          tpu.wait_dma2 semaphore(%run_scoped3A : memref<!tpu.dma_semaphore, #tpu.memory_space<semaphore_mem>>) src(%dma_wait3A_23 : memref<128xf32, #tpu.memory_space<hbm>>) dst(%arg7 : memref<128xf32, #tpu.memory_space<vmem>>)
          tpu.yield
        }) : () -> ()
        %parallel_loop3A_19 = arith.constant 0 : i32
        %parallel_loop3A_20 = arith.constant 8 : i32
        %parallel_loop3A_21 = arith.constant 1 : i32
        scf.for %parallel_loop3A_22 = %parallel_loop3A_19 to %parallel_loop3A_20 step %parallel_loop3A_21  : i32 {
          %parallel_loop3A_23 = arith.constant 16 : i32
          %parallel_loop3A_24 = arith.muli %parallel_loop3A_22, %parallel_loop3A_23 : i32
          %parallel_loop3A_25 = arith.index_cast %parallel_loop3A_24 : i32 to index
          %parallel_loop3A_26 = tpu.vector_load %arg6[%parallel_loop3A_25] {strides = array<i32>} : memref<128xi32, #tpu.memory_space<vmem>>, vector<16xi32>,
          %parallel_loop3A_27 = arith.constant 16 : i32
          %parallel_loop3A_28 = arith.muli %parallel_loop3A_22, %parallel_loop3A_27 : i32
          %parallel_loop3A_29 = arith.index_cast %parallel_loop3A_28 : i32 to index
          %parallel_loop3A_30 = tpu.vector_load %arg7[%parallel_loop3A_29] {strides = array<i32>} : memref<128xf32, #tpu.memory_space<vmem>>, vector<16xf32>,
          tpu.vector_store_idx %arg5[%parallel_loop3A_26], %parallel_loop3A_30 {add = true} : memref<10240xf32, #tpu.memory_space<vmem>>[vector<16xi32>], vector<16xf32>,
        } {sc.loop_unroll_factor = 4 : i64, sc.parallel_access}
      } else {
      }
    }
    %scan3A_6 = arith.constant 40 : i32
    "tpu.region"() ({
      %run_scoped3A = tpu.sem_alloc : memref<!tpu.dma_semaphore, #tpu.memory_space<semaphore_mem>>
      %dma_start3A = arith.constant 0 : i32
      %dma_start3A_7 = tpu.memref_slice %arg4[%add3A, %dma_start3A] : memref<32x10240xf32, #tpu.memory_space<hbm>> -> memref<1x10240xf32, #tpu.memory_space<hbm>>
      %dma_start3A_8 = tpu.memref_squeeze %dma_start3A_7 : memref<1x10240xf32, #tpu.memory_space<hbm>> -> memref<10240xf32, #tpu.memory_space<hbm>>
      %dma_start3A_9 = arith.constant 0 : i32
      %dma_start3A_10 = tpu.memref_slice %arg4[%add3A, %dma_start3A_9] : memref<32x10240xf32, #tpu.memory_space<hbm>> -> memref<1x10240xf32, #tpu.memory_space<hbm>>
      %dma_start3A_11 = tpu.memref_squeeze %dma_start3A_10 : memref<1x10240xf32, #tpu.memory_space<hbm>> -> memref<10240xf32, #tpu.memory_space<hbm>>
      tpu.enqueue_dma source(%arg5 : memref<10240xf32, #tpu.memory_space<vmem>>) target(%dma_start3A_11 : memref<10240xf32, #tpu.memory_space<hbm>>) target_semaphore(%run_scoped3A : memref<!tpu.dma_semaphore, #tpu.memory_space<semaphore_mem>>)
      %dma_wait3A = arith.constant 0 : i32
      %dma_wait3A_12 = tpu.memref_slice %arg4[%add3A, %dma_wait3A] : memref<32x10240xf32, #tpu.memory_space<hbm>> -> memref<1x10240xf32, #tpu.memory_space<hbm>>
      %dma_wait3A_13 = tpu.memref_squeeze %dma_wait3A_12 : memref<1x10240xf32, #tpu.memory_space<hbm>> -> memref<10240xf32, #tpu.memory_space<hbm>>
      %dma_wait3A_14 = arith.constant 0 : i32
      %dma_wait3A_15 = tpu.memref_slice %arg4[%add3A, %dma_wait3A_14] : memref<32x10240xf32, #tpu.memory_space<hbm>> -> memref<1x10240xf32, #tpu.memory_space<hbm>>
      %dma_wait3A_16 = tpu.memref_squeeze %dma_wait3A_15 : memref<1x10240xf32, #tpu.memory_space<hbm>> -> memref<10240xf32, #tpu.memory_space<hbm>>
      tpu.wait_dma2 semaphore(%run_scoped3A : memref<!tpu.dma_semaphore, #tpu.memory_space<semaphore_mem>>) src(%arg5 : memref<10240xf32, #tpu.memory_space<vmem>>) dst(%dma_wait3A_16 : memref<10240xf32, #tpu.memory_space<hbm>>)
      tpu.yield
    }) : () -> ()
    return
  }
}

#map = affine_map<(d0, d1) -> (0, 0)>
#map1 = affine_map<(d0, d1) -> (0)>
module attributes {stable_mosaic.version = 14 : i64} {
  func.func @k(%arg0: i32, %arg1: i32, %arg2: memref<10240x256xf32, #tpu.memory_space<hbm>>, %arg3: memref<160000xi32, #tpu.memory_space<hbm>>, %arg4: memref<160000xi32, #tpu.memory_space<hbm>>, %arg5: memref<160000x256xf32, #tpu.memory_space<hbm>>, %arg6: memref<160000x256xf32, #tpu.memory_space<hbm>>, %arg7: memref<5000xi32, #tpu.memory_space<vmem>>, %arg8: memref<5000xi32, #tpu.memory_space<vmem>>, %arg9: memref<104x256xf32, #tpu.memory_space<vmem>>, %arg10: memref<104x256xf32, #tpu.memory_space<vmem>>, %arg11: memref<104x256xf32, #tpu.memory_space<vmem>>, %arg12: memref<104x256xf32, #tpu.memory_space<vmem>>, %arg13: memref<8x256xf32, #tpu.memory_space<vmem>>, %arg14: memref<8x256xf32, #tpu.memory_space<vmem>>, %arg15: memref<!tpu.dma_semaphore, #tpu.memory_space<semaphore_mem>>, %arg16: memref<!tpu.dma_semaphore, #tpu.memory_space<semaphore_mem>>) attributes {dimension_semantics = [#tpu.dimension_semantics<core_parallel>, #tpu.dimension_semantics<subcore_parallel>], iteration_bounds = array<i64: 2, 16>, scalar_prefetch = 0 : i64, scratch_operands = 10 : i64, tpu.core_type = #tpu.core_type<sc_vector_subcore>, window_params = [{transform_indices = #map}, {transform_indices = #map1}, {transform_indices = #map1}, {transform_indices = #map}, {transform_indices = #map}]} {
    %mul3A = arith.constant 2 : i32
    %mul3A_0 = arith.muli %arg1, %mul3A : i32
    %add3A = arith.addi %mul3A_0, %arg0 : i32
    %mul3A_1 = arith.constant 5000 : i32
    %mul3A_2 = arith.muli %add3A, %mul3A_1 : i32
    "tpu.region"() ({
      %run_scoped3A = tpu.sem_alloc : memref<!tpu.dma_semaphore, #tpu.memory_space<semaphore_mem>>
      %dma_start3A_39 = tpu.memref_slice %arg3[%mul3A_2] : memref<160000xi32, #tpu.memory_space<hbm>> -> memref<5000xi32, #tpu.memory_space<hbm>>
      %dma_start3A_40 = tpu.memref_slice %arg3[%mul3A_2] : memref<160000xi32, #tpu.memory_space<hbm>> -> memref<5000xi32, #tpu.memory_space<hbm>>
      tpu.enqueue_dma source(%dma_start3A_40 : memref<5000xi32, #tpu.memory_space<hbm>>) target(%arg7 : memref<5000xi32, #tpu.memory_space<vmem>>) target_semaphore(%run_scoped3A : memref<!tpu.dma_semaphore, #tpu.memory_space<semaphore_mem>>)
      %dma_wait3A_41 = tpu.memref_slice %arg3[%mul3A_2] : memref<160000xi32, #tpu.memory_space<hbm>> -> memref<5000xi32, #tpu.memory_space<hbm>>
      %dma_wait3A_42 = tpu.memref_slice %arg3[%mul3A_2] : memref<160000xi32, #tpu.memory_space<hbm>> -> memref<5000xi32, #tpu.memory_space<hbm>>
      tpu.wait_dma2 semaphore(%run_scoped3A : memref<!tpu.dma_semaphore, #tpu.memory_space<semaphore_mem>>) src(%dma_wait3A_42 : memref<5000xi32, #tpu.memory_space<hbm>>) dst(%arg7 : memref<5000xi32, #tpu.memory_space<vmem>>)
      tpu.yield
    }) : () -> ()
    "tpu.region"() ({
      %run_scoped3A = tpu.sem_alloc : memref<!tpu.dma_semaphore, #tpu.memory_space<semaphore_mem>>
      %dma_start3A_39 = tpu.memref_slice %arg4[%mul3A_2] : memref<160000xi32, #tpu.memory_space<hbm>> -> memref<5000xi32, #tpu.memory_space<hbm>>
      %dma_start3A_40 = tpu.memref_slice %arg4[%mul3A_2] : memref<160000xi32, #tpu.memory_space<hbm>> -> memref<5000xi32, #tpu.memory_space<hbm>>
      tpu.enqueue_dma source(%dma_start3A_40 : memref<5000xi32, #tpu.memory_space<hbm>>) target(%arg8 : memref<5000xi32, #tpu.memory_space<vmem>>) target_semaphore(%run_scoped3A : memref<!tpu.dma_semaphore, #tpu.memory_space<semaphore_mem>>)
      %dma_wait3A_41 = tpu.memref_slice %arg4[%mul3A_2] : memref<160000xi32, #tpu.memory_space<hbm>> -> memref<5000xi32, #tpu.memory_space<hbm>>
      %dma_wait3A_42 = tpu.memref_slice %arg4[%mul3A_2] : memref<160000xi32, #tpu.memory_space<hbm>> -> memref<5000xi32, #tpu.memory_space<hbm>>
      tpu.wait_dma2 semaphore(%run_scoped3A : memref<!tpu.dma_semaphore, #tpu.memory_space<semaphore_mem>>) src(%dma_wait3A_42 : memref<5000xi32, #tpu.memory_space<hbm>>) dst(%arg8 : memref<5000xi32, #tpu.memory_space<vmem>>)
      tpu.yield
    }) : () -> ()
    %dma_start3A = arith.constant 0 : i32
    %dma_start3A_3 = tpu.memref_slice %arg7[%dma_start3A] : memref<5000xi32, #tpu.memory_space<vmem>> -> memref<104xi32, #tpu.memory_space<vmem>>
    %dma_start3A_4 = arith.constant 0 : i32
    %dma_start3A_5 = arith.constant 0 : i32
    %dma_start3A_6 = tpu.memref_slice %arg2[%dma_start3A_4, %dma_start3A_5] : memref<10240x256xf32, #tpu.memory_space<hbm>> -> memref<10240x256xf32, #tpu.memory_space<hbm>>
    tpu.enqueue_indirect_dma source(%dma_start3A_6 : memref<10240x256xf32, #tpu.memory_space<hbm>>) target(%arg9 : memref<104x256xf32, #tpu.memory_space<vmem>>) offsets(%dma_start3A_3 : memref<104xi32, #tpu.memory_space<vmem>>) semaphore(%arg15 : memref<!tpu.dma_semaphore, #tpu.memory_space<semaphore_mem>>)
    %dma_start3A_7 = arith.constant 0 : i32
    %dma_start3A_8 = tpu.memref_slice %arg8[%dma_start3A_7] : memref<5000xi32, #tpu.memory_space<vmem>> -> memref<104xi32, #tpu.memory_space<vmem>>
    %dma_start3A_9 = arith.constant 0 : i32
    %dma_start3A_10 = arith.constant 0 : i32
    %dma_start3A_11 = tpu.memref_slice %arg2[%dma_start3A_9, %dma_start3A_10] : memref<10240x256xf32, #tpu.memory_space<hbm>> -> memref<10240x256xf32, #tpu.memory_space<hbm>>
    tpu.enqueue_indirect_dma source(%dma_start3A_11 : memref<10240x256xf32, #tpu.memory_space<hbm>>) target(%arg10 : memref<104x256xf32, #tpu.memory_space<vmem>>) offsets(%dma_start3A_8 : memref<104xi32, #tpu.memory_space<vmem>>) semaphore(%arg15 : memref<!tpu.dma_semaphore, #tpu.memory_space<semaphore_mem>>)
    %scan3A = arith.constant 0 : i32
    %scan3A_12 = arith.constant 24 : i32
    %scan3A_13 = arith.addi %scan3A, %scan3A_12 : i32
    %scan3A_14 = arith.constant 1 : i32
    scf.for %scan3A_39 = %scan3A to %scan3A_13 step %scan3A_14  : i32 {
      %mul3A_40 = arith.constant 1 : i32
      %mul3A_41 = arith.muli %scan3A_39, %mul3A_40 : i32
      %add3A_42 = arith.constant 0 : i32
      %add3A_43 = arith.addi %add3A_42, %mul3A_41 : i32
      %mul3A_44 = arith.constant 2 : i32
      %mul3A_45 = arith.muli %mul3A_44, %add3A_43 : i32
      %add3A_46 = arith.constant 1 : i32
      %add3A_47 = arith.addi %mul3A_45, %add3A_46 : i32
      %mul3A_48 = arith.constant 104 : i32
      %mul3A_49 = arith.muli %add3A_47, %mul3A_48 : i32
      %dma_start3A_50 = tpu.memref_slice %arg7[%mul3A_49] : memref<5000xi32, #tpu.memory_space<vmem>> -> memref<104xi32, #tpu.memory_space<vmem>>
      %dma_start3A_51 = arith.constant 0 : i32
      %dma_start3A_52 = arith.constant 0 : i32
      %dma_start3A_53 = tpu.memref_slice %arg2[%dma_start3A_51, %dma_start3A_52] : memref<10240x256xf32, #tpu.memory_space<hbm>> -> memref<10240x256xf32, #tpu.memory_space<hbm>>
      tpu.enqueue_indirect_dma source(%dma_start3A_53 : memref<10240x256xf32, #tpu.memory_space<hbm>>) target(%arg11 : memref<104x256xf32, #tpu.memory_space<vmem>>) offsets(%dma_start3A_50 : memref<104xi32, #tpu.memory_space<vmem>>) semaphore(%arg16 : memref<!tpu.dma_semaphore, #tpu.memory_space<semaphore_mem>>)
      %dma_start3A_54 = tpu.memref_slice %arg8[%mul3A_49] : memref<5000xi32, #tpu.memory_space<vmem>> -> memref<104xi32, #tpu.memory_space<vmem>>
      %dma_start3A_55 = arith.constant 0 : i32
      %dma_start3A_56 = arith.constant 0 : i32
      %dma_start3A_57 = tpu.memref_slice %arg2[%dma_start3A_55, %dma_start3A_56] : memref<10240x256xf32, #tpu.memory_space<hbm>> -> memref<10240x256xf32, #tpu.memory_space<hbm>>
      tpu.enqueue_indirect_dma source(%dma_start3A_57 : memref<10240x256xf32, #tpu.memory_space<hbm>>) target(%arg12 : memref<104x256xf32, #tpu.memory_space<vmem>>) offsets(%dma_start3A_54 : memref<104xi32, #tpu.memory_space<vmem>>) semaphore(%arg16 : memref<!tpu.dma_semaphore, #tpu.memory_space<semaphore_mem>>)
      %dma_wait3A_58 = arith.constant 0 : i32
      %dma_wait3A_59 = tpu.memref_slice %arg7[%dma_wait3A_58] : memref<5000xi32, #tpu.memory_space<vmem>> -> memref<104xi32, #tpu.memory_space<vmem>>
      %dma_wait3A_60 = arith.constant 0 : i32
      %dma_wait3A_61 = arith.constant 0 : i32
      %dma_wait3A_62 = tpu.memref_slice %arg2[%dma_wait3A_60, %dma_wait3A_61] : memref<10240x256xf32, #tpu.memory_space<hbm>> -> memref<10240x256xf32, #tpu.memory_space<hbm>>
      tpu.wait_indirect_dma semaphore(%arg15 : memref<!tpu.dma_semaphore, #tpu.memory_space<semaphore_mem>>) src(%dma_wait3A_62 : memref<10240x256xf32, #tpu.memory_space<hbm>>) dst(%arg9 : memref<104x256xf32, #tpu.memory_space<vmem>>)
      %dma_wait3A_63 = arith.constant 0 : i32
      %dma_wait3A_64 = tpu.memref_slice %arg8[%dma_wait3A_63] : memref<5000xi32, #tpu.memory_space<vmem>> -> memref<104xi32, #tpu.memory_space<vmem>>
      %dma_wait3A_65 = arith.constant 0 : i32
      %dma_wait3A_66 = arith.constant 0 : i32
      %dma_wait3A_67 = tpu.memref_slice %arg2[%dma_wait3A_65, %dma_wait3A_66] : memref<10240x256xf32, #tpu.memory_space<hbm>> -> memref<10240x256xf32, #tpu.memory_space<hbm>>
      tpu.wait_indirect_dma semaphore(%arg15 : memref<!tpu.dma_semaphore, #tpu.memory_space<semaphore_mem>>) src(%dma_wait3A_67 : memref<10240x256xf32, #tpu.memory_space<hbm>>) dst(%arg10 : memref<104x256xf32, #tpu.memory_space<vmem>>)
      %mul3A_68 = arith.constant 104 : i32
      %mul3A_69 = arith.muli %mul3A_45, %mul3A_68 : i32
      %add3A_70 = arith.addi %mul3A_2, %mul3A_69 : i32
      "tpu.region"() ({
        %run_scoped3A = tpu.sem_alloc : memref<!tpu.dma_semaphore, #tpu.memory_space<semaphore_mem>>
        %dma_start3A_90 = arith.constant 0 : i32
        %dma_start3A_91 = tpu.memref_slice %arg5[%add3A_70, %dma_start3A_90] : memref<160000x256xf32, #tpu.memory_space<hbm>> -> memref<104x256xf32, #tpu.memory_space<hbm>>
        %dma_start3A_92 = arith.constant 0 : i32
        %dma_start3A_93 = tpu.memref_slice %arg5[%add3A_70, %dma_start3A_92] : memref<160000x256xf32, #tpu.memory_space<hbm>> -> memref<104x256xf32, #tpu.memory_space<hbm>>
        tpu.enqueue_dma source(%arg9 : memref<104x256xf32, #tpu.memory_space<vmem>>) target(%dma_start3A_93 : memref<104x256xf32, #tpu.memory_space<hbm>>) target_semaphore(%run_scoped3A : memref<!tpu.dma_semaphore, #tpu.memory_space<semaphore_mem>>)
        %dma_wait3A_94 = arith.constant 0 : i32
        %dma_wait3A_95 = tpu.memref_slice %arg5[%add3A_70, %dma_wait3A_94] : memref<160000x256xf32, #tpu.memory_space<hbm>> -> memref<104x256xf32, #tpu.memory_space<hbm>>
        %dma_wait3A_96 = arith.constant 0 : i32
        %dma_wait3A_97 = tpu.memref_slice %arg5[%add3A_70, %dma_wait3A_96] : memref<160000x256xf32, #tpu.memory_space<hbm>> -> memref<104x256xf32, #tpu.memory_space<hbm>>
        tpu.wait_dma2 semaphore(%run_scoped3A : memref<!tpu.dma_semaphore, #tpu.memory_space<semaphore_mem>>) src(%arg9 : memref<104x256xf32, #tpu.memory_space<vmem>>) dst(%dma_wait3A_97 : memref<104x256xf32, #tpu.memory_space<hbm>>)
        tpu.yield
      }) : () -> ()
      "tpu.region"() ({
        %run_scoped3A = tpu.sem_alloc : memref<!tpu.dma_semaphore, #tpu.memory_space<semaphore_mem>>
        %dma_start3A_90 = arith.constant 0 : i32
        %dma_start3A_91 = tpu.memref_slice %arg6[%add3A_70, %dma_start3A_90] : memref<160000x256xf32, #tpu.memory_space<hbm>> -> memref<104x256xf32, #tpu.memory_space<hbm>>
        %dma_start3A_92 = arith.constant 0 : i32
        %dma_start3A_93 = tpu.memref_slice %arg6[%add3A_70, %dma_start3A_92] : memref<160000x256xf32, #tpu.memory_space<hbm>> -> memref<104x256xf32, #tpu.memory_space<hbm>>
        tpu.enqueue_dma source(%arg10 : memref<104x256xf32, #tpu.memory_space<vmem>>) target(%dma_start3A_93 : memref<104x256xf32, #tpu.memory_space<hbm>>) target_semaphore(%run_scoped3A : memref<!tpu.dma_semaphore, #tpu.memory_space<semaphore_mem>>)
        %dma_wait3A_94 = arith.constant 0 : i32
        %dma_wait3A_95 = tpu.memref_slice %arg6[%add3A_70, %dma_wait3A_94] : memref<160000x256xf32, #tpu.memory_space<hbm>> -> memref<104x256xf32, #tpu.memory_space<hbm>>
        %dma_wait3A_96 = arith.constant 0 : i32
        %dma_wait3A_97 = tpu.memref_slice %arg6[%add3A_70, %dma_wait3A_96] : memref<160000x256xf32, #tpu.memory_space<hbm>> -> memref<104x256xf32, #tpu.memory_space<hbm>>
        tpu.wait_dma2 semaphore(%run_scoped3A : memref<!tpu.dma_semaphore, #tpu.memory_space<semaphore_mem>>) src(%arg10 : memref<104x256xf32, #tpu.memory_space<vmem>>) dst(%dma_wait3A_97 : memref<104x256xf32, #tpu.memory_space<hbm>>)
        tpu.yield
      }) : () -> ()
      %add3A_71 = arith.constant 2 : i32
      %add3A_72 = arith.addi %mul3A_45, %add3A_71 : i32
      %lt3A = arith.constant 48 : i32
      %lt3A_73 = arith.cmpi slt, %add3A_72, %lt3A : i32
      %convert_element_type3A = arith.extui %lt3A_73 : i1 to i32
      %cond3A = arith.constant 0 : i32
      %cond3A_74 = arith.cmpi ne, %convert_element_type3A, %cond3A : i32
      scf.if %cond3A_74 {
        %add3A_90 = arith.constant 2 : i32
        %add3A_91 = arith.addi %mul3A_45, %add3A_90 : i32
        %mul3A_92 = arith.constant 104 : i32
        %mul3A_93 = arith.muli %add3A_91, %mul3A_92 : i32
        %dma_start3A_94 = tpu.memref_slice %arg7[%mul3A_93] : memref<5000xi32, #tpu.memory_space<vmem>> -> memref<104xi32, #tpu.memory_space<vmem>>
        %dma_start3A_95 = arith.constant 0 : i32
        %dma_start3A_96 = arith.constant 0 : i32
        %dma_start3A_97 = tpu.memref_slice %arg2[%dma_start3A_95, %dma_start3A_96] : memref<10240x256xf32, #tpu.memory_space<hbm>> -> memref<10240x256xf32, #tpu.memory_space<hbm>>
        tpu.enqueue_indirect_dma source(%dma_start3A_97 : memref<10240x256xf32, #tpu.memory_space<hbm>>) target(%arg9 : memref<104x256xf32, #tpu.memory_space<vmem>>) offsets(%dma_start3A_94 : memref<104xi32, #tpu.memory_space<vmem>>) semaphore(%arg15 : memref<!tpu.dma_semaphore, #tpu.memory_space<semaphore_mem>>)
        %dma_start3A_98 = tpu.memref_slice %arg8[%mul3A_93] : memref<5000xi32, #tpu.memory_space<vmem>> -> memref<104xi32, #tpu.memory_space<vmem>>
        %dma_start3A_99 = arith.constant 0 : i32
        %dma_start3A_100 = arith.constant 0 : i32
        %dma_start3A_101 = tpu.memref_slice %arg2[%dma_start3A_99, %dma_start3A_100] : memref<10240x256xf32, #tpu.memory_space<hbm>> -> memref<10240x256xf32, #tpu.memory_space<hbm>>
        tpu.enqueue_indirect_dma source(%dma_start3A_101 : memref<10240x256xf32, #tpu.memory_space<hbm>>) target(%arg10 : memref<104x256xf32, #tpu.memory_space<vmem>>) offsets(%dma_start3A_98 : memref<104xi32, #tpu.memory_space<vmem>>) semaphore(%arg15 : memref<!tpu.dma_semaphore, #tpu.memory_space<semaphore_mem>>)
      } else {
      }
      %dma_wait3A_75 = arith.constant 0 : i32
      %dma_wait3A_76 = tpu.memref_slice %arg7[%dma_wait3A_75] : memref<5000xi32, #tpu.memory_space<vmem>> -> memref<104xi32, #tpu.memory_space<vmem>>
      %dma_wait3A_77 = arith.constant 0 : i32
      %dma_wait3A_78 = arith.constant 0 : i32
      %dma_wait3A_79 = tpu.memref_slice %arg2[%dma_wait3A_77, %dma_wait3A_78] : memref<10240x256xf32, #tpu.memory_space<hbm>> -> memref<10240x256xf32, #tpu.memory_space<hbm>>
      tpu.wait_indirect_dma semaphore(%arg16 : memref<!tpu.dma_semaphore, #tpu.memory_space<semaphore_mem>>) src(%dma_wait3A_79 : memref<10240x256xf32, #tpu.memory_space<hbm>>) dst(%arg11 : memref<104x256xf32, #tpu.memory_space<vmem>>)
      %dma_wait3A_80 = arith.constant 0 : i32
      %dma_wait3A_81 = tpu.memref_slice %arg8[%dma_wait3A_80] : memref<5000xi32, #tpu.memory_space<vmem>> -> memref<104xi32, #tpu.memory_space<vmem>>
      %dma_wait3A_82 = arith.constant 0 : i32
      %dma_wait3A_83 = arith.constant 0 : i32
      %dma_wait3A_84 = tpu.memref_slice %arg2[%dma_wait3A_82, %dma_wait3A_83] : memref<10240x256xf32, #tpu.memory_space<hbm>> -> memref<10240x256xf32, #tpu.memory_space<hbm>>
      tpu.wait_indirect_dma semaphore(%arg16 : memref<!tpu.dma_semaphore, #tpu.memory_space<semaphore_mem>>) src(%dma_wait3A_84 : memref<10240x256xf32, #tpu.memory_space<hbm>>) dst(%arg12 : memref<104x256xf32, #tpu.memory_space<vmem>>)
      %add3A_85 = arith.constant 1 : i32
      %add3A_86 = arith.addi %mul3A_45, %add3A_85 : i32
      %mul3A_87 = arith.constant 104 : i32
      %mul3A_88 = arith.muli %add3A_86, %mul3A_87 : i32
      %add3A_89 = arith.addi %mul3A_2, %mul3A_88 : i32
      "tpu.region"() ({
        %run_scoped3A = tpu.sem_alloc : memref<!tpu.dma_semaphore, #tpu.memory_space<semaphore_mem>>
        %dma_start3A_90 = arith.constant 0 : i32
        %dma_start3A_91 = tpu.memref_slice %arg5[%add3A_89, %dma_start3A_90] : memref<160000x256xf32, #tpu.memory_space<hbm>> -> memref<104x256xf32, #tpu.memory_space<hbm>>
        %dma_start3A_92 = arith.constant 0 : i32
        %dma_start3A_93 = tpu.memref_slice %arg5[%add3A_89, %dma_start3A_92] : memref<160000x256xf32, #tpu.memory_space<hbm>> -> memref<104x256xf32, #tpu.memory_space<hbm>>
        tpu.enqueue_dma source(%arg11 : memref<104x256xf32, #tpu.memory_space<vmem>>) target(%dma_start3A_93 : memref<104x256xf32, #tpu.memory_space<hbm>>) target_semaphore(%run_scoped3A : memref<!tpu.dma_semaphore, #tpu.memory_space<semaphore_mem>>)
        %dma_wait3A_94 = arith.constant 0 : i32
        %dma_wait3A_95 = tpu.memref_slice %arg5[%add3A_89, %dma_wait3A_94] : memref<160000x256xf32, #tpu.memory_space<hbm>> -> memref<104x256xf32, #tpu.memory_space<hbm>>
        %dma_wait3A_96 = arith.constant 0 : i32
        %dma_wait3A_97 = tpu.memref_slice %arg5[%add3A_89, %dma_wait3A_96] : memref<160000x256xf32, #tpu.memory_space<hbm>> -> memref<104x256xf32, #tpu.memory_space<hbm>>
        tpu.wait_dma2 semaphore(%run_scoped3A : memref<!tpu.dma_semaphore, #tpu.memory_space<semaphore_mem>>) src(%arg11 : memref<104x256xf32, #tpu.memory_space<vmem>>) dst(%dma_wait3A_97 : memref<104x256xf32, #tpu.memory_space<hbm>>)
        tpu.yield
      }) : () -> ()
      "tpu.region"() ({
        %run_scoped3A = tpu.sem_alloc : memref<!tpu.dma_semaphore, #tpu.memory_space<semaphore_mem>>
        %dma_start3A_90 = arith.constant 0 : i32
        %dma_start3A_91 = tpu.memref_slice %arg6[%add3A_89, %dma_start3A_90] : memref<160000x256xf32, #tpu.memory_space<hbm>> -> memref<104x256xf32, #tpu.memory_space<hbm>>
        %dma_start3A_92 = arith.constant 0 : i32
        %dma_start3A_93 = tpu.memref_slice %arg6[%add3A_89, %dma_start3A_92] : memref<160000x256xf32, #tpu.memory_space<hbm>> -> memref<104x256xf32, #tpu.memory_space<hbm>>
        tpu.enqueue_dma source(%arg12 : memref<104x256xf32, #tpu.memory_space<vmem>>) target(%dma_start3A_93 : memref<104x256xf32, #tpu.memory_space<hbm>>) target_semaphore(%run_scoped3A : memref<!tpu.dma_semaphore, #tpu.memory_space<semaphore_mem>>)
        %dma_wait3A_94 = arith.constant 0 : i32
        %dma_wait3A_95 = tpu.memref_slice %arg6[%add3A_89, %dma_wait3A_94] : memref<160000x256xf32, #tpu.memory_space<hbm>> -> memref<104x256xf32, #tpu.memory_space<hbm>>
        %dma_wait3A_96 = arith.constant 0 : i32
        %dma_wait3A_97 = tpu.memref_slice %arg6[%add3A_89, %dma_wait3A_96] : memref<160000x256xf32, #tpu.memory_space<hbm>> -> memref<104x256xf32, #tpu.memory_space<hbm>>
        tpu.wait_dma2 semaphore(%run_scoped3A : memref<!tpu.dma_semaphore, #tpu.memory_space<semaphore_mem>>) src(%arg12 : memref<104x256xf32, #tpu.memory_space<vmem>>) dst(%dma_wait3A_97 : memref<104x256xf32, #tpu.memory_space<hbm>>)
        tpu.yield
      }) : () -> ()
    }
    %scan3A_15 = arith.constant 24 : i32
    %dma_start3A_16 = arith.constant 4992 : i32
    %dma_start3A_17 = tpu.memref_slice %arg7[%dma_start3A_16] : memref<5000xi32, #tpu.memory_space<vmem>> -> memref<8xi32, #tpu.memory_space<vmem>>
    %dma_start3A_18 = arith.constant 0 : i32
    %dma_start3A_19 = arith.constant 0 : i32
    %dma_start3A_20 = tpu.memref_slice %arg2[%dma_start3A_18, %dma_start3A_19] : memref<10240x256xf32, #tpu.memory_space<hbm>> -> memref<10240x256xf32, #tpu.memory_space<hbm>>
    tpu.enqueue_indirect_dma source(%dma_start3A_20 : memref<10240x256xf32, #tpu.memory_space<hbm>>) target(%arg13 : memref<8x256xf32, #tpu.memory_space<vmem>>) offsets(%dma_start3A_17 : memref<8xi32, #tpu.memory_space<vmem>>) semaphore(%arg15 : memref<!tpu.dma_semaphore, #tpu.memory_space<semaphore_mem>>)
    %dma_start3A_21 = arith.constant 4992 : i32
    %dma_start3A_22 = tpu.memref_slice %arg8[%dma_start3A_21] : memref<5000xi32, #tpu.memory_space<vmem>> -> memref<8xi32, #tpu.memory_space<vmem>>
    %dma_start3A_23 = arith.constant 0 : i32
    %dma_start3A_24 = arith.constant 0 : i32
    %dma_start3A_25 = tpu.memref_slice %arg2[%dma_start3A_23, %dma_start3A_24] : memref<10240x256xf32, #tpu.memory_space<hbm>> -> memref<10240x256xf32, #tpu.memory_space<hbm>>
    tpu.enqueue_indirect_dma source(%dma_start3A_25 : memref<10240x256xf32, #tpu.memory_space<hbm>>) target(%arg14 : memref<8x256xf32, #tpu.memory_space<vmem>>) offsets(%dma_start3A_22 : memref<8xi32, #tpu.memory_space<vmem>>) semaphore(%arg15 : memref<!tpu.dma_semaphore, #tpu.memory_space<semaphore_mem>>)
    %dma_wait3A = arith.constant 4992 : i32
    %dma_wait3A_26 = tpu.memref_slice %arg7[%dma_wait3A] : memref<5000xi32, #tpu.memory_space<vmem>> -> memref<8xi32, #tpu.memory_space<vmem>>
    %dma_wait3A_27 = arith.constant 0 : i32
    %dma_wait3A_28 = arith.constant 0 : i32
    %dma_wait3A_29 = tpu.memref_slice %arg2[%dma_wait3A_27, %dma_wait3A_28] : memref<10240x256xf32, #tpu.memory_space<hbm>> -> memref<10240x256xf32, #tpu.memory_space<hbm>>
    tpu.wait_indirect_dma semaphore(%arg15 : memref<!tpu.dma_semaphore, #tpu.memory_space<semaphore_mem>>) src(%dma_wait3A_29 : memref<10240x256xf32, #tpu.memory_space<hbm>>) dst(%arg13 : memref<8x256xf32, #tpu.memory_space<vmem>>)
    %dma_wait3A_30 = arith.constant 4992 : i32
    %dma_wait3A_31 = tpu.memref_slice %arg8[%dma_wait3A_30] : memref<5000xi32, #tpu.memory_space<vmem>> -> memref<8xi32, #tpu.memory_space<vmem>>
    %dma_wait3A_32 = arith.constant 0 : i32
    %dma_wait3A_33 = arith.constant 0 : i32
    %dma_wait3A_34 = tpu.memref_slice %arg2[%dma_wait3A_32, %dma_wait3A_33] : memref<10240x256xf32, #tpu.memory_space<hbm>> -> memref<10240x256xf32, #tpu.memory_space<hbm>>
    tpu.wait_indirect_dma semaphore(%arg15 : memref<!tpu.dma_semaphore, #tpu.memory_space<semaphore_mem>>) src(%dma_wait3A_34 : memref<10240x256xf32, #tpu.memory_space<hbm>>) dst(%arg14 : memref<8x256xf32, #tpu.memory_space<vmem>>)
    %add3A_35 = arith.constant 4992 : i32
    %add3A_36 = arith.addi %mul3A_2, %add3A_35 : i32
    "tpu.region"() ({
      %run_scoped3A = tpu.sem_alloc : memref<!tpu.dma_semaphore, #tpu.memory_space<semaphore_mem>>
      %dma_start3A_39 = arith.constant 0 : i32
      %dma_start3A_40 = tpu.memref_slice %arg5[%add3A_36, %dma_start3A_39] : memref<160000x256xf32, #tpu.memory_space<hbm>> -> memref<8x256xf32, #tpu.memory_space<hbm>>
      %dma_start3A_41 = arith.constant 0 : i32
      %dma_start3A_42 = tpu.memref_slice %arg5[%add3A_36, %dma_start3A_41] : memref<160000x256xf32, #tpu.memory_space<hbm>> -> memref<8x256xf32, #tpu.memory_space<hbm>>
      tpu.enqueue_dma source(%arg13 : memref<8x256xf32, #tpu.memory_space<vmem>>) target(%dma_start3A_42 : memref<8x256xf32, #tpu.memory_space<hbm>>) target_semaphore(%run_scoped3A : memref<!tpu.dma_semaphore, #tpu.memory_space<semaphore_mem>>)
      %dma_wait3A_43 = arith.constant 0 : i32
      %dma_wait3A_44 = tpu.memref_slice %arg5[%add3A_36, %dma_wait3A_43] : memref<160000x256xf32, #tpu.memory_space<hbm>> -> memref<8x256xf32, #tpu.memory_space<hbm>>
      %dma_wait3A_45 = arith.constant 0 : i32
      %dma_wait3A_46 = tpu.memref_slice %arg5[%add3A_36, %dma_wait3A_45] : memref<160000x256xf32, #tpu.memory_space<hbm>> -> memref<8x256xf32, #tpu.memory_space<hbm>>
      tpu.wait_dma2 semaphore(%run_scoped3A : memref<!tpu.dma_semaphore, #tpu.memory_space<semaphore_mem>>) src(%arg13 : memref<8x256xf32, #tpu.memory_space<vmem>>) dst(%dma_wait3A_46 : memref<8x256xf32, #tpu.memory_space<hbm>>)
      tpu.yield
    }) : () -> ()
    %add3A_37 = arith.constant 4992 : i32
    %add3A_38 = arith.addi %mul3A_2, %add3A_37 : i32
    "tpu.region"() ({
      %run_scoped3A = tpu.sem_alloc : memref<!tpu.dma_semaphore, #tpu.memory_space<semaphore_mem>>
      %dma_start3A_39 = arith.constant 0 : i32
      %dma_start3A_40 = tpu.memref_slice %arg6[%add3A_38, %dma_start3A_39] : memref<160000x256xf32, #tpu.memory_space<hbm>> -> memref<8x256xf32, #tpu.memory_space<hbm>>
      %dma_start3A_41 = arith.constant 0 : i32
      %dma_start3A_42 = tpu.memref_slice %arg6[%add3A_38, %dma_start3A_41] : memref<160000x256xf32, #tpu.memory_space<hbm>> -> memref<8x256xf32, #tpu.memory_space<hbm>>
      tpu.enqueue_dma source(%arg14 : memref<8x256xf32, #tpu.memory_space<vmem>>) target(%dma_start3A_42 : memref<8x256xf32, #tpu.memory_space<hbm>>) target_semaphore(%run_scoped3A : memref<!tpu.dma_semaphore, #tpu.memory_space<semaphore_mem>>)
      %dma_wait3A_43 = arith.constant 0 : i32
      %dma_wait3A_44 = tpu.memref_slice %arg6[%add3A_38, %dma_wait3A_43] : memref<160000x256xf32, #tpu.memory_space<hbm>> -> memref<8x256xf32, #tpu.memory_space<hbm>>
      %dma_wait3A_45 = arith.constant 0 : i32
      %dma_wait3A_46 = tpu.memref_slice %arg6[%add3A_38, %dma_wait3A_45] : memref<160000x256xf32, #tpu.memory_space<hbm>> -> memref<8x256xf32, #tpu.memory_space<hbm>>
      tpu.wait_dma2 semaphore(%run_scoped3A : memref<!tpu.dma_semaphore, #tpu.memory_space<semaphore_mem>>) src(%arg14 : memref<8x256xf32, #tpu.memory_space<vmem>>) dst(%dma_wait3A_46 : memref<8x256xf32, #tpu.memory_space<hbm>>)
      tpu.yield
    }) : () -> ()
    return
  }
}

#map = affine_map<(d0, d1) -> (0, 0)>
#map1 = affine_map<(d0, d1) -> (0)>
module attributes {stable_mosaic.version = 14 : i64} {
  func.func @k(%arg0: i32, %arg1: i32, %arg2: memref<256x160000xf32, #tpu.memory_space<hbm>>, %arg3: memref<160000xi32, #tpu.memory_space<hbm>>, %arg4: memref<256x10240xf32, #tpu.memory_space<hbm>>, %arg5: memref<8x10240xf32, #tpu.memory_space<vmem>>, %arg6: memref<640xi32, #tpu.memory_space<vmem>>, %arg7: memref<640xi32, #tpu.memory_space<vmem>>, %arg8: memref<8x640xf32, #tpu.memory_space<vmem>>, %arg9: memref<8x640xf32, #tpu.memory_space<vmem>>, %arg10: memref<!tpu.dma_semaphore, #tpu.memory_space<semaphore_mem>>, %arg11: memref<!tpu.dma_semaphore, #tpu.memory_space<semaphore_mem>>) attributes {dimension_semantics = [#tpu.dimension_semantics<core_parallel>, #tpu.dimension_semantics<subcore_parallel>], iteration_bounds = array<i64: 2, 16>, scalar_prefetch = 0 : i64, scratch_operands = 7 : i64, tpu.core_type = #tpu.core_type<sc_vector_subcore>, window_params = [{transform_indices = #map}, {transform_indices = #map1}, {transform_indices = #map}]} {
    %mul3A = arith.constant 2 : i32
    %mul3A_0 = arith.muli %arg1, %mul3A : i32
    %add3A = arith.addi %mul3A_0, %arg0 : i32
    %mul3A_1 = arith.constant 8 : i32
    %mul3A_2 = arith.muli %add3A, %mul3A_1 : i32
    %parallel_loop3A = arith.constant 0 : i32
    %parallel_loop3A_3 = arith.constant 640 : i32
    %parallel_loop3A_4 = arith.constant 1 : i32
    scf.for %parallel_loop3A_24 = %parallel_loop3A to %parallel_loop3A_3 step %parallel_loop3A_4  : i32 {
      %parallel_loop3A_25 = arith.constant 0.000000e+00 : f32
      %parallel_loop3A_26 = vector.broadcast %parallel_loop3A_25 : f32 to vector<16xf32>
      %parallel_loop3A_27 = arith.constant 16 : i32
      %parallel_loop3A_28 = arith.muli %parallel_loop3A_24, %parallel_loop3A_27 : i32
      %parallel_loop3A_29 = arith.constant 0 : i32
      %parallel_loop3A_30 = arith.index_cast %parallel_loop3A_29 : i32 to index
      %parallel_loop3A_31 = arith.index_cast %parallel_loop3A_28 : i32 to index
      %parallel_loop3A_32 = tpu.vector_load %arg5[%parallel_loop3A_30, %parallel_loop3A_31] {strides = array<i32>} : memref<8x10240xf32, #tpu.memory_space<vmem>>, vector<16xf32>,
      tpu.vector_store %arg5[%parallel_loop3A_30, %parallel_loop3A_31], %parallel_loop3A_26 {strides = array<i32>} : memref<8x10240xf32, #tpu.memory_space<vmem>>, vector<16xf32>,
      %parallel_loop3A_33 = arith.constant 0.000000e+00 : f32
      %parallel_loop3A_34 = vector.broadcast %parallel_loop3A_33 : f32 to vector<16xf32>
      %parallel_loop3A_35 = arith.constant 16 : i32
      %parallel_loop3A_36 = arith.muli %parallel_loop3A_24, %parallel_loop3A_35 : i32
      %parallel_loop3A_37 = arith.constant 1 : i32
      %parallel_loop3A_38 = arith.index_cast %parallel_loop3A_37 : i32 to index
      %parallel_loop3A_39 = arith.index_cast %parallel_loop3A_36 : i32 to index
      %parallel_loop3A_40 = tpu.vector_load %arg5[%parallel_loop3A_38, %parallel_loop3A_39] {strides = array<i32>} : memref<8x10240xf32, #tpu.memory_space<vmem>>, vector<16xf32>,
      tpu.vector_store %arg5[%parallel_loop3A_38, %parallel_loop3A_39], %parallel_loop3A_34 {strides = array<i32>} : memref<8x10240xf32, #tpu.memory_space<vmem>>, vector<16xf32>,
      %parallel_loop3A_41 = arith.constant 0.000000e+00 : f32
      %parallel_loop3A_42 = vector.broadcast %parallel_loop3A_41 : f32 to vector<16xf32>
      %parallel_loop3A_43 = arith.constant 16 : i32
      %parallel_loop3A_44 = arith.muli %parallel_loop3A_24, %parallel_loop3A_43 : i32
      %parallel_loop3A_45 = arith.constant 2 : i32
      %parallel_loop3A_46 = arith.index_cast %parallel_loop3A_45 : i32 to index
      %parallel_loop3A_47 = arith.index_cast %parallel_loop3A_44 : i32 to index
      %parallel_loop3A_48 = tpu.vector_load %arg5[%parallel_loop3A_46, %parallel_loop3A_47] {strides = array<i32>} : memref<8x10240xf32, #tpu.memory_space<vmem>>, vector<16xf32>,
      tpu.vector_store %arg5[%parallel_loop3A_46, %parallel_loop3A_47], %parallel_loop3A_42 {strides = array<i32>} : memref<8x10240xf32, #tpu.memory_space<vmem>>, vector<16xf32>,
      %parallel_loop3A_49 = arith.constant 0.000000e+00 : f32
      %parallel_loop3A_50 = vector.broadcast %parallel_loop3A_49 : f32 to vector<16xf32>
      %parallel_loop3A_51 = arith.constant 16 : i32
      %parallel_loop3A_52 = arith.muli %parallel_loop3A_24, %parallel_loop3A_51 : i32
      %parallel_loop3A_53 = arith.constant 3 : i32
      %parallel_loop3A_54 = arith.index_cast %parallel_loop3A_53 : i32 to index
      %parallel_loop3A_55 = arith.index_cast %parallel_loop3A_52 : i32 to index
      %parallel_loop3A_56 = tpu.vector_load %arg5[%parallel_loop3A_54, %parallel_loop3A_55] {strides = array<i32>} : memref<8x10240xf32, #tpu.memory_space<vmem>>, vector<16xf32>,
      tpu.vector_store %arg5[%parallel_loop3A_54, %parallel_loop3A_55], %parallel_loop3A_50 {strides = array<i32>} : memref<8x10240xf32, #tpu.memory_space<vmem>>, vector<16xf32>,
      %parallel_loop3A_57 = arith.constant 0.000000e+00 : f32
      %parallel_loop3A_58 = vector.broadcast %parallel_loop3A_57 : f32 to vector<16xf32>
      %parallel_loop3A_59 = arith.constant 16 : i32
      %parallel_loop3A_60 = arith.muli %parallel_loop3A_24, %parallel_loop3A_59 : i32
      %parallel_loop3A_61 = arith.constant 4 : i32
      %parallel_loop3A_62 = arith.index_cast %parallel_loop3A_61 : i32 to index
      %parallel_loop3A_63 = arith.index_cast %parallel_loop3A_60 : i32 to index
      %parallel_loop3A_64 = tpu.vector_load %arg5[%parallel_loop3A_62, %parallel_loop3A_63] {strides = array<i32>} : memref<8x10240xf32, #tpu.memory_space<vmem>>, vector<16xf32>,
      tpu.vector_store %arg5[%parallel_loop3A_62, %parallel_loop3A_63], %parallel_loop3A_58 {strides = array<i32>} : memref<8x10240xf32, #tpu.memory_space<vmem>>, vector<16xf32>,
      %parallel_loop3A_65 = arith.constant 0.000000e+00 : f32
      %parallel_loop3A_66 = vector.broadcast %parallel_loop3A_65 : f32 to vector<16xf32>
      %parallel_loop3A_67 = arith.constant 16 : i32
      %parallel_loop3A_68 = arith.muli %parallel_loop3A_24, %parallel_loop3A_67 : i32
      %parallel_loop3A_69 = arith.constant 5 : i32
      %parallel_loop3A_70 = arith.index_cast %parallel_loop3A_69 : i32 to index
      %parallel_loop3A_71 = arith.index_cast %parallel_loop3A_68 : i32 to index
      %parallel_loop3A_72 = tpu.vector_load %arg5[%parallel_loop3A_70, %parallel_loop3A_71] {strides = array<i32>} : memref<8x10240xf32, #tpu.memory_space<vmem>>, vector<16xf32>,
      tpu.vector_store %arg5[%parallel_loop3A_70, %parallel_loop3A_71], %parallel_loop3A_66 {strides = array<i32>} : memref<8x10240xf32, #tpu.memory_space<vmem>>, vector<16xf32>,
      %parallel_loop3A_73 = arith.constant 0.000000e+00 : f32
      %parallel_loop3A_74 = vector.broadcast %parallel_loop3A_73 : f32 to vector<16xf32>
      %parallel_loop3A_75 = arith.constant 16 : i32
      %parallel_loop3A_76 = arith.muli %parallel_loop3A_24, %parallel_loop3A_75 : i32
      %parallel_loop3A_77 = arith.constant 6 : i32
      %parallel_loop3A_78 = arith.index_cast %parallel_loop3A_77 : i32 to index
      %parallel_loop3A_79 = arith.index_cast %parallel_loop3A_76 : i32 to index
      %parallel_loop3A_80 = tpu.vector_load %arg5[%parallel_loop3A_78, %parallel_loop3A_79] {strides = array<i32>} : memref<8x10240xf32, #tpu.memory_space<vmem>>, vector<16xf32>,
      tpu.vector_store %arg5[%parallel_loop3A_78, %parallel_loop3A_79], %parallel_loop3A_74 {strides = array<i32>} : memref<8x10240xf32, #tpu.memory_space<vmem>>, vector<16xf32>,
      %parallel_loop3A_81 = arith.constant 0.000000e+00 : f32
      %parallel_loop3A_82 = vector.broadcast %parallel_loop3A_81 : f32 to vector<16xf32>
      %parallel_loop3A_83 = arith.constant 16 : i32
      %parallel_loop3A_84 = arith.muli %parallel_loop3A_24, %parallel_loop3A_83 : i32
      %parallel_loop3A_85 = arith.constant 7 : i32
      %parallel_loop3A_86 = arith.index_cast %parallel_loop3A_85 : i32 to index
      %parallel_loop3A_87 = arith.index_cast %parallel_loop3A_84 : i32 to index
      %parallel_loop3A_88 = tpu.vector_load %arg5[%parallel_loop3A_86, %parallel_loop3A_87] {strides = array<i32>} : memref<8x10240xf32, #tpu.memory_space<vmem>>, vector<16xf32>,
      tpu.vector_store %arg5[%parallel_loop3A_86, %parallel_loop3A_87], %parallel_loop3A_82 {strides = array<i32>} : memref<8x10240xf32, #tpu.memory_space<vmem>>, vector<16xf32>,
    } {sc.loop_unroll_factor = 4 : i64, sc.parallel_access}
    %dma_start3A = arith.constant 0 : i32
    %dma_start3A_5 = tpu.memref_slice %arg3[%dma_start3A] : memref<160000xi32, #tpu.memory_space<hbm>> -> memref<640xi32, #tpu.memory_space<hbm>>
    %dma_start3A_6 = arith.constant 0 : i32
    %dma_start3A_7 = tpu.memref_slice %arg3[%dma_start3A_6] : memref<160000xi32, #tpu.memory_space<hbm>> -> memref<640xi32, #tpu.memory_space<hbm>>
    tpu.enqueue_dma source(%dma_start3A_7 : memref<640xi32, #tpu.memory_space<hbm>>) target(%arg6 : memref<640xi32, #tpu.memory_space<vmem>>) target_semaphore(%arg10 : memref<!tpu.dma_semaphore, #tpu.memory_space<semaphore_mem>>)
    %dma_start3A_8 = arith.constant 0 : i32
    %dma_start3A_9 = tpu.memref_slice %arg2[%mul3A_2, %dma_start3A_8] : memref<256x160000xf32, #tpu.memory_space<hbm>> -> memref<8x640xf32, #tpu.memory_space<hbm>>
    %dma_start3A_10 = arith.constant 0 : i32
    %dma_start3A_11 = tpu.memref_slice %arg2[%mul3A_2, %dma_start3A_10] : memref<256x160000xf32, #tpu.memory_space<hbm>> -> memref<8x640xf32, #tpu.memory_space<hbm>>
    tpu.enqueue_dma source(%dma_start3A_11 : memref<8x640xf32, #tpu.memory_space<hbm>>) target(%arg8 : memref<8x640xf32, #tpu.memory_space<vmem>>) target_semaphore(%arg10 : memref<!tpu.dma_semaphore, #tpu.memory_space<semaphore_mem>>)
    %dma_start3A_12 = arith.constant 640 : i32
    %dma_start3A_13 = tpu.memref_slice %arg3[%dma_start3A_12] : memref<160000xi32, #tpu.memory_space<hbm>> -> memref<640xi32, #tpu.memory_space<hbm>>
    %dma_start3A_14 = arith.constant 640 : i32
    %dma_start3A_15 = tpu.memref_slice %arg3[%dma_start3A_14] : memref<160000xi32, #tpu.memory_space<hbm>> -> memref<640xi32, #tpu.memory_space<hbm>>
    tpu.enqueue_dma source(%dma_start3A_15 : memref<640xi32, #tpu.memory_space<hbm>>) target(%arg7 : memref<640xi32, #tpu.memory_space<vmem>>) target_semaphore(%arg11 : memref<!tpu.dma_semaphore, #tpu.memory_space<semaphore_mem>>)
    %dma_start3A_16 = arith.constant 640 : i32
    %dma_start3A_17 = tpu.memref_slice %arg2[%mul3A_2, %dma_start3A_16] : memref<256x160000xf32, #tpu.memory_space<hbm>> -> memref<8x640xf32, #tpu.memory_space<hbm>>
    %dma_start3A_18 = arith.constant 640 : i32
    %dma_start3A_19 = tpu.memref_slice %arg2[%mul3A_2, %dma_start3A_18] : memref<256x160000xf32, #tpu.memory_space<hbm>> -> memref<8x640xf32, #tpu.memory_space<hbm>>
    tpu.enqueue_dma source(%dma_start3A_19 : memref<8x640xf32, #tpu.memory_space<hbm>>) target(%arg9 : memref<8x640xf32, #tpu.memory_space<vmem>>) target_semaphore(%arg11 : memref<!tpu.dma_semaphore, #tpu.memory_space<semaphore_mem>>)
    %scan3A = arith.constant 0 : i32
    %scan3A_20 = arith.constant 125 : i32
    %scan3A_21 = arith.addi %scan3A, %scan3A_20 : i32
    %scan3A_22 = arith.constant 1 : i32
    scf.for %scan3A_24 = %scan3A to %scan3A_21 step %scan3A_22  : i32 {
      %mul3A_25 = arith.constant 1 : i32
      %mul3A_26 = arith.muli %scan3A_24, %mul3A_25 : i32
      %add3A_27 = arith.constant 0 : i32
      %add3A_28 = arith.addi %add3A_27, %mul3A_26 : i32
      %mul3A_29 = arith.constant 2 : i32
      %mul3A_30 = arith.muli %mul3A_29, %add3A_28 : i32
      %dma_wait3A = arith.constant 0 : i32
      %dma_wait3A_31 = tpu.memref_slice %arg3[%dma_wait3A] : memref<160000xi32, #tpu.memory_space<hbm>> -> memref<640xi32, #tpu.memory_space<hbm>>
      %dma_wait3A_32 = arith.constant 0 : i32
      %dma_wait3A_33 = tpu.memref_slice %arg3[%dma_wait3A_32] : memref<160000xi32, #tpu.memory_space<hbm>> -> memref<640xi32, #tpu.memory_space<hbm>>
      tpu.wait_dma2 semaphore(%arg10 : memref<!tpu.dma_semaphore, #tpu.memory_space<semaphore_mem>>) src(%dma_wait3A_33 : memref<640xi32, #tpu.memory_space<hbm>>) dst(%arg6 : memref<640xi32, #tpu.memory_space<vmem>>)
      %dma_wait3A_34 = arith.constant 0 : i32
      %dma_wait3A_35 = arith.constant 0 : i32
      %dma_wait3A_36 = tpu.memref_slice %arg2[%dma_wait3A_34, %dma_wait3A_35] : memref<256x160000xf32, #tpu.memory_space<hbm>> -> memref<8x640xf32, #tpu.memory_space<hbm>>
      %dma_wait3A_37 = arith.constant 0 : i32
      %dma_wait3A_38 = arith.constant 0 : i32
      %dma_wait3A_39 = tpu.memref_slice %arg2[%dma_wait3A_37, %dma_wait3A_38] : memref<256x160000xf32, #tpu.memory_space<hbm>> -> memref<8x640xf32, #tpu.memory_space<hbm>>
      tpu.wait_dma2 semaphore(%arg10 : memref<!tpu.dma_semaphore, #tpu.memory_space<semaphore_mem>>) src(%dma_wait3A_39 : memref<8x640xf32, #tpu.memory_space<hbm>>) dst(%arg8 : memref<8x640xf32, #tpu.memory_space<vmem>>)
      %parallel_loop3A_40 = arith.constant 0 : i32
      %parallel_loop3A_41 = arith.constant 40 : i32
      %parallel_loop3A_42 = arith.constant 1 : i32
      scf.for %parallel_loop3A_71 = %parallel_loop3A_40 to %parallel_loop3A_41 step %parallel_loop3A_42  : i32 {
        %parallel_loop3A_72 = arith.constant 16 : i32
        %parallel_loop3A_73 = arith.muli %parallel_loop3A_71, %parallel_loop3A_72 : i32
        %parallel_loop3A_74 = arith.index_cast %parallel_loop3A_73 : i32 to index
        %parallel_loop3A_75 = tpu.vector_load %arg6[%parallel_loop3A_74] {strides = array<i32>} : memref<640xi32, #tpu.memory_space<vmem>>, vector<16xi32>,
        %parallel_loop3A_76 = arith.constant 16 : i32
        %parallel_loop3A_77 = arith.muli %parallel_loop3A_71, %parallel_loop3A_76 : i32
        %parallel_loop3A_78 = arith.constant 0 : i32
        %parallel_loop3A_79 = arith.index_cast %parallel_loop3A_78 : i32 to index
        %parallel_loop3A_80 = arith.index_cast %parallel_loop3A_77 : i32 to index
        %parallel_loop3A_81 = tpu.vector_load %arg8[%parallel_loop3A_79, %parallel_loop3A_80] {strides = array<i32>} : memref<8x640xf32, #tpu.memory_space<vmem>>, vector<16xf32>,
        %parallel_loop3A_82 = arith.constant 0 : i32
        %parallel_loop3A_83 = vector.broadcast %parallel_loop3A_82 : i32 to vector<16xi32>
        tpu.vector_store_idx %arg5[%parallel_loop3A_83, %parallel_loop3A_75], %parallel_loop3A_81 {add = true} : memref<8x10240xf32, #tpu.memory_space<vmem>>[vector<16xi32>, vector<16xi32>], vector<16xf32>,
        %parallel_loop3A_84 = arith.constant 16 : i32
        %parallel_loop3A_85 = arith.muli %parallel_loop3A_71, %parallel_loop3A_84 : i32
        %parallel_loop3A_86 = arith.constant 1 : i32
        %parallel_loop3A_87 = arith.index_cast %parallel_loop3A_86 : i32 to index
        %parallel_loop3A_88 = arith.index_cast %parallel_loop3A_85 : i32 to index
        %parallel_loop3A_89 = tpu.vector_load %arg8[%parallel_loop3A_87, %parallel_loop3A_88] {strides = array<i32>} : memref<8x640xf32, #tpu.memory_space<vmem>>, vector<16xf32>,
        %parallel_loop3A_90 = arith.constant 1 : i32
        %parallel_loop3A_91 = vector.broadcast %parallel_loop3A_90 : i32 to vector<16xi32>
        tpu.vector_store_idx %arg5[%parallel_loop3A_91, %parallel_loop3A_75], %parallel_loop3A_89 {add = true} : memref<8x10240xf32, #tpu.memory_space<vmem>>[vector<16xi32>, vector<16xi32>], vector<16xf32>,
        %parallel_loop3A_92 = arith.constant 16 : i32
        %parallel_loop3A_93 = arith.muli %parallel_loop3A_71, %parallel_loop3A_92 : i32
        %parallel_loop3A_94 = arith.constant 2 : i32
        %parallel_loop3A_95 = arith.index_cast %parallel_loop3A_94 : i32 to index
        %parallel_loop3A_96 = arith.index_cast %parallel_loop3A_93 : i32 to index
        %parallel_loop3A_97 = tpu.vector_load %arg8[%parallel_loop3A_95, %parallel_loop3A_96] {strides = array<i32>} : memref<8x640xf32, #tpu.memory_space<vmem>>, vector<16xf32>,
        %parallel_loop3A_98 = arith.constant 2 : i32
        %parallel_loop3A_99 = vector.broadcast %parallel_loop3A_98 : i32 to vector<16xi32>
        tpu.vector_store_idx %arg5[%parallel_loop3A_99, %parallel_loop3A_75], %parallel_loop3A_97 {add = true} : memref<8x10240xf32, #tpu.memory_space<vmem>>[vector<16xi32>, vector<16xi32>], vector<16xf32>,
        %parallel_loop3A_100 = arith.constant 16 : i32
        %parallel_loop3A_101 = arith.muli %parallel_loop3A_71, %parallel_loop3A_100 : i32
        %parallel_loop3A_102 = arith.constant 3 : i32
        %parallel_loop3A_103 = arith.index_cast %parallel_loop3A_102 : i32 to index
        %parallel_loop3A_104 = arith.index_cast %parallel_loop3A_101 : i32 to index
        %parallel_loop3A_105 = tpu.vector_load %arg8[%parallel_loop3A_103, %parallel_loop3A_104] {strides = array<i32>} : memref<8x640xf32, #tpu.memory_space<vmem>>, vector<16xf32>,
        %parallel_loop3A_106 = arith.constant 3 : i32
        %parallel_loop3A_107 = vector.broadcast %parallel_loop3A_106 : i32 to vector<16xi32>
        tpu.vector_store_idx %arg5[%parallel_loop3A_107, %parallel_loop3A_75], %parallel_loop3A_105 {add = true} : memref<8x10240xf32, #tpu.memory_space<vmem>>[vector<16xi32>, vector<16xi32>], vector<16xf32>,
        %parallel_loop3A_108 = arith.constant 16 : i32
        %parallel_loop3A_109 = arith.muli %parallel_loop3A_71, %parallel_loop3A_108 : i32
        %parallel_loop3A_110 = arith.constant 4 : i32
        %parallel_loop3A_111 = arith.index_cast %parallel_loop3A_110 : i32 to index
        %parallel_loop3A_112 = arith.index_cast %parallel_loop3A_109 : i32 to index
        %parallel_loop3A_113 = tpu.vector_load %arg8[%parallel_loop3A_111, %parallel_loop3A_112] {strides = array<i32>} : memref<8x640xf32, #tpu.memory_space<vmem>>, vector<16xf32>,
        %parallel_loop3A_114 = arith.constant 4 : i32
        %parallel_loop3A_115 = vector.broadcast %parallel_loop3A_114 : i32 to vector<16xi32>
        tpu.vector_store_idx %arg5[%parallel_loop3A_115, %parallel_loop3A_75], %parallel_loop3A_113 {add = true} : memref<8x10240xf32, #tpu.memory_space<vmem>>[vector<16xi32>, vector<16xi32>], vector<16xf32>,
        %parallel_loop3A_116 = arith.constant 16 : i32
        %parallel_loop3A_117 = arith.muli %parallel_loop3A_71, %parallel_loop3A_116 : i32
        %parallel_loop3A_118 = arith.constant 5 : i32
        %parallel_loop3A_119 = arith.index_cast %parallel_loop3A_118 : i32 to index
        %parallel_loop3A_120 = arith.index_cast %parallel_loop3A_117 : i32 to index
        %parallel_loop3A_121 = tpu.vector_load %arg8[%parallel_loop3A_119, %parallel_loop3A_120] {strides = array<i32>} : memref<8x640xf32, #tpu.memory_space<vmem>>, vector<16xf32>,
        %parallel_loop3A_122 = arith.constant 5 : i32
        %parallel_loop3A_123 = vector.broadcast %parallel_loop3A_122 : i32 to vector<16xi32>
        tpu.vector_store_idx %arg5[%parallel_loop3A_123, %parallel_loop3A_75], %parallel_loop3A_121 {add = true} : memref<8x10240xf32, #tpu.memory_space<vmem>>[vector<16xi32>, vector<16xi32>], vector<16xf32>,
        %parallel_loop3A_124 = arith.constant 16 : i32
        %parallel_loop3A_125 = arith.muli %parallel_loop3A_71, %parallel_loop3A_124 : i32
        %parallel_loop3A_126 = arith.constant 6 : i32
        %parallel_loop3A_127 = arith.index_cast %parallel_loop3A_126 : i32 to index
        %parallel_loop3A_128 = arith.index_cast %parallel_loop3A_125 : i32 to index
        %parallel_loop3A_129 = tpu.vector_load %arg8[%parallel_loop3A_127, %parallel_loop3A_128] {strides = array<i32>} : memref<8x640xf32, #tpu.memory_space<vmem>>, vector<16xf32>,
        %parallel_loop3A_130 = arith.constant 6 : i32
        %parallel_loop3A_131 = vector.broadcast %parallel_loop3A_130 : i32 to vector<16xi32>
        tpu.vector_store_idx %arg5[%parallel_loop3A_131, %parallel_loop3A_75], %parallel_loop3A_129 {add = true} : memref<8x10240xf32, #tpu.memory_space<vmem>>[vector<16xi32>, vector<16xi32>], vector<16xf32>,
        %parallel_loop3A_132 = arith.constant 16 : i32
        %parallel_loop3A_133 = arith.muli %parallel_loop3A_71, %parallel_loop3A_132 : i32
        %parallel_loop3A_134 = arith.constant 7 : i32
        %parallel_loop3A_135 = arith.index_cast %parallel_loop3A_134 : i32 to index
        %parallel_loop3A_136 = arith.index_cast %parallel_loop3A_133 : i32 to index
        %parallel_loop3A_137 = tpu.vector_load %arg8[%parallel_loop3A_135, %parallel_loop3A_136] {strides = array<i32>} : memref<8x640xf32, #tpu.memory_space<vmem>>, vector<16xf32>,
        %parallel_loop3A_138 = arith.constant 7 : i32
        %parallel_loop3A_139 = vector.broadcast %parallel_loop3A_138 : i32 to vector<16xi32>
        tpu.vector_store_idx %arg5[%parallel_loop3A_139, %parallel_loop3A_75], %parallel_loop3A_137 {add = true} : memref<8x10240xf32, #tpu.memory_space<vmem>>[vector<16xi32>, vector<16xi32>], vector<16xf32>,
      } {sc.loop_unroll_factor = 4 : i64, sc.parallel_access}
      %add3A_43 = arith.constant 0 : i32
      %add3A_44 = arith.addi %mul3A_30, %add3A_43 : i32
      %add3A_45 = arith.constant 2 : i32
      %add3A_46 = arith.addi %add3A_44, %add3A_45 : i32
      %lt3A = arith.constant 250 : i32
      %lt3A_47 = arith.cmpi slt, %add3A_46, %lt3A : i32
      %convert_element_type3A = arith.extui %lt3A_47 : i1 to i32
      %cond3A = arith.constant 0 : i32
      %cond3A_48 = arith.cmpi ne, %convert_element_type3A, %cond3A : i32
      scf.if %cond3A_48 {
        %add3A_71 = arith.constant 0 : i32
        %add3A_72 = arith.addi %mul3A_30, %add3A_71 : i32
        %add3A_73 = arith.constant 2 : i32
        %add3A_74 = arith.addi %add3A_72, %add3A_73 : i32
        %mul3A_75 = arith.constant 640 : i32
        %mul3A_76 = arith.muli %add3A_74, %mul3A_75 : i32
        %dma_start3A_77 = tpu.memref_slice %arg3[%mul3A_76] : memref<160000xi32, #tpu.memory_space<hbm>> -> memref<640xi32, #tpu.memory_space<hbm>>
        %dma_start3A_78 = tpu.memref_slice %arg3[%mul3A_76] : memref<160000xi32, #tpu.memory_space<hbm>> -> memref<640xi32, #tpu.memory_space<hbm>>
        tpu.enqueue_dma source(%dma_start3A_78 : memref<640xi32, #tpu.memory_space<hbm>>) target(%arg6 : memref<640xi32, #tpu.memory_space<vmem>>) target_semaphore(%arg10 : memref<!tpu.dma_semaphore, #tpu.memory_space<semaphore_mem>>)
        %dma_start3A_79 = tpu.memref_slice %arg2[%mul3A_2, %mul3A_76] : memref<256x160000xf32, #tpu.memory_space<hbm>> -> memref<8x640xf32, #tpu.memory_space<hbm>>
        %dma_start3A_80 = tpu.memref_slice %arg2[%mul3A_2, %mul3A_76] : memref<256x160000xf32, #tpu.memory_space<hbm>> -> memref<8x640xf32, #tpu.memory_space<hbm>>
        tpu.enqueue_dma source(%dma_start3A_80 : memref<8x640xf32, #tpu.memory_space<hbm>>) target(%arg8 : memref<8x640xf32, #tpu.memory_space<vmem>>) target_semaphore(%arg10 : memref<!tpu.dma_semaphore, #tpu.memory_space<semaphore_mem>>)
      } else {
      }
      %dma_wait3A_49 = arith.constant 0 : i32
      %dma_wait3A_50 = tpu.memref_slice %arg3[%dma_wait3A_49] : memref<160000xi32, #tpu.memory_space<hbm>> -> memref<640xi32, #tpu.memory_space<hbm>>
      %dma_wait3A_51 = arith.constant 0 : i32
      %dma_wait3A_52 = tpu.memref_slice %arg3[%dma_wait3A_51] : memref<160000xi32, #tpu.memory_space<hbm>> -> memref<640xi32, #tpu.memory_space<hbm>>
      tpu.wait_dma2 semaphore(%arg11 : memref<!tpu.dma_semaphore, #tpu.memory_space<semaphore_mem>>) src(%dma_wait3A_52 : memref<640xi32, #tpu.memory_space<hbm>>) dst(%arg7 : memref<640xi32, #tpu.memory_space<vmem>>)
      %dma_wait3A_53 = arith.constant 0 : i32
      %dma_wait3A_54 = arith.constant 0 : i32
      %dma_wait3A_55 = tpu.memref_slice %arg2[%dma_wait3A_53, %dma_wait3A_54] : memref<256x160000xf32, #tpu.memory_space<hbm>> -> memref<8x640xf32, #tpu.memory_space<hbm>>
      %dma_wait3A_56 = arith.constant 0 : i32
      %dma_wait3A_57 = arith.constant 0 : i32
      %dma_wait3A_58 = tpu.memref_slice %arg2[%dma_wait3A_56, %dma_wait3A_57] : memref<256x160000xf32, #tpu.memory_space<hbm>> -> memref<8x640xf32, #tpu.memory_space<hbm>>
      tpu.wait_dma2 semaphore(%arg11 : memref<!tpu.dma_semaphore, #tpu.memory_space<semaphore_mem>>) src(%dma_wait3A_58 : memref<8x640xf32, #tpu.memory_space<hbm>>) dst(%arg9 : memref<8x640xf32, #tpu.memory_space<vmem>>)
      %parallel_loop3A_59 = arith.constant 0 : i32
      %parallel_loop3A_60 = arith.constant 40 : i32
      %parallel_loop3A_61 = arith.constant 1 : i32
      scf.for %parallel_loop3A_71 = %parallel_loop3A_59 to %parallel_loop3A_60 step %parallel_loop3A_61  : i32 {
        %parallel_loop3A_72 = arith.constant 16 : i32
        %parallel_loop3A_73 = arith.muli %parallel_loop3A_71, %parallel_loop3A_72 : i32
        %parallel_loop3A_74 = arith.index_cast %parallel_loop3A_73 : i32 to index
        %parallel_loop3A_75 = tpu.vector_load %arg7[%parallel_loop3A_74] {strides = array<i32>} : memref<640xi32, #tpu.memory_space<vmem>>, vector<16xi32>,
        %parallel_loop3A_76 = arith.constant 16 : i32
        %parallel_loop3A_77 = arith.muli %parallel_loop3A_71, %parallel_loop3A_76 : i32
        %parallel_loop3A_78 = arith.constant 0 : i32
        %parallel_loop3A_79 = arith.index_cast %parallel_loop3A_78 : i32 to index
        %parallel_loop3A_80 = arith.index_cast %parallel_loop3A_77 : i32 to index
        %parallel_loop3A_81 = tpu.vector_load %arg9[%parallel_loop3A_79, %parallel_loop3A_80] {strides = array<i32>} : memref<8x640xf32, #tpu.memory_space<vmem>>, vector<16xf32>,
        %parallel_loop3A_82 = arith.constant 0 : i32
        %parallel_loop3A_83 = vector.broadcast %parallel_loop3A_82 : i32 to vector<16xi32>
        tpu.vector_store_idx %arg5[%parallel_loop3A_83, %parallel_loop3A_75], %parallel_loop3A_81 {add = true} : memref<8x10240xf32, #tpu.memory_space<vmem>>[vector<16xi32>, vector<16xi32>], vector<16xf32>,
        %parallel_loop3A_84 = arith.constant 16 : i32
        %parallel_loop3A_85 = arith.muli %parallel_loop3A_71, %parallel_loop3A_84 : i32
        %parallel_loop3A_86 = arith.constant 1 : i32
        %parallel_loop3A_87 = arith.index_cast %parallel_loop3A_86 : i32 to index
        %parallel_loop3A_88 = arith.index_cast %parallel_loop3A_85 : i32 to index
        %parallel_loop3A_89 = tpu.vector_load %arg9[%parallel_loop3A_87, %parallel_loop3A_88] {strides = array<i32>} : memref<8x640xf32, #tpu.memory_space<vmem>>, vector<16xf32>,
        %parallel_loop3A_90 = arith.constant 1 : i32
        %parallel_loop3A_91 = vector.broadcast %parallel_loop3A_90 : i32 to vector<16xi32>
        tpu.vector_store_idx %arg5[%parallel_loop3A_91, %parallel_loop3A_75], %parallel_loop3A_89 {add = true} : memref<8x10240xf32, #tpu.memory_space<vmem>>[vector<16xi32>, vector<16xi32>], vector<16xf32>,
        %parallel_loop3A_92 = arith.constant 16 : i32
        %parallel_loop3A_93 = arith.muli %parallel_loop3A_71, %parallel_loop3A_92 : i32
        %parallel_loop3A_94 = arith.constant 2 : i32
        %parallel_loop3A_95 = arith.index_cast %parallel_loop3A_94 : i32 to index
        %parallel_loop3A_96 = arith.index_cast %parallel_loop3A_93 : i32 to index
        %parallel_loop3A_97 = tpu.vector_load %arg9[%parallel_loop3A_95, %parallel_loop3A_96] {strides = array<i32>} : memref<8x640xf32, #tpu.memory_space<vmem>>, vector<16xf32>,
        %parallel_loop3A_98 = arith.constant 2 : i32
        %parallel_loop3A_99 = vector.broadcast %parallel_loop3A_98 : i32 to vector<16xi32>
        tpu.vector_store_idx %arg5[%parallel_loop3A_99, %parallel_loop3A_75], %parallel_loop3A_97 {add = true} : memref<8x10240xf32, #tpu.memory_space<vmem>>[vector<16xi32>, vector<16xi32>], vector<16xf32>,
        %parallel_loop3A_100 = arith.constant 16 : i32
        %parallel_loop3A_101 = arith.muli %parallel_loop3A_71, %parallel_loop3A_100 : i32
        %parallel_loop3A_102 = arith.constant 3 : i32
        %parallel_loop3A_103 = arith.index_cast %parallel_loop3A_102 : i32 to index
        %parallel_loop3A_104 = arith.index_cast %parallel_loop3A_101 : i32 to index
        %parallel_loop3A_105 = tpu.vector_load %arg9[%parallel_loop3A_103, %parallel_loop3A_104] {strides = array<i32>} : memref<8x640xf32, #tpu.memory_space<vmem>>, vector<16xf32>,
        %parallel_loop3A_106 = arith.constant 3 : i32
        %parallel_loop3A_107 = vector.broadcast %parallel_loop3A_106 : i32 to vector<16xi32>
        tpu.vector_store_idx %arg5[%parallel_loop3A_107, %parallel_loop3A_75], %parallel_loop3A_105 {add = true} : memref<8x10240xf32, #tpu.memory_space<vmem>>[vector<16xi32>, vector<16xi32>], vector<16xf32>,
        %parallel_loop3A_108 = arith.constant 16 : i32
        %parallel_loop3A_109 = arith.muli %parallel_loop3A_71, %parallel_loop3A_108 : i32
        %parallel_loop3A_110 = arith.constant 4 : i32
        %parallel_loop3A_111 = arith.index_cast %parallel_loop3A_110 : i32 to index
        %parallel_loop3A_112 = arith.index_cast %parallel_loop3A_109 : i32 to index
        %parallel_loop3A_113 = tpu.vector_load %arg9[%parallel_loop3A_111, %parallel_loop3A_112] {strides = array<i32>} : memref<8x640xf32, #tpu.memory_space<vmem>>, vector<16xf32>,
        %parallel_loop3A_114 = arith.constant 4 : i32
        %parallel_loop3A_115 = vector.broadcast %parallel_loop3A_114 : i32 to vector<16xi32>
        tpu.vector_store_idx %arg5[%parallel_loop3A_115, %parallel_loop3A_75], %parallel_loop3A_113 {add = true} : memref<8x10240xf32, #tpu.memory_space<vmem>>[vector<16xi32>, vector<16xi32>], vector<16xf32>,
        %parallel_loop3A_116 = arith.constant 16 : i32
        %parallel_loop3A_117 = arith.muli %parallel_loop3A_71, %parallel_loop3A_116 : i32
        %parallel_loop3A_118 = arith.constant 5 : i32
        %parallel_loop3A_119 = arith.index_cast %parallel_loop3A_118 : i32 to index
        %parallel_loop3A_120 = arith.index_cast %parallel_loop3A_117 : i32 to index
        %parallel_loop3A_121 = tpu.vector_load %arg9[%parallel_loop3A_119, %parallel_loop3A_120] {strides = array<i32>} : memref<8x640xf32, #tpu.memory_space<vmem>>, vector<16xf32>,
        %parallel_loop3A_122 = arith.constant 5 : i32
        %parallel_loop3A_123 = vector.broadcast %parallel_loop3A_122 : i32 to vector<16xi32>
        tpu.vector_store_idx %arg5[%parallel_loop3A_123, %parallel_loop3A_75], %parallel_loop3A_121 {add = true} : memref<8x10240xf32, #tpu.memory_space<vmem>>[vector<16xi32>, vector<16xi32>], vector<16xf32>,
        %parallel_loop3A_124 = arith.constant 16 : i32
        %parallel_loop3A_125 = arith.muli %parallel_loop3A_71, %parallel_loop3A_124 : i32
        %parallel_loop3A_126 = arith.constant 6 : i32
        %parallel_loop3A_127 = arith.index_cast %parallel_loop3A_126 : i32 to index
        %parallel_loop3A_128 = arith.index_cast %parallel_loop3A_125 : i32 to index
        %parallel_loop3A_129 = tpu.vector_load %arg9[%parallel_loop3A_127, %parallel_loop3A_128] {strides = array<i32>} : memref<8x640xf32, #tpu.memory_space<vmem>>, vector<16xf32>,
        %parallel_loop3A_130 = arith.constant 6 : i32
        %parallel_loop3A_131 = vector.broadcast %parallel_loop3A_130 : i32 to vector<16xi32>
        tpu.vector_store_idx %arg5[%parallel_loop3A_131, %parallel_loop3A_75], %parallel_loop3A_129 {add = true} : memref<8x10240xf32, #tpu.memory_space<vmem>>[vector<16xi32>, vector<16xi32>], vector<16xf32>,
        %parallel_loop3A_132 = arith.constant 16 : i32
        %parallel_loop3A_133 = arith.muli %parallel_loop3A_71, %parallel_loop3A_132 : i32
        %parallel_loop3A_134 = arith.constant 7 : i32
        %parallel_loop3A_135 = arith.index_cast %parallel_loop3A_134 : i32 to index
        %parallel_loop3A_136 = arith.index_cast %parallel_loop3A_133 : i32 to index
        %parallel_loop3A_137 = tpu.vector_load %arg9[%parallel_loop3A_135, %parallel_loop3A_136] {strides = array<i32>} : memref<8x640xf32, #tpu.memory_space<vmem>>, vector<16xf32>,
        %parallel_loop3A_138 = arith.constant 7 : i32
        %parallel_loop3A_139 = vector.broadcast %parallel_loop3A_138 : i32 to vector<16xi32>
        tpu.vector_store_idx %arg5[%parallel_loop3A_139, %parallel_loop3A_75], %parallel_loop3A_137 {add = true} : memref<8x10240xf32, #tpu.memory_space<vmem>>[vector<16xi32>, vector<16xi32>], vector<16xf32>,
      } {sc.loop_unroll_factor = 4 : i64, sc.parallel_access}
      %add3A_62 = arith.constant 1 : i32
      %add3A_63 = arith.addi %mul3A_30, %add3A_62 : i32
      %add3A_64 = arith.constant 2 : i32
      %add3A_65 = arith.addi %add3A_63, %add3A_64 : i32
      %lt3A_66 = arith.constant 250 : i32
      %lt3A_67 = arith.cmpi slt, %add3A_65, %lt3A_66 : i32
      %convert_element_type3A_68 = arith.extui %lt3A_67 : i1 to i32
      %cond3A_69 = arith.constant 0 : i32
      %cond3A_70 = arith.cmpi ne, %convert_element_type3A_68, %cond3A_69 : i32
      scf.if %cond3A_70 {
        %add3A_71 = arith.constant 1 : i32
        %add3A_72 = arith.addi %mul3A_30, %add3A_71 : i32
        %add3A_73 = arith.constant 2 : i32
        %add3A_74 = arith.addi %add3A_72, %add3A_73 : i32
        %mul3A_75 = arith.constant 640 : i32
        %mul3A_76 = arith.muli %add3A_74, %mul3A_75 : i32
        %dma_start3A_77 = tpu.memref_slice %arg3[%mul3A_76] : memref<160000xi32, #tpu.memory_space<hbm>> -> memref<640xi32, #tpu.memory_space<hbm>>
        %dma_start3A_78 = tpu.memref_slice %arg3[%mul3A_76] : memref<160000xi32, #tpu.memory_space<hbm>> -> memref<640xi32, #tpu.memory_space<hbm>>
        tpu.enqueue_dma source(%dma_start3A_78 : memref<640xi32, #tpu.memory_space<hbm>>) target(%arg7 : memref<640xi32, #tpu.memory_space<vmem>>) target_semaphore(%arg11 : memref<!tpu.dma_semaphore, #tpu.memory_space<semaphore_mem>>)
        %dma_start3A_79 = tpu.memref_slice %arg2[%mul3A_2, %mul3A_76] : memref<256x160000xf32, #tpu.memory_space<hbm>> -> memref<8x640xf32, #tpu.memory_space<hbm>>
        %dma_start3A_80 = tpu.memref_slice %arg2[%mul3A_2, %mul3A_76] : memref<256x160000xf32, #tpu.memory_space<hbm>> -> memref<8x640xf32, #tpu.memory_space<hbm>>
        tpu.enqueue_dma source(%dma_start3A_80 : memref<8x640xf32, #tpu.memory_space<hbm>>) target(%arg9 : memref<8x640xf32, #tpu.memory_space<vmem>>) target_semaphore(%arg11 : memref<!tpu.dma_semaphore, #tpu.memory_space<semaphore_mem>>)
      } else {
      }
    }
    %scan3A_23 = arith.constant 125 : i32
    "tpu.region"() ({
      %run_scoped3A = tpu.sem_alloc : memref<!tpu.dma_semaphore, #tpu.memory_space<semaphore_mem>>
      %dma_start3A_24 = arith.constant 0 : i32
      %dma_start3A_25 = tpu.memref_slice %arg4[%mul3A_2, %dma_start3A_24] : memref<256x10240xf32, #tpu.memory_space<hbm>> -> memref<8x10240xf32, #tpu.memory_space<hbm>>
      %dma_start3A_26 = arith.constant 0 : i32
      %dma_start3A_27 = tpu.memref_slice %arg4[%mul3A_2, %dma_start3A_26] : memref<256x10240xf32, #tpu.memory_space<hbm>> -> memref<8x10240xf32, #tpu.memory_space<hbm>>
      tpu.enqueue_dma source(%arg5 : memref<8x10240xf32, #tpu.memory_space<vmem>>) target(%dma_start3A_27 : memref<8x10240xf32, #tpu.memory_space<hbm>>) target_semaphore(%run_scoped3A : memref<!tpu.dma_semaphore, #tpu.memory_space<semaphore_mem>>)
      %dma_wait3A = arith.constant 0 : i32
      %dma_wait3A_28 = tpu.memref_slice %arg4[%mul3A_2, %dma_wait3A] : memref<256x10240xf32, #tpu.memory_space<hbm>> -> memref<8x10240xf32, #tpu.memory_space<hbm>>
      %dma_wait3A_29 = arith.constant 0 : i32
      %dma_wait3A_30 = tpu.memref_slice %arg4[%mul3A_2, %dma_wait3A_29] : memref<256x10240xf32, #tpu.memory_space<hbm>> -> memref<8x10240xf32, #tpu.memory_space<hbm>>
      tpu.wait_dma2 semaphore(%run_scoped3A : memref<!tpu.dma_semaphore, #tpu.memory_space<semaphore_mem>>) src(%arg5 : memref<8x10240xf32, #tpu.memory_space<vmem>>) dst(%dma_wait3A_30 : memref<8x10240xf32, #tpu.memory_space<hbm>>)
      tpu.yield
    }) : () -> ()
    return
  }
}

#map = affine_map<(d0, d1) -> (0, 0)>
#map1 = affine_map<(d0, d1) -> (0)>
module attributes {stable_mosaic.version = 14 : i64} {
  func.func @k(%arg0: i32, %arg1: i32, %arg2: memref<256x160000xf32, #tpu.memory_space<hbm>>, %arg3: memref<160000xi32, #tpu.memory_space<hbm>>, %arg4: memref<256x10240xf32, #tpu.memory_space<hbm>>, %arg5: memref<8x10240xf32, #tpu.memory_space<vmem>>, %arg6: memref<640xi32, #tpu.memory_space<vmem>>, %arg7: memref<640xi32, #tpu.memory_space<vmem>>, %arg8: memref<8x640xf32, #tpu.memory_space<vmem>>, %arg9: memref<8x640xf32, #tpu.memory_space<vmem>>, %arg10: memref<!tpu.dma_semaphore, #tpu.memory_space<semaphore_mem>>, %arg11: memref<!tpu.dma_semaphore, #tpu.memory_space<semaphore_mem>>) attributes {dimension_semantics = [#tpu.dimension_semantics<core_parallel>, #tpu.dimension_semantics<subcore_parallel>], iteration_bounds = array<i64: 2, 16>, scalar_prefetch = 0 : i64, scratch_operands = 7 : i64, tpu.core_type = #tpu.core_type<sc_vector_subcore>, window_params = [{transform_indices = #map}, {transform_indices = #map1}, {transform_indices = #map}]} {
    %mul3A = arith.constant 2 : i32
    %mul3A_0 = arith.muli %arg1, %mul3A : i32
    %add3A = arith.addi %mul3A_0, %arg0 : i32
    %mul3A_1 = arith.constant 8 : i32
    %mul3A_2 = arith.muli %add3A, %mul3A_1 : i32
    %parallel_loop3A = arith.constant 0 : i32
    %parallel_loop3A_3 = arith.constant 640 : i32
    %parallel_loop3A_4 = arith.constant 1 : i32
    scf.for %parallel_loop3A_24 = %parallel_loop3A to %parallel_loop3A_3 step %parallel_loop3A_4  : i32 {
      %parallel_loop3A_25 = arith.constant 0.000000e+00 : f32
      %parallel_loop3A_26 = vector.broadcast %parallel_loop3A_25 : f32 to vector<16xf32>
      %parallel_loop3A_27 = arith.constant 16 : i32
      %parallel_loop3A_28 = arith.muli %parallel_loop3A_24, %parallel_loop3A_27 : i32
      %parallel_loop3A_29 = arith.constant 0 : i32
      %parallel_loop3A_30 = arith.index_cast %parallel_loop3A_29 : i32 to index
      %parallel_loop3A_31 = arith.index_cast %parallel_loop3A_28 : i32 to index
      %parallel_loop3A_32 = tpu.vector_load %arg5[%parallel_loop3A_30, %parallel_loop3A_31] {strides = array<i32>} : memref<8x10240xf32, #tpu.memory_space<vmem>>, vector<16xf32>,
      tpu.vector_store %arg5[%parallel_loop3A_30, %parallel_loop3A_31], %parallel_loop3A_26 {strides = array<i32>} : memref<8x10240xf32, #tpu.memory_space<vmem>>, vector<16xf32>,
      %parallel_loop3A_33 = arith.constant 0.000000e+00 : f32
      %parallel_loop3A_34 = vector.broadcast %parallel_loop3A_33 : f32 to vector<16xf32>
      %parallel_loop3A_35 = arith.constant 16 : i32
      %parallel_loop3A_36 = arith.muli %parallel_loop3A_24, %parallel_loop3A_35 : i32
      %parallel_loop3A_37 = arith.constant 1 : i32
      %parallel_loop3A_38 = arith.index_cast %parallel_loop3A_37 : i32 to index
      %parallel_loop3A_39 = arith.index_cast %parallel_loop3A_36 : i32 to index
      %parallel_loop3A_40 = tpu.vector_load %arg5[%parallel_loop3A_38, %parallel_loop3A_39] {strides = array<i32>} : memref<8x10240xf32, #tpu.memory_space<vmem>>, vector<16xf32>,
      tpu.vector_store %arg5[%parallel_loop3A_38, %parallel_loop3A_39], %parallel_loop3A_34 {strides = array<i32>} : memref<8x10240xf32, #tpu.memory_space<vmem>>, vector<16xf32>,
      %parallel_loop3A_41 = arith.constant 0.000000e+00 : f32
      %parallel_loop3A_42 = vector.broadcast %parallel_loop3A_41 : f32 to vector<16xf32>
      %parallel_loop3A_43 = arith.constant 16 : i32
      %parallel_loop3A_44 = arith.muli %parallel_loop3A_24, %parallel_loop3A_43 : i32
      %parallel_loop3A_45 = arith.constant 2 : i32
      %parallel_loop3A_46 = arith.index_cast %parallel_loop3A_45 : i32 to index
      %parallel_loop3A_47 = arith.index_cast %parallel_loop3A_44 : i32 to index
      %parallel_loop3A_48 = tpu.vector_load %arg5[%parallel_loop3A_46, %parallel_loop3A_47] {strides = array<i32>} : memref<8x10240xf32, #tpu.memory_space<vmem>>, vector<16xf32>,
      tpu.vector_store %arg5[%parallel_loop3A_46, %parallel_loop3A_47], %parallel_loop3A_42 {strides = array<i32>} : memref<8x10240xf32, #tpu.memory_space<vmem>>, vector<16xf32>,
      %parallel_loop3A_49 = arith.constant 0.000000e+00 : f32
      %parallel_loop3A_50 = vector.broadcast %parallel_loop3A_49 : f32 to vector<16xf32>
      %parallel_loop3A_51 = arith.constant 16 : i32
      %parallel_loop3A_52 = arith.muli %parallel_loop3A_24, %parallel_loop3A_51 : i32
      %parallel_loop3A_53 = arith.constant 3 : i32
      %parallel_loop3A_54 = arith.index_cast %parallel_loop3A_53 : i32 to index
      %parallel_loop3A_55 = arith.index_cast %parallel_loop3A_52 : i32 to index
      %parallel_loop3A_56 = tpu.vector_load %arg5[%parallel_loop3A_54, %parallel_loop3A_55] {strides = array<i32>} : memref<8x10240xf32, #tpu.memory_space<vmem>>, vector<16xf32>,
      tpu.vector_store %arg5[%parallel_loop3A_54, %parallel_loop3A_55], %parallel_loop3A_50 {strides = array<i32>} : memref<8x10240xf32, #tpu.memory_space<vmem>>, vector<16xf32>,
      %parallel_loop3A_57 = arith.constant 0.000000e+00 : f32
      %parallel_loop3A_58 = vector.broadcast %parallel_loop3A_57 : f32 to vector<16xf32>
      %parallel_loop3A_59 = arith.constant 16 : i32
      %parallel_loop3A_60 = arith.muli %parallel_loop3A_24, %parallel_loop3A_59 : i32
      %parallel_loop3A_61 = arith.constant 4 : i32
      %parallel_loop3A_62 = arith.index_cast %parallel_loop3A_61 : i32 to index
      %parallel_loop3A_63 = arith.index_cast %parallel_loop3A_60 : i32 to index
      %parallel_loop3A_64 = tpu.vector_load %arg5[%parallel_loop3A_62, %parallel_loop3A_63] {strides = array<i32>} : memref<8x10240xf32, #tpu.memory_space<vmem>>, vector<16xf32>,
      tpu.vector_store %arg5[%parallel_loop3A_62, %parallel_loop3A_63], %parallel_loop3A_58 {strides = array<i32>} : memref<8x10240xf32, #tpu.memory_space<vmem>>, vector<16xf32>,
      %parallel_loop3A_65 = arith.constant 0.000000e+00 : f32
      %parallel_loop3A_66 = vector.broadcast %parallel_loop3A_65 : f32 to vector<16xf32>
      %parallel_loop3A_67 = arith.constant 16 : i32
      %parallel_loop3A_68 = arith.muli %parallel_loop3A_24, %parallel_loop3A_67 : i32
      %parallel_loop3A_69 = arith.constant 5 : i32
      %parallel_loop3A_70 = arith.index_cast %parallel_loop3A_69 : i32 to index
      %parallel_loop3A_71 = arith.index_cast %parallel_loop3A_68 : i32 to index
      %parallel_loop3A_72 = tpu.vector_load %arg5[%parallel_loop3A_70, %parallel_loop3A_71] {strides = array<i32>} : memref<8x10240xf32, #tpu.memory_space<vmem>>, vector<16xf32>,
      tpu.vector_store %arg5[%parallel_loop3A_70, %parallel_loop3A_71], %parallel_loop3A_66 {strides = array<i32>} : memref<8x10240xf32, #tpu.memory_space<vmem>>, vector<16xf32>,
      %parallel_loop3A_73 = arith.constant 0.000000e+00 : f32
      %parallel_loop3A_74 = vector.broadcast %parallel_loop3A_73 : f32 to vector<16xf32>
      %parallel_loop3A_75 = arith.constant 16 : i32
      %parallel_loop3A_76 = arith.muli %parallel_loop3A_24, %parallel_loop3A_75 : i32
      %parallel_loop3A_77 = arith.constant 6 : i32
      %parallel_loop3A_78 = arith.index_cast %parallel_loop3A_77 : i32 to index
      %parallel_loop3A_79 = arith.index_cast %parallel_loop3A_76 : i32 to index
      %parallel_loop3A_80 = tpu.vector_load %arg5[%parallel_loop3A_78, %parallel_loop3A_79] {strides = array<i32>} : memref<8x10240xf32, #tpu.memory_space<vmem>>, vector<16xf32>,
      tpu.vector_store %arg5[%parallel_loop3A_78, %parallel_loop3A_79], %parallel_loop3A_74 {strides = array<i32>} : memref<8x10240xf32, #tpu.memory_space<vmem>>, vector<16xf32>,
      %parallel_loop3A_81 = arith.constant 0.000000e+00 : f32
      %parallel_loop3A_82 = vector.broadcast %parallel_loop3A_81 : f32 to vector<16xf32>
      %parallel_loop3A_83 = arith.constant 16 : i32
      %parallel_loop3A_84 = arith.muli %parallel_loop3A_24, %parallel_loop3A_83 : i32
      %parallel_loop3A_85 = arith.constant 7 : i32
      %parallel_loop3A_86 = arith.index_cast %parallel_loop3A_85 : i32 to index
      %parallel_loop3A_87 = arith.index_cast %parallel_loop3A_84 : i32 to index
      %parallel_loop3A_88 = tpu.vector_load %arg5[%parallel_loop3A_86, %parallel_loop3A_87] {strides = array<i32>} : memref<8x10240xf32, #tpu.memory_space<vmem>>, vector<16xf32>,
      tpu.vector_store %arg5[%parallel_loop3A_86, %parallel_loop3A_87], %parallel_loop3A_82 {strides = array<i32>} : memref<8x10240xf32, #tpu.memory_space<vmem>>, vector<16xf32>,
    } {sc.loop_unroll_factor = 4 : i64, sc.parallel_access}
    %dma_start3A = arith.constant 0 : i32
    %dma_start3A_5 = tpu.memref_slice %arg3[%dma_start3A] : memref<160000xi32, #tpu.memory_space<hbm>> -> memref<640xi32, #tpu.memory_space<hbm>>
    %dma_start3A_6 = arith.constant 0 : i32
    %dma_start3A_7 = tpu.memref_slice %arg3[%dma_start3A_6] : memref<160000xi32, #tpu.memory_space<hbm>> -> memref<640xi32, #tpu.memory_space<hbm>>
    tpu.enqueue_dma source(%dma_start3A_7 : memref<640xi32, #tpu.memory_space<hbm>>) target(%arg6 : memref<640xi32, #tpu.memory_space<vmem>>) target_semaphore(%arg10 : memref<!tpu.dma_semaphore, #tpu.memory_space<semaphore_mem>>)
    %dma_start3A_8 = arith.constant 0 : i32
    %dma_start3A_9 = tpu.memref_slice %arg2[%mul3A_2, %dma_start3A_8] : memref<256x160000xf32, #tpu.memory_space<hbm>> -> memref<8x640xf32, #tpu.memory_space<hbm>>
    %dma_start3A_10 = arith.constant 0 : i32
    %dma_start3A_11 = tpu.memref_slice %arg2[%mul3A_2, %dma_start3A_10] : memref<256x160000xf32, #tpu.memory_space<hbm>> -> memref<8x640xf32, #tpu.memory_space<hbm>>
    tpu.enqueue_dma source(%dma_start3A_11 : memref<8x640xf32, #tpu.memory_space<hbm>>) target(%arg8 : memref<8x640xf32, #tpu.memory_space<vmem>>) target_semaphore(%arg10 : memref<!tpu.dma_semaphore, #tpu.memory_space<semaphore_mem>>)
    %dma_start3A_12 = arith.constant 640 : i32
    %dma_start3A_13 = tpu.memref_slice %arg3[%dma_start3A_12] : memref<160000xi32, #tpu.memory_space<hbm>> -> memref<640xi32, #tpu.memory_space<hbm>>
    %dma_start3A_14 = arith.constant 640 : i32
    %dma_start3A_15 = tpu.memref_slice %arg3[%dma_start3A_14] : memref<160000xi32, #tpu.memory_space<hbm>> -> memref<640xi32, #tpu.memory_space<hbm>>
    tpu.enqueue_dma source(%dma_start3A_15 : memref<640xi32, #tpu.memory_space<hbm>>) target(%arg7 : memref<640xi32, #tpu.memory_space<vmem>>) target_semaphore(%arg11 : memref<!tpu.dma_semaphore, #tpu.memory_space<semaphore_mem>>)
    %dma_start3A_16 = arith.constant 640 : i32
    %dma_start3A_17 = tpu.memref_slice %arg2[%mul3A_2, %dma_start3A_16] : memref<256x160000xf32, #tpu.memory_space<hbm>> -> memref<8x640xf32, #tpu.memory_space<hbm>>
    %dma_start3A_18 = arith.constant 640 : i32
    %dma_start3A_19 = tpu.memref_slice %arg2[%mul3A_2, %dma_start3A_18] : memref<256x160000xf32, #tpu.memory_space<hbm>> -> memref<8x640xf32, #tpu.memory_space<hbm>>
    tpu.enqueue_dma source(%dma_start3A_19 : memref<8x640xf32, #tpu.memory_space<hbm>>) target(%arg9 : memref<8x640xf32, #tpu.memory_space<vmem>>) target_semaphore(%arg11 : memref<!tpu.dma_semaphore, #tpu.memory_space<semaphore_mem>>)
    %scan3A = arith.constant 0 : i32
    %scan3A_20 = arith.constant 125 : i32
    %scan3A_21 = arith.addi %scan3A, %scan3A_20 : i32
    %scan3A_22 = arith.constant 1 : i32
    scf.for %scan3A_24 = %scan3A to %scan3A_21 step %scan3A_22  : i32 {
      %mul3A_25 = arith.constant 1 : i32
      %mul3A_26 = arith.muli %scan3A_24, %mul3A_25 : i32
      %add3A_27 = arith.constant 0 : i32
      %add3A_28 = arith.addi %add3A_27, %mul3A_26 : i32
      %mul3A_29 = arith.constant 2 : i32
      %mul3A_30 = arith.muli %mul3A_29, %add3A_28 : i32
      %dma_wait3A = arith.constant 0 : i32
      %dma_wait3A_31 = tpu.memref_slice %arg3[%dma_wait3A] : memref<160000xi32, #tpu.memory_space<hbm>> -> memref<640xi32, #tpu.memory_space<hbm>>
      %dma_wait3A_32 = arith.constant 0 : i32
      %dma_wait3A_33 = tpu.memref_slice %arg3[%dma_wait3A_32] : memref<160000xi32, #tpu.memory_space<hbm>> -> memref<640xi32, #tpu.memory_space<hbm>>
      tpu.wait_dma2 semaphore(%arg10 : memref<!tpu.dma_semaphore, #tpu.memory_space<semaphore_mem>>) src(%dma_wait3A_33 : memref<640xi32, #tpu.memory_space<hbm>>) dst(%arg6 : memref<640xi32, #tpu.memory_space<vmem>>)
      %dma_wait3A_34 = arith.constant 0 : i32
      %dma_wait3A_35 = arith.constant 0 : i32
      %dma_wait3A_36 = tpu.memref_slice %arg2[%dma_wait3A_34, %dma_wait3A_35] : memref<256x160000xf32, #tpu.memory_space<hbm>> -> memref<8x640xf32, #tpu.memory_space<hbm>>
      %dma_wait3A_37 = arith.constant 0 : i32
      %dma_wait3A_38 = arith.constant 0 : i32
      %dma_wait3A_39 = tpu.memref_slice %arg2[%dma_wait3A_37, %dma_wait3A_38] : memref<256x160000xf32, #tpu.memory_space<hbm>> -> memref<8x640xf32, #tpu.memory_space<hbm>>
      tpu.wait_dma2 semaphore(%arg10 : memref<!tpu.dma_semaphore, #tpu.memory_space<semaphore_mem>>) src(%dma_wait3A_39 : memref<8x640xf32, #tpu.memory_space<hbm>>) dst(%arg8 : memref<8x640xf32, #tpu.memory_space<vmem>>)
      %parallel_loop3A_40 = arith.constant 0 : i32
      %parallel_loop3A_41 = arith.constant 40 : i32
      %parallel_loop3A_42 = arith.constant 1 : i32
      scf.for %parallel_loop3A_71 = %parallel_loop3A_40 to %parallel_loop3A_41 step %parallel_loop3A_42  : i32 {
        %parallel_loop3A_72 = arith.constant 16 : i32
        %parallel_loop3A_73 = arith.muli %parallel_loop3A_71, %parallel_loop3A_72 : i32
        %parallel_loop3A_74 = arith.index_cast %parallel_loop3A_73 : i32 to index
        %parallel_loop3A_75 = tpu.vector_load %arg6[%parallel_loop3A_74] {strides = array<i32>} : memref<640xi32, #tpu.memory_space<vmem>>, vector<16xi32>,
        %parallel_loop3A_76 = arith.constant 16 : i32
        %parallel_loop3A_77 = arith.muli %parallel_loop3A_71, %parallel_loop3A_76 : i32
        %parallel_loop3A_78 = arith.constant 0 : i32
        %parallel_loop3A_79 = arith.index_cast %parallel_loop3A_78 : i32 to index
        %parallel_loop3A_80 = arith.index_cast %parallel_loop3A_77 : i32 to index
        %parallel_loop3A_81 = tpu.vector_load %arg8[%parallel_loop3A_79, %parallel_loop3A_80] {strides = array<i32>} : memref<8x640xf32, #tpu.memory_space<vmem>>, vector<16xf32>,
        %parallel_loop3A_82 = arith.constant 0 : i32
        %parallel_loop3A_83 = vector.broadcast %parallel_loop3A_82 : i32 to vector<16xi32>
        tpu.vector_store_idx %arg5[%parallel_loop3A_83, %parallel_loop3A_75], %parallel_loop3A_81 {add = true} : memref<8x10240xf32, #tpu.memory_space<vmem>>[vector<16xi32>, vector<16xi32>], vector<16xf32>,
        %parallel_loop3A_84 = arith.constant 16 : i32
        %parallel_loop3A_85 = arith.muli %parallel_loop3A_71, %parallel_loop3A_84 : i32
        %parallel_loop3A_86 = arith.constant 1 : i32
        %parallel_loop3A_87 = arith.index_cast %parallel_loop3A_86 : i32 to index
        %parallel_loop3A_88 = arith.index_cast %parallel_loop3A_85 : i32 to index
        %parallel_loop3A_89 = tpu.vector_load %arg8[%parallel_loop3A_87, %parallel_loop3A_88] {strides = array<i32>} : memref<8x640xf32, #tpu.memory_space<vmem>>, vector<16xf32>,
        %parallel_loop3A_90 = arith.constant 1 : i32
        %parallel_loop3A_91 = vector.broadcast %parallel_loop3A_90 : i32 to vector<16xi32>
        tpu.vector_store_idx %arg5[%parallel_loop3A_91, %parallel_loop3A_75], %parallel_loop3A_89 {add = true} : memref<8x10240xf32, #tpu.memory_space<vmem>>[vector<16xi32>, vector<16xi32>], vector<16xf32>,
        %parallel_loop3A_92 = arith.constant 16 : i32
        %parallel_loop3A_93 = arith.muli %parallel_loop3A_71, %parallel_loop3A_92 : i32
        %parallel_loop3A_94 = arith.constant 2 : i32
        %parallel_loop3A_95 = arith.index_cast %parallel_loop3A_94 : i32 to index
        %parallel_loop3A_96 = arith.index_cast %parallel_loop3A_93 : i32 to index
        %parallel_loop3A_97 = tpu.vector_load %arg8[%parallel_loop3A_95, %parallel_loop3A_96] {strides = array<i32>} : memref<8x640xf32, #tpu.memory_space<vmem>>, vector<16xf32>,
        %parallel_loop3A_98 = arith.constant 2 : i32
        %parallel_loop3A_99 = vector.broadcast %parallel_loop3A_98 : i32 to vector<16xi32>
        tpu.vector_store_idx %arg5[%parallel_loop3A_99, %parallel_loop3A_75], %parallel_loop3A_97 {add = true} : memref<8x10240xf32, #tpu.memory_space<vmem>>[vector<16xi32>, vector<16xi32>], vector<16xf32>,
        %parallel_loop3A_100 = arith.constant 16 : i32
        %parallel_loop3A_101 = arith.muli %parallel_loop3A_71, %parallel_loop3A_100 : i32
        %parallel_loop3A_102 = arith.constant 3 : i32
        %parallel_loop3A_103 = arith.index_cast %parallel_loop3A_102 : i32 to index
        %parallel_loop3A_104 = arith.index_cast %parallel_loop3A_101 : i32 to index
        %parallel_loop3A_105 = tpu.vector_load %arg8[%parallel_loop3A_103, %parallel_loop3A_104] {strides = array<i32>} : memref<8x640xf32, #tpu.memory_space<vmem>>, vector<16xf32>,
        %parallel_loop3A_106 = arith.constant 3 : i32
        %parallel_loop3A_107 = vector.broadcast %parallel_loop3A_106 : i32 to vector<16xi32>
        tpu.vector_store_idx %arg5[%parallel_loop3A_107, %parallel_loop3A_75], %parallel_loop3A_105 {add = true} : memref<8x10240xf32, #tpu.memory_space<vmem>>[vector<16xi32>, vector<16xi32>], vector<16xf32>,
        %parallel_loop3A_108 = arith.constant 16 : i32
        %parallel_loop3A_109 = arith.muli %parallel_loop3A_71, %parallel_loop3A_108 : i32
        %parallel_loop3A_110 = arith.constant 4 : i32
        %parallel_loop3A_111 = arith.index_cast %parallel_loop3A_110 : i32 to index
        %parallel_loop3A_112 = arith.index_cast %parallel_loop3A_109 : i32 to index
        %parallel_loop3A_113 = tpu.vector_load %arg8[%parallel_loop3A_111, %parallel_loop3A_112] {strides = array<i32>} : memref<8x640xf32, #tpu.memory_space<vmem>>, vector<16xf32>,
        %parallel_loop3A_114 = arith.constant 4 : i32
        %parallel_loop3A_115 = vector.broadcast %parallel_loop3A_114 : i32 to vector<16xi32>
        tpu.vector_store_idx %arg5[%parallel_loop3A_115, %parallel_loop3A_75], %parallel_loop3A_113 {add = true} : memref<8x10240xf32, #tpu.memory_space<vmem>>[vector<16xi32>, vector<16xi32>], vector<16xf32>,
        %parallel_loop3A_116 = arith.constant 16 : i32
        %parallel_loop3A_117 = arith.muli %parallel_loop3A_71, %parallel_loop3A_116 : i32
        %parallel_loop3A_118 = arith.constant 5 : i32
        %parallel_loop3A_119 = arith.index_cast %parallel_loop3A_118 : i32 to index
        %parallel_loop3A_120 = arith.index_cast %parallel_loop3A_117 : i32 to index
        %parallel_loop3A_121 = tpu.vector_load %arg8[%parallel_loop3A_119, %parallel_loop3A_120] {strides = array<i32>} : memref<8x640xf32, #tpu.memory_space<vmem>>, vector<16xf32>,
        %parallel_loop3A_122 = arith.constant 5 : i32
        %parallel_loop3A_123 = vector.broadcast %parallel_loop3A_122 : i32 to vector<16xi32>
        tpu.vector_store_idx %arg5[%parallel_loop3A_123, %parallel_loop3A_75], %parallel_loop3A_121 {add = true} : memref<8x10240xf32, #tpu.memory_space<vmem>>[vector<16xi32>, vector<16xi32>], vector<16xf32>,
        %parallel_loop3A_124 = arith.constant 16 : i32
        %parallel_loop3A_125 = arith.muli %parallel_loop3A_71, %parallel_loop3A_124 : i32
        %parallel_loop3A_126 = arith.constant 6 : i32
        %parallel_loop3A_127 = arith.index_cast %parallel_loop3A_126 : i32 to index
        %parallel_loop3A_128 = arith.index_cast %parallel_loop3A_125 : i32 to index
        %parallel_loop3A_129 = tpu.vector_load %arg8[%parallel_loop3A_127, %parallel_loop3A_128] {strides = array<i32>} : memref<8x640xf32, #tpu.memory_space<vmem>>, vector<16xf32>,
        %parallel_loop3A_130 = arith.constant 6 : i32
        %parallel_loop3A_131 = vector.broadcast %parallel_loop3A_130 : i32 to vector<16xi32>
        tpu.vector_store_idx %arg5[%parallel_loop3A_131, %parallel_loop3A_75], %parallel_loop3A_129 {add = true} : memref<8x10240xf32, #tpu.memory_space<vmem>>[vector<16xi32>, vector<16xi32>], vector<16xf32>,
        %parallel_loop3A_132 = arith.constant 16 : i32
        %parallel_loop3A_133 = arith.muli %parallel_loop3A_71, %parallel_loop3A_132 : i32
        %parallel_loop3A_134 = arith.constant 7 : i32
        %parallel_loop3A_135 = arith.index_cast %parallel_loop3A_134 : i32 to index
        %parallel_loop3A_136 = arith.index_cast %parallel_loop3A_133 : i32 to index
        %parallel_loop3A_137 = tpu.vector_load %arg8[%parallel_loop3A_135, %parallel_loop3A_136] {strides = array<i32>} : memref<8x640xf32, #tpu.memory_space<vmem>>, vector<16xf32>,
        %parallel_loop3A_138 = arith.constant 7 : i32
        %parallel_loop3A_139 = vector.broadcast %parallel_loop3A_138 : i32 to vector<16xi32>
        tpu.vector_store_idx %arg5[%parallel_loop3A_139, %parallel_loop3A_75], %parallel_loop3A_137 {add = true} : memref<8x10240xf32, #tpu.memory_space<vmem>>[vector<16xi32>, vector<16xi32>], vector<16xf32>,
      } {sc.loop_unroll_factor = 4 : i64, sc.parallel_access}
      %add3A_43 = arith.constant 0 : i32
      %add3A_44 = arith.addi %mul3A_30, %add3A_43 : i32
      %add3A_45 = arith.constant 2 : i32
      %add3A_46 = arith.addi %add3A_44, %add3A_45 : i32
      %lt3A = arith.constant 250 : i32
      %lt3A_47 = arith.cmpi slt, %add3A_46, %lt3A : i32
      %convert_element_type3A = arith.extui %lt3A_47 : i1 to i32
      %cond3A = arith.constant 0 : i32
      %cond3A_48 = arith.cmpi ne, %convert_element_type3A, %cond3A : i32
      scf.if %cond3A_48 {
        %add3A_71 = arith.constant 0 : i32
        %add3A_72 = arith.addi %mul3A_30, %add3A_71 : i32
        %add3A_73 = arith.constant 2 : i32
        %add3A_74 = arith.addi %add3A_72, %add3A_73 : i32
        %mul3A_75 = arith.constant 640 : i32
        %mul3A_76 = arith.muli %add3A_74, %mul3A_75 : i32
        %dma_start3A_77 = tpu.memref_slice %arg3[%mul3A_76] : memref<160000xi32, #tpu.memory_space<hbm>> -> memref<640xi32, #tpu.memory_space<hbm>>
        %dma_start3A_78 = tpu.memref_slice %arg3[%mul3A_76] : memref<160000xi32, #tpu.memory_space<hbm>> -> memref<640xi32, #tpu.memory_space<hbm>>
        tpu.enqueue_dma source(%dma_start3A_78 : memref<640xi32, #tpu.memory_space<hbm>>) target(%arg6 : memref<640xi32, #tpu.memory_space<vmem>>) target_semaphore(%arg10 : memref<!tpu.dma_semaphore, #tpu.memory_space<semaphore_mem>>)
        %dma_start3A_79 = tpu.memref_slice %arg2[%mul3A_2, %mul3A_76] : memref<256x160000xf32, #tpu.memory_space<hbm>> -> memref<8x640xf32, #tpu.memory_space<hbm>>
        %dma_start3A_80 = tpu.memref_slice %arg2[%mul3A_2, %mul3A_76] : memref<256x160000xf32, #tpu.memory_space<hbm>> -> memref<8x640xf32, #tpu.memory_space<hbm>>
        tpu.enqueue_dma source(%dma_start3A_80 : memref<8x640xf32, #tpu.memory_space<hbm>>) target(%arg8 : memref<8x640xf32, #tpu.memory_space<vmem>>) target_semaphore(%arg10 : memref<!tpu.dma_semaphore, #tpu.memory_space<semaphore_mem>>)
      } else {
      }
      %dma_wait3A_49 = arith.constant 0 : i32
      %dma_wait3A_50 = tpu.memref_slice %arg3[%dma_wait3A_49] : memref<160000xi32, #tpu.memory_space<hbm>> -> memref<640xi32, #tpu.memory_space<hbm>>
      %dma_wait3A_51 = arith.constant 0 : i32
      %dma_wait3A_52 = tpu.memref_slice %arg3[%dma_wait3A_51] : memref<160000xi32, #tpu.memory_space<hbm>> -> memref<640xi32, #tpu.memory_space<hbm>>
      tpu.wait_dma2 semaphore(%arg11 : memref<!tpu.dma_semaphore, #tpu.memory_space<semaphore_mem>>) src(%dma_wait3A_52 : memref<640xi32, #tpu.memory_space<hbm>>) dst(%arg7 : memref<640xi32, #tpu.memory_space<vmem>>)
      %dma_wait3A_53 = arith.constant 0 : i32
      %dma_wait3A_54 = arith.constant 0 : i32
      %dma_wait3A_55 = tpu.memref_slice %arg2[%dma_wait3A_53, %dma_wait3A_54] : memref<256x160000xf32, #tpu.memory_space<hbm>> -> memref<8x640xf32, #tpu.memory_space<hbm>>
      %dma_wait3A_56 = arith.constant 0 : i32
      %dma_wait3A_57 = arith.constant 0 : i32
      %dma_wait3A_58 = tpu.memref_slice %arg2[%dma_wait3A_56, %dma_wait3A_57] : memref<256x160000xf32, #tpu.memory_space<hbm>> -> memref<8x640xf32, #tpu.memory_space<hbm>>
      tpu.wait_dma2 semaphore(%arg11 : memref<!tpu.dma_semaphore, #tpu.memory_space<semaphore_mem>>) src(%dma_wait3A_58 : memref<8x640xf32, #tpu.memory_space<hbm>>) dst(%arg9 : memref<8x640xf32, #tpu.memory_space<vmem>>)
      %parallel_loop3A_59 = arith.constant 0 : i32
      %parallel_loop3A_60 = arith.constant 40 : i32
      %parallel_loop3A_61 = arith.constant 1 : i32
      scf.for %parallel_loop3A_71 = %parallel_loop3A_59 to %parallel_loop3A_60 step %parallel_loop3A_61  : i32 {
        %parallel_loop3A_72 = arith.constant 16 : i32
        %parallel_loop3A_73 = arith.muli %parallel_loop3A_71, %parallel_loop3A_72 : i32
        %parallel_loop3A_74 = arith.index_cast %parallel_loop3A_73 : i32 to index
        %parallel_loop3A_75 = tpu.vector_load %arg7[%parallel_loop3A_74] {strides = array<i32>} : memref<640xi32, #tpu.memory_space<vmem>>, vector<16xi32>,
        %parallel_loop3A_76 = arith.constant 16 : i32
        %parallel_loop3A_77 = arith.muli %parallel_loop3A_71, %parallel_loop3A_76 : i32
        %parallel_loop3A_78 = arith.constant 0 : i32
        %parallel_loop3A_79 = arith.index_cast %parallel_loop3A_78 : i32 to index
        %parallel_loop3A_80 = arith.index_cast %parallel_loop3A_77 : i32 to index
        %parallel_loop3A_81 = tpu.vector_load %arg9[%parallel_loop3A_79, %parallel_loop3A_80] {strides = array<i32>} : memref<8x640xf32, #tpu.memory_space<vmem>>, vector<16xf32>,
        %parallel_loop3A_82 = arith.constant 0 : i32
        %parallel_loop3A_83 = vector.broadcast %parallel_loop3A_82 : i32 to vector<16xi32>
        tpu.vector_store_idx %arg5[%parallel_loop3A_83, %parallel_loop3A_75], %parallel_loop3A_81 {add = true} : memref<8x10240xf32, #tpu.memory_space<vmem>>[vector<16xi32>, vector<16xi32>], vector<16xf32>,
        %parallel_loop3A_84 = arith.constant 16 : i32
        %parallel_loop3A_85 = arith.muli %parallel_loop3A_71, %parallel_loop3A_84 : i32
        %parallel_loop3A_86 = arith.constant 1 : i32
        %parallel_loop3A_87 = arith.index_cast %parallel_loop3A_86 : i32 to index
        %parallel_loop3A_88 = arith.index_cast %parallel_loop3A_85 : i32 to index
        %parallel_loop3A_89 = tpu.vector_load %arg9[%parallel_loop3A_87, %parallel_loop3A_88] {strides = array<i32>} : memref<8x640xf32, #tpu.memory_space<vmem>>, vector<16xf32>,
        %parallel_loop3A_90 = arith.constant 1 : i32
        %parallel_loop3A_91 = vector.broadcast %parallel_loop3A_90 : i32 to vector<16xi32>
        tpu.vector_store_idx %arg5[%parallel_loop3A_91, %parallel_loop3A_75], %parallel_loop3A_89 {add = true} : memref<8x10240xf32, #tpu.memory_space<vmem>>[vector<16xi32>, vector<16xi32>], vector<16xf32>,
        %parallel_loop3A_92 = arith.constant 16 : i32
        %parallel_loop3A_93 = arith.muli %parallel_loop3A_71, %parallel_loop3A_92 : i32
        %parallel_loop3A_94 = arith.constant 2 : i32
        %parallel_loop3A_95 = arith.index_cast %parallel_loop3A_94 : i32 to index
        %parallel_loop3A_96 = arith.index_cast %parallel_loop3A_93 : i32 to index
        %parallel_loop3A_97 = tpu.vector_load %arg9[%parallel_loop3A_95, %parallel_loop3A_96] {strides = array<i32>} : memref<8x640xf32, #tpu.memory_space<vmem>>, vector<16xf32>,
        %parallel_loop3A_98 = arith.constant 2 : i32
        %parallel_loop3A_99 = vector.broadcast %parallel_loop3A_98 : i32 to vector<16xi32>
        tpu.vector_store_idx %arg5[%parallel_loop3A_99, %parallel_loop3A_75], %parallel_loop3A_97 {add = true} : memref<8x10240xf32, #tpu.memory_space<vmem>>[vector<16xi32>, vector<16xi32>], vector<16xf32>,
        %parallel_loop3A_100 = arith.constant 16 : i32
        %parallel_loop3A_101 = arith.muli %parallel_loop3A_71, %parallel_loop3A_100 : i32
        %parallel_loop3A_102 = arith.constant 3 : i32
        %parallel_loop3A_103 = arith.index_cast %parallel_loop3A_102 : i32 to index
        %parallel_loop3A_104 = arith.index_cast %parallel_loop3A_101 : i32 to index
        %parallel_loop3A_105 = tpu.vector_load %arg9[%parallel_loop3A_103, %parallel_loop3A_104] {strides = array<i32>} : memref<8x640xf32, #tpu.memory_space<vmem>>, vector<16xf32>,
        %parallel_loop3A_106 = arith.constant 3 : i32
        %parallel_loop3A_107 = vector.broadcast %parallel_loop3A_106 : i32 to vector<16xi32>
        tpu.vector_store_idx %arg5[%parallel_loop3A_107, %parallel_loop3A_75], %parallel_loop3A_105 {add = true} : memref<8x10240xf32, #tpu.memory_space<vmem>>[vector<16xi32>, vector<16xi32>], vector<16xf32>,
        %parallel_loop3A_108 = arith.constant 16 : i32
        %parallel_loop3A_109 = arith.muli %parallel_loop3A_71, %parallel_loop3A_108 : i32
        %parallel_loop3A_110 = arith.constant 4 : i32
        %parallel_loop3A_111 = arith.index_cast %parallel_loop3A_110 : i32 to index
        %parallel_loop3A_112 = arith.index_cast %parallel_loop3A_109 : i32 to index
        %parallel_loop3A_113 = tpu.vector_load %arg9[%parallel_loop3A_111, %parallel_loop3A_112] {strides = array<i32>} : memref<8x640xf32, #tpu.memory_space<vmem>>, vector<16xf32>,
        %parallel_loop3A_114 = arith.constant 4 : i32
        %parallel_loop3A_115 = vector.broadcast %parallel_loop3A_114 : i32 to vector<16xi32>
        tpu.vector_store_idx %arg5[%parallel_loop3A_115, %parallel_loop3A_75], %parallel_loop3A_113 {add = true} : memref<8x10240xf32, #tpu.memory_space<vmem>>[vector<16xi32>, vector<16xi32>], vector<16xf32>,
        %parallel_loop3A_116 = arith.constant 16 : i32
        %parallel_loop3A_117 = arith.muli %parallel_loop3A_71, %parallel_loop3A_116 : i32
        %parallel_loop3A_118 = arith.constant 5 : i32
        %parallel_loop3A_119 = arith.index_cast %parallel_loop3A_118 : i32 to index
        %parallel_loop3A_120 = arith.index_cast %parallel_loop3A_117 : i32 to index
        %parallel_loop3A_121 = tpu.vector_load %arg9[%parallel_loop3A_119, %parallel_loop3A_120] {strides = array<i32>} : memref<8x640xf32, #tpu.memory_space<vmem>>, vector<16xf32>,
        %parallel_loop3A_122 = arith.constant 5 : i32
        %parallel_loop3A_123 = vector.broadcast %parallel_loop3A_122 : i32 to vector<16xi32>
        tpu.vector_store_idx %arg5[%parallel_loop3A_123, %parallel_loop3A_75], %parallel_loop3A_121 {add = true} : memref<8x10240xf32, #tpu.memory_space<vmem>>[vector<16xi32>, vector<16xi32>], vector<16xf32>,
        %parallel_loop3A_124 = arith.constant 16 : i32
        %parallel_loop3A_125 = arith.muli %parallel_loop3A_71, %parallel_loop3A_124 : i32
        %parallel_loop3A_126 = arith.constant 6 : i32
        %parallel_loop3A_127 = arith.index_cast %parallel_loop3A_126 : i32 to index
        %parallel_loop3A_128 = arith.index_cast %parallel_loop3A_125 : i32 to index
        %parallel_loop3A_129 = tpu.vector_load %arg9[%parallel_loop3A_127, %parallel_loop3A_128] {strides = array<i32>} : memref<8x640xf32, #tpu.memory_space<vmem>>, vector<16xf32>,
        %parallel_loop3A_130 = arith.constant 6 : i32
        %parallel_loop3A_131 = vector.broadcast %parallel_loop3A_130 : i32 to vector<16xi32>
        tpu.vector_store_idx %arg5[%parallel_loop3A_131, %parallel_loop3A_75], %parallel_loop3A_129 {add = true} : memref<8x10240xf32, #tpu.memory_space<vmem>>[vector<16xi32>, vector<16xi32>], vector<16xf32>,
        %parallel_loop3A_132 = arith.constant 16 : i32
        %parallel_loop3A_133 = arith.muli %parallel_loop3A_71, %parallel_loop3A_132 : i32
        %parallel_loop3A_134 = arith.constant 7 : i32
        %parallel_loop3A_135 = arith.index_cast %parallel_loop3A_134 : i32 to index
        %parallel_loop3A_136 = arith.index_cast %parallel_loop3A_133 : i32 to index
        %parallel_loop3A_137 = tpu.vector_load %arg9[%parallel_loop3A_135, %parallel_loop3A_136] {strides = array<i32>} : memref<8x640xf32, #tpu.memory_space<vmem>>, vector<16xf32>,
        %parallel_loop3A_138 = arith.constant 7 : i32
        %parallel_loop3A_139 = vector.broadcast %parallel_loop3A_138 : i32 to vector<16xi32>
        tpu.vector_store_idx %arg5[%parallel_loop3A_139, %parallel_loop3A_75], %parallel_loop3A_137 {add = true} : memref<8x10240xf32, #tpu.memory_space<vmem>>[vector<16xi32>, vector<16xi32>], vector<16xf32>,
      } {sc.loop_unroll_factor = 4 : i64, sc.parallel_access}
      %add3A_62 = arith.constant 1 : i32
      %add3A_63 = arith.addi %mul3A_30, %add3A_62 : i32
      %add3A_64 = arith.constant 2 : i32
      %add3A_65 = arith.addi %add3A_63, %add3A_64 : i32
      %lt3A_66 = arith.constant 250 : i32
      %lt3A_67 = arith.cmpi slt, %add3A_65, %lt3A_66 : i32
      %convert_element_type3A_68 = arith.extui %lt3A_67 : i1 to i32
      %cond3A_69 = arith.constant 0 : i32
      %cond3A_70 = arith.cmpi ne, %convert_element_type3A_68, %cond3A_69 : i32
      scf.if %cond3A_70 {
        %add3A_71 = arith.constant 1 : i32
        %add3A_72 = arith.addi %mul3A_30, %add3A_71 : i32
        %add3A_73 = arith.constant 2 : i32
        %add3A_74 = arith.addi %add3A_72, %add3A_73 : i32
        %mul3A_75 = arith.constant 640 : i32
        %mul3A_76 = arith.muli %add3A_74, %mul3A_75 : i32
        %dma_start3A_77 = tpu.memref_slice %arg3[%mul3A_76] : memref<160000xi32, #tpu.memory_space<hbm>> -> memref<640xi32, #tpu.memory_space<hbm>>
        %dma_start3A_78 = tpu.memref_slice %arg3[%mul3A_76] : memref<160000xi32, #tpu.memory_space<hbm>> -> memref<640xi32, #tpu.memory_space<hbm>>
        tpu.enqueue_dma source(%dma_start3A_78 : memref<640xi32, #tpu.memory_space<hbm>>) target(%arg7 : memref<640xi32, #tpu.memory_space<vmem>>) target_semaphore(%arg11 : memref<!tpu.dma_semaphore, #tpu.memory_space<semaphore_mem>>)
        %dma_start3A_79 = tpu.memref_slice %arg2[%mul3A_2, %mul3A_76] : memref<256x160000xf32, #tpu.memory_space<hbm>> -> memref<8x640xf32, #tpu.memory_space<hbm>>
        %dma_start3A_80 = tpu.memref_slice %arg2[%mul3A_2, %mul3A_76] : memref<256x160000xf32, #tpu.memory_space<hbm>> -> memref<8x640xf32, #tpu.memory_space<hbm>>
        tpu.enqueue_dma source(%dma_start3A_80 : memref<8x640xf32, #tpu.memory_space<hbm>>) target(%arg9 : memref<8x640xf32, #tpu.memory_space<vmem>>) target_semaphore(%arg11 : memref<!tpu.dma_semaphore, #tpu.memory_space<semaphore_mem>>)
      } else {
      }
    }
    %scan3A_23 = arith.constant 125 : i32
    "tpu.region"() ({
      %run_scoped3A = tpu.sem_alloc : memref<!tpu.dma_semaphore, #tpu.memory_space<semaphore_mem>>
      %dma_start3A_24 = arith.constant 0 : i32
      %dma_start3A_25 = tpu.memref_slice %arg4[%mul3A_2, %dma_start3A_24] : memref<256x10240xf32, #tpu.memory_space<hbm>> -> memref<8x10240xf32, #tpu.memory_space<hbm>>
      %dma_start3A_26 = arith.constant 0 : i32
      %dma_start3A_27 = tpu.memref_slice %arg4[%mul3A_2, %dma_start3A_26] : memref<256x10240xf32, #tpu.memory_space<hbm>> -> memref<8x10240xf32, #tpu.memory_space<hbm>>
      tpu.enqueue_dma source(%arg5 : memref<8x10240xf32, #tpu.memory_space<vmem>>) target(%dma_start3A_27 : memref<8x10240xf32, #tpu.memory_space<hbm>>) target_semaphore(%run_scoped3A : memref<!tpu.dma_semaphore, #tpu.memory_space<semaphore_mem>>)
      %dma_wait3A = arith.constant 0 : i32
      %dma_wait3A_28 = tpu.memref_slice %arg4[%mul3A_2, %dma_wait3A] : memref<256x10240xf32, #tpu.memory_space<hbm>> -> memref<8x10240xf32, #tpu.memory_space<hbm>>
      %dma_wait3A_29 = arith.constant 0 : i32
      %dma_wait3A_30 = tpu.memref_slice %arg4[%mul3A_2, %dma_wait3A_29] : memref<256x10240xf32, #tpu.memory_space<hbm>> -> memref<8x10240xf32, #tpu.memory_space<hbm>>
      tpu.wait_dma2 semaphore(%run_scoped3A : memref<!tpu.dma_semaphore, #tpu.memory_space<semaphore_mem>>) src(%arg5 : memref<8x10240xf32, #tpu.memory_space<vmem>>) dst(%dma_wait3A_30 : memref<8x10240xf32, #tpu.memory_space<hbm>>)
      tpu.yield
    }) : () -> ()
    return
  }
}

module attributes {stable_mosaic.version = 14 : i64} {
  func.func @body(%arg0: i32, %arg1: memref<1000x512xf32, #tpu.memory_space<vmem>>, %arg2: memref<512x256xf32, #tpu.memory_space<vmem>>, %arg3: memref<1x256xf32, #tpu.memory_space<vmem>>, %arg4: memref<1000x256xf32, #tpu.memory_space<vmem>>) attributes {dimension_semantics = [#tpu.dimension_semantics<arbitrary>], iteration_bounds = array<i64: 10>, scalar_prefetch = 0 : i64, scratch_operands = 0 : i64, tpu.core_type = #tpu.core_type<tc>, window_params = [{transform_indices = @transform_0, window_bounds = array<i64: 1000, 512>}, {pipeline_mode = #tpu.pipeline_mode<synchronous>, transform_indices = @transform_1, window_bounds = array<i64: 512, 256>}, {pipeline_mode = #tpu.pipeline_mode<synchronous>, transform_indices = @transform_2, window_bounds = array<i64: 1, 256>}, {transform_indices = @transform_3, window_bounds = array<i64: 1000, 256>}]} {
    %get3A = arith.constant 0 : index
    %get3A_0 = arith.constant 0 : index
    %get3A_1 = vector.load %arg1[%get3A, %get3A_0] : memref<1000x512xf32, #tpu.memory_space<vmem>>, vector<1000x512xf32>
    %get3A_2 = arith.constant 0 : index
    %get3A_3 = arith.constant 0 : index
    %get3A_4 = vector.load %arg2[%get3A_2, %get3A_3] : memref<512x256xf32, #tpu.memory_space<vmem>>, vector<512x256xf32>
    %dot_general3A = arith.constant dense<0.000000e+00> : vector<1000x256xf32>
    %dot_general3A_5 = tpu.matmul %get3A_1, %get3A_4, %dot_general3A {dimension_numbers = #tpu.dot_dimension_numbers<[1], [0], [0], [1], [0, 0, 1, 1], [], []>, transpose_lhs_hint = false} : vector<1000x512xf32>, vector<512x256xf32>, vector<1000x256xf32> -> vector<1000x256xf32>
    %get3A_6 = arith.constant 0 : index
    %get3A_7 = arith.constant 0 : index
    %get3A_8 = vector.load %arg3[%get3A_6, %get3A_7] : memref<1x256xf32, #tpu.memory_space<vmem>>, vector<1x256xf32>
    %add3A = vector.broadcast %get3A_8 : vector<1x256xf32> to vector<1000x256xf32>
    %add3A_9 = arith.addf %dot_general3A_5, %add3A : vector<1000x256xf32>
    %swap3A = arith.constant 0 : index
    %swap3A_10 = arith.constant 0 : index
    %swap3A_11 = vector.load %arg4[%swap3A, %swap3A_10] : memref<1000x256xf32, #tpu.memory_space<vmem>>, vector<1000x256xf32>
    tpu.vector_store %arg4[%swap3A, %swap3A_10], %add3A_9 {strides = array<i32>} : memref<1000x256xf32, #tpu.memory_space<vmem>>, vector<1000x256xf32>,
    return
  }
  func.func @transform_0(%arg0: i32) -> (i32, i32) {
    %c0_i32 = arith.constant 0 : i32
    %c0_i32_0 = arith.constant 0 : i32
    return %arg0, %c0_i32 : i32, i32
  }
  func.func @transform_1(%arg0: i32) -> (i32, i32) {
    %c0_i32 = arith.constant 0 : i32
    %c0_i32_0 = arith.constant 0 : i32
    %c0_i32_1 = arith.constant 0 : i32
    return %c0_i32, %c0_i32_0 : i32, i32
  }
  func.func @transform_2(%arg0: i32) -> (i32, i32) {
    %c0_i32 = arith.constant 0 : i32
    %c0_i32_0 = arith.constant 0 : i32
    %c0_i32_1 = arith.constant 0 : i32
    return %c0_i32, %c0_i32_0 : i32, i32
  }
  func.func @transform_3(%arg0: i32) -> (i32, i32) {
    %c0_i32 = arith.constant 0 : i32
    %c0_i32_0 = arith.constant 0 : i32
    return %arg0, %c0_i32 : i32, i32
  }
}

module attributes {stable_mosaic.version = 14 : i64} {
  func.func @body(%arg0: i32, %arg1: memref<1280x256xf32, #tpu.memory_space<vmem>>, %arg2: memref<1280x256xf32, #tpu.memory_space<vmem>>, %arg3: memref<256x256xf32, #tpu.memory_space<vmem>>, %arg4: memref<256x256xf32, #tpu.memory_space<vmem>>, %arg5: memref<256x1xf32, #tpu.memory_space<vmem>>, %arg6: memref<1x1280xf32, #tpu.memory_space<vmem>>, %arg7: memref<256x1280xf32, #tpu.memory_space<vmem>>) attributes {dimension_semantics = [#tpu.dimension_semantics<arbitrary>], iteration_bounds = array<i64: 125>, scalar_prefetch = 0 : i64, scratch_operands = 0 : i64, tpu.core_type = #tpu.core_type<tc>, window_params = [{transform_indices = @transform_0, window_bounds = array<i64: 1280, 256>}, {transform_indices = @transform_1, window_bounds = array<i64: 1280, 256>}, {pipeline_mode = #tpu.pipeline_mode<synchronous>, transform_indices = @transform_2, window_bounds = array<i64: 256, 256>}, {pipeline_mode = #tpu.pipeline_mode<synchronous>, transform_indices = @transform_3, window_bounds = array<i64: 256, 256>}, {pipeline_mode = #tpu.pipeline_mode<synchronous>, transform_indices = @transform_4, window_bounds = array<i64: 256, 1>}, {transform_indices = @transform_5, window_bounds = array<i64: 1, 1280>}, {transform_indices = @transform_6, window_bounds = array<i64: 256, 1280>}]} {
    %get3A = arith.constant 0 : index
    %get3A_0 = arith.constant 0 : index
    %get3A_1 = vector.load %arg1[%get3A, %get3A_0] : memref<1280x256xf32, #tpu.memory_space<vmem>>, vector<1280x256xf32>
    %get3A_2 = arith.constant 0 : index
    %get3A_3 = arith.constant 0 : index
    %get3A_4 = vector.load %arg2[%get3A_2, %get3A_3] : memref<1280x256xf32, #tpu.memory_space<vmem>>, vector<1280x256xf32>
    %add3A = arith.addf %get3A_1, %get3A_4 : vector<1280x256xf32>
    %mul3A = arith.constant 5.000000e-01 : f32
    %mul3A_5 = vector.broadcast %mul3A : f32 to vector<1280x256xf32>
    %mul3A_6 = arith.mulf %add3A, %mul3A_5 : vector<1280x256xf32>
    %sub3A = arith.subf %get3A_1, %get3A_4 : vector<1280x256xf32>
    %abs3A = math.absf %sub3A : vector<1280x256xf32>
    %get3A_7 = arith.constant 0 : index
    %get3A_8 = arith.constant 0 : index
    %get3A_9 = vector.load %arg3[%get3A_7, %get3A_8] : memref<256x256xf32, #tpu.memory_space<vmem>>, vector<256x256xf32>
    %dot_general3A = arith.constant dense<0.000000e+00> : vector<256x1280xf32>
    %dot_general3A_10 = tpu.matmul %get3A_9, %mul3A_6, %dot_general3A {dimension_numbers = #tpu.dot_dimension_numbers<[1], [1], [0], [0], [0, 0, 1, 0], [], []>, transpose_lhs_hint = false} : vector<256x256xf32>, vector<1280x256xf32>, vector<256x1280xf32> -> vector<256x1280xf32>
    %get3A_11 = arith.constant 0 : index
    %get3A_12 = arith.constant 0 : index
    %get3A_13 = vector.load %arg4[%get3A_11, %get3A_12] : memref<256x256xf32, #tpu.memory_space<vmem>>, vector<256x256xf32>
    %dot_general3A_14 = arith.constant dense<0.000000e+00> : vector<256x1280xf32>
    %dot_general3A_15 = tpu.matmul %get3A_13, %abs3A, %dot_general3A_14 {dimension_numbers = #tpu.dot_dimension_numbers<[1], [1], [0], [0], [0, 0, 1, 0], [], []>, transpose_lhs_hint = false} : vector<256x256xf32>, vector<1280x256xf32>, vector<256x1280xf32> -> vector<256x1280xf32>
    %add3A_16 = arith.addf %dot_general3A_10, %dot_general3A_15 : vector<256x1280xf32>
    %get3A_17 = arith.constant 0 : index
    %get3A_18 = arith.constant 0 : index
    %get3A_19 = vector.load %arg5[%get3A_17, %get3A_18] : memref<256x1xf32, #tpu.memory_space<vmem>>, vector<256x1xf32>
    %add3A_20 = vector.broadcast %get3A_19 : vector<256x1xf32> to vector<256x1280xf32>
    %add3A_21 = arith.addf %add3A_16, %add3A_20 : vector<256x1280xf32>
    %get3A_22 = arith.constant 0 : index
    %get3A_23 = arith.constant 0 : index
    %get3A_24 = vector.load %arg6[%get3A_22, %get3A_23] : memref<1x1280xf32, #tpu.memory_space<vmem>>, vector<1x1280xf32>
    %mul3A_25 = vector.broadcast %get3A_24 : vector<1x1280xf32> to vector<256x1280xf32>
    %mul3A_26 = arith.mulf %add3A_21, %mul3A_25 : vector<256x1280xf32>
    %swap3A = arith.constant 0 : index
    %swap3A_27 = arith.constant 0 : index
    %swap3A_28 = vector.load %arg7[%swap3A, %swap3A_27] : memref<256x1280xf32, #tpu.memory_space<vmem>>, vector<256x1280xf32>
    tpu.vector_store %arg7[%swap3A, %swap3A_27], %mul3A_26 {strides = array<i32>} : memref<256x1280xf32, #tpu.memory_space<vmem>>, vector<256x1280xf32>,
    return
  }
  func.func @transform_0(%arg0: i32) -> (i32, i32) {
    %c0_i32 = arith.constant 0 : i32
    %c0_i32_0 = arith.constant 0 : i32
    return %arg0, %c0_i32 : i32, i32
  }
  func.func @transform_1(%arg0: i32) -> (i32, i32) {
    %c0_i32 = arith.constant 0 : i32
    %c0_i32_0 = arith.constant 0 : i32
    return %arg0, %c0_i32 : i32, i32
  }
  func.func @transform_2(%arg0: i32) -> (i32, i32) {
    %c0_i32 = arith.constant 0 : i32
    %c0_i32_0 = arith.constant 0 : i32
    %c0_i32_1 = arith.constant 0 : i32
    return %c0_i32, %c0_i32_0 : i32, i32
  }
  func.func @transform_3(%arg0: i32) -> (i32, i32) {
    %c0_i32 = arith.constant 0 : i32
    %c0_i32_0 = arith.constant 0 : i32
    %c0_i32_1 = arith.constant 0 : i32
    return %c0_i32, %c0_i32_0 : i32, i32
  }
  func.func @transform_4(%arg0: i32) -> (i32, i32) {
    %c0_i32 = arith.constant 0 : i32
    %c0_i32_0 = arith.constant 0 : i32
    %c0_i32_1 = arith.constant 0 : i32
    return %c0_i32, %c0_i32_0 : i32, i32
  }
  func.func @transform_5(%arg0: i32) -> (i32, i32) {
    %c0_i32 = arith.constant 0 : i32
    %c0_i32_0 = arith.constant 0 : i32
    return %c0_i32, %arg0 : i32, i32
  }
  func.func @transform_6(%arg0: i32) -> (i32, i32) {
    %c0_i32 = arith.constant 0 : i32
    %c0_i32_0 = arith.constant 0 : i32
    return %c0_i32, %arg0 : i32, i32
  }
}

module attributes {stable_mosaic.version = 14 : i64} {
  func.func @body(%arg0: i32, %arg1: memref<32x10240xf32, #tpu.memory_space<vmem>>, %arg2: memref<1x10240xf32, #tpu.memory_space<vmem>>) attributes {dimension_semantics = [#tpu.dimension_semantics<arbitrary>], iteration_bounds = array<i64: 1>, scalar_prefetch = 0 : i64, scratch_operands = 0 : i64, tpu.core_type = #tpu.core_type<tc>, window_params = [{pipeline_mode = #tpu.pipeline_mode<synchronous>, transform_indices = @transform_0, window_bounds = array<i64: 32, 10240>}, {pipeline_mode = #tpu.pipeline_mode<synchronous>, transform_indices = @transform_1, window_bounds = array<i64: 1, 10240>}]} {
    %broadcast_in_dim3A = arith.constant 1.000000e+00 : f32
    %broadcast_in_dim3A_0 = vector.broadcast %broadcast_in_dim3A : f32 to vector<1x32xf32>
    %get3A = arith.constant 0 : index
    %get3A_1 = arith.constant 0 : index
    %get3A_2 = vector.load %arg1[%get3A, %get3A_1] : memref<32x10240xf32, #tpu.memory_space<vmem>>, vector<32x10240xf32>
    %dot_general3A = arith.constant dense<0.000000e+00> : vector<1x10240xf32>
    %dot_general3A_3 = tpu.matmul %broadcast_in_dim3A_0, %get3A_2, %dot_general3A {dimension_numbers = #tpu.dot_dimension_numbers<[1], [0], [0], [1], [0, 0, 1, 1], [], []>, transpose_lhs_hint = false} : vector<1x32xf32>, vector<32x10240xf32>, vector<1x10240xf32> -> vector<1x10240xf32>
    %add3A = arith.constant 9.99999993E-9 : f32
    %add3A_4 = vector.broadcast %add3A : f32 to vector<1x10240xf32>
    %add3A_5 = arith.addf %dot_general3A_3, %add3A_4 : vector<1x10240xf32>
    %div3A = arith.constant 1.000000e+00 : f32
    %div3A_6 = vector.broadcast %div3A : f32 to vector<1x10240xf32>
    %div3A_7 = arith.divf %div3A_6, %add3A_5 : vector<1x10240xf32>
    %swap3A = arith.constant 0 : index
    %swap3A_8 = arith.constant 0 : index
    %swap3A_9 = vector.load %arg2[%swap3A, %swap3A_8] : memref<1x10240xf32, #tpu.memory_space<vmem>>, vector<1x10240xf32>
    tpu.vector_store %arg2[%swap3A, %swap3A_8], %div3A_7 {strides = array<i32>} : memref<1x10240xf32, #tpu.memory_space<vmem>>, vector<1x10240xf32>,
    return
  }
  func.func @transform_0(%arg0: i32) -> (i32, i32) {
    %c0_i32 = arith.constant 0 : i32
    %c0_i32_0 = arith.constant 0 : i32
    %c0_i32_1 = arith.constant 0 : i32
    return %c0_i32, %c0_i32_0 : i32, i32
  }
  func.func @transform_1(%arg0: i32) -> (i32, i32) {
    %c0_i32 = arith.constant 0 : i32
    %c0_i32_0 = arith.constant 0 : i32
    %c0_i32_1 = arith.constant 0 : i32
    return %c0_i32, %c0_i32_0 : i32, i32
  }
}

module attributes {stable_mosaic.version = 14 : i64} {
  func.func @body(%arg0: i32, %arg1: memref<256x1024xf32, #tpu.memory_space<vmem>>, %arg2: memref<1x1024xf32, #tpu.memory_space<vmem>>, %arg3: memref<256x256xf32, #tpu.memory_space<vmem>>, %arg4: memref<1024x256xf32, #tpu.memory_space<vmem>>) attributes {dimension_semantics = [#tpu.dimension_semantics<arbitrary>], iteration_bounds = array<i64: 10>, scalar_prefetch = 0 : i64, scratch_operands = 0 : i64, tpu.core_type = #tpu.core_type<tc>, window_params = [{transform_indices = @transform_0, window_bounds = array<i64: 256, 1024>}, {transform_indices = @transform_1, window_bounds = array<i64: 1, 1024>}, {pipeline_mode = #tpu.pipeline_mode<synchronous>, transform_indices = @transform_2, window_bounds = array<i64: 256, 256>}, {transform_indices = @transform_3, window_bounds = array<i64: 1024, 256>}]} {
    %get3A = arith.constant 0 : index
    %get3A_0 = arith.constant 0 : index
    %get3A_1 = vector.load %arg1[%get3A, %get3A_0] : memref<256x1024xf32, #tpu.memory_space<vmem>>, vector<256x1024xf32>
    %get3A_2 = arith.constant 0 : index
    %get3A_3 = arith.constant 0 : index
    %get3A_4 = vector.load %arg2[%get3A_2, %get3A_3] : memref<1x1024xf32, #tpu.memory_space<vmem>>, vector<1x1024xf32>
    %mul3A = vector.broadcast %get3A_4 : vector<1x1024xf32> to vector<256x1024xf32>
    %mul3A_5 = arith.mulf %get3A_1, %mul3A : vector<256x1024xf32>
    %get3A_6 = arith.constant 0 : index
    %get3A_7 = arith.constant 0 : index
    %get3A_8 = vector.load %arg3[%get3A_6, %get3A_7] : memref<256x256xf32, #tpu.memory_space<vmem>>, vector<256x256xf32>
    %dot_general3A = arith.constant dense<0.000000e+00> : vector<1024x256xf32>
    %dot_general3A_9 = tpu.matmul %mul3A_5, %get3A_8, %dot_general3A {dimension_numbers = #tpu.dot_dimension_numbers<[0], [0], [1], [1], [0, 1, 1, 1], [], []>, transpose_lhs_hint = false} : vector<256x1024xf32>, vector<256x256xf32>, vector<1024x256xf32> -> vector<1024x256xf32>
    %swap3A = arith.constant 0 : index
    %swap3A_10 = arith.constant 0 : index
    %swap3A_11 = vector.load %arg4[%swap3A, %swap3A_10] : memref<1024x256xf32, #tpu.memory_space<vmem>>, vector<1024x256xf32>
    tpu.vector_store %arg4[%swap3A, %swap3A_10], %dot_general3A_9 {strides = array<i32>} : memref<1024x256xf32, #tpu.memory_space<vmem>>, vector<1024x256xf32>,
    return
  }
  func.func @transform_0(%arg0: i32) -> (i32, i32) {
    %c0_i32 = arith.constant 0 : i32
    %c0_i32_0 = arith.constant 0 : i32
    return %c0_i32, %arg0 : i32, i32
  }
  func.func @transform_1(%arg0: i32) -> (i32, i32) {
    %c0_i32 = arith.constant 0 : i32
    %c0_i32_0 = arith.constant 0 : i32
    return %c0_i32, %arg0 : i32, i32
  }
  func.func @transform_2(%arg0: i32) -> (i32, i32) {
    %c0_i32 = arith.constant 0 : i32
    %c0_i32_0 = arith.constant 0 : i32
    %c0_i32_1 = arith.constant 0 : i32
    return %c0_i32, %c0_i32_0 : i32, i32
  }
  func.func @transform_3(%arg0: i32) -> (i32, i32) {
    %c0_i32 = arith.constant 0 : i32
    %c0_i32_0 = arith.constant 0 : i32
    return %arg0, %c0_i32 : i32, i32
  }
}

module attributes {stable_mosaic.version = 14 : i64} {
  func.func @body(%arg0: i32, %arg1: memref<1280x256xf32, #tpu.memory_space<vmem>>, %arg2: memref<1280x256xf32, #tpu.memory_space<vmem>>, %arg3: memref<256x256xf32, #tpu.memory_space<vmem>>, %arg4: memref<256x256xf32, #tpu.memory_space<vmem>>, %arg5: memref<256x1xf32, #tpu.memory_space<vmem>>, %arg6: memref<1x1280xf32, #tpu.memory_space<vmem>>, %arg7: memref<256x256xf32, #tpu.memory_space<vmem>>, %arg8: memref<1280x256xf32, #tpu.memory_space<vmem>>, %arg9: memref<256x1280xf32, #tpu.memory_space<vmem>>) attributes {dimension_semantics = [#tpu.dimension_semantics<arbitrary>], iteration_bounds = array<i64: 125>, scalar_prefetch = 0 : i64, scratch_operands = 0 : i64, tpu.core_type = #tpu.core_type<tc>, window_params = [{transform_indices = @transform_0, window_bounds = array<i64: 1280, 256>}, {transform_indices = @transform_1, window_bounds = array<i64: 1280, 256>}, {pipeline_mode = #tpu.pipeline_mode<synchronous>, transform_indices = @transform_2, window_bounds = array<i64: 256, 256>}, {pipeline_mode = #tpu.pipeline_mode<synchronous>, transform_indices = @transform_3, window_bounds = array<i64: 256, 256>}, {pipeline_mode = #tpu.pipeline_mode<synchronous>, transform_indices = @transform_4, window_bounds = array<i64: 256, 1>}, {transform_indices = @transform_5, window_bounds = array<i64: 1, 1280>}, {pipeline_mode = #tpu.pipeline_mode<synchronous>, transform_indices = @transform_6, window_bounds = array<i64: 256, 256>}, {transform_indices = @transform_7, window_bounds = array<i64: 1280, 256>}, {transform_indices = @transform_8, window_bounds = array<i64: 256, 1280>}]} {
    %get3A = arith.constant 0 : index
    %get3A_0 = arith.constant 0 : index
    %get3A_1 = vector.load %arg1[%get3A, %get3A_0] : memref<1280x256xf32, #tpu.memory_space<vmem>>, vector<1280x256xf32>
    %get3A_2 = arith.constant 0 : index
    %get3A_3 = arith.constant 0 : index
    %get3A_4 = vector.load %arg2[%get3A_2, %get3A_3] : memref<1280x256xf32, #tpu.memory_space<vmem>>, vector<1280x256xf32>
    %add3A = arith.addf %get3A_1, %get3A_4 : vector<1280x256xf32>
    %mul3A = arith.constant 5.000000e-01 : f32
    %mul3A_5 = vector.broadcast %mul3A : f32 to vector<1280x256xf32>
    %mul3A_6 = arith.mulf %add3A, %mul3A_5 : vector<1280x256xf32>
    %sub3A = arith.subf %get3A_1, %get3A_4 : vector<1280x256xf32>
    %abs3A = math.absf %sub3A : vector<1280x256xf32>
    %get3A_7 = arith.constant 0 : index
    %get3A_8 = arith.constant 0 : index
    %get3A_9 = vector.load %arg3[%get3A_7, %get3A_8] : memref<256x256xf32, #tpu.memory_space<vmem>>, vector<256x256xf32>
    %dot_general3A = arith.constant dense<0.000000e+00> : vector<256x1280xf32>
    %dot_general3A_10 = tpu.matmul %get3A_9, %mul3A_6, %dot_general3A {dimension_numbers = #tpu.dot_dimension_numbers<[1], [1], [0], [0], [0, 0, 1, 0], [], []>, transpose_lhs_hint = false} : vector<256x256xf32>, vector<1280x256xf32>, vector<256x1280xf32> -> vector<256x1280xf32>
    %get3A_11 = arith.constant 0 : index
    %get3A_12 = arith.constant 0 : index
    %get3A_13 = vector.load %arg4[%get3A_11, %get3A_12] : memref<256x256xf32, #tpu.memory_space<vmem>>, vector<256x256xf32>
    %dot_general3A_14 = arith.constant dense<0.000000e+00> : vector<256x1280xf32>
    %dot_general3A_15 = tpu.matmul %get3A_13, %abs3A, %dot_general3A_14 {dimension_numbers = #tpu.dot_dimension_numbers<[1], [1], [0], [0], [0, 0, 1, 0], [], []>, transpose_lhs_hint = false} : vector<256x256xf32>, vector<1280x256xf32>, vector<256x1280xf32> -> vector<256x1280xf32>
    %add3A_16 = arith.addf %dot_general3A_10, %dot_general3A_15 : vector<256x1280xf32>
    %get3A_17 = arith.constant 0 : index
    %get3A_18 = arith.constant 0 : index
    %get3A_19 = vector.load %arg5[%get3A_17, %get3A_18] : memref<256x1xf32, #tpu.memory_space<vmem>>, vector<256x1xf32>
    %add3A_20 = vector.broadcast %get3A_19 : vector<256x1xf32> to vector<256x1280xf32>
    %add3A_21 = arith.addf %add3A_16, %add3A_20 : vector<256x1280xf32>
    %reduce_max3A = arith.constant dense<0xFF800000> : vector<1280xf32>
    %reduce_max3A_22 = vector.multi_reduction <maximumf>, %add3A_21, %reduce_max3A [0] : vector<256x1280xf32> to vector<1280xf32>
    %broadcast_in_dim3A = vector.shape_cast %reduce_max3A_22 : vector<1280xf32> to vector<1x1280xf32>
    %sub3A_23 = vector.broadcast %broadcast_in_dim3A : vector<1x1280xf32> to vector<256x1280xf32>
    %sub3A_24 = arith.subf %add3A_21, %sub3A_23 : vector<256x1280xf32>
    %exp3A = math.exp %sub3A_24 : vector<256x1280xf32>
    %reduce_sum3A = arith.constant dense<0.000000e+00> : vector<1280xf32>
    %reduce_sum3A_25 = vector.multi_reduction <add>, %exp3A, %reduce_sum3A [0] : vector<256x1280xf32> to vector<1280xf32>
    %broadcast_in_dim3A_26 = vector.shape_cast %reduce_sum3A_25 : vector<1280xf32> to vector<1x1280xf32>
    %div3A = vector.broadcast %broadcast_in_dim3A_26 : vector<1x1280xf32> to vector<256x1280xf32>
    %div3A_27 = arith.divf %exp3A, %div3A : vector<256x1280xf32>
    %get3A_28 = arith.constant 0 : index
    %get3A_29 = arith.constant 0 : index
    %get3A_30 = vector.load %arg6[%get3A_28, %get3A_29] : memref<1x1280xf32, #tpu.memory_space<vmem>>, vector<1x1280xf32>
    %mul3A_31 = vector.broadcast %get3A_30 : vector<1x1280xf32> to vector<256x1280xf32>
    %mul3A_32 = arith.mulf %div3A_27, %mul3A_31 : vector<256x1280xf32>
    %swap3A = arith.constant 0 : index
    %swap3A_33 = arith.constant 0 : index
    %swap3A_34 = vector.load %arg9[%swap3A, %swap3A_33] : memref<256x1280xf32, #tpu.memory_space<vmem>>, vector<256x1280xf32>
    tpu.vector_store %arg9[%swap3A, %swap3A_33], %mul3A_32 {strides = array<i32>} : memref<256x1280xf32, #tpu.memory_space<vmem>>, vector<256x1280xf32>,
    %get3A_35 = arith.constant 0 : index
    %get3A_36 = arith.constant 0 : index
    %get3A_37 = vector.load %arg7[%get3A_35, %get3A_36] : memref<256x256xf32, #tpu.memory_space<vmem>>, vector<256x256xf32>
    %dot_general3A_38 = arith.constant dense<0.000000e+00> : vector<1280x256xf32>
    %dot_general3A_39 = tpu.matmul %div3A_27, %get3A_37, %dot_general3A_38 {dimension_numbers = #tpu.dot_dimension_numbers<[0], [0], [1], [1], [0, 1, 1, 1], [], []>, transpose_lhs_hint = false} : vector<256x1280xf32>, vector<256x256xf32>, vector<1280x256xf32> -> vector<1280x256xf32>
    %swap3A_40 = arith.constant 0 : index
    %swap3A_41 = arith.constant 0 : index
    %swap3A_42 = vector.load %arg8[%swap3A_40, %swap3A_41] : memref<1280x256xf32, #tpu.memory_space<vmem>>, vector<1280x256xf32>
    tpu.vector_store %arg8[%swap3A_40, %swap3A_41], %dot_general3A_39 {strides = array<i32>} : memref<1280x256xf32, #tpu.memory_space<vmem>>, vector<1280x256xf32>,
    return
  }
  func.func @transform_0(%arg0: i32) -> (i32, i32) {
    %c0_i32 = arith.constant 0 : i32
    %c0_i32_0 = arith.constant 0 : i32
    return %arg0, %c0_i32 : i32, i32
  }
  func.func @transform_1(%arg0: i32) -> (i32, i32) {
    %c0_i32 = arith.constant 0 : i32
    %c0_i32_0 = arith.constant 0 : i32
    return %arg0, %c0_i32 : i32, i32
  }
  func.func @transform_2(%arg0: i32) -> (i32, i32) {
    %c0_i32 = arith.constant 0 : i32
    %c0_i32_0 = arith.constant 0 : i32
    %c0_i32_1 = arith.constant 0 : i32
    return %c0_i32, %c0_i32_0 : i32, i32
  }
  func.func @transform_3(%arg0: i32) -> (i32, i32) {
    %c0_i32 = arith.constant 0 : i32
    %c0_i32_0 = arith.constant 0 : i32
    %c0_i32_1 = arith.constant 0 : i32
    return %c0_i32, %c0_i32_0 : i32, i32
  }
  func.func @transform_4(%arg0: i32) -> (i32, i32) {
    %c0_i32 = arith.constant 0 : i32
    %c0_i32_0 = arith.constant 0 : i32
    %c0_i32_1 = arith.constant 0 : i32
    return %c0_i32, %c0_i32_0 : i32, i32
  }
  func.func @transform_5(%arg0: i32) -> (i32, i32) {
    %c0_i32 = arith.constant 0 : i32
    %c0_i32_0 = arith.constant 0 : i32
    return %c0_i32, %arg0 : i32, i32
  }
  func.func @transform_6(%arg0: i32) -> (i32, i32) {
    %c0_i32 = arith.constant 0 : i32
    %c0_i32_0 = arith.constant 0 : i32
    %c0_i32_1 = arith.constant 0 : i32
    return %c0_i32, %c0_i32_0 : i32, i32
  }
  func.func @transform_7(%arg0: i32) -> (i32, i32) {
    %c0_i32 = arith.constant 0 : i32
    %c0_i32_0 = arith.constant 0 : i32
    return %arg0, %c0_i32 : i32, i32
  }
  func.func @transform_8(%arg0: i32) -> (i32, i32) {
    %c0_i32 = arith.constant 0 : i32
    %c0_i32_0 = arith.constant 0 : i32
    return %c0_i32, %arg0 : i32, i32
  }
}

module attributes {stable_mosaic.version = 14 : i64} {
  func.func @body(%arg0: i32, %arg1: memref<256x1024xf32, #tpu.memory_space<vmem>>, %arg2: memref<1x1024xf32, #tpu.memory_space<vmem>>, %arg3: memref<256x256xf32, #tpu.memory_space<vmem>>, %arg4: memref<1024x256xf32, #tpu.memory_space<vmem>>, %arg5: memref<1024x256xf32, #tpu.memory_space<vmem>>) attributes {dimension_semantics = [#tpu.dimension_semantics<arbitrary>], iteration_bounds = array<i64: 10>, scalar_prefetch = 0 : i64, scratch_operands = 0 : i64, tpu.core_type = #tpu.core_type<tc>, window_params = [{transform_indices = @transform_0, window_bounds = array<i64: 256, 1024>}, {transform_indices = @transform_1, window_bounds = array<i64: 1, 1024>}, {pipeline_mode = #tpu.pipeline_mode<synchronous>, transform_indices = @transform_2, window_bounds = array<i64: 256, 256>}, {transform_indices = @transform_3, window_bounds = array<i64: 1024, 256>}, {transform_indices = @transform_4, window_bounds = array<i64: 1024, 256>}]} {
    %get3A = arith.constant 0 : index
    %get3A_0 = arith.constant 0 : index
    %get3A_1 = vector.load %arg1[%get3A, %get3A_0] : memref<256x1024xf32, #tpu.memory_space<vmem>>, vector<256x1024xf32>
    %get3A_2 = arith.constant 0 : index
    %get3A_3 = arith.constant 0 : index
    %get3A_4 = vector.load %arg2[%get3A_2, %get3A_3] : memref<1x1024xf32, #tpu.memory_space<vmem>>, vector<1x1024xf32>
    %mul3A = vector.broadcast %get3A_4 : vector<1x1024xf32> to vector<256x1024xf32>
    %mul3A_5 = arith.mulf %get3A_1, %mul3A : vector<256x1024xf32>
    %get3A_6 = arith.constant 0 : index
    %get3A_7 = arith.constant 0 : index
    %get3A_8 = vector.load %arg3[%get3A_6, %get3A_7] : memref<256x256xf32, #tpu.memory_space<vmem>>, vector<256x256xf32>
    %dot_general3A = arith.constant dense<0.000000e+00> : vector<1024x256xf32>
    %dot_general3A_9 = tpu.matmul %mul3A_5, %get3A_8, %dot_general3A {dimension_numbers = #tpu.dot_dimension_numbers<[0], [0], [1], [1], [0, 1, 1, 1], [], []>, transpose_lhs_hint = false} : vector<256x1024xf32>, vector<256x256xf32>, vector<1024x256xf32> -> vector<1024x256xf32>
    %swap3A = arith.constant 0 : index
    %swap3A_10 = arith.constant 0 : index
    %swap3A_11 = vector.load %arg4[%swap3A, %swap3A_10] : memref<1024x256xf32, #tpu.memory_space<vmem>>, vector<1024x256xf32>
    tpu.vector_store %arg4[%swap3A, %swap3A_10], %dot_general3A_9 {strides = array<i32>} : memref<1024x256xf32, #tpu.memory_space<vmem>>, vector<1024x256xf32>,
    %get3A_12 = arith.constant 0 : index
    %get3A_13 = arith.constant 0 : index
    %get3A_14 = vector.load %arg3[%get3A_12, %get3A_13] : memref<256x256xf32, #tpu.memory_space<vmem>>, vector<256x256xf32>
    %dot_general3A_15 = arith.constant dense<0.000000e+00> : vector<1024x256xf32>
    %dot_general3A_16 = tpu.matmul %get3A_1, %get3A_14, %dot_general3A_15 {dimension_numbers = #tpu.dot_dimension_numbers<[0], [0], [1], [1], [0, 1, 1, 1], [], []>, transpose_lhs_hint = false} : vector<256x1024xf32>, vector<256x256xf32>, vector<1024x256xf32> -> vector<1024x256xf32>
    %swap3A_17 = arith.constant 0 : index
    %swap3A_18 = arith.constant 0 : index
    %swap3A_19 = vector.load %arg5[%swap3A_17, %swap3A_18] : memref<1024x256xf32, #tpu.memory_space<vmem>>, vector<1024x256xf32>
    tpu.vector_store %arg5[%swap3A_17, %swap3A_18], %dot_general3A_16 {strides = array<i32>} : memref<1024x256xf32, #tpu.memory_space<vmem>>, vector<1024x256xf32>,
    return
  }
  func.func @transform_0(%arg0: i32) -> (i32, i32) {
    %c0_i32 = arith.constant 0 : i32
    %c0_i32_0 = arith.constant 0 : i32
    return %c0_i32, %arg0 : i32, i32
  }
  func.func @transform_1(%arg0: i32) -> (i32, i32) {
    %c0_i32 = arith.constant 0 : i32
    %c0_i32_0 = arith.constant 0 : i32
    return %c0_i32, %arg0 : i32, i32
  }
  func.func @transform_2(%arg0: i32) -> (i32, i32) {
    %c0_i32 = arith.constant 0 : i32
    %c0_i32_0 = arith.constant 0 : i32
    %c0_i32_1 = arith.constant 0 : i32
    return %c0_i32, %c0_i32_0 : i32, i32
  }
  func.func @transform_3(%arg0: i32) -> (i32, i32) {
    %c0_i32 = arith.constant 0 : i32
    %c0_i32_0 = arith.constant 0 : i32
    return %arg0, %c0_i32 : i32, i32
  }
  func.func @transform_4(%arg0: i32) -> (i32, i32) {
    %c0_i32 = arith.constant 0 : i32
    %c0_i32_0 = arith.constant 0 : i32
    return %arg0, %c0_i32 : i32, i32
  }
}

</mosaic_0001>

<sc_bundles>
// kernel: kernel.13.cloned.1.call-start
scs
__scs_entry_jumppad:
0x0: {  	(pc) =	sbr.rel $0x88, $3  }
0x1: {  	(tag) =	ssettag $0x0;
	lr =	simm.s32 $0x1  }
0x2: {  	[smem:$0x3F9A] =	sst lr;
	_ =	strace $0xD0000000  }
0x3: {  	_ = 	snop  }
0x4: {  	_ = 	snop  }
0x5: {  	_ = 	snop  }
0x6: {  	_ = 	snop  }
0x7: {  	_ = 	snop  }
__scs_overlays_trampoline_lowered:
0x8: {  	[smem:$0x3FA9] =	sst s0  }
0x9: {  	[smem:$0x3FAA] =	sst s1  }
0xa: {  	[smem:$0x3FAB] =	sst s2  }
0xb: {  	[smem:$0x3FAC] =	sst s3  }
0xc: {  	[smem:$0x3FAD] =	sst s4  }
0xd: {  	[smem:$0x3FAE] =	sst s5  }
0xe: {  	[smem:$0x3FAF] =	sst s6  }
0xf: {  	[smem:$0x3FB0] =	sst s7  }
0x10: {  	[smem:$0x3FB1] =	sst s8  }
0x11: {  	[smem:$0x3FB2] =	sst s9;
	s0 =	simm.s32 @!p0 $0x0  }
0x12: {  	s1 =	sld [smem:$0x3F98];
	s0 =	simm.s32 @p0 $0x1  }
0x13: {  	[smem:$0x3FB3] =	sst s0;
	s0 =	simm.s32 @!p1 $0x0  }
0x14: {  	s2 =	sld [smem:$0x3F97];
	s0 =	simm.s32 @p1 $0x1  }
0x15: {  	[smem:$0x3FB4] =	sst s0;
	s0 =	simm.s32 @!p2 $0x0  }
0x16: {  	s3 =	sld [smem:$0x3FDB];
	s0 =	simm.s32 @p2 $0x1  }
0x17: {  	s4 =	simm.s32 $0x1BF5;
	[smem:$0x3FB6] =	sst s0  }
0x18: {  	s0 =	sld [smem:$0x3F99];
	_ =	swait.ge [sflag:s4], $0x0  }
0x19: {  	s7 =	sld [smem:$0x3F9A]  }
0x1a: {  	s8 =	sadd.s32 $0xFFFFE003, lr  }
0x1b: {  	s9 =	sadd.s32 $0xFFFFFEF7, lr;
	s5 =	simm.s32 $0xFFFFFFFF;
	p2 =	slt.u32 s8, $0xFFFFF086  }
0x1c: {  	p1 =	slt.u32 s9, $0xF7A;
	s5 =	simm.s32 @!p2 $0x0  }
0x1d: {  	s5 =	simm.s32 @p1 $0x1;
	p0 =	seq.s32 s7, s2  }
0x1e: {  	s7 =	smul.u32 @!p0 $0xF7A, s2;
	p2 =	seq.s32 @!p0 s5, $0x0  }
0x1f: {  	s9 =	smul.u32 $0xF7A, s1;
	s8 =	simm.s32 @!p0 $0x1BF5;
	p2 =	por !p2, p0  }
0x20: {  	[sflag:s8] =	ssyncset.s32 @!p0 $0xFFFFF086;
	s6 =	sadd.s32 @!p0 s3, s7;
	s7 =	simm.s32 @!p0 $0x108  }
0x21: {  	s3 =	sadd.s32 s3, s9;
	s6 =	sadd.s32 @!p0 $0x88, s6;
	s7 =	simm.s32 @p2 $0x1082  }
0x22: {  	[simem:s7], [sflag:s8] =	dma.local @!p0 [hbm:s6], $0xF7A  }
0x23: {  	s9 =	sor.u32 $0xD0000000, s2;
	s6 =	simm.s32 $0x108;
	_ =	swait.ge @!p0 [sflag:s8], $0x0  }
0x24: {  	s3 =	sadd.s32 $0x88, s3;
	s6 =	simm.s32 @!p1 $0x1082;
	[sflag:s4] =	ssyncset.s32 $0xFFFFF086  }
0x25: {  	[simem:s6], [sflag:s4] =	dma.local [hbm:s3], $0xF7A  }
0x26: {  	[smem:$0x3F9A] =	sst s1;
	(tag) =	ssettag s2;
	_ =	strace s9  }
0x27: {  	s1 =	sld [smem:$0x3FAA]  }
0x28: {  	s2 =	sld [smem:$0x3FAB]  }
0x29: {  	s4 =	sld [smem:$0x3FAD]  }
0x2a: {  	p0 =	seq.s32 s5, $0x0;
	s5 =	sld [smem:$0x3FAE]  }
0x2b: {  	s6 =	sld [smem:$0x3FAF]  }
0x2c: {  	s7 =	sld [smem:$0x3FB0]  }
0x2d: {  	s3 =	simm.s32 $0x108;
	s8 =	sld [smem:$0x3FB1]  }
0x2e: {  	s3 =	simm.s32 @!p0 $0x1082;
	s9 =	sld [smem:$0x3FB2]  }
0x2f: {  	lr =	sadd.s32 s0, s3;
	s0 =	sld [smem:$0x3FA9]  }
0x30: {  	s3 =	sld [smem:$0x3FAC]  }
0x31: {  	[smem:$0x3FB5] =	sst s10  }
0x32: {  	s10 =	sld [smem:$0x3FB3];
	_ =	sdelay $0x3  }
0x33: {  	p0 =	seq.s32 s10, $0x1;
	s10 =	sld [smem:$0x3FB5];
	_ =	sdelay $0x3  }
0x34: {  	[smem:$0x3FB5] =	sst s10  }
0x35: {  	s10 =	sld [smem:$0x3FB4];
	_ =	sdelay $0x3  }
0x36: {  	p1 =	seq.s32 s10, $0x1;
	s10 =	sld [smem:$0x3FB5];
	_ =	sdelay $0x3  }
0x37: {  	[smem:$0x3FB5] =	sst s10  }
0x38: {  	s10 =	sld [smem:$0x3FB6]  }
0x39: {  	_ = 	snop;
	(pc) =	sbr.ind lr, $3  }
0x3a: {  	_ = 	snop  }
0x3b: {  	_ = 	snop  }
0x3c: {  	p2 =	seq.s32 s10, $0x1;
	s10 =	sld [smem:$0x3FB5]  }
0x3d: {  	_ =	shalt  }
0x3e: {  	_ =	shalt  }
0x3f: {  	_ =	shalt  }
0x40: {  	_ =	shalt  }
0x41: {  	_ =	shalt  }
0x42: {  	_ =	shalt  }
0x43: {  	_ =	shalt  }
0x44: {  	_ =	shalt  }
0x45: {  	_ =	shalt  }
0x46: {  	_ =	shalt  }
0x47: {  	_ =	shalt  }
0x48: {  	_ =	shalt  }
0x49: {  	_ =	shalt  }
0x4a: {  	_ =	shalt  }
0x4b: {  	_ =	shalt  }
0x4c: {  	_ =	shalt  }
0x4d: {  	_ =	shalt  }
0x4e: {  	_ =	shalt  }
0x4f: {  	_ =	shalt  }
0x50: {  	_ =	shalt  }
0x51: {  	_ =	shalt  }
0x52: {  	_ =	shalt  }
0x53: {  	_ =	shalt  }
0x54: {  	_ =	shalt  }
0x55: {  	_ =	shalt  }
0x56: {  	_ =	shalt  }
0x57: {  	_ =	shalt  }
0x58: {  	_ =	shalt  }
0x59: {  	_ =	shalt  }
0x5a: {  	_ =	shalt  }
0x5b: {  	_ =	shalt  }
0x5c: {  	_ =	shalt  }
0x5d: {  	_ =	shalt  }
0x5e: {  	_ =	shalt  }
0x5f: {  	_ =	shalt  }
0x60: {  	_ =	shalt  }
0x61: {  	_ =	shalt  }
0x62: {  	_ =	shalt  }
0x63: {  	_ =	shalt  }
0x64: {  	_ =	shalt  }
0x65: {  	_ =	shalt  }
0x66: {  	_ =	shalt  }
0x67: {  	_ =	shalt  }
0x68: {  	_ =	shalt  }
0x69: {  	_ =	shalt  }
0x6a: {  	_ =	shalt  }
0x6b: {  	_ =	shalt  }
0x6c: {  	_ =	shalt  }
0x6d: {  	_ =	shalt  }
0x6e: {  	_ =	shalt  }
0x6f: {  	_ =	shalt  }
0x70: {  	_ =	shalt  }
0x71: {  	_ =	shalt  }
0x72: {  	_ =	shalt  }
0x73: {  	_ =	shalt  }
0x74: {  	_ =	shalt  }
0x75: {  	_ =	shalt  }
0x76: {  	_ =	shalt  }
0x77: {  	_ =	shalt  }
0x78: {  	_ =	shalt  }
0x79: {  	_ =	shalt  }
0x7a: {  	_ =	shalt  }
0x7b: {  	_ =	shalt  }
0x7c: {  	_ =	shalt  }
0x7d: {  	_ =	shalt  }
0x7e: {  	_ =	shalt  }
0x7f: {  	_ =	shalt  }
0x80: {  	_ =	shalt  }
0x81: {  	_ =	shalt  }
0x82: {  	_ =	shalt  }
0x83: {  	_ =	shalt  }
0x84: {  	_ =	shalt  }
0x85: {  	_ =	shalt  }
0x86: {  	_ =	shalt  }
0x87: {  	_ =	shalt  }
.Lfunc_end0:
.L_simem_size_0:
called_computation_lowered:
.L_overlay_start_0:
0x88: {  	s2 =	sld [smem:$0x3FD9]  }
0x89: {  	s3 =	sld [smem:$0x3FFE];
	_ =	sdelay $0x1  }
0x8a: {  	s1 =	srdreg.scid  }
0x8b: {  	s0 =	sand.u32 $0x1, s1  }
0x8c: {  	s15 =	sshll.u32 s0, $0xA;
	s2 =	sadd.s32 s3, s2  }
0x8d: {  	s2 =	sadd.s32 s2, s15  }
0x8e: {  	[smem:$0x3FC1] =	sst s2  }
0x8f: {  	_ = 	snop  }
0x90: {  	s16 =	sld [smem:$0x3FD0];
	_ =	sdelay $0x2  }
0x91: {  	s4 =	simm.s32 $0xB;
	s5 =	simm.s32 $0x10;
	s2 =	sld [smem:$0x3FC7]  }
0x92: {  	[smem:s5], [sflag:s4] =	dma.local [hbm:s16], $0x1  }
0x93: {  	_ =	swait.eq [sflag:s4], $0x1  }
0x94: {  	[sflag:s4] =	ssyncset.done $0x0  }
0x95: {  	[sflag:s4] =	ssyncadd.s32 $0xFFFFFFFF  }
0x96: {  	s17 =	sld [smem:$0x10];
	(tm) =	ssettm $0x1  }
0x97: {  	s18 =	sld [smem:$0x3FFB];
	_ =	sdelay $0x3  }
0x98: {  	_ =	strace s18  }
0x99: {  	s3 =	sld [smem:$0x3FFC];
	_ =	sdelay $0x3  }
0x9a: {  	_ =	strace s3  }
0x9b: {  	s3 =	sld [smem:$0x3FFD];
	_ =	sdelay $0x3  }
0x9c: {  	_ =	strace s3  }
0x9d: {  	_ =	strace $0x8FFFFFFF  }
0x9e: {  	s19 =	sld [smem:$0x3FDB];
	_ =	sdelay $0x1  }
0x9f: {  	s20 =	simm.s32 $_scs_section_size  }
0xa0: {  	s6 =	simm.s32 $_size__tile_overlayer_lowered;
	s7 =	simm.s32 $_tile_overlayer_lowered  }
0xa1: {  	s8 =	simm.s32 $0x1BFF;
	s21 =	sshll.u32 s7, $0x1;
	s5 =	sadd.s32 s20, s19  }
0xa2: {  	s22 =	simm.s32 $0x0;
	s6 =	sshll.u32 s6, $0x1;
	s7 =	sadd.s32 s21, s5  }
0xa3: {  	[timem:s22], [sflag:s8] =	dma.local [hbm:s7], s6  }
0xa4: {  	_ =	swait.ge [sflag:s8], s6  }
0xa5: {  	s6 =	ssub.s32 $0x0, s6;
	[sflag:s8] =	ssyncset.done $0x0  }
0xa6: {  	[sflag:s8] =	ssyncadd.s32 s6;
	_ =	sdelay $0x1  }
0xa7: {  	s23 =	simm.s32 $0x1B8B  }
0xa8: {  	_ =	swait.ge [sflag:s23], $0x1  }
0xa9: {  	[sflag:s23] =	ssyncset.done $0x0  }
0xaa: {  	[sflag:s23] =	ssyncadd.s32 $0xFFFFFFFF  }
0xab: {  	s6 =	sld [smem:$0x0]  }
0xac: {  	s7 =	sand.u32 $0xFFFFFFFE, s1  }
0xad: {  	p0 =	sne.s32 s1, s7  }
0xae: {  	s7 =	sshll.u32 @p0 s7, $0xE  }
0xaf: {  	s7 =	sadd.s32 @p0 $0x11B8D, s7;
	s8 =	sshll.u32 @p0 s6, $0x11  }
0xb0: {  	s7 =	sor.u32 @p0 s8, s7  }
0xb1: {  	[sflag:s7] =	ssyncadd.remote.s32 @p0 $0x1;
	_ =	sdelay $0x1  }
0xb2: {  	s7 =	simm.s32 @p0 $0x1B8D  }
0xb3: {  	_ =	swait.eq @p0 [sflag:s7], $0x1  }
0xb4: {  	[sflag:s7] =	ssyncadd.s32 @p0 $0xFFFFFFFF  }
0xb5: {  	s8 =	sshll.u32 @!p0 s1, $0xE  }
0xb6: {  	s8 =	sor.u32 @!p0 $0x4000, s8;
	s7 =	simm.s32 @!p0 $0x1B8D  }
0xb7: {  	s6 =	sshll.u32 @!p0 s6, $0x11;
	s8 =	sadd.s32 @!p0 $0x11B8D, s8;
	_ =	swait.eq @!p0 [sflag:s7], $0x1  }
0xb8: {  	s6 =	sor.u32 @!p0 s6, s8;
	[sflag:s7] =	ssyncadd.s32 @!p0 $0xFFFFFFFF  }
0xb9: {  	s25 =	simm.s32 $0x1B8E;
	s24 =	sld [smem:$0x3FFE];
	[sflag:s6] =	ssyncadd.remote.s32 @!p0 $0x1  }
0xba: {  	s26 =	simm.s32 $execute0_lowered;
	[smem:$0x3FD2] =	sst s25  }
0xbb: {  	s7 =	sshll.u32 s26, $0x1;
	_ =	strace $0x80000049;
	[dreg:$0x1] =	wrdreg $0xFFFFFFFF  }
0xbc: {  	s28 =	simm.s32 $_size_execute0_lowered;
	s5 =	sadd.s32 s5, s7;
	[dreg:$0x0] =	wrdreg $0x0  }
0xbd: {  	s7 =	sshll.u32 s28, $0x1;
	[dreg:$0x2] =	wrdreg s5  }
0xbe: {  	[dreg:$0x3] =	wrdreg s7  }
0xbf: {  	[dreg:$0x4] =	wrdreg $0xC0  }
0xc0: {  	_ =	task [dreg:s22], $0x5FFFF  }
0xc1: {  	[dreg:$0x1] =	wrdreg $0xFFFFFFFF  }
0xc2: {  	[dreg:$0x0] =	wrdreg $0x60  }
0xc3: {  	[dreg:$0x2] =	wrdreg s24  }
0xc4: {  	[dreg:$0x3] =	wrdreg s2  }
0xc5: {  	[dreg:$0x4] =	wrdreg s17  }
0xc6: {  	[dreg:$0x5] =	wrdreg $0x9  }
0xc7: {  	_ =	task.clear_ibuf [dreg:s22], $0x6FFFF;
	_ =	strace $0x90000049  }
0xc8: {  	s29 =	simm.s32 $0x9;
	_ =	strace $0x8000004B  }
0xc9: {  	_ =	swait.ge [sflag:s29], $0x1  }
0xca: {  	[sflag:s29] =	ssyncadd.s32 $0xFFFFFFFF  }
0xcb: {  	_ =	strace $0x9000004B  }
0xcc: {  	_ =	sfence  }
0xcd: {  	s30 =	sld [smem:$0x0];
	_ =	sdelay $0x2  }
0xce: {  	s31 =	sshll.u32 s1, $0xD;
	s1 =	sshrl.u32 s1, $0x2  }
0xcf: {  	s4 =	sand.u32 $0x4000, s31;
	s1 =	sadd.s32 s1, s30  }
0xd0: {  	s0 =	sor.u32 s4, s0;
	s1 =	sshll.u32 s1, $0x11  }
0xd1: {  	s0 =	sor.u32 s1, s0  }
0xd2: {  	s0 =	sadd.s32 $0x8F2B, s0  }
0xd3: {  	[sflag:s0] =	ssyncadd.remote.s32 $0x1  }
0xd4: {  	_ =	sfence.sel $0xFFFF  }
0xd5: {  	[dreg:$0x0] =	wrdreg $0xFFFFFFFF;
	(pc) =	sbr.abs _section_cstart, $3  }
0xd6: {  	[dreg:$0x1] =	wrdreg $0xFFFFFFFF  }
0xd7: {  	_ =	task.clear_ibuf [dreg:s22], $0x2FFFF;
	_ =	strace $0x9FFFFFFF  }
0xd8: {  	(tm) =	ssettm $0x7FFFFFFF  }
0xd9: {  	_ =	shalt  }
tec
execute0_lowered:
.L_overlay_start_1:
0x0: {  	(tag) =	ssettag $0x1  }
0x1: {  	s5 =	rddreg [dreg:$0x0];
	s1 =	srdreg.scid  }
0x2: {  	s0 =	stileid.u32;
	s2 =	rddreg [dreg:$0x1]  }
0x3: {  	s7 =	rddreg [dreg:$0x2];
	s11 =	simm.s32 $0x80;
	s12 =	simm.s32 $0x400  }
0x4: {  	s13 =	simm.s32 $0x0;
	s6 =	sand.u32 $0x1, s1;
	s29 =	sshll.u32 s0, $0x1  }
0x5: {  	s4 =	sshrl.u32 s0, $0x2;
	s1 =	rddreg [dreg:$0x3];
	s5 =	sadd.s32 $0x9000, s5  }
0x6: {  	s3 =	sor.u32 s6, s29;
	s8 =	smul.u32 $0x14000, s4;
	s4 =	simm.s32 $0x0  }
.Ltmp0:
0x7: {  	s6 =	ssub.s32 $0x2, s6;
	s9 =	sshll.u32 s3, $0x7;
	(pc) =	sbr.rel .LBB2_1-.Ltmp0, $4  }
0x8: {  	[smem:$0x7FF] =	sst s4;
	s10 =	sshrl.u32 s6, $0x1;
	s9 =	sand.u32 $0x380, s9  }
0x9: {  	_ =	strace $0x8000004A;
	s30 =	ssub.s32 s6, s10;
	s8 =	sor.u32 s8, s9  }
0xa: {  	s10 =	simm.s32 $0x2880;
	s9 =	simm.s32 $0x1;
	s31 =	sshrl.u32 s8, $0x3  }
0xb: {  	v0 =	vimm.f32 $0.0e+00;
	s8 =	simm.s32 $0x2800;
	s6 =	sadd.s32 s7, s31;
	s7 =	smax.u32 s30, $0x1  }
.LBB2_8:
0xc: {  	s13 =	sadd.s32 $0x1, s13  }
0xd: {  	p0 =	sne.s32 s13, s7  }
.Ltmp1:
0xe: {  	_ = 	snop;
	(pc) =	sbr.rel @!p0 .LBB2_9-.Ltmp1, $4  }
0xf: {  	[hbm4b:s6+s11] =	stream.strided.scatter [tilespmem:s4], [sflag:$0x1], $0x2800, s12, s11, $0x38;
	[tilespmem:$0x2900] =	vst v63  }
0x10: {  	_ =	swait.ge [sflag:s9], $0x2800  }
0x11: {  	[sflag:s9] =	ssyncset.done $0x0  }
0x12: {  	[sflag:s9] =	ssyncadd.s32 $0xFFFFD800  }
.LBB2_1:
0x13: {  	s14 =	simm.s32 $0x20  }
0x14: {  	[tilespmem:s14+$0xFFFFFFE0] =	vst v0  }
0x15: {  	[tilespmem:s14+$0x10] =	vst v0  }
0x16: {  	s15 =	simm.s32 $0x0;
	[tilespmem:s14+$0x0] =	vst v0  }
.LBB2_2:
0x17: {  	s15 =	sadd.s32 $0x4, s15  }
0x18: {  	[tilespmem:s14+$0xFFFFFFF0] =	vst v0;
	s14 =	sadd.s32 $0x40, s14;
	p0 =	slt.u32 s15, $0x27C  }
.Ltmp2:
0x19: {  	[tilespmem:s14+$0xFFFFFFE0] =	vst v0;
	(pc) =	sbr.rel @p0 .LBB2_2-.Ltmp2, $3  }
0x1a: {  	_ =	sdelay $0x1  }
0x1b: {  	[tilespmem:s14+$0x10] =	vst v0  }
0x1c: {  	[tilespmem:s14+$0x0] =	vst v0  }
.Ltmp3:
0x1d: {  	(pc) =	sbr.rel .LBB2_4-.Ltmp3, $2  }
0x1e: {  	_ =	sdelay $0x2  }
0x1f: {  	[tilespmem:s14+$0xFFFFFFF0] =	vst v0;
	s14 =	simm.s32 $0x0  }
.LBB2_7:
0x20: {  	s14 =	sadd.s32 $0x1, s14  }
0x21: {  	p0 =	sne.s32 s14, $0x28  }
.Ltmp4:
0x22: {  	_ = 	snop;
	(pc) =	sbr.rel @!p0 .LBB2_8-.Ltmp4, $1  }
0x23: {  	_ =	sdelay $0x3  }
.LBB2_4:
0x24: {  	s15 =	sshll.u32 s14, $0x5  }
0x25: {  	s15 =	sor.u32 s3, s15  }
0x26: {  	p0 =	sgt.u32 s15, $0x4E1  }
.Ltmp5:
0x27: {  	_ = 	snop;
	(pc) =	sbr.rel @p0 .LBB2_7-.Ltmp5, $1  }
0x28: {  	_ =	sdelay $0x3  }
0x29: {  	s16 =	sshll.u32 s15, $0x4  }
0x2a: {  	s15 =	simm.s32 $0x0;
	s17 =	sadd.s32 s5, s16  }
0x2b: {  	[tilespmem:s8], [sflag:$0x1] =	stream.linear.gather [hbm4b:s17+s15], $0x80, $0x38;
	[tilespmem:$0x2900] =	vst v63  }
0x2c: {  	_ =	swait.ge [sflag:s9], $0x80  }
0x2d: {  	[sflag:s9] =	ssyncset.done $0x0  }
0x2e: {  	s16 =	sadd.s32 s2, s16;
	[sflag:s9] =	ssyncadd.s32 $0xFFFFFF80  }
0x2f: {  	[tilespmem:s10], [sflag:$0x1] =	stream.linear.gather [hbm4b:s16+s15], $0x80, $0x38;
	[tilespmem:$0x2900] =	vst v63  }
0x30: {  	_ =	swait.ge [sflag:s9], $0x80  }
0x31: {  	[sflag:s9] =	ssyncset.done $0x0  }
0x32: {  	p0 =	por $0x1, $0x1;
	[sflag:s9] =	ssyncadd.s32 $0xFFFFFF80  }
.LBB2_6:
0x33: {  	v1 =	vld [tilespmem:s15+$0x2800]  }
0x34: {  	v2 =	vld [tilespmem:s15+$0x2880]  }
0x35: {  	v3 =	vld [tilespmem:s15+$0x2810]  }
0x36: {  	v4 =	vld [tilespmem:s15+$0x2820]  }
0x37: {  	v5 =	vld [tilespmem:s15+$0x2830]  }
0x38: {  	v6 =	vld [tilespmem:s15+$0x2890]  }
0x39: {  	v7 =	vld [tilespmem:s15+$0x28A0]  }
0x3a: {  	v8 =	vld [tilespmem:s15+$0x28B0];
	p1 =	por p0, p0  }
.Ltmp6:
0x3b: {  	_ = 	snop;
	(pc) =	sbr.rel @p1 .LBB2_6-.Ltmp6, $4  }
0x3c: {  	[tilespmem:v1+s4+$0x0] =	vst.idx.add.f32.msk $0xffff, v2  }
0x3d: {  	[tilespmem:v3+s4+$0x0] =	vst.idx.add.f32.msk $0xffff, v6  }
0x3e: {  	[tilespmem:v4+s4+$0x0] =	vst.idx.add.f32.msk $0xffff, v7  }
0x3f: {  	s15 =	simm.s32 $0x40;
	p0 =	por $0x0, $0x0;
	[tilespmem:v5+s4+$0x0] =	vst.idx.add.f32.msk $0xffff, v8  }
.Ltmp7:
0x40: {  	_ = 	snop;
	(pc) =	sbr.rel .LBB2_7-.Ltmp7, $1  }
0x41: {  	_ =	sdelay $0x3  }
.LBB2_9:
0x42: {  	_ =	sfence.sel $0x180000  }
0x43: {  	[bflag:$0x0] =	sbarrier.arrive $0xFFFF  }
0x44: {  	p0 =	sne.s32 s0, $0x0;
	_ =	strace $0x9000004A  }
0x45: {  	s0 =	sadd.s32 @!p0 $0x100000, s1;
	[bflag:$0x2] =	sbarrier.arrive $0xFFFF  }
0x46: {  	[sflag:s0] =	ssyncadd.tile.s32 @!p0 $0x1;
	_ =	shalt  }
.Lfunc_end2:
_tile_overlayer_lowered:
.L_overlay_start_2:
0x47: {  	(tag) =	ssettag $0x2  }
0x48: {  	s0 =	rddreg [dreg:$0x0];
	s2 =	stileid.u32  }
0x49: {  	s1 =	rddreg [dreg:$0x1];
	p0 =	sne.s32 s2, $0x0  }
0x4a: {  	s3 =	rddreg [dreg:$0x2];
	[bflag:$0x3] =	sbarrier.arrive $0xFFFF;
	s2 =	simm.s32 @!p0 $0x1C01  }
0x4b: {  	[timem:s3], [sflag:s2] =	dma.local @!p0 [hbm:s0], s1  }
0x4c: {  	s0 =	simm.s32 @!p0 $0x1  }
0x4d: {  	_ =	swait.ge @!p0 [sflag:s0], s1  }
0x4e: {  	s1 =	ssub.s32 @!p0 $0x0, s1;
	[sflag:s0] =	ssyncset.done @!p0 $0x0  }
0x4f: {  	[sflag:s0] =	ssyncadd.s32 @!p0 s1  }
0x50: {  	[bflag:$0x3] =	sbarrier.arrive $0xFFFF  }
0x51: {  	_ =	shalt  }

// kernel: kernel.16.cloned.1.call-start
scs
__scs_entry_jumppad:
0x0: {  	(pc) =	sbr.rel $0x88, $3  }
0x1: {  	(tag) =	ssettag $0x0;
	lr =	simm.s32 $0x1  }
0x2: {  	[smem:$0x3F9A] =	sst lr;
	_ =	strace $0xD0000000  }
0x3: {  	_ = 	snop  }
0x4: {  	_ = 	snop  }
0x5: {  	_ = 	snop  }
0x6: {  	_ = 	snop  }
0x7: {  	_ = 	snop  }
__scs_overlays_trampoline_lowered:
0x8: {  	[smem:$0x3FA9] =	sst s0  }
0x9: {  	[smem:$0x3FAA] =	sst s1  }
0xa: {  	[smem:$0x3FAB] =	sst s2  }
0xb: {  	[smem:$0x3FAC] =	sst s3  }
0xc: {  	[smem:$0x3FAD] =	sst s4  }
0xd: {  	[smem:$0x3FAE] =	sst s5  }
0xe: {  	[smem:$0x3FAF] =	sst s6  }
0xf: {  	[smem:$0x3FB0] =	sst s7  }
0x10: {  	[smem:$0x3FB1] =	sst s8  }
0x11: {  	[smem:$0x3FB2] =	sst s9;
	s0 =	simm.s32 @!p0 $0x0  }
0x12: {  	s1 =	sld [smem:$0x3F98];
	s0 =	simm.s32 @p0 $0x1  }
0x13: {  	[smem:$0x3FB3] =	sst s0;
	s0 =	simm.s32 @!p1 $0x0  }
0x14: {  	s2 =	sld [smem:$0x3F97];
	s0 =	simm.s32 @p1 $0x1  }
0x15: {  	[smem:$0x3FB4] =	sst s0;
	s0 =	simm.s32 @!p2 $0x0  }
0x16: {  	s3 =	sld [smem:$0x3FDB];
	s0 =	simm.s32 @p2 $0x1  }
0x17: {  	s4 =	simm.s32 $0x1BF5;
	[smem:$0x3FB6] =	sst s0  }
0x18: {  	s0 =	sld [smem:$0x3F99];
	_ =	swait.ge [sflag:s4], $0x0  }
0x19: {  	s7 =	sld [smem:$0x3F9A]  }
0x1a: {  	s8 =	sadd.s32 $0xFFFFE003, lr  }
0x1b: {  	s9 =	sadd.s32 $0xFFFFFEF7, lr;
	s5 =	simm.s32 $0xFFFFFFFF;
	p2 =	slt.u32 s8, $0xFFFFF086  }
0x1c: {  	p1 =	slt.u32 s9, $0xF7A;
	s5 =	simm.s32 @!p2 $0x0  }
0x1d: {  	s5 =	simm.s32 @p1 $0x1;
	p0 =	seq.s32 s7, s2  }
0x1e: {  	s7 =	smul.u32 @!p0 $0xF7A, s2;
	p2 =	seq.s32 @!p0 s5, $0x0  }
0x1f: {  	s9 =	smul.u32 $0xF7A, s1;
	s8 =	simm.s32 @!p0 $0x1BF5;
	p2 =	por !p2, p0  }
0x20: {  	[sflag:s8] =	ssyncset.s32 @!p0 $0xFFFFF086;
	s6 =	sadd.s32 @!p0 s3, s7;
	s7 =	simm.s32 @!p0 $0x108  }
0x21: {  	s3 =	sadd.s32 s3, s9;
	s6 =	sadd.s32 @!p0 $0x88, s6;
	s7 =	simm.s32 @p2 $0x1082  }
0x22: {  	[simem:s7], [sflag:s8] =	dma.local @!p0 [hbm:s6], $0xF7A  }
0x23: {  	s9 =	sor.u32 $0xD0000000, s2;
	s6 =	simm.s32 $0x108;
	_ =	swait.ge @!p0 [sflag:s8], $0x0  }
0x24: {  	s3 =	sadd.s32 $0x88, s3;
	s6 =	simm.s32 @!p1 $0x1082;
	[sflag:s4] =	ssyncset.s32 $0xFFFFF086  }
0x25: {  	[simem:s6], [sflag:s4] =	dma.local [hbm:s3], $0xF7A  }
0x26: {  	[smem:$0x3F9A] =	sst s1;
	(tag) =	ssettag s2;
	_ =	strace s9  }
0x27: {  	s1 =	sld [smem:$0x3FAA]  }
0x28: {  	s2 =	sld [smem:$0x3FAB]  }
0x29: {  	s4 =	sld [smem:$0x3FAD]  }
0x2a: {  	p0 =	seq.s32 s5, $0x0;
	s5 =	sld [smem:$0x3FAE]  }
0x2b: {  	s6 =	sld [smem:$0x3FAF]  }
0x2c: {  	s7 =	sld [smem:$0x3FB0]  }
0x2d: {  	s3 =	simm.s32 $0x108;
	s8 =	sld [smem:$0x3FB1]  }
0x2e: {  	s3 =	simm.s32 @!p0 $0x1082;
	s9 =	sld [smem:$0x3FB2]  }
0x2f: {  	lr =	sadd.s32 s0, s3;
	s0 =	sld [smem:$0x3FA9]  }
0x30: {  	s3 =	sld [smem:$0x3FAC]  }
0x31: {  	[smem:$0x3FB5] =	sst s10  }
0x32: {  	s10 =	sld [smem:$0x3FB3];
	_ =	sdelay $0x3  }
0x33: {  	p0 =	seq.s32 s10, $0x1;
	s10 =	sld [smem:$0x3FB5];
	_ =	sdelay $0x3  }
0x34: {  	[smem:$0x3FB5] =	sst s10  }
0x35: {  	s10 =	sld [smem:$0x3FB4];
	_ =	sdelay $0x3  }
0x36: {  	p1 =	seq.s32 s10, $0x1;
	s10 =	sld [smem:$0x3FB5];
	_ =	sdelay $0x3  }
0x37: {  	[smem:$0x3FB5] =	sst s10  }
0x38: {  	s10 =	sld [smem:$0x3FB6]  }
0x39: {  	_ = 	snop;
	(pc) =	sbr.ind lr, $3  }
0x3a: {  	_ = 	snop  }
0x3b: {  	_ = 	snop  }
0x3c: {  	p2 =	seq.s32 s10, $0x1;
	s10 =	sld [smem:$0x3FB5]  }
0x3d: {  	_ =	shalt  }
0x3e: {  	_ =	shalt  }
0x3f: {  	_ =	shalt  }
0x40: {  	_ =	shalt  }
0x41: {  	_ =	shalt  }
0x42: {  	_ =	shalt  }
0x43: {  	_ =	shalt  }
0x44: {  	_ =	shalt  }
0x45: {  	_ =	shalt  }
0x46: {  	_ =	shalt  }
0x47: {  	_ =	shalt  }
0x48: {  	_ =	shalt  }
0x49: {  	_ =	shalt  }
0x4a: {  	_ =	shalt  }
0x4b: {  	_ =	shalt  }
0x4c: {  	_ =	shalt  }
0x4d: {  	_ =	shalt  }
0x4e: {  	_ =	shalt  }
0x4f: {  	_ =	shalt  }
0x50: {  	_ =	shalt  }
0x51: {  	_ =	shalt  }
0x52: {  	_ =	shalt  }
0x53: {  	_ =	shalt  }
0x54: {  	_ =	shalt  }
0x55: {  	_ =	shalt  }
0x56: {  	_ =	shalt  }
0x57: {  	_ =	shalt  }
0x58: {  	_ =	shalt  }
0x59: {  	_ =	shalt  }
0x5a: {  	_ =	shalt  }
0x5b: {  	_ =	shalt  }
0x5c: {  	_ =	shalt  }
0x5d: {  	_ =	shalt  }
0x5e: {  	_ =	shalt  }
0x5f: {  	_ =	shalt  }
0x60: {  	_ =	shalt  }
0x61: {  	_ =	shalt  }
0x62: {  	_ =	shalt  }
0x63: {  	_ =	shalt  }
0x64: {  	_ =	shalt  }
0x65: {  	_ =	shalt  }
0x66: {  	_ =	shalt  }
0x67: {  	_ =	shalt  }
0x68: {  	_ =	shalt  }
0x69: {  	_ =	shalt  }
0x6a: {  	_ =	shalt  }
0x6b: {  	_ =	shalt  }
0x6c: {  	_ =	shalt  }
0x6d: {  	_ =	shalt  }
0x6e: {  	_ =	shalt  }
0x6f: {  	_ =	shalt  }
0x70: {  	_ =	shalt  }
0x71: {  	_ =	shalt  }
0x72: {  	_ =	shalt  }
0x73: {  	_ =	shalt  }
0x74: {  	_ =	shalt  }
0x75: {  	_ =	shalt  }
0x76: {  	_ =	shalt  }
0x77: {  	_ =	shalt  }
0x78: {  	_ =	shalt  }
0x79: {  	_ =	shalt  }
0x7a: {  	_ =	shalt  }
0x7b: {  	_ =	shalt  }
0x7c: {  	_ =	shalt  }
0x7d: {  	_ =	shalt  }
0x7e: {  	_ =	shalt  }
0x7f: {  	_ =	shalt  }
0x80: {  	_ =	shalt  }
0x81: {  	_ =	shalt  }
0x82: {  	_ =	shalt  }
0x83: {  	_ =	shalt  }
0x84: {  	_ =	shalt  }
0x85: {  	_ =	shalt  }
0x86: {  	_ =	shalt  }
0x87: {  	_ =	shalt  }
.Lfunc_end0:
.L_simem_size_0:
called_computation.1_lowered:
.L_overlay_start_0:
0x88: {  	s2 =	sld [smem:$0x3FD9]  }
0x89: {  	s3 =	sld [smem:$0x3FFE];
	_ =	sdelay $0x1  }
0x8a: {  	s1 =	srdreg.scid  }
0x8b: {  	s0 =	sand.u32 $0x1, s1  }
0x8c: {  	s14 =	sshll.u32 s0, $0xA;
	s2 =	sadd.s32 s3, s2  }
0x8d: {  	s2 =	sadd.s32 s2, s14  }
0x8e: {  	[smem:$0x3FC1] =	sst s2  }
0x8f: {  	_ = 	snop  }
0x90: {  	s2 =	sld [smem:$0x3FD0];
	_ =	sdelay $0x2  }
0x91: {  	s15 =	simm.s32 $0xB;
	s4 =	simm.s32 $0x10  }
0x92: {  	[smem:s4], [sflag:s15] =	dma.local [hbm:s2], $0x1  }
0x93: {  	_ =	swait.eq [sflag:s15], $0x1  }
0x94: {  	[sflag:s15] =	ssyncset.done $0x0  }
0x95: {  	[sflag:s15] =	ssyncadd.s32 $0xFFFFFFFF  }
0x96: {  	s16 =	sld [smem:$0x12];
	(tm) =	ssettm $0x1  }
0x97: {  	s17 =	sld [smem:$0x3FFB];
	_ =	sdelay $0x3  }
0x98: {  	_ =	strace s17  }
0x99: {  	s3 =	sld [smem:$0x3FFC];
	_ =	sdelay $0x3  }
0x9a: {  	_ =	strace s3  }
0x9b: {  	s3 =	sld [smem:$0x3FFD];
	_ =	sdelay $0x3  }
0x9c: {  	_ =	strace s3  }
0x9d: {  	_ =	strace $0x8FFFFFFF  }
0x9e: {  	s18 =	sld [smem:$0x3FDB];
	_ =	sdelay $0x1  }
0x9f: {  	s19 =	simm.s32 $_scs_section_size  }
0xa0: {  	s5 =	simm.s32 $_size__tile_overlayer_lowered;
	s6 =	simm.s32 $_tile_overlayer_lowered  }
0xa1: {  	s22 =	simm.s32 $0x1BFF;
	s21 =	sshll.u32 s6, $0x1;
	s3 =	sadd.s32 s19, s18  }
0xa2: {  	s7 =	simm.s32 $0x0;
	s20 =	sshll.u32 s5, $0x1;
	s5 =	sadd.s32 s21, s3  }
0xa3: {  	[timem:s7], [sflag:s22] =	dma.local [hbm:s5], s20  }
0xa4: {  	_ =	swait.ge [sflag:s22], s20  }
0xa5: {  	s4 =	ssub.s32 $0x0, s20;
	[sflag:s22] =	ssyncset.done $0x0  }
0xa6: {  	[sflag:s22] =	ssyncadd.s32 s4;
	_ =	sdelay $0x1  }
0xa7: {  	s23 =	simm.s32 $0x1B8B  }
0xa8: {  	_ =	swait.ge [sflag:s23], $0x1  }
0xa9: {  	[sflag:s23] =	ssyncset.done $0x0  }
0xaa: {  	s25 =	simm.s32 $0x1B8E;
	s24 =	sld [smem:$0x3FFE];
	[sflag:s23] =	ssyncadd.s32 $0xFFFFFFFF  }
0xab: {  	s26 =	simm.s32 $execute0_lowered;
	[smem:$0x3FD2] =	sst s25  }
0xac: {  	s5 =	sshll.u32 s26, $0x1;
	_ =	strace $0x80000046;
	[dreg:$0x1] =	wrdreg $0xFFFFFFFF  }
0xad: {  	s28 =	simm.s32 $_size_execute0_lowered;
	s3 =	sadd.s32 s3, s5;
	[dreg:$0x0] =	wrdreg $0x0  }
0xae: {  	s5 =	sshll.u32 s28, $0x1;
	[dreg:$0x2] =	wrdreg s3  }
0xaf: {  	[dreg:$0x3] =	wrdreg s5  }
0xb0: {  	[dreg:$0x4] =	wrdreg $0xC0  }
0xb1: {  	_ =	task [dreg:s7], $0x5FFFF  }
0xb2: {  	[dreg:$0x1] =	wrdreg $0xFFFFFFFF  }
0xb3: {  	[dreg:$0x0] =	wrdreg $0x60  }
0xb4: {  	[dreg:$0x2] =	wrdreg s16  }
0xb5: {  	[dreg:$0x3] =	wrdreg s24  }
0xb6: {  	[dreg:$0x4] =	wrdreg $0xA  }
0xb7: {  	_ =	task.clear_ibuf [dreg:s7], $0x5FFFF;
	_ =	strace $0x90000046  }
0xb8: {  	s29 =	simm.s32 $0xA;
	_ =	strace $0x80000048  }
0xb9: {  	_ =	swait.ge [sflag:s29], $0x1  }
0xba: {  	[sflag:s29] =	ssyncadd.s32 $0xFFFFFFFF  }
0xbb: {  	_ =	strace $0x90000048  }
0xbc: {  	_ =	sfence  }
0xbd: {  	s30 =	sld [smem:$0x0];
	_ =	sdelay $0x2  }
0xbe: {  	s31 =	sshll.u32 s1, $0xD;
	s1 =	sshrl.u32 s1, $0x2  }
0xbf: {  	s3 =	sand.u32 $0x4000, s31;
	s1 =	sadd.s32 s1, s30  }
0xc0: {  	s0 =	sor.u32 s3, s0;
	s1 =	sshll.u32 s1, $0x11  }
0xc1: {  	s0 =	sor.u32 s1, s0  }
0xc2: {  	s0 =	sadd.s32 $0x8F2B, s0  }
0xc3: {  	[sflag:s0] =	ssyncadd.remote.s32 $0x1  }
0xc4: {  	_ =	sfence.sel $0xFFFF  }
0xc5: {  	[dreg:$0x0] =	wrdreg $0xFFFFFFFF;
	(pc) =	sbr.abs _section_cstart, $3  }
0xc6: {  	[dreg:$0x1] =	wrdreg $0xFFFFFFFF  }
0xc7: {  	_ =	task.clear_ibuf [dreg:s7], $0x2FFFF;
	_ =	strace $0x9FFFFFFF  }
0xc8: {  	(tm) =	ssettm $0x7FFFFFFF  }
0xc9: {  	_ =	shalt  }
tec
execute0_lowered:
.L_overlay_start_1:
0x0: {  	(tag) =	ssettag $0x1  }
0x1: {  	s0 =	srdreg.scid;
	s2 =	rddreg [dreg:$0x0]  }
0x2: {  	s9 =	stileid.u32;
	s4 =	rddreg [dreg:$0x1]  }
0x3: {  	s3 =	simm.s32 $0x0;
	s11 =	simm.s32 $0x3;
	s13 =	simm.s32 $0x2800  }
0x4: {  	s14 =	simm.s32 $0xF800;
	s28 =	simm.s32 $0x15800;
	s29 =	simm.s32 $0x16000  }
0x5: {  	s30 =	simm.s32 $0x16800;
	s31 =	simm.s32 $0x17000;
	s12 =	simm.s32 $0x18800  }
0x6: {  	s15 =	simm.s32 $0x1B800;
	s16 =	simm.s32 $0x1C000;
	s17 =	simm.s32 $0x1  }
0x7: {  	s18 =	simm.s32 $0x2;
	s20 =	simm.s32 $0x0;
	s0 =	sand.u32 $0x1, s0  }
0x8: {  	s1 =	sshll.u32 s9, $0x1;
	[smem:$0x7FF] =	sst s3;
	s22 =	smul.u32 $0x4E200, s9  }
0x9: {  	s1 =	sor.u32 s0, s1;
	s6 =	ssub.s32 $0x2, s0;
	s0 =	smul.u32 $0x27100, s0  }
0xa: {  	s8 =	sadd.s32 $0xE000, s4;
	_ =	strace $0x80000047;
	s5 =	smul.u32 $0x1388, s1  }
0xb: {  	s7 =	sshrl.u32 s6, $0x1;
	s1 =	smul.u32 $0x138800, s1;
	s26 =	sadd.s32 s22, s8  }
0xc: {  	s6 =	ssub.s32 s6, s7;
	s10 =	sadd.s32 s0, s26;
	s26 =	simm.s32 $0x9000  }
0xd: {  	s7 =	simm.s32 $0x1A800;
	s5 =	sshrl.u32 s5, $0x3;
	s1 =	sshrl.u32 s1, $0x3  }
0xe: {  	s25 =	smax.u32 s6, $0x1;
	s6 =	simm.s32 $0x1A000;
	s5 =	sadd.s32 s5, s4  }
0xf: {  	s4 =	sadd.s32 $0x4F0000, s4;
	s1 =	sadd.s32 $0x27000, s1;
	[dreg:$0x7] =	wrdreg s25  }
0x10: {  	s25 =	simm.s32 $0x15000;
	s21 =	sadd.s32 $0x9000, s5;
	s5 =	sadd.s32 $0x4000, s5  }
.Ltmp0:
0x11: {  	s23 =	sadd.s32 s8, s1;
	[dreg:$0x3] =	wrdreg s21;
	(pc) =	sbr.rel .LBB2_1-.Ltmp0, $4  }
0x12: {  	s1 =	sadd.s32 s4, s1;
	s24 =	sadd.s32 s22, s4;
	[dreg:$0x4] =	wrdreg s5  }
0x13: {  	v2 =	vlaneseq.u32;
	s4 =	simm.s32 $0x19000;
	s8 =	simm.s32 $0x1B000;
	[dreg:$0x5] =	wrdreg s23  }
0x14: {  	vm0 =	vmmov $0xffff;
	v1 =	vshrl.u32 v2, $0x3;
	[dreg:$0x6] =	wrdreg s1;
	s9 =	sadd.s32 s0, s24;
	s24 =	simm.s32 $0x10000  }
0x15: {  	v0 =	vand.u32 $0x7, v2;
	v2 =	vor.u32 $0x8, v2;
	v1 =	vmul.u32 $0x8, v1;
	s1 =	simm.s32 $0x17800;
	s0 =	simm.s32 $0x18000;
	s5 =	simm.s32 $0x19800  }
.LBB2_5:
0x16: {  	v3 =	vld.msk [tilespmem:$0x1380], $0xff;
	_ =	sdelay $0x4  }
0x17: {  	v4 =	vshll.u32 v3, $0x1  }
0x18: {  	v3 =	vand.u32 $0x7, v3;
	v4 =	vand.u32 $0xFFFFFFF0, v4  }
0x19: {  	v3 =	vor.u32 v3, v4  }
0x1a: {  	v3 =	vperm.xlane v3, v0;
	_ =	sdelay $0x1  }
0x1b: {  	v3 =	vadd.s32 v1, v3;
	_ =	sdelay $0x3  }
0x1c: {  	s20 =	simm.s32 $0x1C800  }
0x1d: {  	[tilespmem:s20], [sflag:$0x1] =	stream.indirect_vreg.gather [hbm4b:s2+s3], $0x80, v3, vm0, $0xb8;
	[tilespmem:$0x1D800] =	vst v63  }
0x1e: {  	v3 =	vld.msk [tilespmem:$0x2780], $0xff;
	_ =	sdelay $0x4  }
0x1f: {  	v63 =	vshll.u32 v3, $0x1  }
0x20: {  	v3 =	vand.u32 $0x7, v3;
	v4 =	vand.u32 $0xFFFFFFF0, v63  }
0x21: {  	v3 =	vor.u32 v3, v4  }
0x22: {  	v3 =	vperm.xlane v3, v0;
	_ =	sdelay $0x1  }
0x23: {  	v3 =	vadd.s32 v1, v3;
	_ =	sdelay $0x3  }
0x24: {  	s21 =	simm.s32 $0x1D000  }
0x25: {  	[tilespmem:s21], [sflag:$0x1] =	stream.indirect_vreg.gather [hbm4b:s2+s3], $0x80, v3, vm0, $0xb8;
	[tilespmem:$0x1D800] =	vst v63  }
0x26: {  	_ =	swait.ge [sflag:s17], $0x800  }
0x27: {  	[sflag:s17] =	ssyncset.done $0x0  }
0x28: {  	[sflag:s17] =	ssyncadd.s32 $0xFFFFF800  }
0x29: {  	_ =	swait.ge [sflag:s17], $0x800  }
0x2a: {  	[sflag:s17] =	ssyncset.done $0x0  }
0x2b: {  	s19 =	rddreg [dreg:$0x5];
	[sflag:s17] =	ssyncadd.s32 $0xFFFFF800  }
0x2c: {  	[hbm4b:s19+s3] =	stream.linear.scatter [tilespmem:s20], [sflag:$0x3], $0x800, $0x38;
	[tilespmem:$0x1D800] =	vst v63  }
0x2d: {  	_ =	swait.ge [sflag:s11], $0x800  }
0x2e: {  	[sflag:s11] =	ssyncset.done $0x0  }
0x2f: {  	s20 =	rddreg [dreg:$0x6];
	[sflag:s11] =	ssyncadd.s32 $0xFFFFF800  }
0x30: {  	[hbm4b:s20+s3] =	stream.linear.scatter [tilespmem:s21], [sflag:$0x3], $0x800, $0x38;
	[tilespmem:$0x1D800] =	vst v63  }
0x31: {  	_ =	swait.ge [sflag:s11], $0x800  }
0x32: {  	s22 =	rddreg [dreg:$0x8]  }
0x33: {  	s23 =	rddreg [dreg:$0x7];
	s20 =	sadd.s32 $0x1, s22  }
0x34: {  	p0 =	sne.s32 s20, s23  }
.Ltmp1:
0x35: {  	_ = 	snop;
	(pc) =	sbr.rel @!p0 .LBB2_6-.Ltmp1, $3  }
0x36: {  	_ =	sdelay $0x1  }
0x37: {  	[sflag:s11] =	ssyncset.done $0x0  }
0x38: {  	[sflag:s11] =	ssyncadd.s32 $0xFFFFF800  }
.LBB2_1:
0x39: {  	[dreg:$0x8] =	wrdreg s20  }
0x3a: {  	s19 =	rddreg [dreg:$0x3]  }
0x3b: {  	[tilespmem:s3], [sflag:$0x3] =	stream.linear.gather [hbm4b:s19+s3], $0x1388, $0x38;
	[tilespmem:$0x1D800] =	vst v63  }
0x3c: {  	_ =	swait.ge [sflag:s11], $0x1388  }
0x3d: {  	[sflag:s11] =	ssyncset.done $0x0  }
0x3e: {  	s23 =	simm.s32 $0x1400;
	s22 =	rddreg [dreg:$0x4];
	[sflag:s11] =	ssyncadd.s32 $0xFFFFEC78  }
0x3f: {  	[tilespmem:s23], [sflag:$0x3] =	stream.linear.gather [hbm4b:s22+s3], $0x1388, $0x38;
	[tilespmem:$0x1D800] =	vst v63  }
0x40: {  	_ =	swait.ge [sflag:s11], $0x1388  }
0x41: {  	[sflag:s11] =	ssyncset.done $0x0  }
0x42: {  	[sflag:s11] =	ssyncadd.s32 $0xFFFFEC78  }
0x43: {  	v3 =	vld [tilespmem:$0x0];
	_ =	sdelay $0x4  }
0x44: {  	v4 =	vshll.u32 v3, $0x1  }
0x45: {  	v3 =	vand.u32 $0x7, v3;
	v4 =	vand.u32 $0xFFFFFFF0, v4  }
0x46: {  	v3 =	vor.u32 v3, v4  }
0x47: {  	v4 =	vperm.xlane v3, v0;
	_ =	sdelay $0x1  }
0x48: {  	v3 =	vperm.xlane v3, v2;
	v4 =	vadd.s32 v1, v4;
	_ =	sdelay $0x1  }
0x49: {  	v3 =	vadd.s32 v1, v3;
	_ =	sdelay $0x2  }
0x4a: {  	[tilespmem:s13], [sflag:$0x1] =	stream.indirect_vreg.gather [hbm4b:s2+s3], $0x80, v4, vm0, $0xb8;
	[tilespmem:$0x1D800] =	vst v63  }
0x4b: {  	s20 =	simm.s32 $0x3000  }
0x4c: {  	[tilespmem:s20], [sflag:$0x1] =	stream.indirect_vreg.gather [hbm4b:s2+s3], $0x80, v3, vm0, $0xb8;
	[tilespmem:$0x1D800] =	vst v63  }
0x4d: {  	v3 =	vld [tilespmem:$0x10];
	_ =	sdelay $0x4  }
0x4e: {  	v51 =	vshll.u32 v3, $0x1  }
0x4f: {  	v3 =	vand.u32 $0x7, v3;
	v4 =	vand.u32 $0xFFFFFFF0, v51  }
0x50: {  	v3 =	vor.u32 v3, v4  }
0x51: {  	v4 =	vperm.xlane v3, v0;
	_ =	sdelay $0x1  }
0x52: {  	v3 =	vperm.xlane v3, v2;
	v4 =	vadd.s32 v1, v4;
	_ =	sdelay $0x1  }
0x53: {  	v3 =	vadd.s32 v1, v3;
	_ =	sdelay $0x1  }
0x54: {  	s21 =	simm.s32 $0x3800  }
0x55: {  	[tilespmem:s21], [sflag:$0x1] =	stream.indirect_vreg.gather [hbm4b:s2+s3], $0x80, v4, vm0, $0xb8;
	[tilespmem:$0x1D800] =	vst v63  }
0x56: {  	s22 =	simm.s32 $0x4000  }
0x57: {  	[tilespmem:s22], [sflag:$0x1] =	stream.indirect_vreg.gather [hbm4b:s2+s3], $0x80, v3, vm0, $0xb8;
	[tilespmem:$0x1D800] =	vst v63  }
0x58: {  	v3 =	vld [tilespmem:$0x20];
	_ =	sdelay $0x4  }
0x59: {  	v52 =	vshll.u32 v3, $0x1  }
0x5a: {  	v3 =	vand.u32 $0x7, v3;
	v4 =	vand.u32 $0xFFFFFFF0, v52  }
0x5b: {  	v3 =	vor.u32 v3, v4  }
0x5c: {  	v4 =	vperm.xlane v3, v0;
	_ =	sdelay $0x1  }
0x5d: {  	v3 =	vperm.xlane v3, v2;
	v4 =	vadd.s32 v1, v4;
	_ =	sdelay $0x1  }
0x5e: {  	v3 =	vadd.s32 v1, v3;
	_ =	sdelay $0x1  }
0x5f: {  	s23 =	simm.s32 $0x4800  }
0x60: {  	[tilespmem:s23], [sflag:$0x1] =	stream.indirect_vreg.gather [hbm4b:s2+s3], $0x80, v4, vm0, $0xb8;
	[tilespmem:$0x1D800] =	vst v63  }
0x61: {  	s20 =	simm.s32 $0x5000  }
0x62: {  	[tilespmem:s20], [sflag:$0x1] =	stream.indirect_vreg.gather [hbm4b:s2+s3], $0x80, v3, vm0, $0xb8;
	[tilespmem:$0x1D800] =	vst v63  }
0x63: {  	v3 =	vld [tilespmem:$0x30];
	_ =	sdelay $0x4  }
0x64: {  	v53 =	vshll.u32 v3, $0x1  }
0x65: {  	v3 =	vand.u32 $0x7, v3;
	v4 =	vand.u32 $0xFFFFFFF0, v53  }
0x66: {  	v3 =	vor.u32 v3, v4  }
0x67: {  	v4 =	vperm.xlane v3, v0;
	_ =	sdelay $0x1  }
0x68: {  	v3 =	vperm.xlane v3, v2;
	v4 =	vadd.s32 v1, v4;
	_ =	sdelay $0x1  }
0x69: {  	v3 =	vadd.s32 v1, v3;
	_ =	sdelay $0x1  }
0x6a: {  	s21 =	simm.s32 $0x5800  }
0x6b: {  	[tilespmem:s21], [sflag:$0x1] =	stream.indirect_vreg.gather [hbm4b:s2+s3], $0x80, v4, vm0, $0xb8;
	[tilespmem:$0x1D800] =	vst v63  }
0x6c: {  	s22 =	simm.s32 $0x6000  }
0x6d: {  	[tilespmem:s22], [sflag:$0x1] =	stream.indirect_vreg.gather [hbm4b:s2+s3], $0x80, v3, vm0, $0xb8;
	[tilespmem:$0x1D800] =	vst v63  }
0x6e: {  	v3 =	vld [tilespmem:$0x40];
	_ =	sdelay $0x4  }
0x6f: {  	v54 =	vshll.u32 v3, $0x1  }
0x70: {  	v3 =	vand.u32 $0x7, v3;
	v4 =	vand.u32 $0xFFFFFFF0, v54  }
0x71: {  	v3 =	vor.u32 v3, v4  }
0x72: {  	v4 =	vperm.xlane v3, v0;
	_ =	sdelay $0x1  }
0x73: {  	v3 =	vperm.xlane v3, v2;
	v4 =	vadd.s32 v1, v4;
	_ =	sdelay $0x1  }
0x74: {  	v3 =	vadd.s32 v1, v3;
	_ =	sdelay $0x1  }
0x75: {  	s23 =	simm.s32 $0x6800  }
0x76: {  	[tilespmem:s23], [sflag:$0x1] =	stream.indirect_vreg.gather [hbm4b:s2+s3], $0x80, v4, vm0, $0xb8;
	[tilespmem:$0x1D800] =	vst v63  }
0x77: {  	s20 =	simm.s32 $0x7000  }
0x78: {  	[tilespmem:s20], [sflag:$0x1] =	stream.indirect_vreg.gather [hbm4b:s2+s3], $0x80, v3, vm0, $0xb8;
	[tilespmem:$0x1D800] =	vst v63  }
0x79: {  	v3 =	vld [tilespmem:$0x50];
	_ =	sdelay $0x4  }
0x7a: {  	v55 =	vshll.u32 v3, $0x1  }
0x7b: {  	v3 =	vand.u32 $0x7, v3;
	v4 =	vand.u32 $0xFFFFFFF0, v55  }
0x7c: {  	v3 =	vor.u32 v3, v4  }
0x7d: {  	v4 =	vperm.xlane v3, v0;
	_ =	sdelay $0x1  }
0x7e: {  	v3 =	vperm.xlane v3, v2;
	v4 =	vadd.s32 v1, v4;
	_ =	sdelay $0x1  }
0x7f: {  	v3 =	vadd.s32 v1, v3;
	_ =	sdelay $0x1  }
0x80: {  	s21 =	simm.s32 $0x7800  }
0x81: {  	[tilespmem:s21], [sflag:$0x1] =	stream.indirect_vreg.gather [hbm4b:s2+s3], $0x80, v4, vm0, $0xb8;
	[tilespmem:$0x1D800] =	vst v63  }
0x82: {  	s22 =	simm.s32 $0x8000  }
0x83: {  	[tilespmem:s22], [sflag:$0x1] =	stream.indirect_vreg.gather [hbm4b:s2+s3], $0x80, v3, vm0, $0xb8;
	[tilespmem:$0x1D800] =	vst v63  }
0x84: {  	v3 =	vld.msk [tilespmem:$0x60], $0xff;
	_ =	sdelay $0x4  }
0x85: {  	v56 =	vshll.u32 v3, $0x1  }
0x86: {  	v3 =	vand.u32 $0x7, v3;
	v4 =	vand.u32 $0xFFFFFFF0, v56  }
0x87: {  	v3 =	vor.u32 v3, v4  }
0x88: {  	v3 =	vperm.xlane v3, v0;
	_ =	sdelay $0x1  }
0x89: {  	v3 =	vadd.s32 v1, v3;
	_ =	sdelay $0x3  }
0x8a: {  	s23 =	simm.s32 $0x8800  }
0x8b: {  	[tilespmem:s23], [sflag:$0x1] =	stream.indirect_vreg.gather [hbm4b:s2+s3], $0x80, v3, vm0, $0xb8;
	[tilespmem:$0x1D800] =	vst v63  }
0x8c: {  	v3 =	vld [tilespmem:$0x1400];
	_ =	sdelay $0x4  }
0x8d: {  	v57 =	vshll.u32 v3, $0x1  }
0x8e: {  	v3 =	vand.u32 $0x7, v3;
	v4 =	vand.u32 $0xFFFFFFF0, v57  }
0x8f: {  	v3 =	vor.u32 v3, v4  }
0x90: {  	v4 =	vperm.xlane v3, v0;
	_ =	sdelay $0x1  }
0x91: {  	v3 =	vperm.xlane v3, v2;
	v4 =	vadd.s32 v1, v4;
	_ =	sdelay $0x1  }
0x92: {  	v3 =	vadd.s32 v1, v3;
	_ =	sdelay $0x2  }
0x93: {  	[tilespmem:s26], [sflag:$0x1] =	stream.indirect_vreg.gather [hbm4b:s2+s3], $0x80, v4, vm0, $0xb8;
	[tilespmem:$0x1D800] =	vst v63  }
0x94: {  	s20 =	simm.s32 $0x9800  }
0x95: {  	[tilespmem:s20], [sflag:$0x1] =	stream.indirect_vreg.gather [hbm4b:s2+s3], $0x80, v3, vm0, $0xb8;
	[tilespmem:$0x1D800] =	vst v63  }
0x96: {  	v3 =	vld [tilespmem:$0x1410];
	_ =	sdelay $0x4  }
0x97: {  	v58 =	vshll.u32 v3, $0x1  }
0x98: {  	v3 =	vand.u32 $0x7, v3;
	v4 =	vand.u32 $0xFFFFFFF0, v58  }
0x99: {  	v3 =	vor.u32 v3, v4  }
0x9a: {  	v4 =	vperm.xlane v3, v0;
	_ =	sdelay $0x1  }
0x9b: {  	v3 =	vperm.xlane v3, v2;
	v4 =	vadd.s32 v1, v4;
	_ =	sdelay $0x1  }
0x9c: {  	v3 =	vadd.s32 v1, v3;
	_ =	sdelay $0x1  }
0x9d: {  	s21 =	simm.s32 $0xA000  }
0x9e: {  	[tilespmem:s21], [sflag:$0x1] =	stream.indirect_vreg.gather [hbm4b:s2+s3], $0x80, v4, vm0, $0xb8;
	[tilespmem:$0x1D800] =	vst v63  }
0x9f: {  	s22 =	simm.s32 $0xA800  }
0xa0: {  	[tilespmem:s22], [sflag:$0x1] =	stream.indirect_vreg.gather [hbm4b:s2+s3], $0x80, v3, vm0, $0xb8;
	[tilespmem:$0x1D800] =	vst v63  }
0xa1: {  	v3 =	vld [tilespmem:$0x1420];
	_ =	sdelay $0x4  }
0xa2: {  	v59 =	vshll.u32 v3, $0x1  }
0xa3: {  	v3 =	vand.u32 $0x7, v3;
	v4 =	vand.u32 $0xFFFFFFF0, v59  }
0xa4: {  	v3 =	vor.u32 v3, v4  }
0xa5: {  	v4 =	vperm.xlane v3, v0;
	_ =	sdelay $0x1  }
0xa6: {  	v3 =	vperm.xlane v3, v2;
	v4 =	vadd.s32 v1, v4;
	_ =	sdelay $0x1  }
0xa7: {  	v3 =	vadd.s32 v1, v3;
	_ =	sdelay $0x1  }
0xa8: {  	s23 =	simm.s32 $0xB000  }
0xa9: {  	[tilespmem:s23], [sflag:$0x1] =	stream.indirect_vreg.gather [hbm4b:s2+s3], $0x80, v4, vm0, $0xb8;
	[tilespmem:$0x1D800] =	vst v63  }
0xaa: {  	s20 =	simm.s32 $0xB800  }
0xab: {  	[tilespmem:s20], [sflag:$0x1] =	stream.indirect_vreg.gather [hbm4b:s2+s3], $0x80, v3, vm0, $0xb8;
	[tilespmem:$0x1D800] =	vst v63  }
0xac: {  	v3 =	vld [tilespmem:$0x1430];
	_ =	sdelay $0x4  }
0xad: {  	v60 =	vshll.u32 v3, $0x1  }
0xae: {  	v3 =	vand.u32 $0x7, v3;
	v4 =	vand.u32 $0xFFFFFFF0, v60  }
0xaf: {  	v3 =	vor.u32 v3, v4  }
0xb0: {  	v4 =	vperm.xlane v3, v0;
	_ =	sdelay $0x1  }
0xb1: {  	v3 =	vperm.xlane v3, v2;
	v4 =	vadd.s32 v1, v4;
	_ =	sdelay $0x1  }
0xb2: {  	v3 =	vadd.s32 v1, v3;
	_ =	sdelay $0x1  }
0xb3: {  	s21 =	simm.s32 $0xC000  }
0xb4: {  	[tilespmem:s21], [sflag:$0x1] =	stream.indirect_vreg.gather [hbm4b:s2+s3], $0x80, v4, vm0, $0xb8;
	[tilespmem:$0x1D800] =	vst v63  }
0xb5: {  	s22 =	simm.s32 $0xC800  }
0xb6: {  	[tilespmem:s22], [sflag:$0x1] =	stream.indirect_vreg.gather [hbm4b:s2+s3], $0x80, v3, vm0, $0xb8;
	[tilespmem:$0x1D800] =	vst v63  }
0xb7: {  	v3 =	vld [tilespmem:$0x1440];
	_ =	sdelay $0x4  }
0xb8: {  	v61 =	vshll.u32 v3, $0x1  }
0xb9: {  	v3 =	vand.u32 $0x7, v3;
	v4 =	vand.u32 $0xFFFFFFF0, v61  }
0xba: {  	v3 =	vor.u32 v3, v4  }
0xbb: {  	v4 =	vperm.xlane v3, v0;
	_ =	sdelay $0x1  }
0xbc: {  	v3 =	vperm.xlane v3, v2;
	v4 =	vadd.s32 v1, v4;
	_ =	sdelay $0x1  }
0xbd: {  	v3 =	vadd.s32 v1, v3;
	_ =	sdelay $0x1  }
0xbe: {  	s23 =	simm.s32 $0xD000  }
0xbf: {  	[tilespmem:s23], [sflag:$0x1] =	stream.indirect_vreg.gather [hbm4b:s2+s3], $0x80, v4, vm0, $0xb8;
	[tilespmem:$0x1D800] =	vst v63  }
0xc0: {  	s20 =	simm.s32 $0xD800  }
0xc1: {  	[tilespmem:s20], [sflag:$0x1] =	stream.indirect_vreg.gather [hbm4b:s2+s3], $0x80, v3, vm0, $0xb8;
	[tilespmem:$0x1D800] =	vst v63  }
0xc2: {  	v3 =	vld [tilespmem:$0x1450];
	_ =	sdelay $0x4  }
0xc3: {  	v62 =	vshll.u32 v3, $0x1  }
0xc4: {  	v3 =	vand.u32 $0x7, v3;
	v4 =	vand.u32 $0xFFFFFFF0, v62  }
0xc5: {  	v3 =	vor.u32 v3, v4  }
0xc6: {  	v4 =	vperm.xlane v3, v0;
	_ =	sdelay $0x1  }
0xc7: {  	v3 =	vperm.xlane v3, v2;
	v4 =	vadd.s32 v1, v4;
	_ =	sdelay $0x1  }
0xc8: {  	v3 =	vadd.s32 v1, v3;
	_ =	sdelay $0x1  }
0xc9: {  	s21 =	simm.s32 $0xE000  }
0xca: {  	[tilespmem:s21], [sflag:$0x1] =	stream.indirect_vreg.gather [hbm4b:s2+s3], $0x80, v4, vm0, $0xb8;
	[tilespmem:$0x1D800] =	vst v63  }
0xcb: {  	s22 =	simm.s32 $0xE800  }
0xcc: {  	[tilespmem:s22], [sflag:$0x1] =	stream.indirect_vreg.gather [hbm4b:s2+s3], $0x80, v3, vm0, $0xb8;
	[tilespmem:$0x1D800] =	vst v63  }
0xcd: {  	v3 =	vld.msk [tilespmem:$0x1460], $0xff;
	_ =	sdelay $0x4  }
0xce: {  	v63 =	vshll.u32 v3, $0x1  }
0xcf: {  	v3 =	vand.u32 $0x7, v3;
	v4 =	vand.u32 $0xFFFFFFF0, v63  }
0xd0: {  	v3 =	vor.u32 v3, v4  }
0xd1: {  	v3 =	vperm.xlane v3, v0;
	_ =	sdelay $0x1  }
0xd2: {  	v3 =	vadd.s32 v1, v3  }
.Ltmp2:
0xd3: {  	_ = 	snop;
	(pc) =	sbr.rel .LBB2_2-.Ltmp2, $4  }
0xd4: {  	_ = 	snop  }
0xd5: {  	s19 =	simm.s32 $0x98  }
0xd6: {  	s23 =	simm.s32 $0xF000;
	s20 =	simm.s32 $0x1498;
	s21 =	simm.s32 $0x0  }
0xd7: {  	[tilespmem:s23], [sflag:$0x1] =	stream.indirect_vreg.gather [hbm4b:s2+s3], $0x80, v3, vm0, $0xb8;
	[tilespmem:$0x1D800] =	vst v63  }
.LBB2_4:
0xd8: {  	_ =	swait.ge [sflag:s18], $0x6800  }
0xd9: {  	[sflag:s18] =	ssyncset.done $0x0  }
0xda: {  	[sflag:s18] =	ssyncadd.s32 $0xFFFF9800  }
0xdb: {  	_ =	swait.ge [sflag:s18], $0x6800  }
0xdc: {  	[sflag:s18] =	ssyncset.done $0x0  }
0xdd: {  	s22 =	sadd.s32 $0xD00, s22;
	[sflag:s18] =	ssyncadd.s32 $0xFFFF9800  }
0xde: {  	[hbm4b:s22+s3] =	stream.linear.scatter [tilespmem:s14], [sflag:$0x3], $0x6800, $0x38;
	[tilespmem:$0x1D800] =	vst v63  }
0xdf: {  	s21 =	sadd.s32 $0x1A00, s21;
	_ =	swait.ge [sflag:s11], $0x6800  }
0xe0: {  	p0 =	sne.s32 s21, $0x27000;
	[sflag:s11] =	ssyncset.done $0x0  }
.Ltmp3:
0xe1: {  	s23 =	sadd.s32 $0xD00, s23;
	[sflag:s11] =	ssyncadd.s32 $0xFFFF9800;
	(pc) =	sbr.rel @!p0 .LBB2_5-.Ltmp3, $4  }
0xe2: {  	[hbm4b:s23+s3] =	stream.linear.scatter [tilespmem:s29], [sflag:$0x3], $0x6800, $0x38;
	[tilespmem:$0x1D800] =	vst v63  }
0xe3: {  	_ =	swait.ge [sflag:s11], $0x6800  }
0xe4: {  	[sflag:s11] =	ssyncset.done $0x0  }
0xe5: {  	s19 =	sadd.s32 $0xD0, s19;
	s20 =	sadd.s32 $0xD0, s20;
	[sflag:s11] =	ssyncadd.s32 $0xFFFF9800  }
.LBB2_2:
0xe6: {  	v3 =	vld [tilespmem:s19+$0xFFFFFFD0];
	_ =	sdelay $0x4  }
0xe7: {  	v4 =	vshll.u32 v3, $0x1  }
0xe8: {  	v3 =	vand.u32 $0x7, v3;
	v4 =	vand.u32 $0xFFFFFFF0, v4  }
0xe9: {  	v3 =	vor.u32 v3, v4  }
0xea: {  	v4 =	vperm.xlane v3, v0;
	_ =	sdelay $0x1  }
0xeb: {  	v3 =	vperm.xlane v3, v2;
	v4 =	vadd.s32 v1, v4;
	_ =	sdelay $0x1  }
0xec: {  	v3 =	vadd.s32 v1, v3;
	_ =	sdelay $0x2  }
0xed: {  	[tilespmem:s14], [sflag:$0x2] =	stream.indirect_vreg.gather [hbm4b:s2+s3], $0x80, v4, vm0, $0xb8;
	[tilespmem:$0x1D800] =	vst v63  }
0xee: {  	_ = 	snop  }
0xef: {  	[tilespmem:s24], [sflag:$0x2] =	stream.indirect_vreg.gather [hbm4b:s2+s3], $0x80, v3, vm0, $0xb8;
	[tilespmem:$0x1D800] =	vst v63  }
0xf0: {  	v3 =	vld [tilespmem:s19+$0xFFFFFFE0];
	_ =	sdelay $0x4  }
0xf1: {  	v51 =	vshll.u32 v3, $0x1  }
0xf2: {  	v3 =	vand.u32 $0x7, v3;
	v4 =	vand.u32 $0xFFFFFFF0, v51  }
0xf3: {  	v3 =	vor.u32 v3, v4  }
0xf4: {  	v4 =	vperm.xlane v3, v0;
	_ =	sdelay $0x1  }
0xf5: {  	v3 =	vperm.xlane v3, v2;
	v4 =	vadd.s32 v1, v4;
	_ =	sdelay $0x1  }
0xf6: {  	v3 =	vadd.s32 v1, v3;
	_ =	sdelay $0x1  }
0xf7: {  	s22 =	simm.s32 $0x10800  }
0xf8: {  	[tilespmem:s22], [sflag:$0x2] =	stream.indirect_vreg.gather [hbm4b:s2+s3], $0x80, v4, vm0, $0xb8;
	[tilespmem:$0x1D800] =	vst v63  }
0xf9: {  	s23 =	simm.s32 $0x11000  }
0xfa: {  	[tilespmem:s23], [sflag:$0x2] =	stream.indirect_vreg.gather [hbm4b:s2+s3], $0x80, v3, vm0, $0xb8;
	[tilespmem:$0x1D800] =	vst v63  }
0xfb: {  	v3 =	vld [tilespmem:s19+$0xFFFFFFF0];
	_ =	sdelay $0x4  }
0xfc: {  	v52 =	vshll.u32 v3, $0x1  }
0xfd: {  	v3 =	vand.u32 $0x7, v3;
	v4 =	vand.u32 $0xFFFFFFF0, v52  }
0xfe: {  	v3 =	vor.u32 v3, v4  }
0xff: {  	v4 =	vperm.xlane v3, v0;
	_ =	sdelay $0x1  }
0x100: {  	v3 =	vperm.xlane v3, v2;
	v4 =	vadd.s32 v1, v4;
	_ =	sdelay $0x1  }
0x101: {  	v3 =	vadd.s32 v1, v3;
	_ =	sdelay $0x1  }
0x102: {  	s23 =	simm.s32 $0x11800  }
0x103: {  	[tilespmem:s23], [sflag:$0x2] =	stream.indirect_vreg.gather [hbm4b:s2+s3], $0x80, v4, vm0, $0xb8;
	[tilespmem:$0x1D800] =	vst v63  }
0x104: {  	s23 =	simm.s32 $0x12000  }
0x105: {  	[tilespmem:s23], [sflag:$0x2] =	stream.indirect_vreg.gather [hbm4b:s2+s3], $0x80, v3, vm0, $0xb8;
	[tilespmem:$0x1D800] =	vst v63  }
0x106: {  	v3 =	vld [tilespmem:s19+$0x0];
	_ =	sdelay $0x4  }
0x107: {  	v53 =	vshll.u32 v3, $0x1  }
0x108: {  	v3 =	vand.u32 $0x7, v3;
	v4 =	vand.u32 $0xFFFFFFF0, v53  }
0x109: {  	v3 =	vor.u32 v3, v4  }
0x10a: {  	v4 =	vperm.xlane v3, v0;
	_ =	sdelay $0x1  }
0x10b: {  	v3 =	vperm.xlane v3, v2;
	v4 =	vadd.s32 v1, v4;
	_ =	sdelay $0x1  }
0x10c: {  	v3 =	vadd.s32 v1, v3;
	_ =	sdelay $0x1  }
0x10d: {  	s23 =	simm.s32 $0x12800  }
0x10e: {  	[tilespmem:s23], [sflag:$0x2] =	stream.indirect_vreg.gather [hbm4b:s2+s3], $0x80, v4, vm0, $0xb8;
	[tilespmem:$0x1D800] =	vst v63  }
0x10f: {  	s23 =	simm.s32 $0x13000  }
0x110: {  	[tilespmem:s23], [sflag:$0x2] =	stream.indirect_vreg.gather [hbm4b:s2+s3], $0x80, v3, vm0, $0xb8;
	[tilespmem:$0x1D800] =	vst v63  }
0x111: {  	v3 =	vld [tilespmem:s19+$0x10];
	_ =	sdelay $0x4  }
0x112: {  	v54 =	vshll.u32 v3, $0x1  }
0x113: {  	v3 =	vand.u32 $0x7, v3;
	v4 =	vand.u32 $0xFFFFFFF0, v54  }
0x114: {  	v3 =	vor.u32 v3, v4  }
0x115: {  	v4 =	vperm.xlane v3, v0;
	_ =	sdelay $0x1  }
0x116: {  	v3 =	vperm.xlane v3, v2;
	v4 =	vadd.s32 v1, v4;
	_ =	sdelay $0x1  }
0x117: {  	v3 =	vadd.s32 v1, v3;
	_ =	sdelay $0x1  }
0x118: {  	s23 =	simm.s32 $0x13800  }
0x119: {  	[tilespmem:s23], [sflag:$0x2] =	stream.indirect_vreg.gather [hbm4b:s2+s3], $0x80, v4, vm0, $0xb8;
	[tilespmem:$0x1D800] =	vst v63  }
0x11a: {  	s23 =	simm.s32 $0x14000  }
0x11b: {  	[tilespmem:s23], [sflag:$0x2] =	stream.indirect_vreg.gather [hbm4b:s2+s3], $0x80, v3, vm0, $0xb8;
	[tilespmem:$0x1D800] =	vst v63  }
0x11c: {  	v3 =	vld [tilespmem:s19+$0x20];
	_ =	sdelay $0x4  }
0x11d: {  	v55 =	vshll.u32 v3, $0x1  }
0x11e: {  	v3 =	vand.u32 $0x7, v3;
	v4 =	vand.u32 $0xFFFFFFF0, v55  }
0x11f: {  	v3 =	vor.u32 v3, v4  }
0x120: {  	v4 =	vperm.xlane v3, v0;
	_ =	sdelay $0x1  }
0x121: {  	v3 =	vperm.xlane v3, v2;
	v4 =	vadd.s32 v1, v4;
	_ =	sdelay $0x1  }
0x122: {  	v3 =	vadd.s32 v1, v3;
	_ =	sdelay $0x1  }
0x123: {  	s23 =	simm.s32 $0x14800  }
0x124: {  	[tilespmem:s23], [sflag:$0x2] =	stream.indirect_vreg.gather [hbm4b:s2+s3], $0x80, v4, vm0, $0xb8;
	[tilespmem:$0x1D800] =	vst v63  }
0x125: {  	_ = 	snop  }
0x126: {  	[tilespmem:s25], [sflag:$0x2] =	stream.indirect_vreg.gather [hbm4b:s2+s3], $0x80, v3, vm0, $0xb8;
	[tilespmem:$0x1D800] =	vst v63  }
0x127: {  	v3 =	vld.msk [tilespmem:s19+$0x30], $0xff;
	_ =	sdelay $0x4  }
0x128: {  	v56 =	vshll.u32 v3, $0x1  }
0x129: {  	v3 =	vand.u32 $0x7, v3;
	v4 =	vand.u32 $0xFFFFFFF0, v56  }
0x12a: {  	v3 =	vor.u32 v3, v4  }
0x12b: {  	v3 =	vperm.xlane v3, v0;
	_ =	sdelay $0x1  }
0x12c: {  	v3 =	vadd.s32 v1, v3;
	_ =	sdelay $0x4  }
0x12d: {  	[tilespmem:s28], [sflag:$0x2] =	stream.indirect_vreg.gather [hbm4b:s2+s3], $0x80, v3, vm0, $0xb8;
	[tilespmem:$0x1D800] =	vst v63  }
0x12e: {  	v3 =	vld [tilespmem:s20+$0xFFFFFFD0];
	_ =	sdelay $0x4  }
0x12f: {  	v57 =	vshll.u32 v3, $0x1  }
0x130: {  	v3 =	vand.u32 $0x7, v3;
	v4 =	vand.u32 $0xFFFFFFF0, v57  }
0x131: {  	v3 =	vor.u32 v3, v4  }
0x132: {  	v4 =	vperm.xlane v3, v0;
	_ =	sdelay $0x1  }
0x133: {  	v3 =	vperm.xlane v3, v2;
	v4 =	vadd.s32 v1, v4;
	_ =	sdelay $0x1  }
0x134: {  	v3 =	vadd.s32 v1, v3;
	_ =	sdelay $0x2  }
0x135: {  	[tilespmem:s29], [sflag:$0x2] =	stream.indirect_vreg.gather [hbm4b:s2+s3], $0x80, v4, vm0, $0xb8;
	[tilespmem:$0x1D800] =	vst v63  }
0x136: {  	_ = 	snop  }
0x137: {  	[tilespmem:s30], [sflag:$0x2] =	stream.indirect_vreg.gather [hbm4b:s2+s3], $0x80, v3, vm0, $0xb8;
	[tilespmem:$0x1D800] =	vst v63  }
0x138: {  	v3 =	vld [tilespmem:s20+$0xFFFFFFE0];
	_ =	sdelay $0x4  }
0x139: {  	v58 =	vshll.u32 v3, $0x1  }
0x13a: {  	v3 =	vand.u32 $0x7, v3;
	v4 =	vand.u32 $0xFFFFFFF0, v58  }
0x13b: {  	v3 =	vor.u32 v3, v4  }
0x13c: {  	v4 =	vperm.xlane v3, v0;
	_ =	sdelay $0x1  }
0x13d: {  	v3 =	vperm.xlane v3, v2;
	v4 =	vadd.s32 v1, v4;
	_ =	sdelay $0x1  }
0x13e: {  	v3 =	vadd.s32 v1, v3;
	_ =	sdelay $0x2  }
0x13f: {  	[tilespmem:s31], [sflag:$0x2] =	stream.indirect_vreg.gather [hbm4b:s2+s3], $0x80, v4, vm0, $0xb8;
	[tilespmem:$0x1D800] =	vst v63  }
0x140: {  	_ = 	snop  }
0x141: {  	[tilespmem:s1], [sflag:$0x2] =	stream.indirect_vreg.gather [hbm4b:s2+s3], $0x80, v3, vm0, $0xb8;
	[tilespmem:$0x1D800] =	vst v63  }
0x142: {  	v3 =	vld [tilespmem:s20+$0xFFFFFFF0];
	_ =	sdelay $0x4  }
0x143: {  	v59 =	vshll.u32 v3, $0x1  }
0x144: {  	v3 =	vand.u32 $0x7, v3;
	v4 =	vand.u32 $0xFFFFFFF0, v59  }
0x145: {  	v3 =	vor.u32 v3, v4  }
0x146: {  	v4 =	vperm.xlane v3, v0;
	_ =	sdelay $0x1  }
0x147: {  	v3 =	vperm.xlane v3, v2;
	v4 =	vadd.s32 v1, v4;
	_ =	sdelay $0x1  }
0x148: {  	v3 =	vadd.s32 v1, v3;
	_ =	sdelay $0x2  }
0x149: {  	[tilespmem:s0], [sflag:$0x2] =	stream.indirect_vreg.gather [hbm4b:s2+s3], $0x80, v4, vm0, $0xb8;
	[tilespmem:$0x1D800] =	vst v63  }
0x14a: {  	_ = 	snop  }
0x14b: {  	[tilespmem:s12], [sflag:$0x2] =	stream.indirect_vreg.gather [hbm4b:s2+s3], $0x80, v3, vm0, $0xb8;
	[tilespmem:$0x1D800] =	vst v63  }
0x14c: {  	v3 =	vld [tilespmem:s20+$0x0];
	_ =	sdelay $0x4  }
0x14d: {  	v60 =	vshll.u32 v3, $0x1  }
0x14e: {  	v3 =	vand.u32 $0x7, v3;
	v4 =	vand.u32 $0xFFFFFFF0, v60  }
0x14f: {  	v3 =	vor.u32 v3, v4  }
0x150: {  	v4 =	vperm.xlane v3, v0;
	_ =	sdelay $0x1  }
0x151: {  	v3 =	vperm.xlane v3, v2;
	v4 =	vadd.s32 v1, v4;
	_ =	sdelay $0x1  }
0x152: {  	v3 =	vadd.s32 v1, v3;
	_ =	sdelay $0x2  }
0x153: {  	[tilespmem:s4], [sflag:$0x2] =	stream.indirect_vreg.gather [hbm4b:s2+s3], $0x80, v4, vm0, $0xb8;
	[tilespmem:$0x1D800] =	vst v63  }
0x154: {  	_ = 	snop  }
0x155: {  	[tilespmem:s5], [sflag:$0x2] =	stream.indirect_vreg.gather [hbm4b:s2+s3], $0x80, v3, vm0, $0xb8;
	[tilespmem:$0x1D800] =	vst v63  }
0x156: {  	v3 =	vld [tilespmem:s20+$0x10];
	_ =	sdelay $0x4  }
0x157: {  	v61 =	vshll.u32 v3, $0x1  }
0x158: {  	v3 =	vand.u32 $0x7, v3;
	v4 =	vand.u32 $0xFFFFFFF0, v61  }
0x159: {  	v3 =	vor.u32 v3, v4  }
0x15a: {  	v4 =	vperm.xlane v3, v0;
	_ =	sdelay $0x1  }
0x15b: {  	v3 =	vperm.xlane v3, v2;
	v4 =	vadd.s32 v1, v4;
	_ =	sdelay $0x1  }
0x15c: {  	v3 =	vadd.s32 v1, v3;
	_ =	sdelay $0x2  }
0x15d: {  	[tilespmem:s6], [sflag:$0x2] =	stream.indirect_vreg.gather [hbm4b:s2+s3], $0x80, v4, vm0, $0xb8;
	[tilespmem:$0x1D800] =	vst v63  }
0x15e: {  	_ = 	snop  }
0x15f: {  	[tilespmem:s7], [sflag:$0x2] =	stream.indirect_vreg.gather [hbm4b:s2+s3], $0x80, v3, vm0, $0xb8;
	[tilespmem:$0x1D800] =	vst v63  }
0x160: {  	v3 =	vld [tilespmem:s20+$0x20];
	_ =	sdelay $0x4  }
0x161: {  	v62 =	vshll.u32 v3, $0x1  }
0x162: {  	v3 =	vand.u32 $0x7, v3;
	v4 =	vand.u32 $0xFFFFFFF0, v62  }
0x163: {  	v3 =	vor.u32 v3, v4  }
0x164: {  	v4 =	vperm.xlane v3, v0;
	_ =	sdelay $0x1  }
0x165: {  	v3 =	vperm.xlane v3, v2;
	v4 =	vadd.s32 v1, v4;
	_ =	sdelay $0x1  }
0x166: {  	v3 =	vadd.s32 v1, v3;
	_ =	sdelay $0x2  }
0x167: {  	[tilespmem:s8], [sflag:$0x2] =	stream.indirect_vreg.gather [hbm4b:s2+s3], $0x80, v4, vm0, $0xb8;
	[tilespmem:$0x1D800] =	vst v63  }
0x168: {  	_ = 	snop  }
0x169: {  	[tilespmem:s15], [sflag:$0x2] =	stream.indirect_vreg.gather [hbm4b:s2+s3], $0x80, v3, vm0, $0xb8;
	[tilespmem:$0x1D800] =	vst v63  }
0x16a: {  	v3 =	vld.msk [tilespmem:s20+$0x30], $0xff;
	_ =	sdelay $0x4  }
0x16b: {  	v63 =	vshll.u32 v3, $0x1  }
0x16c: {  	v3 =	vand.u32 $0x7, v3;
	v4 =	vand.u32 $0xFFFFFFF0, v63  }
0x16d: {  	v3 =	vor.u32 v3, v4  }
0x16e: {  	v3 =	vperm.xlane v3, v0;
	_ =	sdelay $0x1  }
0x16f: {  	v3 =	vadd.s32 v1, v3;
	_ =	sdelay $0x4  }
0x170: {  	[tilespmem:s16], [sflag:$0x2] =	stream.indirect_vreg.gather [hbm4b:s2+s3], $0x80, v3, vm0, $0xb8;
	[tilespmem:$0x1D800] =	vst v63  }
0x171: {  	_ =	swait.ge [sflag:s17], $0x6800  }
0x172: {  	[sflag:s17] =	ssyncset.done $0x0  }
0x173: {  	[sflag:s17] =	ssyncadd.s32 $0xFFFF9800  }
0x174: {  	_ =	swait.ge [sflag:s17], $0x6800  }
0x175: {  	[sflag:s17] =	ssyncset.done $0x0  }
0x176: {  	s22 =	sadd.s32 s21, s10;
	[sflag:s17] =	ssyncadd.s32 $0xFFFF9800  }
0x177: {  	[hbm4b:s22+s3] =	stream.linear.scatter [tilespmem:s13], [sflag:$0x3], $0x6800, $0x38;
	[tilespmem:$0x1D800] =	vst v63  }
0x178: {  	_ =	swait.ge [sflag:s11], $0x6800  }
0x179: {  	p0 =	seq.s32 s21, $0x25600;
	[sflag:s11] =	ssyncset.done $0x0  }
.Ltmp4:
0x17a: {  	s23 =	sadd.s32 s21, s9;
	[sflag:s11] =	ssyncadd.s32 $0xFFFF9800;
	(pc) =	sbr.rel @p0 .LBB2_4-.Ltmp4, $4  }
0x17b: {  	[hbm4b:s23+s3] =	stream.linear.scatter [tilespmem:s26], [sflag:$0x3], $0x6800, $0x38;
	[tilespmem:$0x1D800] =	vst v63  }
0x17c: {  	_ =	swait.ge [sflag:s11], $0x6800  }
0x17d: {  	[sflag:s11] =	ssyncset.done $0x0  }
0x17e: {  	[sflag:s11] =	ssyncadd.s32 $0xFFFF9800  }
0x17f: {  	v3 =	vld [tilespmem:s19+$0x38];
	_ =	sdelay $0x4  }
0x180: {  	v4 =	vshll.u32 v3, $0x1  }
0x181: {  	v3 =	vand.u32 $0x7, v3;
	v4 =	vand.u32 $0xFFFFFFF0, v4  }
0x182: {  	v3 =	vor.u32 v3, v4  }
0x183: {  	v4 =	vperm.xlane v3, v0;
	_ =	sdelay $0x1  }
0x184: {  	v3 =	vperm.xlane v3, v2;
	v4 =	vadd.s32 v1, v4;
	_ =	sdelay $0x1  }
0x185: {  	v3 =	vadd.s32 v1, v3;
	_ =	sdelay $0x2  }
0x186: {  	[tilespmem:s13], [sflag:$0x1] =	stream.indirect_vreg.gather [hbm4b:s2+s3], $0x80, v4, vm0, $0xb8;
	[tilespmem:$0x1D800] =	vst v63  }
0x187: {  	s24 =	simm.s32 $0x3000  }
0x188: {  	[tilespmem:s24], [sflag:$0x1] =	stream.indirect_vreg.gather [hbm4b:s2+s3], $0x80, v3, vm0, $0xb8;
	[tilespmem:$0x1D800] =	vst v63  }
0x189: {  	v3 =	vld [tilespmem:s19+$0x48];
	_ =	sdelay $0x4  }
0x18a: {  	v51 =	vshll.u32 v3, $0x1  }
0x18b: {  	v3 =	vand.u32 $0x7, v3;
	v4 =	vand.u32 $0xFFFFFFF0, v51  }
0x18c: {  	v3 =	vor.u32 v3, v4  }
0x18d: {  	v4 =	vperm.xlane v3, v0;
	_ =	sdelay $0x1  }
0x18e: {  	v3 =	vperm.xlane v3, v2;
	v4 =	vadd.s32 v1, v4;
	_ =	sdelay $0x1  }
0x18f: {  	v3 =	vadd.s32 v1, v3;
	_ =	sdelay $0x1  }
0x190: {  	s24 =	simm.s32 $0x3800  }
0x191: {  	[tilespmem:s24], [sflag:$0x1] =	stream.indirect_vreg.gather [hbm4b:s2+s3], $0x80, v4, vm0, $0xb8;
	[tilespmem:$0x1D800] =	vst v63  }
0x192: {  	s24 =	simm.s32 $0x4000  }
0x193: {  	[tilespmem:s24], [sflag:$0x1] =	stream.indirect_vreg.gather [hbm4b:s2+s3], $0x80, v3, vm0, $0xb8;
	[tilespmem:$0x1D800] =	vst v63  }
0x194: {  	v3 =	vld [tilespmem:s19+$0x58];
	_ =	sdelay $0x4  }
0x195: {  	v52 =	vshll.u32 v3, $0x1  }
0x196: {  	v3 =	vand.u32 $0x7, v3;
	v4 =	vand.u32 $0xFFFFFFF0, v52  }
0x197: {  	v3 =	vor.u32 v3, v4  }
0x198: {  	v4 =	vperm.xlane v3, v0;
	_ =	sdelay $0x1  }
0x199: {  	v3 =	vperm.xlane v3, v2;
	v4 =	vadd.s32 v1, v4;
	_ =	sdelay $0x1  }
0x19a: {  	v3 =	vadd.s32 v1, v3;
	_ =	sdelay $0x1  }
0x19b: {  	s24 =	simm.s32 $0x4800  }
0x19c: {  	[tilespmem:s24], [sflag:$0x1] =	stream.indirect_vreg.gather [hbm4b:s2+s3], $0x80, v4, vm0, $0xb8;
	[tilespmem:$0x1D800] =	vst v63  }
0x19d: {  	s24 =	simm.s32 $0x5000  }
0x19e: {  	[tilespmem:s24], [sflag:$0x1] =	stream.indirect_vreg.gather [hbm4b:s2+s3], $0x80, v3, vm0, $0xb8;
	[tilespmem:$0x1D800] =	vst v63  }
0x19f: {  	v3 =	vld [tilespmem:s19+$0x68];
	_ =	sdelay $0x4  }
0x1a0: {  	v53 =	vshll.u32 v3, $0x1  }
0x1a1: {  	v3 =	vand.u32 $0x7, v3;
	v4 =	vand.u32 $0xFFFFFFF0, v53  }
0x1a2: {  	v3 =	vor.u32 v3, v4  }
0x1a3: {  	v4 =	vperm.xlane v3, v0;
	_ =	sdelay $0x1  }
0x1a4: {  	v3 =	vperm.xlane v3, v2;
	v4 =	vadd.s32 v1, v4;
	_ =	sdelay $0x1  }
0x1a5: {  	v3 =	vadd.s32 v1, v3;
	_ =	sdelay $0x1  }
0x1a6: {  	s24 =	simm.s32 $0x5800  }
0x1a7: {  	[tilespmem:s24], [sflag:$0x1] =	stream.indirect_vreg.gather [hbm4b:s2+s3], $0x80, v4, vm0, $0xb8;
	[tilespmem:$0x1D800] =	vst v63  }
0x1a8: {  	s24 =	simm.s32 $0x6000  }
0x1a9: {  	[tilespmem:s24], [sflag:$0x1] =	stream.indirect_vreg.gather [hbm4b:s2+s3], $0x80, v3, vm0, $0xb8;
	[tilespmem:$0x1D800] =	vst v63  }
0x1aa: {  	v3 =	vld [tilespmem:s19+$0x78];
	_ =	sdelay $0x4  }
0x1ab: {  	v54 =	vshll.u32 v3, $0x1  }
0x1ac: {  	v3 =	vand.u32 $0x7, v3;
	v4 =	vand.u32 $0xFFFFFFF0, v54  }
0x1ad: {  	v3 =	vor.u32 v3, v4  }
0x1ae: {  	v4 =	vperm.xlane v3, v0;
	_ =	sdelay $0x1  }
0x1af: {  	v3 =	vperm.xlane v3, v2;
	v4 =	vadd.s32 v1, v4;
	_ =	sdelay $0x1  }
0x1b0: {  	v3 =	vadd.s32 v1, v3;
	_ =	sdelay $0x1  }
0x1b1: {  	s24 =	simm.s32 $0x6800  }
0x1b2: {  	[tilespmem:s24], [sflag:$0x1] =	stream.indirect_vreg.gather [hbm4b:s2+s3], $0x80, v4, vm0, $0xb8;
	[tilespmem:$0x1D800] =	vst v63  }
0x1b3: {  	s24 =	simm.s32 $0x7000  }
0x1b4: {  	[tilespmem:s24], [sflag:$0x1] =	stream.indirect_vreg.gather [hbm4b:s2+s3], $0x80, v3, vm0, $0xb8;
	[tilespmem:$0x1D800] =	vst v63  }
0x1b5: {  	v3 =	vld [tilespmem:s19+$0x88];
	_ =	sdelay $0x4  }
0x1b6: {  	v55 =	vshll.u32 v3, $0x1  }
0x1b7: {  	v3 =	vand.u32 $0x7, v3;
	v4 =	vand.u32 $0xFFFFFFF0, v55  }
0x1b8: {  	v3 =	vor.u32 v3, v4  }
0x1b9: {  	v4 =	vperm.xlane v3, v0;
	_ =	sdelay $0x1  }
0x1ba: {  	v3 =	vperm.xlane v3, v2;
	v4 =	vadd.s32 v1, v4;
	_ =	sdelay $0x1  }
0x1bb: {  	v3 =	vadd.s32 v1, v3;
	_ =	sdelay $0x1  }
0x1bc: {  	s24 =	simm.s32 $0x7800  }
0x1bd: {  	[tilespmem:s24], [sflag:$0x1] =	stream.indirect_vreg.gather [hbm4b:s2+s3], $0x80, v4, vm0, $0xb8;
	[tilespmem:$0x1D800] =	vst v63  }
0x1be: {  	s24 =	simm.s32 $0x8000  }
0x1bf: {  	[tilespmem:s24], [sflag:$0x1] =	stream.indirect_vreg.gather [hbm4b:s2+s3], $0x80, v3, vm0, $0xb8;
	[tilespmem:$0x1D800] =	vst v63  }
0x1c0: {  	v3 =	vld.msk [tilespmem:s19+$0x98], $0xff;
	_ =	sdelay $0x4  }
0x1c1: {  	v56 =	vshll.u32 v3, $0x1  }
0x1c2: {  	v3 =	vand.u32 $0x7, v3;
	v4 =	vand.u32 $0xFFFFFFF0, v56  }
0x1c3: {  	v3 =	vor.u32 v3, v4  }
0x1c4: {  	v3 =	vperm.xlane v3, v0;
	_ =	sdelay $0x1  }
0x1c5: {  	v3 =	vadd.s32 v1, v3;
	_ =	sdelay $0x3  }
0x1c6: {  	s24 =	simm.s32 $0x8800  }
0x1c7: {  	[tilespmem:s24], [sflag:$0x1] =	stream.indirect_vreg.gather [hbm4b:s2+s3], $0x80, v3, vm0, $0xb8;
	[tilespmem:$0x1D800] =	vst v63  }
0x1c8: {  	v3 =	vld [tilespmem:s20+$0x38];
	_ =	sdelay $0x4  }
0x1c9: {  	v57 =	vshll.u32 v3, $0x1  }
0x1ca: {  	v3 =	vand.u32 $0x7, v3;
	v4 =	vand.u32 $0xFFFFFFF0, v57  }
0x1cb: {  	v3 =	vor.u32 v3, v4  }
0x1cc: {  	v4 =	vperm.xlane v3, v0;
	_ =	sdelay $0x1  }
0x1cd: {  	v3 =	vperm.xlane v3, v2;
	v4 =	vadd.s32 v1, v4;
	_ =	sdelay $0x1  }
0x1ce: {  	v3 =	vadd.s32 v1, v3;
	_ =	sdelay $0x2  }
0x1cf: {  	[tilespmem:s26], [sflag:$0x1] =	stream.indirect_vreg.gather [hbm4b:s2+s3], $0x80, v4, vm0, $0xb8;
	[tilespmem:$0x1D800] =	vst v63  }
0x1d0: {  	s24 =	simm.s32 $0x9800  }
0x1d1: {  	[tilespmem:s24], [sflag:$0x1] =	stream.indirect_vreg.gather [hbm4b:s2+s3], $0x80, v3, vm0, $0xb8;
	[tilespmem:$0x1D800] =	vst v63  }
0x1d2: {  	v3 =	vld [tilespmem:s20+$0x48];
	_ =	sdelay $0x4  }
0x1d3: {  	v58 =	vshll.u32 v3, $0x1  }
0x1d4: {  	v3 =	vand.u32 $0x7, v3;
	v4 =	vand.u32 $0xFFFFFFF0, v58  }
0x1d5: {  	v3 =	vor.u32 v3, v4  }
0x1d6: {  	v4 =	vperm.xlane v3, v0;
	_ =	sdelay $0x1  }
0x1d7: {  	v3 =	vperm.xlane v3, v2;
	v4 =	vadd.s32 v1, v4;
	_ =	sdelay $0x1  }
0x1d8: {  	v3 =	vadd.s32 v1, v3;
	_ =	sdelay $0x1  }
0x1d9: {  	s24 =	simm.s32 $0xA000  }
0x1da: {  	[tilespmem:s24], [sflag:$0x1] =	stream.indirect_vreg.gather [hbm4b:s2+s3], $0x80, v4, vm0, $0xb8;
	[tilespmem:$0x1D800] =	vst v63  }
0x1db: {  	s24 =	simm.s32 $0xA800  }
0x1dc: {  	[tilespmem:s24], [sflag:$0x1] =	stream.indirect_vreg.gather [hbm4b:s2+s3], $0x80, v3, vm0, $0xb8;
	[tilespmem:$0x1D800] =	vst v63  }
0x1dd: {  	v3 =	vld [tilespmem:s20+$0x58];
	_ =	sdelay $0x4  }
0x1de: {  	v59 =	vshll.u32 v3, $0x1  }
0x1df: {  	v3 =	vand.u32 $0x7, v3;
	v4 =	vand.u32 $0xFFFFFFF0, v59  }
0x1e0: {  	v3 =	vor.u32 v3, v4  }
0x1e1: {  	v4 =	vperm.xlane v3, v0;
	_ =	sdelay $0x1  }
0x1e2: {  	v3 =	vperm.xlane v3, v2;
	v4 =	vadd.s32 v1, v4;
	_ =	sdelay $0x1  }
0x1e3: {  	v3 =	vadd.s32 v1, v3;
	_ =	sdelay $0x1  }
0x1e4: {  	s24 =	simm.s32 $0xB000  }
0x1e5: {  	[tilespmem:s24], [sflag:$0x1] =	stream.indirect_vreg.gather [hbm4b:s2+s3], $0x80, v4, vm0, $0xb8;
	[tilespmem:$0x1D800] =	vst v63  }
0x1e6: {  	s24 =	simm.s32 $0xB800  }
0x1e7: {  	[tilespmem:s24], [sflag:$0x1] =	stream.indirect_vreg.gather [hbm4b:s2+s3], $0x80, v3, vm0, $0xb8;
	[tilespmem:$0x1D800] =	vst v63  }
0x1e8: {  	v3 =	vld [tilespmem:s20+$0x68];
	_ =	sdelay $0x4  }
0x1e9: {  	v60 =	vshll.u32 v3, $0x1  }
0x1ea: {  	v3 =	vand.u32 $0x7, v3;
	v4 =	vand.u32 $0xFFFFFFF0, v60  }
0x1eb: {  	v3 =	vor.u32 v3, v4  }
0x1ec: {  	v4 =	vperm.xlane v3, v0;
	_ =	sdelay $0x1  }
0x1ed: {  	v3 =	vperm.xlane v3, v2;
	v4 =	vadd.s32 v1, v4;
	_ =	sdelay $0x1  }
0x1ee: {  	v3 =	vadd.s32 v1, v3;
	_ =	sdelay $0x1  }
0x1ef: {  	s24 =	simm.s32 $0xC000  }
0x1f0: {  	[tilespmem:s24], [sflag:$0x1] =	stream.indirect_vreg.gather [hbm4b:s2+s3], $0x80, v4, vm0, $0xb8;
	[tilespmem:$0x1D800] =	vst v63  }
0x1f1: {  	s24 =	simm.s32 $0xC800  }
0x1f2: {  	[tilespmem:s24], [sflag:$0x1] =	stream.indirect_vreg.gather [hbm4b:s2+s3], $0x80, v3, vm0, $0xb8;
	[tilespmem:$0x1D800] =	vst v63  }
0x1f3: {  	v3 =	vld [tilespmem:s20+$0x78];
	_ =	sdelay $0x4  }
0x1f4: {  	v61 =	vshll.u32 v3, $0x1  }
0x1f5: {  	v3 =	vand.u32 $0x7, v3;
	v4 =	vand.u32 $0xFFFFFFF0, v61  }
0x1f6: {  	v3 =	vor.u32 v3, v4  }
0x1f7: {  	v4 =	vperm.xlane v3, v0;
	_ =	sdelay $0x1  }
0x1f8: {  	v3 =	vperm.xlane v3, v2;
	v4 =	vadd.s32 v1, v4;
	_ =	sdelay $0x1  }
0x1f9: {  	v3 =	vadd.s32 v1, v3;
	_ =	sdelay $0x1  }
0x1fa: {  	s24 =	simm.s32 $0xD000  }
0x1fb: {  	[tilespmem:s24], [sflag:$0x1] =	stream.indirect_vreg.gather [hbm4b:s2+s3], $0x80, v4, vm0, $0xb8;
	[tilespmem:$0x1D800] =	vst v63  }
0x1fc: {  	s24 =	simm.s32 $0xD800  }
0x1fd: {  	[tilespmem:s24], [sflag:$0x1] =	stream.indirect_vreg.gather [hbm4b:s2+s3], $0x80, v3, vm0, $0xb8;
	[tilespmem:$0x1D800] =	vst v63  }
0x1fe: {  	v3 =	vld [tilespmem:s20+$0x88];
	_ =	sdelay $0x4  }
0x1ff: {  	v62 =	vshll.u32 v3, $0x1  }
0x200: {  	v3 =	vand.u32 $0x7, v3;
	v4 =	vand.u32 $0xFFFFFFF0, v62  }
0x201: {  	v3 =	vor.u32 v3, v4  }
0x202: {  	v4 =	vperm.xlane v3, v0;
	_ =	sdelay $0x1  }
0x203: {  	v3 =	vperm.xlane v3, v2;
	v4 =	vadd.s32 v1, v4;
	_ =	sdelay $0x1  }
0x204: {  	v3 =	vadd.s32 v1, v3;
	_ =	sdelay $0x1  }
0x205: {  	s24 =	simm.s32 $0xE000  }
0x206: {  	[tilespmem:s24], [sflag:$0x1] =	stream.indirect_vreg.gather [hbm4b:s2+s3], $0x80, v4, vm0, $0xb8;
	[tilespmem:$0x1D800] =	vst v63  }
0x207: {  	s24 =	simm.s32 $0xE800  }
0x208: {  	[tilespmem:s24], [sflag:$0x1] =	stream.indirect_vreg.gather [hbm4b:s2+s3], $0x80, v3, vm0, $0xb8;
	[tilespmem:$0x1D800] =	vst v63  }
0x209: {  	v3 =	vld.msk [tilespmem:s20+$0x98], $0xff;
	_ =	sdelay $0x4  }
0x20a: {  	v63 =	vshll.u32 v3, $0x1  }
0x20b: {  	v3 =	vand.u32 $0x7, v3;
	v4 =	vand.u32 $0xFFFFFFF0, v63  }
0x20c: {  	v3 =	vor.u32 v3, v4  }
0x20d: {  	v3 =	vperm.xlane v3, v0;
	_ =	sdelay $0x1  }
0x20e: {  	v3 =	vadd.s32 v1, v3;
	_ =	sdelay $0x1  }
.Ltmp5:
0x20f: {  	_ = 	snop;
	(pc) =	sbr.rel .LBB2_4-.Ltmp5, $4  }
0x210: {  	_ = 	snop  }
0x211: {  	s24 =	simm.s32 $0xF000  }
0x212: {  	[tilespmem:s24], [sflag:$0x1] =	stream.indirect_vreg.gather [hbm4b:s2+s3], $0x80, v3, vm0, $0xb8;
	[tilespmem:$0x1D800] =	vst v63  }
0x213: {  	s24 =	simm.s32 $0x10000  }
.LBB2_6:
0x214: {  	_ =	sfence.sel $0x180000  }
0x215: {  	[bflag:$0x0] =	sbarrier.arrive $0xFFFF  }
0x216: {  	_ =	strace $0x90000047  }
0x217: {  	s0 =	stileid.u32;
	[bflag:$0x2] =	sbarrier.arrive $0xFFFF  }
0x218: {  	p0 =	sne.s32 s0, $0x0;
	s0 =	rddreg [dreg:$0x2]  }
0x219: {  	s0 =	sadd.s32 @!p0 $0x100000, s0  }
0x21a: {  	[sflag:s0] =	ssyncadd.tile.s32 @!p0 $0x1;
	_ =	shalt  }
.Lfunc_end2:
_tile_overlayer_lowered:
.L_overlay_start_2:
0x21b: {  	(tag) =	ssettag $0x2  }
0x21c: {  	s0 =	rddreg [dreg:$0x0];
	s2 =	stileid.u32  }
0x21d: {  	s1 =	rddreg [dreg:$0x1];
	p0 =	sne.s32 s2, $0x0  }
0x21e: {  	s3 =	rddreg [dreg:$0x2];
	[bflag:$0x3] =	sbarrier.arrive $0xFFFF;
	s2 =	simm.s32 @!p0 $0x1C03  }
0x21f: {  	[timem:s3], [sflag:s2] =	dma.local @!p0 [hbm:s0], s1  }
0x220: {  	s0 =	simm.s32 @!p0 $0x3  }
0x221: {  	_ =	swait.ge @!p0 [sflag:s0], s1  }
0x222: {  	s1 =	ssub.s32 @!p0 $0x0, s1;
	[sflag:s0] =	ssyncset.done @!p0 $0x0  }
0x223: {  	[sflag:s0] =	ssyncadd.s32 @!p0 s1  }
0x224: {  	[bflag:$0x3] =	sbarrier.arrive $0xFFFF  }
0x225: {  	_ =	shalt  }

// kernel: kernel.19.cloned.1.call-start
scs
__scs_entry_jumppad:
0x0: {  	(pc) =	sbr.rel $0x88, $3  }
0x1: {  	(tag) =	ssettag $0x0;
	lr =	simm.s32 $0x1  }
0x2: {  	[smem:$0x3F9A] =	sst lr;
	_ =	strace $0xD0000000  }
0x3: {  	_ = 	snop  }
0x4: {  	_ = 	snop  }
0x5: {  	_ = 	snop  }
0x6: {  	_ = 	snop  }
0x7: {  	_ = 	snop  }
__scs_overlays_trampoline_lowered:
0x8: {  	[smem:$0x3FA9] =	sst s0  }
0x9: {  	[smem:$0x3FAA] =	sst s1  }
0xa: {  	[smem:$0x3FAB] =	sst s2  }
0xb: {  	[smem:$0x3FAC] =	sst s3  }
0xc: {  	[smem:$0x3FAD] =	sst s4  }
0xd: {  	[smem:$0x3FAE] =	sst s5  }
0xe: {  	[smem:$0x3FAF] =	sst s6  }
0xf: {  	[smem:$0x3FB0] =	sst s7  }
0x10: {  	[smem:$0x3FB1] =	sst s8  }
0x11: {  	[smem:$0x3FB2] =	sst s9;
	s0 =	simm.s32 @!p0 $0x0  }
0x12: {  	s1 =	sld [smem:$0x3F98];
	s0 =	simm.s32 @p0 $0x1  }
0x13: {  	[smem:$0x3FB3] =	sst s0;
	s0 =	simm.s32 @!p1 $0x0  }
0x14: {  	s2 =	sld [smem:$0x3F97];
	s0 =	simm.s32 @p1 $0x1  }
0x15: {  	[smem:$0x3FB4] =	sst s0;
	s0 =	simm.s32 @!p2 $0x0  }
0x16: {  	s3 =	sld [smem:$0x3FDB];
	s0 =	simm.s32 @p2 $0x1  }
0x17: {  	s4 =	simm.s32 $0x1BF5;
	[smem:$0x3FB6] =	sst s0  }
0x18: {  	s0 =	sld [smem:$0x3F99];
	_ =	swait.ge [sflag:s4], $0x0  }
0x19: {  	s7 =	sld [smem:$0x3F9A]  }
0x1a: {  	s8 =	sadd.s32 $0xFFFFE003, lr  }
0x1b: {  	s9 =	sadd.s32 $0xFFFFFEF7, lr;
	s5 =	simm.s32 $0xFFFFFFFF;
	p2 =	slt.u32 s8, $0xFFFFF086  }
0x1c: {  	p1 =	slt.u32 s9, $0xF7A;
	s5 =	simm.s32 @!p2 $0x0  }
0x1d: {  	s5 =	simm.s32 @p1 $0x1;
	p0 =	seq.s32 s7, s2  }
0x1e: {  	s7 =	smul.u32 @!p0 $0xF7A, s2;
	p2 =	seq.s32 @!p0 s5, $0x0  }
0x1f: {  	s9 =	smul.u32 $0xF7A, s1;
	s8 =	simm.s32 @!p0 $0x1BF5;
	p2 =	por !p2, p0  }
0x20: {  	[sflag:s8] =	ssyncset.s32 @!p0 $0xFFFFF086;
	s6 =	sadd.s32 @!p0 s3, s7;
	s7 =	simm.s32 @!p0 $0x108  }
0x21: {  	s3 =	sadd.s32 s3, s9;
	s6 =	sadd.s32 @!p0 $0x88, s6;
	s7 =	simm.s32 @p2 $0x1082  }
0x22: {  	[simem:s7], [sflag:s8] =	dma.local @!p0 [hbm:s6], $0xF7A  }
0x23: {  	s9 =	sor.u32 $0xD0000000, s2;
	s6 =	simm.s32 $0x108;
	_ =	swait.ge @!p0 [sflag:s8], $0x0  }
0x24: {  	s3 =	sadd.s32 $0x88, s3;
	s6 =	simm.s32 @!p1 $0x1082;
	[sflag:s4] =	ssyncset.s32 $0xFFFFF086  }
0x25: {  	[simem:s6], [sflag:s4] =	dma.local [hbm:s3], $0xF7A  }
0x26: {  	[smem:$0x3F9A] =	sst s1;
	(tag) =	ssettag s2;
	_ =	strace s9  }
0x27: {  	s1 =	sld [smem:$0x3FAA]  }
0x28: {  	s2 =	sld [smem:$0x3FAB]  }
0x29: {  	s4 =	sld [smem:$0x3FAD]  }
0x2a: {  	p0 =	seq.s32 s5, $0x0;
	s5 =	sld [smem:$0x3FAE]  }
0x2b: {  	s6 =	sld [smem:$0x3FAF]  }
0x2c: {  	s7 =	sld [smem:$0x3FB0]  }
0x2d: {  	s3 =	simm.s32 $0x108;
	s8 =	sld [smem:$0x3FB1]  }
0x2e: {  	s3 =	simm.s32 @!p0 $0x1082;
	s9 =	sld [smem:$0x3FB2]  }
0x2f: {  	lr =	sadd.s32 s0, s3;
	s0 =	sld [smem:$0x3FA9]  }
0x30: {  	s3 =	sld [smem:$0x3FAC]  }
0x31: {  	[smem:$0x3FB5] =	sst s10  }
0x32: {  	s10 =	sld [smem:$0x3FB3];
	_ =	sdelay $0x3  }
0x33: {  	p0 =	seq.s32 s10, $0x1;
	s10 =	sld [smem:$0x3FB5];
	_ =	sdelay $0x3  }
0x34: {  	[smem:$0x3FB5] =	sst s10  }
0x35: {  	s10 =	sld [smem:$0x3FB4];
	_ =	sdelay $0x3  }
0x36: {  	p1 =	seq.s32 s10, $0x1;
	s10 =	sld [smem:$0x3FB5];
	_ =	sdelay $0x3  }
0x37: {  	[smem:$0x3FB5] =	sst s10  }
0x38: {  	s10 =	sld [smem:$0x3FB6]  }
0x39: {  	_ = 	snop;
	(pc) =	sbr.ind lr, $3  }
0x3a: {  	_ = 	snop  }
0x3b: {  	_ = 	snop  }
0x3c: {  	p2 =	seq.s32 s10, $0x1;
	s10 =	sld [smem:$0x3FB5]  }
0x3d: {  	_ =	shalt  }
0x3e: {  	_ =	shalt  }
0x3f: {  	_ =	shalt  }
0x40: {  	_ =	shalt  }
0x41: {  	_ =	shalt  }
0x42: {  	_ =	shalt  }
0x43: {  	_ =	shalt  }
0x44: {  	_ =	shalt  }
0x45: {  	_ =	shalt  }
0x46: {  	_ =	shalt  }
0x47: {  	_ =	shalt  }
0x48: {  	_ =	shalt  }
0x49: {  	_ =	shalt  }
0x4a: {  	_ =	shalt  }
0x4b: {  	_ =	shalt  }
0x4c: {  	_ =	shalt  }
0x4d: {  	_ =	shalt  }
0x4e: {  	_ =	shalt  }
0x4f: {  	_ =	shalt  }
0x50: {  	_ =	shalt  }
0x51: {  	_ =	shalt  }
0x52: {  	_ =	shalt  }
0x53: {  	_ =	shalt  }
0x54: {  	_ =	shalt  }
0x55: {  	_ =	shalt  }
0x56: {  	_ =	shalt  }
0x57: {  	_ =	shalt  }
0x58: {  	_ =	shalt  }
0x59: {  	_ =	shalt  }
0x5a: {  	_ =	shalt  }
0x5b: {  	_ =	shalt  }
0x5c: {  	_ =	shalt  }
0x5d: {  	_ =	shalt  }
0x5e: {  	_ =	shalt  }
0x5f: {  	_ =	shalt  }
0x60: {  	_ =	shalt  }
0x61: {  	_ =	shalt  }
0x62: {  	_ =	shalt  }
0x63: {  	_ =	shalt  }
0x64: {  	_ =	shalt  }
0x65: {  	_ =	shalt  }
0x66: {  	_ =	shalt  }
0x67: {  	_ =	shalt  }
0x68: {  	_ =	shalt  }
0x69: {  	_ =	shalt  }
0x6a: {  	_ =	shalt  }
0x6b: {  	_ =	shalt  }
0x6c: {  	_ =	shalt  }
0x6d: {  	_ =	shalt  }
0x6e: {  	_ =	shalt  }
0x6f: {  	_ =	shalt  }
0x70: {  	_ =	shalt  }
0x71: {  	_ =	shalt  }
0x72: {  	_ =	shalt  }
0x73: {  	_ =	shalt  }
0x74: {  	_ =	shalt  }
0x75: {  	_ =	shalt  }
0x76: {  	_ =	shalt  }
0x77: {  	_ =	shalt  }
0x78: {  	_ =	shalt  }
0x79: {  	_ =	shalt  }
0x7a: {  	_ =	shalt  }
0x7b: {  	_ =	shalt  }
0x7c: {  	_ =	shalt  }
0x7d: {  	_ =	shalt  }
0x7e: {  	_ =	shalt  }
0x7f: {  	_ =	shalt  }
0x80: {  	_ =	shalt  }
0x81: {  	_ =	shalt  }
0x82: {  	_ =	shalt  }
0x83: {  	_ =	shalt  }
0x84: {  	_ =	shalt  }
0x85: {  	_ =	shalt  }
0x86: {  	_ =	shalt  }
0x87: {  	_ =	shalt  }
.Lfunc_end0:
.L_simem_size_0:
called_computation.2_lowered:
.L_overlay_start_0:
0x88: {  	s2 =	sld [smem:$0x3FD9]  }
0x89: {  	s3 =	sld [smem:$0x3FFE];
	_ =	sdelay $0x1  }
0x8a: {  	s1 =	srdreg.scid  }
0x8b: {  	s0 =	sand.u32 $0x1, s1  }
0x8c: {  	s15 =	sshll.u32 s0, $0xA;
	s2 =	sadd.s32 s3, s2  }
0x8d: {  	s2 =	sadd.s32 s2, s15  }
0x8e: {  	[smem:$0x3FC1] =	sst s2  }
0x8f: {  	_ = 	snop  }
0x90: {  	s2 =	sld [smem:$0x3FD0];
	_ =	sdelay $0x2  }
0x91: {  	s16 =	simm.s32 $0xB;
	s4 =	simm.s32 $0x10  }
0x92: {  	[smem:s4], [sflag:s16] =	dma.local [hbm:s2], $0x1  }
0x93: {  	_ =	swait.eq [sflag:s16], $0x1  }
0x94: {  	[sflag:s16] =	ssyncset.done $0x0  }
0x95: {  	[sflag:s16] =	ssyncadd.s32 $0xFFFFFFFF  }
0x96: {  	s17 =	sld [smem:$0x11];
	(tm) =	ssettm $0x1  }
0x97: {  	s18 =	sld [smem:$0x3FFB];
	_ =	sdelay $0x3  }
0x98: {  	_ =	strace s18  }
0x99: {  	s2 =	sld [smem:$0x3FFC];
	_ =	sdelay $0x3  }
0x9a: {  	_ =	strace s2  }
0x9b: {  	s2 =	sld [smem:$0x3FFD];
	_ =	sdelay $0x3  }
0x9c: {  	_ =	strace s2  }
0x9d: {  	_ =	strace $0x8FFFFFFF  }
0x9e: {  	s19 =	sld [smem:$0x3FDB];
	_ =	sdelay $0x1  }
0x9f: {  	s20 =	simm.s32 $_scs_section_size  }
0xa0: {  	s5 =	simm.s32 $_size__tile_overlayer_lowered;
	s6 =	simm.s32 $_tile_overlayer_lowered  }
0xa1: {  	s7 =	simm.s32 $0x1BFF;
	s21 =	sshll.u32 s6, $0x1;
	s4 =	sadd.s32 s20, s19  }
0xa2: {  	s22 =	simm.s32 $0x0;
	s5 =	sshll.u32 s5, $0x1;
	s6 =	sadd.s32 s21, s4  }
0xa3: {  	[timem:s22], [sflag:s7] =	dma.local [hbm:s6], s5  }
0xa4: {  	_ =	swait.ge [sflag:s7], s5  }
0xa5: {  	s5 =	ssub.s32 $0x0, s5;
	[sflag:s7] =	ssyncset.done $0x0  }
0xa6: {  	[sflag:s7] =	ssyncadd.s32 s5;
	_ =	sdelay $0x1  }
0xa7: {  	s23 =	simm.s32 $0x1B8B  }
0xa8: {  	_ =	swait.ge [sflag:s23], $0x1  }
0xa9: {  	[sflag:s23] =	ssyncset.done $0x0  }
0xaa: {  	[sflag:s23] =	ssyncadd.s32 $0xFFFFFFFF  }
0xab: {  	s5 =	sld [smem:$0x0]  }
0xac: {  	s6 =	sand.u32 $0xFFFFFFFE, s1  }
0xad: {  	p0 =	sne.s32 s1, s6  }
0xae: {  	s6 =	sshll.u32 @p0 s6, $0xE  }
0xaf: {  	s6 =	sadd.s32 @p0 $0x11B8D, s6;
	s7 =	sshll.u32 @p0 s5, $0x11  }
0xb0: {  	s6 =	sor.u32 @p0 s7, s6  }
0xb1: {  	[sflag:s6] =	ssyncadd.remote.s32 @p0 $0x1;
	_ =	sdelay $0x1  }
0xb2: {  	s6 =	simm.s32 @p0 $0x1B8D  }
0xb3: {  	_ =	swait.eq @p0 [sflag:s6], $0x1  }
0xb4: {  	[sflag:s6] =	ssyncadd.s32 @p0 $0xFFFFFFFF  }
0xb5: {  	s7 =	sshll.u32 @!p0 s1, $0xE  }
0xb6: {  	s7 =	sor.u32 @!p0 $0x4000, s7;
	s6 =	simm.s32 @!p0 $0x1B8D  }
0xb7: {  	s5 =	sshll.u32 @!p0 s5, $0x11;
	s7 =	sadd.s32 @!p0 $0x11B8D, s7;
	_ =	swait.eq @!p0 [sflag:s6], $0x1  }
0xb8: {  	s5 =	sor.u32 @!p0 s5, s7;
	[sflag:s6] =	ssyncadd.s32 @!p0 $0xFFFFFFFF  }
0xb9: {  	s25 =	simm.s32 $0x1B8E;
	s24 =	sld [smem:$0x3FFE];
	[sflag:s5] =	ssyncadd.remote.s32 @!p0 $0x1  }
0xba: {  	s26 =	simm.s32 $execute0_lowered;
	[smem:$0x3FD2] =	sst s25  }
0xbb: {  	s6 =	sshll.u32 s26, $0x1;
	_ =	strace $0x8000004C;
	[dreg:$0x1] =	wrdreg $0xFFFFFFFF  }
0xbc: {  	s28 =	simm.s32 $_size_execute0_lowered;
	s4 =	sadd.s32 s4, s6;
	[dreg:$0x0] =	wrdreg $0x0  }
0xbd: {  	s6 =	sshll.u32 s28, $0x1;
	[dreg:$0x2] =	wrdreg s4  }
0xbe: {  	[dreg:$0x3] =	wrdreg s6  }
0xbf: {  	[dreg:$0x4] =	wrdreg $0xC0  }
0xc0: {  	_ =	task [dreg:s22], $0x5FFFF  }
0xc1: {  	[dreg:$0x1] =	wrdreg $0xFFFFFFFF  }
0xc2: {  	[dreg:$0x0] =	wrdreg $0x60  }
0xc3: {  	[dreg:$0x2] =	wrdreg s17  }
0xc4: {  	[dreg:$0x3] =	wrdreg s24  }
0xc5: {  	[dreg:$0x4] =	wrdreg $0xA  }
0xc6: {  	_ =	task.clear_ibuf [dreg:s22], $0x5FFFF;
	_ =	strace $0x9000004C  }
0xc7: {  	s29 =	simm.s32 $0xA;
	_ =	strace $0x8000004E  }
0xc8: {  	_ =	swait.ge [sflag:s29], $0x1  }
0xc9: {  	[sflag:s29] =	ssyncadd.s32 $0xFFFFFFFF  }
0xca: {  	_ =	strace $0x9000004E  }
0xcb: {  	_ =	sfence  }
0xcc: {  	s30 =	sld [smem:$0x0];
	_ =	sdelay $0x2  }
0xcd: {  	s31 =	sshll.u32 s1, $0xD;
	s1 =	sshrl.u32 s1, $0x2  }
0xce: {  	s4 =	sand.u32 $0x4000, s31;
	s1 =	sadd.s32 s1, s30  }
0xcf: {  	s0 =	sor.u32 s4, s0;
	s1 =	sshll.u32 s1, $0x11  }
0xd0: {  	s0 =	sor.u32 s1, s0  }
0xd1: {  	s0 =	sadd.s32 $0x8F2B, s0  }
0xd2: {  	[sflag:s0] =	ssyncadd.remote.s32 $0x1  }
0xd3: {  	_ =	sfence.sel $0xFFFF  }
0xd4: {  	[dreg:$0x0] =	wrdreg $0xFFFFFFFF;
	(pc) =	sbr.abs _section_cstart, $3  }
0xd5: {  	[dreg:$0x1] =	wrdreg $0xFFFFFFFF  }
0xd6: {  	_ =	task.clear_ibuf [dreg:s22], $0x2FFFF;
	_ =	strace $0x9FFFFFFF  }
0xd7: {  	(tm) =	ssettm $0x7FFFFFFF  }
tec
execute0_lowered:
.L_overlay_start_1:
0x0: {  	(tag) =	ssettag $0x1  }
0x1: {  	s0 =	srdreg.scid;
	s3 =	stileid.u32  }
0x2: {  	s2 =	rddreg [dreg:$0x0];
	s0 =	sand.u32 $0x1, s0;
	s4 =	sshll.u32 s3, $0x1  }
0x3: {  	s1 =	rddreg [dreg:$0x1];
	s5 =	sor.u32 s0, s4  }
0x4: {  	s3 =	simm.s32 $0x0;
	s0 =	ssub.s32 $0x2, s0;
	s4 =	smul.u32 $0x138800, s5  }
0x5: {  	[smem:$0x7FF] =	sst s3;
	s6 =	smul.u32 $0x2800, s5;
	s7 =	sshrl.u32 s0, $0x1  }
0x6: {  	_ =	strace $0x8000004D;
	s5 =	sadd.s32 $0x9000, s1;
	s0 =	ssub.s32 s0, s7  }
0x7: {  	s8 =	sshrl.u32 s4, $0x3;
	s9 =	sadd.s32 s6, s1;
	s1 =	sadd.s32 $0x9050, s1  }
.Ltmp0:
0x8: {  	s0 =	smax.u32 s0, $0x1;
	[dreg:$0x4] =	wrdreg s1;
	(pc) =	sbr.rel .LBB2_1-.Ltmp0, $4  }
0x9: {  	s29 =	sadd.s32 s2, s8;
	[dreg:$0x7] =	wrdreg s0  }
0xa: {  	s11 =	simm.s32 $0x1;
	s31 =	sadd.s32 $0xE000, s9;
	[dreg:$0x3] =	wrdreg s29  }
0xb: {  	s15 =	simm.s32 $0x15900;
	s30 =	sadd.s32 $0x280, s29;
	[dreg:$0x6] =	wrdreg s31  }
0xc: {  	v0 =	vimm.f32 $0.0e+00;
	s16 =	simm.s32 $0x2;
	s6 =	simm.s32 $0x0;
	[dreg:$0x5] =	wrdreg s30  }
.LBB2_10:
0xd: {  	s0 =	rddreg [dreg:$0x6];
	s1 =	simm.s32 $0x3  }
0xe: {  	[hbm4b:s0+s3] =	stream.linear.scatter [tilespmem:s3], [sflag:$0x3], $0x14000, $0x38;
	[tilespmem:$0x16D00] =	vst v63  }
0xf: {  	_ =	swait.ge [sflag:s1], $0x14000  }
0x10: {  	s6 =	rddreg [dreg:$0x8]  }
0x11: {  	s31 =	rddreg [dreg:$0x7];
	s6 =	sadd.s32 $0x1, s6  }
0x12: {  	p0 =	sne.s32 s6, s31  }
.Ltmp1:
0x13: {  	_ = 	snop;
	(pc) =	sbr.rel @!p0 .LBB2_11-.Ltmp1, $3  }
0x14: {  	_ =	sdelay $0x1  }
0x15: {  	[sflag:s1] =	ssyncset.done $0x0  }
0x16: {  	[sflag:s1] =	ssyncadd.s32 $0xFFFEC000  }
.LBB2_1:
0x17: {  	s0 =	sand.u32 $0x40, s3;
	s1 =	sand.u32 $0x1FC00, s3  }
0x18: {  	[dreg:$0x8] =	wrdreg s6;
	s0 =	sor.u32 s0, s1  }
0x19: {  	[tilespmem:s0+$0x1B0] =	vst v0  }
0x1a: {  	[tilespmem:s0+$0x180] =	vst v0  }
0x1b: {  	[tilespmem:s0+$0x130] =	vst v0  }
0x1c: {  	[tilespmem:s0+$0xB0] =	vst v0  }
0x1d: {  	[tilespmem:s0+$0x100] =	vst v0  }
0x1e: {  	[tilespmem:s0+$0x110] =	vst v0  }
0x1f: {  	[tilespmem:s0+$0x30] =	vst v0  }
0x20: {  	[tilespmem:s0+$0x80] =	vst v0  }
0x21: {  	[tilespmem:s0+$0x190] =	vst v0  }
0x22: {  	[tilespmem:s0+$0x90] =	vst v0  }
0x23: {  	[tilespmem:s0+$0x1A0] =	vst v0  }
0x24: {  	p0 =	por $0x0, $0x0;
	s1 =	simm.s32 $0x1;
	[tilespmem:s0+$0x120] =	vst v0  }
0x25: {  	s1 =	simm.s32 @!p0 $0x0;
	[tilespmem:s0+$0xA0] =	vst v0  }
0x26: {  	[tilespmem:s0+$0x0] =	vst v0;
	s1 =	sshll.u32 s1, $0x6  }
0x27: {  	[tilespmem:s0+$0x10] =	vst v0;
	s1 =	sadd.s32 $0x0, s1  }
0x28: {  	[tilespmem:s0+$0x20] =	vst v0;
	s7 =	sadd.s32 $0x30, s1;
	s19 =	sor.u32 $0x200, s1  }
0x29: {  	s8 =	sor.u32 $0x200, s7;
	[tilespmem:s19+$0x0] =	vst v0  }
0x2a: {  	s9 =	sor.u32 $0x280, s1;
	s20 =	sor.u32 $0x300, s1;
	s22 =	sadd.s32 $0x10, s1;
	[tilespmem:s8+$0x0] =	vst v0  }
0x2b: {  	s21 =	sor.u32 $0x380, s1;
	s1 =	sadd.s32 $0x20, s1;
	s23 =	sor.u32 $0x200, s22;
	[tilespmem:s9+$0x0] =	vst v0  }
0x2c: {  	s26 =	sor.u32 $0x200, s1;
	[tilespmem:s23+$0x0] =	vst v0  }
0x2d: {  	s18 =	sor.u32 $0x280, s7;
	[tilespmem:s26+$0x0] =	vst v0  }
0x2e: {  	[tilespmem:s18+$0x0] =	vst v0  }
0x2f: {  	s24 =	sor.u32 $0x280, s22;
	[tilespmem:s20+$0x0] =	vst v0  }
0x30: {  	s28 =	sor.u32 $0x280, s1;
	[tilespmem:s24+$0x0] =	vst v0  }
0x31: {  	[tilespmem:s28+$0x0] =	vst v0  }
0x32: {  	s25 =	sor.u32 $0x300, s22;
	[tilespmem:s21+$0x0] =	vst v0  }
0x33: {  	s29 =	sor.u32 $0x300, s1;
	[tilespmem:s25+$0x0] =	vst v0  }
0x34: {  	p0 =	por !p0, !p0;
	s31 =	sor.u32 $0x300, s7;
	[tilespmem:s29+$0x0] =	vst v0  }
0x35: {  	s19 =	simm.s32 $0x0;
	s30 =	sor.u32 $0x380, s1;
	s1 =	sor.u32 $0x380, s22;
	[tilespmem:s31+$0x0] =	vst v0  }
0x36: {  	s0 =	sor.u32 $0x380, s7;
	s20 =	simm.s32 $0x40;
	s21 =	simm.s32 $0x200;
	[tilespmem:s30+$0x0] =	vst v0  }
.LBB2_2:
0x37: {  	s7 =	simm.s32 $0x1  }
0x38: {  	s8 =	sand.u32 $0x40, s20;
	s9 =	sand.u32 $0x1FC00, s21;
	[tilespmem:s0+$0x0] =	vst v0;
	s7 =	simm.s32 @!p0 $0x0  }
0x39: {  	s19 =	sadd.s32 $0x4, s19;
	s0 =	sor.u32 s8, s9;
	s7 =	sshll.u32 s7, $0x6;
	[tilespmem:s1+$0x0] =	vst v0  }
0x3a: {  	p1 =	slt.u32 s19, $0x27C;
	s7 =	sadd.s32 s7, s21;
	[tilespmem:s0+$0x1B0] =	vst v0  }
0x3b: {  	[tilespmem:s0+$0x180] =	vst v0;
	s1 =	sadd.s32 $0x10, s7;
	s12 =	sadd.s32 $0x20, s7;
	s22 =	sadd.s32 $0x30, s7  }
0x3c: {  	s8 =	sor.u32 $0x200, s1;
	[tilespmem:s0+$0x130] =	vst v0  }
0x3d: {  	s9 =	sor.u32 $0x200, s12;
	[tilespmem:s0+$0xB0] =	vst v0  }
0x3e: {  	s13 =	sor.u32 $0x280, s12;
	[tilespmem:s0+$0x100] =	vst v0  }
0x3f: {  	s23 =	sor.u32 $0x300, s12;
	[tilespmem:s0+$0x110] =	vst v0  }
0x40: {  	s24 =	sor.u32 $0x200, s22;
	[tilespmem:s0+$0x30] =	vst v0  }
0x41: {  	s25 =	sor.u32 $0x200, s7;
	[tilespmem:s24+$0x0] =	vst v0;
	s24 =	sor.u32 $0x280, s22  }
0x42: {  	s26 =	sor.u32 $0x280, s7;
	[tilespmem:s24+$0x0] =	vst v0  }
0x43: {  	s24 =	sor.u32 $0x300, s7;
	[tilespmem:s0+$0x80] =	vst v0  }
0x44: {  	s7 =	sor.u32 $0x380, s7;
	[tilespmem:s0+$0x190] =	vst v0  }
0x45: {  	[tilespmem:s0+$0x90] =	vst v0  }
0x46: {  	[tilespmem:s0+$0x1A0] =	vst v0  }
0x47: {  	[tilespmem:s0+$0x120] =	vst v0  }
0x48: {  	[tilespmem:s0+$0xA0] =	vst v0  }
0x49: {  	[tilespmem:s0+$0x0] =	vst v0  }
0x4a: {  	[tilespmem:s25+$0x0] =	vst v0  }
0x4b: {  	[tilespmem:s26+$0x0] =	vst v0  }
0x4c: {  	[tilespmem:s24+$0x0] =	vst v0  }
0x4d: {  	[tilespmem:s7+$0x0] =	vst v0  }
0x4e: {  	[tilespmem:s0+$0x10] =	vst v0  }
0x4f: {  	s7 =	sor.u32 $0x280, s1;
	[tilespmem:s8+$0x0] =	vst v0  }
0x50: {  	[tilespmem:s7+$0x0] =	vst v0  }
0x51: {  	s7 =	sor.u32 $0x300, s1;
	[tilespmem:s0+$0x20] =	vst v0  }
0x52: {  	[tilespmem:s7+$0x0] =	vst v0  }
.Ltmp2:
0x53: {  	[tilespmem:s9+$0x0] =	vst v0;
	(pc) =	sbr.rel @p1 .LBB2_2-.Ltmp2, $4  }
0x54: {  	[tilespmem:s13+$0x0] =	vst v0  }
0x55: {  	s0 =	sor.u32 $0x380, s12;
	[tilespmem:s23+$0x0] =	vst v0  }
0x56: {  	s20 =	sadd.s32 $0x40, s20;
	p0 =	por !p0, !p0;
	[tilespmem:s0+$0x0] =	vst v0;
	s0 =	sor.u32 $0x300, s22  }
0x57: {  	s21 =	sadd.s32 $0x200, s21;
	s1 =	sor.u32 $0x380, s1;
	[tilespmem:s0+$0x0] =	vst v0;
	s0 =	sor.u32 $0x380, s22  }
0x58: {  	[tilespmem:s0+$0x0] =	vst v0  }
0x59: {  	[tilespmem:s1+$0x0] =	vst v0;
	s19 =	simm.s32 $0x0;
	s25 =	simm.s32 $0x14000  }
0x5a: {  	[tilespmem:s25], [sflag:$0x1] =	stream.linear.gather [hbm4b:s5+s19], $0x280, $0x38;
	[tilespmem:$0x16D00] =	vst v63  }
0x5b: {  	s28 =	simm.s32 $0x14500;
	s26 =	rddreg [dreg:$0x3]  }
0x5c: {  	[tilespmem:s28], [sflag:$0x1] =	stream.linear.gather [hbm4b:s26+s19], $0x1400, $0x38;
	[tilespmem:$0x16D00] =	vst v63  }
0x5d: {  	s30 =	simm.s32 $0x14280;
	s29 =	rddreg [dreg:$0x4]  }
0x5e: {  	[tilespmem:s30], [sflag:$0x2] =	stream.linear.gather [hbm4b:s29+s19], $0x280, $0x38;
	[tilespmem:$0x16D00] =	vst v63  }
0x5f: {  	s20 =	simm.s32 $0x0;
	s31 =	rddreg [dreg:$0x5]  }
0x60: {  	[tilespmem:s15], [sflag:$0x2] =	stream.linear.gather [hbm4b:s31+s19], $0x1400, $0x38;
	[tilespmem:$0x16D00] =	vst v63  }
.LBB2_4:
0x61: {  	_ =	swait.ge [sflag:s11], $0x280  }
0x62: {  	[sflag:s11] =	ssyncset.done $0x0  }
0x63: {  	[sflag:s11] =	ssyncadd.s32 $0xFFFFFD80  }
0x64: {  	s0 =	sand.u32 $0x40, s19;
	s1 =	sand.u32 $0x380, s19;
	_ =	swait.ge [sflag:s11], $0x1400  }
0x65: {  	s1 =	sor.u32 $0x14000, s1;
	s7 =	sor.u32 $0x30, s0;
	[sflag:s11] =	ssyncset.done $0x0  }
0x66: {  	s8 =	sor.u32 s7, s1;
	[sflag:s11] =	ssyncadd.s32 $0xFFFFEC00  }
0x67: {  	s9 =	simm.s32 $0x14000;
	s12 =	sor.u32 $0x10, s0;
	v1 =	vld [tilespmem:s8+$0x0]  }
0x68: {  	s25 =	sor.u32 $0x20, s0;
	s26 =	sor.u32 s12, s1;
	v2 =	vld [tilespmem:s9+$0x0]  }
0x69: {  	s1 =	sor.u32 s25, s1;
	v3 =	vld [tilespmem:s26+$0x0]  }
0x6a: {  	v4 =	vld [tilespmem:s1+$0x0]  }
0x6b: {  	s29 =	sand.u32 $0x1C00, s19  }
0x6c: {  	s1 =	sadd.s32 $0x14500, s29;
	v5 =	vshll.u32 v1, $0x3  }
0x6d: {  	s7 =	sor.u32 s7, s1;
	v1 =	vand.u32 $0x7F, v1;
	v5 =	vand.u32 $0xFFFFFC00, v5  }
0x6e: {  	v8 =	vld [tilespmem:s7+$0x0];
	v6 =	vshll.u32 v2, $0x3;
	v7 =	vshll.u32 v3, $0x3;
	v5 =	vor.u32 v1, v5  }
0x6f: {  	s30 =	sor.u32 s12, s1;
	v3 =	vand.u32 $0x7F, v3;
	v1 =	vand.u32 $0xFFFFFC00, v7;
	v7 =	vshll.u32 v4, $0x3  }
0x70: {  	s8 =	sor.u32 s25, s1;
	v9 =	vld [tilespmem:s30+$0x0];
	v4 =	vand.u32 $0x7F, v4;
	v7 =	vand.u32 $0xFFFFFC00, v7;
	v3 =	vor.u32 v3, v1  }
0x71: {  	s1 =	sor.u32 s0, s1;
	v1 =	vand.u32 $0x7F, v2;
	v2 =	vand.u32 $0xFFFFFC00, v6;
	v6 =	vor.u32 v4, v7;
	v4 =	vld [tilespmem:s8+$0x0]  }
0x72: {  	v7 =	vld [tilespmem:s1+$0x0];
	v1 =	vor.u32 v1, v2  }
0x73: {  	[tilespmem:v5+s3+$0x0] =	vst.idx.add.f32.msk $0xffff, v8  }
0x74: {  	v2 =	vld [tilespmem:s7+$0x80]  }
0x75: {  	[tilespmem:v3+s3+$0x0] =	vst.idx.add.f32.msk $0xffff, v9  }
0x76: {  	v8 =	vor.u32 $0x80, v5;
	[tilespmem:v6+s3+$0x0] =	vst.idx.add.f32.msk $0xffff, v4  }
0x77: {  	[tilespmem:v1+s3+$0x0] =	vst.idx.add.f32.msk $0xffff, v7  }
0x78: {  	v4 =	vor.u32 $0x80, v3;
	v7 =	vld [tilespmem:s30+$0x80]  }
0x79: {  	v10 =	vor.u32 $0x80, v6;
	v54 =	vld [tilespmem:s8+$0x80]  }
0x7a: {  	v12 =	vor.u32 $0x80, v1;
	v11 =	vld [tilespmem:s1+$0x80]  }
0x7b: {  	[tilespmem:v8+s3+$0x0] =	vst.idx.add.f32.msk $0xffff, v2  }
0x7c: {  	v2 =	vld [tilespmem:s7+$0x100]  }
0x7d: {  	v8 =	vor.u32 $0x100, v5;
	[tilespmem:v4+s3+$0x0] =	vst.idx.add.f32.msk $0xffff, v7  }
0x7e: {  	[tilespmem:v10+s3+$0x0] =	vst.idx.add.f32.msk $0xffff, v54  }
0x7f: {  	[tilespmem:v12+s3+$0x0] =	vst.idx.add.f32.msk $0xffff, v11  }
0x80: {  	v55 =	vor.u32 $0x100, v6;
	v10 =	vld [tilespmem:s8+$0x100]  }
0x81: {  	v56 =	vor.u32 $0x100, v1;
	v11 =	vld [tilespmem:s1+$0x100]  }
0x82: {  	[tilespmem:v8+s3+$0x0] =	vst.idx.add.f32.msk $0xffff, v2  }
0x83: {  	p0 =	por $0x0, $0x0;
	s0 =	simm.s32 $0x1;
	v7 =	vor.u32 $0x180, v5;
	v2 =	vld [tilespmem:s7+$0x180]  }
0x84: {  	s0 =	simm.s32 @!p0 $0x0;
	v4 =	vld [tilespmem:s30+$0x100]  }
0x85: {  	s0 =	sshll.u32 s0, $0x6;
	[tilespmem:v55+s3+$0x0] =	vst.idx.add.f32.msk $0xffff, v10  }
0x86: {  	s0 =	sadd.s32 $0x0, s0;
	v8 =	vor.u32 $0x100, v3;
	[tilespmem:v56+s3+$0x0] =	vst.idx.add.f32.msk $0xffff, v11  }
0x87: {  	s6 =	sadd.s32 $0x30, s0;
	v9 =	vld [tilespmem:s8+$0x180]  }
0x88: {  	s10 =	sor.u32 $0x200, s6;
	v57 =	vor.u32 $0x180, v6;
	[tilespmem:v7+s3+$0x0] =	vst.idx.add.f32.msk $0xffff, v2  }
0x89: {  	v7 =	vor.u32 $0x200, v5;
	v2 =	vld [tilespmem:s10+$0x14500]  }
0x8a: {  	v11 =	vld [tilespmem:s1+$0x180]  }
0x8b: {  	v58 =	vor.u32 $0x180, v1;
	[tilespmem:v8+s3+$0x0] =	vst.idx.add.f32.msk $0xffff, v4  }
0x8c: {  	v8 =	vld [tilespmem:s30+$0x180]  }
0x8d: {  	v4 =	vor.u32 $0x180, v3;
	[tilespmem:v57+s3+$0x0] =	vst.idx.add.f32.msk $0xffff, v9  }
0x8e: {  	s12 =	sor.u32 $0x280, s6;
	[tilespmem:v7+s3+$0x0] =	vst.idx.add.f32.msk $0xffff, v2  }
0x8f: {  	v7 =	vor.u32 $0x280, v5;
	v2 =	vld [tilespmem:s12+$0x14500]  }
0x90: {  	s22 =	sor.u32 $0x200, s0;
	[tilespmem:v58+s3+$0x0] =	vst.idx.add.f32.msk $0xffff, v11  }
0x91: {  	s13 =	sadd.s32 $0x10, s0;
	v11 =	vld [tilespmem:s22+$0x14500]  }
0x92: {  	s14 =	sor.u32 $0x200, s13;
	v60 =	vor.u32 $0x200, v1;
	[tilespmem:v4+s3+$0x0] =	vst.idx.add.f32.msk $0xffff, v8  }
0x93: {  	v4 =	vld [tilespmem:s14+$0x14500]  }
0x94: {  	s18 =	sadd.s32 $0x20, s0;
	s17 =	sor.u32 $0x300, s6;
	v8 =	vor.u32 $0x200, v3;
	[tilespmem:v7+s3+$0x0] =	vst.idx.add.f32.msk $0xffff, v2  }
0x95: {  	s21 =	sor.u32 $0x200, s18;
	v7 =	vor.u32 $0x300, v5;
	v2 =	vld [tilespmem:s17+$0x14500]  }
0x96: {  	v10 =	vld [tilespmem:s21+$0x14500]  }
0x97: {  	s25 =	sor.u32 $0x280, s0;
	v59 =	vor.u32 $0x200, v6;
	[tilespmem:v60+s3+$0x0] =	vst.idx.add.f32.msk $0xffff, v11  }
0x98: {  	v61 =	vld [tilespmem:s25+$0x14500]  }
0x99: {  	v62 =	vor.u32 $0x280, v1;
	[tilespmem:v8+s3+$0x0] =	vst.idx.add.f32.msk $0xffff, v4  }
0x9a: {  	s23 =	sor.u32 $0x280, s13;
	[tilespmem:v7+s3+$0x0] =	vst.idx.add.f32.msk $0xffff, v2  }
0x9b: {  	v4 =	vor.u32 $0x380, v5;
	v5 =	vor.u32 $0x280, v3;
	v7 =	vld [tilespmem:s23+$0x14500]  }
0x9c: {  	s24 =	sor.u32 $0x280, s18;
	[tilespmem:v59+s3+$0x0] =	vst.idx.add.f32.msk $0xffff, v10  }
0x9d: {  	v9 =	vld [tilespmem:s24+$0x14500];
	v8 =	vor.u32 $0x280, v6  }
0x9e: {  	s7 =	sor.u32 $0x380, s6;
	[tilespmem:v62+s3+$0x0] =	vst.idx.add.f32.msk $0xffff, v61  }
0x9f: {  	v2 =	vld [tilespmem:s7+$0x14500]  }
0xa0: {  	s26 =	sor.u32 $0x300, s13;
	[tilespmem:v5+s3+$0x0] =	vst.idx.add.f32.msk $0xffff, v7  }
0xa1: {  	v63 =	vor.u32 $0x300, v3;
	v13 =	vld [tilespmem:s26+$0x14500]  }
0xa2: {  	s29 =	sor.u32 $0x300, s18;
	[tilespmem:v8+s3+$0x0] =	vst.idx.add.f32.msk $0xffff, v9  }
0xa3: {  	v7 =	vld [tilespmem:s29+$0x14500]  }
0xa4: {  	s0 =	sor.u32 $0x300, s0;
	s31 =	sor.u32 $0x380, s13;
	s30 =	sor.u32 s19, s19;
	v5 =	vor.u32 $0x300, v6;
	[tilespmem:v4+s3+$0x0] =	vst.idx.add.f32.msk $0xffff, v2  }
0xa5: {  	s28 =	sor.u32 $0x380, s18;
	s22 =	simm.s32 $0x0;
	s21 =	sor.u32 $0x380, s30;
	v4 =	vld [tilespmem:s0+$0x14500]  }
0xa6: {  	s24 =	simm.s32 $0x14040;
	s25 =	simm.s32 $0x0;
	v3 =	vor.u32 $0x380, v3;
	s23 =	simm.s32 $0x40;
	v2 =	vor.u32 $0x380, v6;
	[tilespmem:v63+s3+$0x0] =	vst.idx.add.f32.msk $0xffff, v13  }
.LBB2_5:
0xa7: {  	s0 =	sand.u32 $0x40, s23;
	s1 =	sand.u32 $0x380, s23;
	s22 =	sadd.s32 $0x4, s22;
	v6 =	vld [tilespmem:s31+$0x14500]  }
0xa8: {  	v9 =	vor.u32 $0x300, v1;
	v8 =	vld [tilespmem:s24+$0x0];
	s1 =	sor.u32 $0x14000, s1;
	s7 =	sor.u32 $0x30, s0;
	p1 =	slt.u32 s22, $0x24  }
0xa9: {  	s8 =	sor.u32 $0x10, s0;
	s9 =	sor.u32 $0x20, s0;
	s12 =	sor.u32 s7, s1;
	[tilespmem:v5+s3+$0x0] =	vst.idx.add.f32.msk $0xffff, v7  }
0xaa: {  	s13 =	sor.u32 s8, s1;
	s1 =	sor.u32 s9, s1;
	v5 =	vld [tilespmem:s12+$0x0]  }
0xab: {  	v7 =	vld [tilespmem:s13+$0x0]  }
0xac: {  	v10 =	vld [tilespmem:s1+$0x0]  }
0xad: {  	s25 =	sadd.s32 $0x200, s25;
	[tilespmem:v9+s3+$0x0] =	vst.idx.add.f32.msk $0xffff, v4  }
0xae: {  	s12 =	sor.u32 s25, s23;
	s1 =	sand.u32 $0x1C00, s25;
	v4 =	vshll.u32 v8, $0x3;
	v9 =	vld [tilespmem:s28+$0x14500]  }
0xaf: {  	s1 =	sadd.s32 $0x14500, s1;
	v11 =	vand.u32 $0x7F, v8;
	v12 =	vand.u32 $0xFFFFFC00, v4;
	v8 =	vshll.u32 v5, $0x3;
	v4 =	vld [tilespmem:s21+$0x14500];
	s21 =	sor.u32 $0x380, s12  }
0xb0: {  	s26 =	sor.u32 s0, s1;
	s29 =	sor.u32 s8, s1;
	s0 =	sor.u32 s7, s1;
	v5 =	vand.u32 $0x7F, v5;
	v13 =	vshll.u32 v7, $0x3;
	v8 =	vand.u32 $0xFFFFFC00, v8;
	[tilespmem:v3+s3+$0x0] =	vst.idx.add.f32.msk $0xffff, v6  }
0xb1: {  	s30 =	sor.u32 s9, s1;
	v3 =	vand.u32 $0xFFFFFC00, v13;
	v6 =	vshll.u32 v10, $0x3;
	v13 =	vld [tilespmem:s0+$0x0];
	v8 =	vor.u32 v5, v8  }
0xb2: {  	v5 =	vand.u32 $0x7F, v7;
	v10 =	vand.u32 $0x7F, v10;
	v14 =	vld [tilespmem:s26+$0x0];
	v6 =	vand.u32 $0xFFFFFC00, v6  }
0xb3: {  	v7 =	vor.u32 v11, v12;
	v3 =	vor.u32 v5, v3;
	v11 =	vld [tilespmem:s29+$0x0];
	v12 =	vor.u32 v10, v6  }
0xb4: {  	v15 =	vor.u32 $0x80, v3;
	v16 =	vor.u32 $0x100, v3;
	v17 =	vld [tilespmem:s30+$0x0];
	v18 =	vor.u32 $0x80, v12  }
0xb5: {  	v19 =	vor.u32 $0x180, v3;
	v20 =	vor.u32 $0x100, v12;
	v21 =	vor.u32 $0x180, v12;
	[tilespmem:v2+s3+$0x0] =	vst.idx.add.f32.msk $0xffff, v9  }
0xb6: {  	v22 =	vor.u32 $0x200, v3;
	v23 =	vor.u32 $0x200, v12;
	v9 =	vor.u32 $0x280, v3;
	[tilespmem:v8+s3+$0x0] =	vst.idx.add.f32.msk $0xffff, v13  }
0xb7: {  	v24 =	vor.u32 $0x80, v8;
	v6 =	vor.u32 $0x300, v3;
	v10 =	vor.u32 $0x280, v12;
	v13 =	vld [tilespmem:s0+$0x80]  }
0xb8: {  	v5 =	vor.u32 $0x300, v12;
	v2 =	vor.u32 $0x380, v12;
	[tilespmem:v3+s3+$0x0] =	vst.idx.add.f32.msk $0xffff, v11;
	v3 =	vor.u32 $0x380, v3  }
0xb9: {  	[tilespmem:v12+s3+$0x0] =	vst.idx.add.f32.msk $0xffff, v17  }
0xba: {  	[tilespmem:v7+s3+$0x0] =	vst.idx.add.f32.msk $0xffff, v14  }
0xbb: {  	v11 =	vld [tilespmem:s29+$0x80]  }
0xbc: {  	[tilespmem:v24+s3+$0x0] =	vst.idx.add.f32.msk $0xffff, v13  }
0xbd: {  	v13 =	vor.u32 $0x100, v8;
	v12 =	vld [tilespmem:s0+$0x100]  }
0xbe: {  	v14 =	vld [tilespmem:s30+$0x80]  }
0xbf: {  	v17 =	vld [tilespmem:s26+$0x80]  }
0xc0: {  	v24 =	vor.u32 $0x80, v7;
	[tilespmem:v15+s3+$0x0] =	vst.idx.add.f32.msk $0xffff, v11  }
0xc1: {  	v11 =	vld [tilespmem:s29+$0x100]  }
0xc2: {  	[tilespmem:v13+s3+$0x0] =	vst.idx.add.f32.msk $0xffff, v12  }
0xc3: {  	p0 =	por !p0, !p0;
	v13 =	vor.u32 $0x180, v8;
	v12 =	vld [tilespmem:s0+$0x180];
	s0 =	simm.s32 $0x1  }
0xc4: {  	s0 =	simm.s32 @!p0 $0x0;
	[tilespmem:v18+s3+$0x0] =	vst.idx.add.f32.msk $0xffff, v14  }
0xc5: {  	s0 =	sshll.u32 s0, $0x6;
	[tilespmem:v24+s3+$0x0] =	vst.idx.add.f32.msk $0xffff, v17  }
0xc6: {  	s1 =	sadd.s32 s0, s25;
	v14 =	vld [tilespmem:s30+$0x100]  }
0xc7: {  	v17 =	vor.u32 $0x100, v7;
	v15 =	vld [tilespmem:s26+$0x100];
	s9 =	sadd.s32 $0x10, s1;
	s28 =	sadd.s32 $0x20, s1;
	s10 =	sadd.s32 $0x30, s1  }
0xc8: {  	s6 =	sor.u32 $0x200, s9;
	s17 =	sor.u32 $0x200, s28;
	[tilespmem:v13+s3+$0x0] =	vst.idx.add.f32.msk $0xffff, v12;
	s0 =	sor.u32 $0x200, s10  }
0xc9: {  	s18 =	sor.u32 $0x200, s1;
	s8 =	sor.u32 $0x280, s9;
	s13 =	sor.u32 $0x280, s28;
	v13 =	vor.u32 $0x200, v8;
	v12 =	vld [tilespmem:s0+$0x14500]  }
0xca: {  	s7 =	sor.u32 $0x280, s1;
	s12 =	sor.u32 $0x300, s9;
	s0 =	sor.u32 $0x300, s28;
	[tilespmem:v16+s3+$0x0] =	vst.idx.add.f32.msk $0xffff, v11  }
0xcb: {  	s1 =	sor.u32 $0x300, s1;
	s31 =	sor.u32 $0x380, s9;
	s28 =	sor.u32 $0x380, s28;
	[tilespmem:v20+s3+$0x0] =	vst.idx.add.f32.msk $0xffff, v14  }
0xcc: {  	[tilespmem:v17+s3+$0x0] =	vst.idx.add.f32.msk $0xffff, v15  }
0xcd: {  	v11 =	vld [tilespmem:s29+$0x180]  }
0xce: {  	s9 =	sor.u32 $0x280, s10;
	[tilespmem:v13+s3+$0x0] =	vst.idx.add.f32.msk $0xffff, v12  }
0xcf: {  	v13 =	vor.u32 $0x280, v8;
	v12 =	vld [tilespmem:s9+$0x14500]  }
0xd0: {  	v14 =	vld [tilespmem:s30+$0x180]  }
0xd1: {  	v15 =	vld [tilespmem:s26+$0x180]  }
0xd2: {  	v16 =	vor.u32 $0x180, v7;
	[tilespmem:v19+s3+$0x0] =	vst.idx.add.f32.msk $0xffff, v11  }
0xd3: {  	v11 =	vld [tilespmem:s6+$0x14500]  }
0xd4: {  	s6 =	sor.u32 $0x300, s10;
	[tilespmem:v13+s3+$0x0] =	vst.idx.add.f32.msk $0xffff, v12  }
0xd5: {  	v13 =	vor.u32 $0x300, v8;
	v12 =	vld [tilespmem:s6+$0x14500]  }
0xd6: {  	[tilespmem:v21+s3+$0x0] =	vst.idx.add.f32.msk $0xffff, v14  }
0xd7: {  	[tilespmem:v16+s3+$0x0] =	vst.idx.add.f32.msk $0xffff, v15  }
0xd8: {  	v14 =	vld [tilespmem:s17+$0x14500]  }
0xd9: {  	v16 =	vor.u32 $0x200, v7;
	v15 =	vld [tilespmem:s18+$0x14500]  }
0xda: {  	s6 =	sor.u32 $0x380, s10;
	[tilespmem:v13+s3+$0x0] =	vst.idx.add.f32.msk $0xffff, v12  }
0xdb: {  	v8 =	vor.u32 $0x380, v8;
	v12 =	vld [tilespmem:s6+$0x14500]  }
0xdc: {  	[tilespmem:v22+s3+$0x0] =	vst.idx.add.f32.msk $0xffff, v11  }
0xdd: {  	[tilespmem:v23+s3+$0x0] =	vst.idx.add.f32.msk $0xffff, v14  }
0xde: {  	v11 =	vor.u32 $0x380, v1;
	v1 =	vmov v7;
	[tilespmem:v16+s3+$0x0] =	vst.idx.add.f32.msk $0xffff, v15  }
0xdf: {  	v7 =	vld [tilespmem:s8+$0x14500]  }
0xe0: {  	[tilespmem:v8+s3+$0x0] =	vst.idx.add.f32.msk $0xffff, v12  }
0xe1: {  	v8 =	vld [tilespmem:s13+$0x14500]  }
0xe2: {  	v13 =	vor.u32 $0x280, v1;
	v12 =	vld [tilespmem:s7+$0x14500]  }
0xe3: {  	[tilespmem:v11+s3+$0x0] =	vst.idx.add.f32.msk $0xffff, v4  }
0xe4: {  	[tilespmem:v9+s3+$0x0] =	vst.idx.add.f32.msk $0xffff, v7  }
0xe5: {  	v9 =	vld [tilespmem:s12+$0x14500]  }
.Ltmp3:
0xe6: {  	[tilespmem:v10+s3+$0x0] =	vst.idx.add.f32.msk $0xffff, v8;
	(pc) =	sbr.rel @p1 .LBB2_5-.Ltmp3, $4  }
0xe7: {  	[tilespmem:v13+s3+$0x0] =	vst.idx.add.f32.msk $0xffff, v12  }
0xe8: {  	v7 =	vld [tilespmem:s0+$0x14500]  }
0xe9: {  	v4 =	vld [tilespmem:s1+$0x14500]  }
0xea: {  	s24 =	sadd.s32 $0x40, s24;
	s23 =	sadd.s32 $0x40, s23;
	[tilespmem:v6+s3+$0x0] =	vst.idx.add.f32.msk $0xffff, v9  }
0xeb: {  	v6 =	vor.u32 $0x300, v1;
	_ =	sdelay $0x2  }
0xec: {  	v8 =	vld [tilespmem:s31+$0x14500]  }
0xed: {  	[tilespmem:v5+s3+$0x0] =	vst.idx.add.f32.msk $0xffff, v7  }
0xee: {  	[tilespmem:v6+s3+$0x0] =	vst.idx.add.f32.msk $0xffff, v4  }
0xef: {  	v4 =	vld [tilespmem:s28+$0x14500]  }
0xf0: {  	p0 =	seq.s32 s20, $0x7C;
	v5 =	vld [tilespmem:s21+$0x14500];
	s21 =	sshll.u32 s20, $0x1  }
0xf1: {  	v1 =	vor.u32 $0x380, v1;
	s0 =	sadd.s32 @!p0 $0x2, s21  }
0xf2: {  	s1 =	smul.u32 @!p0 $0x50, s0  }
0xf3: {  	s0 =	smul.u32 @!p0 $0x1400, s0  }
0xf4: {  	[tilespmem:v3+s3+$0x0] =	vst.idx.add.f32.msk $0xffff, v8  }
0xf5: {  	s6 =	simm.s32 @!p0 $0x0;
	[tilespmem:v2+s3+$0x0] =	vst.idx.add.f32.msk $0xffff, v4;
	s0 =	sadd.s32 @!p0 s4, s0  }
0xf6: {  	s7 =	simm.s32 @!p0 $0x14000;
	s1 =	sadd.s32 @!p0 s5, s1;
	[tilespmem:v1+s3+$0x0] =	vst.idx.add.f32.msk $0xffff, v5;
	s0 =	sshrl.u32 @!p0 s0, $0x3  }
0xf7: {  	[tilespmem:s7], [sflag:$0x1] =	stream.linear.gather @!p0 [hbm4b:s1+s6], $0x280, $0x38;
	[tilespmem:$0x16D00] =	vst v63  }
0xf8: {  	s0 =	sadd.s32 @!p0 s2, s0;
	s1 =	simm.s32 @!p0 $0x14500  }
0xf9: {  	[tilespmem:s1], [sflag:$0x1] =	stream.linear.gather @!p0 [hbm4b:s0+s6], $0x1400, $0x38;
	[tilespmem:$0x16D00] =	vst v63  }
0xfa: {  	_ =	swait.ge [sflag:s16], $0x280  }
0xfb: {  	[sflag:s16] =	ssyncset.done $0x0  }
0xfc: {  	s22 =	simm.s32 $0x0;
	[sflag:s16] =	ssyncadd.s32 $0xFFFFFD80  }
0xfd: {  	s14 =	sand.u32 $0x40, s22;
	s17 =	sand.u32 $0x380, s22;
	_ =	swait.ge [sflag:s16], $0x1400  }
0xfe: {  	s18 =	sor.u32 $0x30, s14;
	s1 =	sadd.s32 $0x14280, s17;
	[sflag:s16] =	ssyncset.done $0x0  }
0xff: {  	s23 =	sor.u32 s18, s1;
	[sflag:s16] =	ssyncadd.s32 $0xFFFFEC00  }
0x100: {  	s8 =	simm.s32 $0x14280;
	s9 =	sor.u32 $0x10, s14;
	v1 =	vld [tilespmem:s23+$0x0]  }
0x101: {  	s24 =	sor.u32 $0x20, s14;
	s25 =	sor.u32 s9, s1;
	v2 =	vld [tilespmem:s8+$0x0]  }
0x102: {  	s1 =	sor.u32 s24, s1;
	v3 =	vld [tilespmem:s25+$0x0]  }
0x103: {  	v4 =	vld [tilespmem:s1+$0x0]  }
0x104: {  	s26 =	sand.u32 $0x1C00, s22  }
0x105: {  	s1 =	sadd.s32 $0x15900, s26;
	v5 =	vshll.u32 v1, $0x3  }
0x106: {  	s6 =	sor.u32 s18, s1;
	v1 =	vand.u32 $0x7F, v1;
	v5 =	vand.u32 $0xFFFFFC00, v5  }
0x107: {  	v8 =	vld [tilespmem:s6+$0x0];
	v6 =	vshll.u32 v2, $0x3;
	v7 =	vshll.u32 v3, $0x3;
	v5 =	vor.u32 v1, v5  }
0x108: {  	s28 =	sor.u32 s9, s1;
	v3 =	vand.u32 $0x7F, v3;
	v1 =	vand.u32 $0xFFFFFC00, v7;
	v7 =	vshll.u32 v4, $0x3  }
0x109: {  	s7 =	sor.u32 s24, s1;
	v9 =	vld [tilespmem:s28+$0x0];
	v4 =	vand.u32 $0x7F, v4;
	v7 =	vand.u32 $0xFFFFFC00, v7;
	v3 =	vor.u32 v3, v1  }
0x10a: {  	s1 =	sor.u32 s14, s1;
	v1 =	vand.u32 $0x7F, v2;
	v2 =	vand.u32 $0xFFFFFC00, v6;
	v6 =	vor.u32 v4, v7;
	v4 =	vld [tilespmem:s7+$0x0]  }
0x10b: {  	v7 =	vld [tilespmem:s1+$0x0];
	v1 =	vor.u32 v1, v2  }
0x10c: {  	[tilespmem:v5+s3+$0x0] =	vst.idx.add.f32.msk $0xffff, v8  }
0x10d: {  	v2 =	vld [tilespmem:s6+$0x80]  }
0x10e: {  	[tilespmem:v3+s3+$0x0] =	vst.idx.add.f32.msk $0xffff, v9  }
0x10f: {  	v8 =	vor.u32 $0x80, v5;
	[tilespmem:v6+s3+$0x0] =	vst.idx.add.f32.msk $0xffff, v4  }
0x110: {  	[tilespmem:v1+s3+$0x0] =	vst.idx.add.f32.msk $0xffff, v7  }
0x111: {  	v4 =	vor.u32 $0x80, v3;
	v7 =	vld [tilespmem:s28+$0x80]  }
0x112: {  	v10 =	vor.u32 $0x80, v6;
	v54 =	vld [tilespmem:s7+$0x80]  }
0x113: {  	v12 =	vor.u32 $0x80, v1;
	v11 =	vld [tilespmem:s1+$0x80]  }
0x114: {  	[tilespmem:v8+s3+$0x0] =	vst.idx.add.f32.msk $0xffff, v2  }
0x115: {  	v2 =	vld [tilespmem:s6+$0x100]  }
0x116: {  	v8 =	vor.u32 $0x100, v5;
	[tilespmem:v4+s3+$0x0] =	vst.idx.add.f32.msk $0xffff, v7  }
0x117: {  	[tilespmem:v10+s3+$0x0] =	vst.idx.add.f32.msk $0xffff, v54  }
0x118: {  	[tilespmem:v12+s3+$0x0] =	vst.idx.add.f32.msk $0xffff, v11  }
0x119: {  	v55 =	vor.u32 $0x100, v6;
	v10 =	vld [tilespmem:s7+$0x100]  }
0x11a: {  	v56 =	vor.u32 $0x100, v1;
	v11 =	vld [tilespmem:s1+$0x100]  }
0x11b: {  	[tilespmem:v8+s3+$0x0] =	vst.idx.add.f32.msk $0xffff, v2  }
0x11c: {  	p1 =	por $0x0, $0x0;
	s0 =	simm.s32 $0x1;
	v7 =	vor.u32 $0x180, v5;
	v2 =	vld [tilespmem:s6+$0x180]  }
0x11d: {  	s0 =	simm.s32 @!p1 $0x0;
	v4 =	vld [tilespmem:s28+$0x100]  }
0x11e: {  	s0 =	sshll.u32 s0, $0x6;
	[tilespmem:v55+s3+$0x0] =	vst.idx.add.f32.msk $0xffff, v10  }
0x11f: {  	s0 =	sadd.s32 $0x0, s0;
	v8 =	vor.u32 $0x100, v3;
	[tilespmem:v56+s3+$0x0] =	vst.idx.add.f32.msk $0xffff, v11  }
0x120: {  	s30 =	sadd.s32 $0x30, s0;
	v9 =	vld [tilespmem:s7+$0x180]  }
0x121: {  	s31 =	sor.u32 $0x200, s30;
	v57 =	vor.u32 $0x180, v6;
	[tilespmem:v7+s3+$0x0] =	vst.idx.add.f32.msk $0xffff, v2  }
0x122: {  	v7 =	vor.u32 $0x200, v5;
	v2 =	vld [tilespmem:s31+$0x15900]  }
0x123: {  	v11 =	vld [tilespmem:s1+$0x180]  }
0x124: {  	v58 =	vor.u32 $0x180, v1;
	[tilespmem:v8+s3+$0x0] =	vst.idx.add.f32.msk $0xffff, v4  }
0x125: {  	v8 =	vld [tilespmem:s28+$0x180]  }
0x126: {  	v4 =	vor.u32 $0x180, v3;
	[tilespmem:v57+s3+$0x0] =	vst.idx.add.f32.msk $0xffff, v9  }
0x127: {  	s9 =	sor.u32 $0x280, s30;
	[tilespmem:v7+s3+$0x0] =	vst.idx.add.f32.msk $0xffff, v2  }
0x128: {  	v7 =	vor.u32 $0x280, v5;
	v2 =	vld [tilespmem:s9+$0x15900]  }
0x129: {  	s18 =	sor.u32 $0x200, s0;
	[tilespmem:v58+s3+$0x0] =	vst.idx.add.f32.msk $0xffff, v11  }
0x12a: {  	s10 =	sadd.s32 $0x10, s0;
	v11 =	vld [tilespmem:s18+$0x15900]  }
0x12b: {  	s12 =	sor.u32 $0x200, s10;
	v60 =	vor.u32 $0x200, v1;
	[tilespmem:v4+s3+$0x0] =	vst.idx.add.f32.msk $0xffff, v8  }
0x12c: {  	v4 =	vld [tilespmem:s12+$0x15900]  }
0x12d: {  	s13 =	sor.u32 $0x300, s30;
	s14 =	sadd.s32 $0x20, s0;
	v8 =	vor.u32 $0x200, v3;
	[tilespmem:v7+s3+$0x0] =	vst.idx.add.f32.msk $0xffff, v2  }
0x12e: {  	s17 =	sor.u32 $0x200, s14;
	v7 =	vor.u32 $0x300, v5;
	v2 =	vld [tilespmem:s13+$0x15900]  }
0x12f: {  	v10 =	vld [tilespmem:s17+$0x15900]  }
0x130: {  	s26 =	sor.u32 $0x280, s0;
	v59 =	vor.u32 $0x200, v6;
	[tilespmem:v60+s3+$0x0] =	vst.idx.add.f32.msk $0xffff, v11  }
0x131: {  	v61 =	vld [tilespmem:s26+$0x15900]  }
0x132: {  	v62 =	vor.u32 $0x280, v1;
	[tilespmem:v8+s3+$0x0] =	vst.idx.add.f32.msk $0xffff, v4  }
0x133: {  	s24 =	sor.u32 $0x280, s10;
	[tilespmem:v7+s3+$0x0] =	vst.idx.add.f32.msk $0xffff, v2  }
0x134: {  	v4 =	vor.u32 $0x380, v5;
	v5 =	vor.u32 $0x280, v3;
	v7 =	vld [tilespmem:s24+$0x15900]  }
0x135: {  	s25 =	sor.u32 $0x280, s14;
	[tilespmem:v59+s3+$0x0] =	vst.idx.add.f32.msk $0xffff, v10  }
0x136: {  	v9 =	vld [tilespmem:s25+$0x15900];
	v8 =	vor.u32 $0x280, v6  }
0x137: {  	s23 =	sor.u32 $0x380, s30;
	[tilespmem:v62+s3+$0x0] =	vst.idx.add.f32.msk $0xffff, v61  }
0x138: {  	v2 =	vld [tilespmem:s23+$0x15900]  }
0x139: {  	s28 =	sor.u32 $0x300, s10;
	[tilespmem:v5+s3+$0x0] =	vst.idx.add.f32.msk $0xffff, v7  }
0x13a: {  	v63 =	vor.u32 $0x300, v3;
	v13 =	vld [tilespmem:s28+$0x15900]  }
0x13b: {  	s30 =	sor.u32 $0x300, s14;
	[tilespmem:v8+s3+$0x0] =	vst.idx.add.f32.msk $0xffff, v9  }
0x13c: {  	v7 =	vld [tilespmem:s30+$0x15900]  }
0x13d: {  	s0 =	sor.u32 $0x300, s0;
	s29 =	sor.u32 $0x380, s14;
	v5 =	vor.u32 $0x300, v6;
	[tilespmem:v4+s3+$0x0] =	vst.idx.add.f32.msk $0xffff, v2  }
0x13e: {  	s1 =	sor.u32 $0x380, s10;
	s31 =	sor.u32 s22, s22;
	s25 =	simm.s32 $0x40;
	v4 =	vld [tilespmem:s0+$0x15900]  }
0x13f: {  	s26 =	simm.s32 $0x142C0;
	v3 =	vor.u32 $0x380, v3;
	s24 =	simm.s32 $0x0;
	s23 =	sor.u32 $0x380, s31;
	v2 =	vor.u32 $0x380, v6;
	[tilespmem:v63+s3+$0x0] =	vst.idx.add.f32.msk $0xffff, v13  }
.LBB2_7:
0x140: {  	s0 =	sand.u32 $0x40, s25;
	s6 =	sand.u32 $0x380, s25;
	s24 =	sadd.s32 $0x4, s24;
	v6 =	vld [tilespmem:s1+$0x15900]  }
0x141: {  	v9 =	vor.u32 $0x300, v1;
	v8 =	vld [tilespmem:s26+$0x0];
	s1 =	sadd.s32 $0x14280, s6;
	s6 =	sor.u32 $0x30, s0;
	p2 =	slt.u32 s24, $0x24  }
0x142: {  	s7 =	sor.u32 $0x10, s0;
	s8 =	sor.u32 $0x20, s0;
	s9 =	sor.u32 s6, s1;
	[tilespmem:v5+s3+$0x0] =	vst.idx.add.f32.msk $0xffff, v7  }
0x143: {  	s10 =	sor.u32 s7, s1;
	s1 =	sor.u32 s8, s1;
	v5 =	vld [tilespmem:s9+$0x0]  }
0x144: {  	v7 =	vld [tilespmem:s10+$0x0]  }
0x145: {  	v10 =	vld [tilespmem:s1+$0x0]  }
0x146: {  	s22 =	sadd.s32 $0x200, s22;
	[tilespmem:v9+s3+$0x0] =	vst.idx.add.f32.msk $0xffff, v4  }
0x147: {  	s9 =	sor.u32 s22, s25;
	s1 =	sand.u32 $0x1C00, s22;
	v4 =	vshll.u32 v8, $0x3;
	v9 =	vld [tilespmem:s29+$0x15900]  }
0x148: {  	s1 =	sadd.s32 $0x15900, s1;
	v11 =	vand.u32 $0x7F, v8;
	v12 =	vand.u32 $0xFFFFFC00, v4;
	v8 =	vshll.u32 v5, $0x3;
	v4 =	vld [tilespmem:s23+$0x15900];
	s23 =	sor.u32 $0x380, s9  }
0x149: {  	s28 =	sor.u32 s0, s1;
	s30 =	sor.u32 s7, s1;
	s0 =	sor.u32 s6, s1;
	v5 =	vand.u32 $0x7F, v5;
	v13 =	vshll.u32 v7, $0x3;
	v8 =	vand.u32 $0xFFFFFC00, v8;
	[tilespmem:v3+s3+$0x0] =	vst.idx.add.f32.msk $0xffff, v6  }
0x14a: {  	s31 =	sor.u32 s8, s1;
	v3 =	vand.u32 $0xFFFFFC00, v13;
	v6 =	vshll.u32 v10, $0x3;
	v13 =	vld [tilespmem:s0+$0x0];
	v8 =	vor.u32 v5, v8  }
0x14b: {  	v5 =	vand.u32 $0x7F, v7;
	v10 =	vand.u32 $0x7F, v10;
	v14 =	vld [tilespmem:s28+$0x0];
	v6 =	vand.u32 $0xFFFFFC00, v6  }
0x14c: {  	v7 =	vor.u32 v11, v12;
	v3 =	vor.u32 v5, v3;
	v11 =	vld [tilespmem:s30+$0x0];
	v12 =	vor.u32 v10, v6  }
0x14d: {  	v15 =	vor.u32 $0x80, v3;
	v16 =	vor.u32 $0x100, v3;
	v17 =	vld [tilespmem:s31+$0x0];
	v18 =	vor.u32 $0x80, v12  }
0x14e: {  	v19 =	vor.u32 $0x180, v3;
	v20 =	vor.u32 $0x100, v12;
	v21 =	vor.u32 $0x180, v12;
	[tilespmem:v2+s3+$0x0] =	vst.idx.add.f32.msk $0xffff, v9  }
0x14f: {  	v22 =	vor.u32 $0x200, v3;
	v23 =	vor.u32 $0x200, v12;
	v9 =	vor.u32 $0x280, v3;
	[tilespmem:v8+s3+$0x0] =	vst.idx.add.f32.msk $0xffff, v13  }
0x150: {  	v24 =	vor.u32 $0x80, v8;
	v6 =	vor.u32 $0x300, v3;
	v10 =	vor.u32 $0x280, v12;
	v13 =	vld [tilespmem:s0+$0x80]  }
0x151: {  	v5 =	vor.u32 $0x300, v12;
	v2 =	vor.u32 $0x380, v12;
	[tilespmem:v3+s3+$0x0] =	vst.idx.add.f32.msk $0xffff, v11;
	v3 =	vor.u32 $0x380, v3  }
0x152: {  	[tilespmem:v12+s3+$0x0] =	vst.idx.add.f32.msk $0xffff, v17  }
0x153: {  	[tilespmem:v7+s3+$0x0] =	vst.idx.add.f32.msk $0xffff, v14  }
0x154: {  	v11 =	vld [tilespmem:s30+$0x80]  }
0x155: {  	[tilespmem:v24+s3+$0x0] =	vst.idx.add.f32.msk $0xffff, v13  }
0x156: {  	v13 =	vor.u32 $0x100, v8;
	v12 =	vld [tilespmem:s0+$0x100]  }
0x157: {  	v14 =	vld [tilespmem:s31+$0x80]  }
0x158: {  	v17 =	vld [tilespmem:s28+$0x80]  }
0x159: {  	v24 =	vor.u32 $0x80, v7;
	[tilespmem:v15+s3+$0x0] =	vst.idx.add.f32.msk $0xffff, v11  }
0x15a: {  	v11 =	vld [tilespmem:s30+$0x100]  }
0x15b: {  	[tilespmem:v13+s3+$0x0] =	vst.idx.add.f32.msk $0xffff, v12  }
0x15c: {  	p1 =	por !p1, !p1;
	v13 =	vor.u32 $0x180, v8;
	v12 =	vld [tilespmem:s0+$0x180];
	s0 =	simm.s32 $0x1  }
0x15d: {  	s0 =	simm.s32 @!p1 $0x0;
	[tilespmem:v18+s3+$0x0] =	vst.idx.add.f32.msk $0xffff, v14  }
0x15e: {  	s0 =	sshll.u32 s0, $0x6;
	[tilespmem:v24+s3+$0x0] =	vst.idx.add.f32.msk $0xffff, v17  }
0x15f: {  	s0 =	sadd.s32 s0, s22;
	v14 =	vld [tilespmem:s31+$0x100]  }
0x160: {  	v17 =	vor.u32 $0x100, v7;
	v15 =	vld [tilespmem:s28+$0x100];
	s1 =	sadd.s32 $0x10, s0;
	s6 =	sadd.s32 $0x20, s0;
	s10 =	sadd.s32 $0x30, s0  }
0x161: {  	s17 =	sor.u32 $0x200, s1;
	s18 =	sor.u32 $0x200, s6;
	[tilespmem:v13+s3+$0x0] =	vst.idx.add.f32.msk $0xffff, v12;
	s8 =	sor.u32 $0x200, s10  }
0x162: {  	s14 =	sor.u32 $0x200, s0;
	s9 =	sor.u32 $0x280, s1;
	s7 =	sor.u32 $0x280, s6;
	v13 =	vor.u32 $0x200, v8;
	v12 =	vld [tilespmem:s8+$0x15900]  }
0x163: {  	s13 =	sor.u32 $0x300, s1;
	s12 =	sor.u32 $0x300, s6;
	s8 =	sor.u32 $0x280, s0;
	[tilespmem:v16+s3+$0x0] =	vst.idx.add.f32.msk $0xffff, v11  }
0x164: {  	s1 =	sor.u32 $0x380, s1;
	s29 =	sor.u32 $0x380, s6;
	s0 =	sor.u32 $0x300, s0;
	[tilespmem:v20+s3+$0x0] =	vst.idx.add.f32.msk $0xffff, v14  }
0x165: {  	[tilespmem:v17+s3+$0x0] =	vst.idx.add.f32.msk $0xffff, v15  }
0x166: {  	v11 =	vld [tilespmem:s30+$0x180]  }
0x167: {  	s6 =	sor.u32 $0x280, s10;
	[tilespmem:v13+s3+$0x0] =	vst.idx.add.f32.msk $0xffff, v12  }
0x168: {  	v13 =	vor.u32 $0x280, v8;
	v12 =	vld [tilespmem:s6+$0x15900]  }
0x169: {  	v14 =	vld [tilespmem:s31+$0x180]  }
0x16a: {  	v15 =	vld [tilespmem:s28+$0x180]  }
0x16b: {  	v16 =	vor.u32 $0x180, v7;
	[tilespmem:v19+s3+$0x0] =	vst.idx.add.f32.msk $0xffff, v11  }
0x16c: {  	v11 =	vld [tilespmem:s17+$0x15900]  }
0x16d: {  	s6 =	sor.u32 $0x300, s10;
	[tilespmem:v13+s3+$0x0] =	vst.idx.add.f32.msk $0xffff, v12  }
0x16e: {  	v13 =	vor.u32 $0x300, v8;
	v12 =	vld [tilespmem:s6+$0x15900]  }
0x16f: {  	[tilespmem:v21+s3+$0x0] =	vst.idx.add.f32.msk $0xffff, v14  }
0x170: {  	[tilespmem:v16+s3+$0x0] =	vst.idx.add.f32.msk $0xffff, v15  }
0x171: {  	v14 =	vld [tilespmem:s18+$0x15900]  }
0x172: {  	v16 =	vor.u32 $0x200, v7;
	v15 =	vld [tilespmem:s14+$0x15900]  }
0x173: {  	s6 =	sor.u32 $0x380, s10;
	[tilespmem:v13+s3+$0x0] =	vst.idx.add.f32.msk $0xffff, v12  }
0x174: {  	v8 =	vor.u32 $0x380, v8;
	v12 =	vld [tilespmem:s6+$0x15900]  }
0x175: {  	[tilespmem:v22+s3+$0x0] =	vst.idx.add.f32.msk $0xffff, v11  }
0x176: {  	[tilespmem:v23+s3+$0x0] =	vst.idx.add.f32.msk $0xffff, v14  }
0x177: {  	v11 =	vor.u32 $0x380, v1;
	v1 =	vmov v7;
	[tilespmem:v16+s3+$0x0] =	vst.idx.add.f32.msk $0xffff, v15  }
0x178: {  	v7 =	vld [tilespmem:s9+$0x15900]  }
0x179: {  	[tilespmem:v8+s3+$0x0] =	vst.idx.add.f32.msk $0xffff, v12  }
0x17a: {  	v8 =	vld [tilespmem:s7+$0x15900]  }
0x17b: {  	v13 =	vor.u32 $0x280, v1;
	v12 =	vld [tilespmem:s8+$0x15900]  }
0x17c: {  	[tilespmem:v11+s3+$0x0] =	vst.idx.add.f32.msk $0xffff, v4  }
0x17d: {  	[tilespmem:v9+s3+$0x0] =	vst.idx.add.f32.msk $0xffff, v7  }
0x17e: {  	v9 =	vld [tilespmem:s13+$0x15900]  }
.Ltmp4:
0x17f: {  	[tilespmem:v10+s3+$0x0] =	vst.idx.add.f32.msk $0xffff, v8;
	(pc) =	sbr.rel @p2 .LBB2_7-.Ltmp4, $4  }
0x180: {  	[tilespmem:v13+s3+$0x0] =	vst.idx.add.f32.msk $0xffff, v12  }
0x181: {  	v7 =	vld [tilespmem:s12+$0x15900]  }
0x182: {  	v4 =	vld [tilespmem:s0+$0x15900]  }
0x183: {  	s26 =	sadd.s32 $0x40, s26;
	s25 =	sadd.s32 $0x40, s25;
	[tilespmem:v6+s3+$0x0] =	vst.idx.add.f32.msk $0xffff, v9  }
0x184: {  	_ = 	snop  }
0x185: {  	v6 =	vor.u32 $0x300, v1;
	_ =	sdelay $0x1  }
0x186: {  	v8 =	vld [tilespmem:s1+$0x15900]  }
0x187: {  	[tilespmem:v5+s3+$0x0] =	vst.idx.add.f32.msk $0xffff, v7  }
0x188: {  	v62 =	vld [tilespmem:s29+$0x15900]  }
0x189: {  	[tilespmem:v6+s3+$0x0] =	vst.idx.add.f32.msk $0xffff, v4  }
0x18a: {  	v1 =	vor.u32 $0x380, v1;
	v63 =	vld [tilespmem:s23+$0x15900]  }
.Ltmp5:
0x18b: {  	_ = 	snop;
	(pc) =	sbr.rel @p0 .LBB2_10-.Ltmp5, $4  }
0x18c: {  	_ = 	snop  }
0x18d: {  	[tilespmem:v3+s3+$0x0] =	vst.idx.add.f32.msk $0xffff, v8  }
0x18e: {  	[tilespmem:v2+s3+$0x0] =	vst.idx.add.f32.msk $0xffff, v62  }
0x18f: {  	[tilespmem:v1+s3+$0x0] =	vst.idx.add.f32.msk $0xffff, v63  }
0x190: {  	s0 =	sadd.s32 $0x3, s21  }
0x191: {  	s1 =	smul.u32 $0x50, s0  }
0x192: {  	s0 =	smul.u32 $0x1400, s0  }
0x193: {  	s6 =	simm.s32 $0x14280  }
.Ltmp6:
0x194: {  	s1 =	sadd.s32 s5, s1;
	s0 =	sadd.s32 s4, s0;
	(pc) =	sbr.rel .LBB2_4-.Ltmp6, $4  }
0x195: {  	[tilespmem:s6], [sflag:$0x2] =	stream.linear.gather [hbm4b:s1+s3], $0x280, $0x38;
	[tilespmem:$0x16D00] =	vst v63  }
0x196: {  	s0 =	sshrl.u32 s0, $0x3  }
0x197: {  	s20 =	sadd.s32 $0x1, s20;
	s0 =	sadd.s32 s2, s0  }
0x198: {  	[tilespmem:s15], [sflag:$0x2] =	stream.linear.gather [hbm4b:s0+s3], $0x1400, $0x38;
	[tilespmem:$0x16D00] =	vst v63  }
.LBB2_11:
0x199: {  	_ =	sfence.sel $0x180000  }
0x19a: {  	[bflag:$0x0] =	sbarrier.arrive $0xFFFF  }
0x19b: {  	_ =	strace $0x9000004D  }
0x19c: {  	s0 =	stileid.u32;
	[bflag:$0x2] =	sbarrier.arrive $0xFFFF  }
0x19d: {  	p0 =	sne.s32 s0, $0x0;
	s0 =	rddreg [dreg:$0x2]  }
0x19e: {  	s0 =	sadd.s32 @!p0 $0x100000, s0  }
0x19f: {  	[sflag:s0] =	ssyncadd.tile.s32 @!p0 $0x1;
	_ =	shalt  }
.Lfunc_end2:
_tile_overlayer_lowered:
.L_overlay_start_2:
0x1a0: {  	(tag) =	ssettag $0x2  }
0x1a1: {  	s0 =	rddreg [dreg:$0x0];
	s2 =	stileid.u32  }
0x1a2: {  	s1 =	rddreg [dreg:$0x1];
	p0 =	sne.s32 s2, $0x0  }
0x1a3: {  	s3 =	rddreg [dreg:$0x2];
	[bflag:$0x3] =	sbarrier.arrive $0xFFFF;
	s2 =	simm.s32 @!p0 $0x1C03  }
0x1a4: {  	[timem:s3], [sflag:s2] =	dma.local @!p0 [hbm:s0], s1  }
0x1a5: {  	s0 =	simm.s32 @!p0 $0x3  }
0x1a6: {  	_ =	swait.ge @!p0 [sflag:s0], s1  }
0x1a7: {  	s1 =	ssub.s32 @!p0 $0x0, s1;
	[sflag:s0] =	ssyncset.done @!p0 $0x0  }
0x1a8: {  	[sflag:s0] =	ssyncadd.s32 @!p0 s1  }
0x1a9: {  	[bflag:$0x3] =	sbarrier.arrive $0xFFFF  }
0x1aa: {  	_ =	shalt  }

// kernel: kernel.22.cloned.1.call-start
scs
__scs_entry_jumppad:
0x0: {  	(pc) =	sbr.rel $0x88, $3  }
0x1: {  	(tag) =	ssettag $0x0;
	lr =	simm.s32 $0x1  }
0x2: {  	[smem:$0x3F9A] =	sst lr;
	_ =	strace $0xD0000000  }
0x3: {  	_ = 	snop  }
0x4: {  	_ = 	snop  }
0x5: {  	_ = 	snop  }
0x6: {  	_ = 	snop  }
0x7: {  	_ = 	snop  }
__scs_overlays_trampoline_lowered:
0x8: {  	[smem:$0x3FA9] =	sst s0  }
0x9: {  	[smem:$0x3FAA] =	sst s1  }
0xa: {  	[smem:$0x3FAB] =	sst s2  }
0xb: {  	[smem:$0x3FAC] =	sst s3  }
0xc: {  	[smem:$0x3FAD] =	sst s4  }
0xd: {  	[smem:$0x3FAE] =	sst s5  }
0xe: {  	[smem:$0x3FAF] =	sst s6  }
0xf: {  	[smem:$0x3FB0] =	sst s7  }
0x10: {  	[smem:$0x3FB1] =	sst s8  }
0x11: {  	[smem:$0x3FB2] =	sst s9;
	s0 =	simm.s32 @!p0 $0x0  }
0x12: {  	s1 =	sld [smem:$0x3F98];
	s0 =	simm.s32 @p0 $0x1  }
0x13: {  	[smem:$0x3FB3] =	sst s0;
	s0 =	simm.s32 @!p1 $0x0  }
0x14: {  	s2 =	sld [smem:$0x3F97];
	s0 =	simm.s32 @p1 $0x1  }
0x15: {  	[smem:$0x3FB4] =	sst s0;
	s0 =	simm.s32 @!p2 $0x0  }
0x16: {  	s3 =	sld [smem:$0x3FDB];
	s0 =	simm.s32 @p2 $0x1  }
0x17: {  	s4 =	simm.s32 $0x1BF5;
	[smem:$0x3FB6] =	sst s0  }
0x18: {  	s0 =	sld [smem:$0x3F99];
	_ =	swait.ge [sflag:s4], $0x0  }
0x19: {  	s7 =	sld [smem:$0x3F9A]  }
0x1a: {  	s8 =	sadd.s32 $0xFFFFE003, lr  }
0x1b: {  	s9 =	sadd.s32 $0xFFFFFEF7, lr;
	s5 =	simm.s32 $0xFFFFFFFF;
	p2 =	slt.u32 s8, $0xFFFFF086  }
0x1c: {  	p1 =	slt.u32 s9, $0xF7A;
	s5 =	simm.s32 @!p2 $0x0  }
0x1d: {  	s5 =	simm.s32 @p1 $0x1;
	p0 =	seq.s32 s7, s2  }
0x1e: {  	s7 =	smul.u32 @!p0 $0xF7A, s2;
	p2 =	seq.s32 @!p0 s5, $0x0  }
0x1f: {  	s9 =	smul.u32 $0xF7A, s1;
	s8 =	simm.s32 @!p0 $0x1BF5;
	p2 =	por !p2, p0  }
0x20: {  	[sflag:s8] =	ssyncset.s32 @!p0 $0xFFFFF086;
	s6 =	sadd.s32 @!p0 s3, s7;
	s7 =	simm.s32 @!p0 $0x108  }
0x21: {  	s3 =	sadd.s32 s3, s9;
	s6 =	sadd.s32 @!p0 $0x88, s6;
	s7 =	simm.s32 @p2 $0x1082  }
0x22: {  	[simem:s7], [sflag:s8] =	dma.local @!p0 [hbm:s6], $0xF7A  }
0x23: {  	s9 =	sor.u32 $0xD0000000, s2;
	s6 =	simm.s32 $0x108;
	_ =	swait.ge @!p0 [sflag:s8], $0x0  }
0x24: {  	s3 =	sadd.s32 $0x88, s3;
	s6 =	simm.s32 @!p1 $0x1082;
	[sflag:s4] =	ssyncset.s32 $0xFFFFF086  }
0x25: {  	[simem:s6], [sflag:s4] =	dma.local [hbm:s3], $0xF7A  }
0x26: {  	[smem:$0x3F9A] =	sst s1;
	(tag) =	ssettag s2;
	_ =	strace s9  }
0x27: {  	s1 =	sld [smem:$0x3FAA]  }
0x28: {  	s2 =	sld [smem:$0x3FAB]  }
0x29: {  	s4 =	sld [smem:$0x3FAD]  }
0x2a: {  	p0 =	seq.s32 s5, $0x0;
	s5 =	sld [smem:$0x3FAE]  }
0x2b: {  	s6 =	sld [smem:$0x3FAF]  }
0x2c: {  	s7 =	sld [smem:$0x3FB0]  }
0x2d: {  	s3 =	simm.s32 $0x108;
	s8 =	sld [smem:$0x3FB1]  }
0x2e: {  	s3 =	simm.s32 @!p0 $0x1082;
	s9 =	sld [smem:$0x3FB2]  }
0x2f: {  	lr =	sadd.s32 s0, s3;
	s0 =	sld [smem:$0x3FA9]  }
0x30: {  	s3 =	sld [smem:$0x3FAC]  }
0x31: {  	[smem:$0x3FB5] =	sst s10  }
0x32: {  	s10 =	sld [smem:$0x3FB3];
	_ =	sdelay $0x3  }
0x33: {  	p0 =	seq.s32 s10, $0x1;
	s10 =	sld [smem:$0x3FB5];
	_ =	sdelay $0x3  }
0x34: {  	[smem:$0x3FB5] =	sst s10  }
0x35: {  	s10 =	sld [smem:$0x3FB4];
	_ =	sdelay $0x3  }
0x36: {  	p1 =	seq.s32 s10, $0x1;
	s10 =	sld [smem:$0x3FB5];
	_ =	sdelay $0x3  }
0x37: {  	[smem:$0x3FB5] =	sst s10  }
0x38: {  	s10 =	sld [smem:$0x3FB6]  }
0x39: {  	_ = 	snop;
	(pc) =	sbr.ind lr, $3  }
0x3a: {  	_ = 	snop  }
0x3b: {  	_ = 	snop  }
0x3c: {  	p2 =	seq.s32 s10, $0x1;
	s10 =	sld [smem:$0x3FB5]  }
0x3d: {  	_ =	shalt  }
0x3e: {  	_ =	shalt  }
0x3f: {  	_ =	shalt  }
0x40: {  	_ =	shalt  }
0x41: {  	_ =	shalt  }
0x42: {  	_ =	shalt  }
0x43: {  	_ =	shalt  }
0x44: {  	_ =	shalt  }
0x45: {  	_ =	shalt  }
0x46: {  	_ =	shalt  }
0x47: {  	_ =	shalt  }
0x48: {  	_ =	shalt  }
0x49: {  	_ =	shalt  }
0x4a: {  	_ =	shalt  }
0x4b: {  	_ =	shalt  }
0x4c: {  	_ =	shalt  }
0x4d: {  	_ =	shalt  }
0x4e: {  	_ =	shalt  }
0x4f: {  	_ =	shalt  }
0x50: {  	_ =	shalt  }
0x51: {  	_ =	shalt  }
0x52: {  	_ =	shalt  }
0x53: {  	_ =	shalt  }
0x54: {  	_ =	shalt  }
0x55: {  	_ =	shalt  }
0x56: {  	_ =	shalt  }
0x57: {  	_ =	shalt  }
0x58: {  	_ =	shalt  }
0x59: {  	_ =	shalt  }
0x5a: {  	_ =	shalt  }
0x5b: {  	_ =	shalt  }
0x5c: {  	_ =	shalt  }
0x5d: {  	_ =	shalt  }
0x5e: {  	_ =	shalt  }
0x5f: {  	_ =	shalt  }
0x60: {  	_ =	shalt  }
0x61: {  	_ =	shalt  }
0x62: {  	_ =	shalt  }
0x63: {  	_ =	shalt  }
0x64: {  	_ =	shalt  }
0x65: {  	_ =	shalt  }
0x66: {  	_ =	shalt  }
0x67: {  	_ =	shalt  }
0x68: {  	_ =	shalt  }
0x69: {  	_ =	shalt  }
0x6a: {  	_ =	shalt  }
0x6b: {  	_ =	shalt  }
0x6c: {  	_ =	shalt  }
0x6d: {  	_ =	shalt  }
0x6e: {  	_ =	shalt  }
0x6f: {  	_ =	shalt  }
0x70: {  	_ =	shalt  }
0x71: {  	_ =	shalt  }
0x72: {  	_ =	shalt  }
0x73: {  	_ =	shalt  }
0x74: {  	_ =	shalt  }
0x75: {  	_ =	shalt  }
0x76: {  	_ =	shalt  }
0x77: {  	_ =	shalt  }
0x78: {  	_ =	shalt  }
0x79: {  	_ =	shalt  }
0x7a: {  	_ =	shalt  }
0x7b: {  	_ =	shalt  }
0x7c: {  	_ =	shalt  }
0x7d: {  	_ =	shalt  }
0x7e: {  	_ =	shalt  }
0x7f: {  	_ =	shalt  }
0x80: {  	_ =	shalt  }
0x81: {  	_ =	shalt  }
0x82: {  	_ =	shalt  }
0x83: {  	_ =	shalt  }
0x84: {  	_ =	shalt  }
0x85: {  	_ =	shalt  }
0x86: {  	_ =	shalt  }
0x87: {  	_ =	shalt  }
.Lfunc_end0:
.L_simem_size_0:
called_computation.3_lowered:
.L_overlay_start_0:
0x88: {  	s2 =	sld [smem:$0x3FD9]  }
0x89: {  	s3 =	sld [smem:$0x3FFE];
	_ =	sdelay $0x1  }
0x8a: {  	s1 =	srdreg.scid  }
0x8b: {  	s0 =	sand.u32 $0x1, s1  }
0x8c: {  	s14 =	sshll.u32 s0, $0xA;
	s2 =	sadd.s32 s3, s2  }
0x8d: {  	s2 =	sadd.s32 s2, s14  }
0x8e: {  	[smem:$0x3FC1] =	sst s2  }
0x8f: {  	_ = 	snop  }
0x90: {  	s2 =	sld [smem:$0x3FD0];
	_ =	sdelay $0x2  }
0x91: {  	s15 =	simm.s32 $0xB;
	s4 =	simm.s32 $0x10  }
0x92: {  	[smem:s4], [sflag:s15] =	dma.local [hbm:s2], $0x1  }
0x93: {  	_ =	swait.eq [sflag:s15], $0x1  }
0x94: {  	[sflag:s15] =	ssyncset.done $0x0  }
0x95: {  	[sflag:s15] =	ssyncadd.s32 $0xFFFFFFFF  }
0x96: {  	s16 =	sld [smem:$0x11];
	(tm) =	ssettm $0x1  }
0x97: {  	s17 =	sld [smem:$0x3FFB];
	_ =	sdelay $0x3  }
0x98: {  	_ =	strace s17  }
0x99: {  	s3 =	sld [smem:$0x3FFC];
	_ =	sdelay $0x3  }
0x9a: {  	_ =	strace s3  }
0x9b: {  	s3 =	sld [smem:$0x3FFD];
	_ =	sdelay $0x3  }
0x9c: {  	_ =	strace s3  }
0x9d: {  	_ =	strace $0x8FFFFFFF  }
0x9e: {  	s18 =	sld [smem:$0x3FDB];
	_ =	sdelay $0x1  }
0x9f: {  	s19 =	simm.s32 $_scs_section_size  }
0xa0: {  	s5 =	simm.s32 $_size__tile_overlayer_lowered;
	s6 =	simm.s32 $_tile_overlayer_lowered  }
0xa1: {  	s22 =	simm.s32 $0x1BFF;
	s21 =	sshll.u32 s6, $0x1;
	s3 =	sadd.s32 s19, s18  }
0xa2: {  	s7 =	simm.s32 $0x0;
	s20 =	sshll.u32 s5, $0x1;
	s5 =	sadd.s32 s21, s3  }
0xa3: {  	[timem:s7], [sflag:s22] =	dma.local [hbm:s5], s20  }
0xa4: {  	_ =	swait.ge [sflag:s22], s20  }
0xa5: {  	s4 =	ssub.s32 $0x0, s20;
	[sflag:s22] =	ssyncset.done $0x0  }
0xa6: {  	[sflag:s22] =	ssyncadd.s32 s4;
	_ =	sdelay $0x1  }
0xa7: {  	s23 =	simm.s32 $0x1B8B  }
0xa8: {  	_ =	swait.ge [sflag:s23], $0x1  }
0xa9: {  	[sflag:s23] =	ssyncset.done $0x0  }
0xaa: {  	s25 =	simm.s32 $0x1B8E;
	s24 =	sld [smem:$0x3FFE];
	[sflag:s23] =	ssyncadd.s32 $0xFFFFFFFF  }
0xab: {  	s26 =	simm.s32 $execute0_lowered;
	[smem:$0x3FD2] =	sst s25  }
0xac: {  	s5 =	sshll.u32 s26, $0x1;
	_ =	strace $0x8000004F;
	[dreg:$0x1] =	wrdreg $0xFFFFFFFF  }
0xad: {  	s28 =	simm.s32 $_size_execute0_lowered;
	s3 =	sadd.s32 s3, s5;
	[dreg:$0x0] =	wrdreg $0x0  }
0xae: {  	s5 =	sshll.u32 s28, $0x1;
	[dreg:$0x2] =	wrdreg s3  }
0xaf: {  	[dreg:$0x3] =	wrdreg s5  }
0xb0: {  	[dreg:$0x4] =	wrdreg $0xC0  }
0xb1: {  	_ =	task [dreg:s7], $0x5FFFF  }
0xb2: {  	[dreg:$0x1] =	wrdreg $0xFFFFFFFF  }
0xb3: {  	[dreg:$0x0] =	wrdreg $0x60  }
0xb4: {  	[dreg:$0x2] =	wrdreg s16  }
0xb5: {  	[dreg:$0x3] =	wrdreg s24  }
0xb6: {  	[dreg:$0x4] =	wrdreg $0x9  }
0xb7: {  	_ =	task.clear_ibuf [dreg:s7], $0x5FFFF;
	_ =	strace $0x9000004F  }
0xb8: {  	s29 =	simm.s32 $0x9;
	_ =	strace $0x80000051  }
0xb9: {  	_ =	swait.ge [sflag:s29], $0x1  }
0xba: {  	[sflag:s29] =	ssyncadd.s32 $0xFFFFFFFF  }
0xbb: {  	_ =	strace $0x90000051  }
0xbc: {  	_ =	sfence  }
0xbd: {  	s30 =	sld [smem:$0x0];
	_ =	sdelay $0x2  }
0xbe: {  	s31 =	sshll.u32 s1, $0xD;
	s1 =	sshrl.u32 s1, $0x2  }
0xbf: {  	s3 =	sand.u32 $0x4000, s31;
	s1 =	sadd.s32 s1, s30  }
0xc0: {  	s0 =	sor.u32 s3, s0;
	s1 =	sshll.u32 s1, $0x11  }
0xc1: {  	s0 =	sor.u32 s1, s0  }
0xc2: {  	s0 =	sadd.s32 $0x8F2B, s0  }
0xc3: {  	[sflag:s0] =	ssyncadd.remote.s32 $0x1  }
0xc4: {  	_ =	sfence.sel $0xFFFF  }
0xc5: {  	[dreg:$0x0] =	wrdreg $0xFFFFFFFF;
	(pc) =	sbr.abs _section_cstart, $3  }
0xc6: {  	[dreg:$0x1] =	wrdreg $0xFFFFFFFF  }
0xc7: {  	_ =	task.clear_ibuf [dreg:s7], $0x2FFFF;
	_ =	strace $0x9FFFFFFF  }
0xc8: {  	(tm) =	ssettm $0x7FFFFFFF  }
0xc9: {  	_ =	shalt  }
tec
execute0_lowered:
.L_overlay_start_1:
0x0: {  	(tag) =	ssettag $0x1  }
0x1: {  	s0 =	srdreg.scid;
	s2 =	rddreg [dreg:$0x0]  }
0x2: {  	s9 =	stileid.u32;
	s4 =	rddreg [dreg:$0x1]  }
0x3: {  	s3 =	simm.s32 $0x0;
	s11 =	simm.s32 $0x3;
	s13 =	simm.s32 $0x2800  }
0x4: {  	s14 =	simm.s32 $0xF800;
	s28 =	simm.s32 $0x15800;
	s29 =	simm.s32 $0x16000  }
0x5: {  	s30 =	simm.s32 $0x16800;
	s31 =	simm.s32 $0x17000;
	s12 =	simm.s32 $0x18800  }
0x6: {  	s15 =	simm.s32 $0x1B800;
	s16 =	simm.s32 $0x1C000;
	s17 =	simm.s32 $0x1  }
0x7: {  	s18 =	simm.s32 $0x2;
	s20 =	simm.s32 $0x0;
	s0 =	sand.u32 $0x1, s0  }
0x8: {  	s1 =	sshll.u32 s9, $0x1;
	[smem:$0x7FF] =	sst s3;
	s22 =	smul.u32 $0x4E200, s9  }
0x9: {  	s1 =	sor.u32 s0, s1;
	s6 =	ssub.s32 $0x2, s0;
	s0 =	smul.u32 $0x27100, s0  }
0xa: {  	s8 =	sadd.s32 $0xE000, s4;
	_ =	strace $0x80000050;
	s5 =	smul.u32 $0x1388, s1  }
0xb: {  	s7 =	sshrl.u32 s6, $0x1;
	s1 =	smul.u32 $0x138800, s1;
	s26 =	sadd.s32 s22, s8  }
0xc: {  	s6 =	ssub.s32 s6, s7;
	s10 =	sadd.s32 s0, s26;
	s26 =	simm.s32 $0x9000  }
0xd: {  	s7 =	simm.s32 $0x1A800;
	s5 =	sshrl.u32 s5, $0x3;
	s1 =	sshrl.u32 s1, $0x3  }
0xe: {  	s25 =	smax.u32 s6, $0x1;
	s6 =	simm.s32 $0x1A000;
	s5 =	sadd.s32 s5, s4  }
0xf: {  	s4 =	sadd.s32 $0x4F0000, s4;
	s1 =	sadd.s32 $0x27000, s1;
	[dreg:$0x7] =	wrdreg s25  }
0x10: {  	s25 =	simm.s32 $0x15000;
	s21 =	sadd.s32 $0x9000, s5;
	s5 =	sadd.s32 $0x4000, s5  }
.Ltmp0:
0x11: {  	s23 =	sadd.s32 s8, s1;
	[dreg:$0x3] =	wrdreg s21;
	(pc) =	sbr.rel .LBB2_1-.Ltmp0, $4  }
0x12: {  	s1 =	sadd.s32 s4, s1;
	s24 =	sadd.s32 s22, s4;
	[dreg:$0x4] =	wrdreg s5  }
0x13: {  	v2 =	vlaneseq.u32;
	s4 =	simm.s32 $0x19000;
	s8 =	simm.s32 $0x1B000;
	[dreg:$0x5] =	wrdreg s23  }
0x14: {  	vm0 =	vmmov $0xffff;
	v1 =	vshrl.u32 v2, $0x3;
	[dreg:$0x6] =	wrdreg s1;
	s9 =	sadd.s32 s0, s24;
	s24 =	simm.s32 $0x10000  }
0x15: {  	v0 =	vand.u32 $0x7, v2;
	v2 =	vor.u32 $0x8, v2;
	v1 =	vmul.u32 $0x8, v1;
	s1 =	simm.s32 $0x17800;
	s0 =	simm.s32 $0x18000;
	s5 =	simm.s32 $0x19800  }
.LBB2_5:
0x16: {  	v3 =	vld.msk [tilespmem:$0x1380], $0xff;
	_ =	sdelay $0x4  }
0x17: {  	v4 =	vshll.u32 v3, $0x1  }
0x18: {  	v3 =	vand.u32 $0x7, v3;
	v4 =	vand.u32 $0xFFFFFFF0, v4  }
0x19: {  	v3 =	vor.u32 v3, v4  }
0x1a: {  	v3 =	vperm.xlane v3, v0;
	_ =	sdelay $0x1  }
0x1b: {  	v3 =	vadd.s32 v1, v3;
	_ =	sdelay $0x3  }
0x1c: {  	s20 =	simm.s32 $0x1C800  }
0x1d: {  	[tilespmem:s20], [sflag:$0x1] =	stream.indirect_vreg.gather [hbm4b:s2+s3], $0x80, v3, vm0, $0xb8;
	[tilespmem:$0x1D800] =	vst v63  }
0x1e: {  	v3 =	vld.msk [tilespmem:$0x2780], $0xff;
	_ =	sdelay $0x4  }
0x1f: {  	v63 =	vshll.u32 v3, $0x1  }
0x20: {  	v3 =	vand.u32 $0x7, v3;
	v4 =	vand.u32 $0xFFFFFFF0, v63  }
0x21: {  	v3 =	vor.u32 v3, v4  }
0x22: {  	v3 =	vperm.xlane v3, v0;
	_ =	sdelay $0x1  }
0x23: {  	v3 =	vadd.s32 v1, v3;
	_ =	sdelay $0x3  }
0x24: {  	s21 =	simm.s32 $0x1D000  }
0x25: {  	[tilespmem:s21], [sflag:$0x1] =	stream.indirect_vreg.gather [hbm4b:s2+s3], $0x80, v3, vm0, $0xb8;
	[tilespmem:$0x1D800] =	vst v63  }
0x26: {  	_ =	swait.ge [sflag:s17], $0x800  }
0x27: {  	[sflag:s17] =	ssyncset.done $0x0  }
0x28: {  	[sflag:s17] =	ssyncadd.s32 $0xFFFFF800  }
0x29: {  	_ =	swait.ge [sflag:s17], $0x800  }
0x2a: {  	[sflag:s17] =	ssyncset.done $0x0  }
0x2b: {  	s19 =	rddreg [dreg:$0x5];
	[sflag:s17] =	ssyncadd.s32 $0xFFFFF800  }
0x2c: {  	[hbm4b:s19+s3] =	stream.linear.scatter [tilespmem:s20], [sflag:$0x3], $0x800, $0x38;
	[tilespmem:$0x1D800] =	vst v63  }
0x2d: {  	_ =	swait.ge [sflag:s11], $0x800  }
0x2e: {  	[sflag:s11] =	ssyncset.done $0x0  }
0x2f: {  	s20 =	rddreg [dreg:$0x6];
	[sflag:s11] =	ssyncadd.s32 $0xFFFFF800  }
0x30: {  	[hbm4b:s20+s3] =	stream.linear.scatter [tilespmem:s21], [sflag:$0x3], $0x800, $0x38;
	[tilespmem:$0x1D800] =	vst v63  }
0x31: {  	_ =	swait.ge [sflag:s11], $0x800  }
0x32: {  	s22 =	rddreg [dreg:$0x8]  }
0x33: {  	s23 =	rddreg [dreg:$0x7];
	s20 =	sadd.s32 $0x1, s22  }
0x34: {  	p0 =	sne.s32 s20, s23  }
.Ltmp1:
0x35: {  	_ = 	snop;
	(pc) =	sbr.rel @!p0 .LBB2_6-.Ltmp1, $3  }
0x36: {  	_ =	sdelay $0x1  }
0x37: {  	[sflag:s11] =	ssyncset.done $0x0  }
0x38: {  	[sflag:s11] =	ssyncadd.s32 $0xFFFFF800  }
.LBB2_1:
0x39: {  	[dreg:$0x8] =	wrdreg s20  }
0x3a: {  	s19 =	rddreg [dreg:$0x3]  }
0x3b: {  	[tilespmem:s3], [sflag:$0x3] =	stream.linear.gather [hbm4b:s19+s3], $0x1388, $0x38;
	[tilespmem:$0x1D800] =	vst v63  }
0x3c: {  	_ =	swait.ge [sflag:s11], $0x1388  }
0x3d: {  	[sflag:s11] =	ssyncset.done $0x0  }
0x3e: {  	s23 =	simm.s32 $0x1400;
	s22 =	rddreg [dreg:$0x4];
	[sflag:s11] =	ssyncadd.s32 $0xFFFFEC78  }
0x3f: {  	[tilespmem:s23], [sflag:$0x3] =	stream.linear.gather [hbm4b:s22+s3], $0x1388, $0x38;
	[tilespmem:$0x1D800] =	vst v63  }
0x40: {  	_ =	swait.ge [sflag:s11], $0x1388  }
0x41: {  	[sflag:s11] =	ssyncset.done $0x0  }
0x42: {  	[sflag:s11] =	ssyncadd.s32 $0xFFFFEC78  }
0x43: {  	v3 =	vld [tilespmem:$0x0];
	_ =	sdelay $0x4  }
0x44: {  	v4 =	vshll.u32 v3, $0x1  }
0x45: {  	v3 =	vand.u32 $0x7, v3;
	v4 =	vand.u32 $0xFFFFFFF0, v4  }
0x46: {  	v3 =	vor.u32 v3, v4  }
0x47: {  	v4 =	vperm.xlane v3, v0;
	_ =	sdelay $0x1  }
0x48: {  	v3 =	vperm.xlane v3, v2;
	v4 =	vadd.s32 v1, v4;
	_ =	sdelay $0x1  }
0x49: {  	v3 =	vadd.s32 v1, v3;
	_ =	sdelay $0x2  }
0x4a: {  	[tilespmem:s13], [sflag:$0x1] =	stream.indirect_vreg.gather [hbm4b:s2+s3], $0x80, v4, vm0, $0xb8;
	[tilespmem:$0x1D800] =	vst v63  }
0x4b: {  	s20 =	simm.s32 $0x3000  }
0x4c: {  	[tilespmem:s20], [sflag:$0x1] =	stream.indirect_vreg.gather [hbm4b:s2+s3], $0x80, v3, vm0, $0xb8;
	[tilespmem:$0x1D800] =	vst v63  }
0x4d: {  	v3 =	vld [tilespmem:$0x10];
	_ =	sdelay $0x4  }
0x4e: {  	v51 =	vshll.u32 v3, $0x1  }
0x4f: {  	v3 =	vand.u32 $0x7, v3;
	v4 =	vand.u32 $0xFFFFFFF0, v51  }
0x50: {  	v3 =	vor.u32 v3, v4  }
0x51: {  	v4 =	vperm.xlane v3, v0;
	_ =	sdelay $0x1  }
0x52: {  	v3 =	vperm.xlane v3, v2;
	v4 =	vadd.s32 v1, v4;
	_ =	sdelay $0x1  }
0x53: {  	v3 =	vadd.s32 v1, v3;
	_ =	sdelay $0x1  }
0x54: {  	s21 =	simm.s32 $0x3800  }
0x55: {  	[tilespmem:s21], [sflag:$0x1] =	stream.indirect_vreg.gather [hbm4b:s2+s3], $0x80, v4, vm0, $0xb8;
	[tilespmem:$0x1D800] =	vst v63  }
0x56: {  	s22 =	simm.s32 $0x4000  }
0x57: {  	[tilespmem:s22], [sflag:$0x1] =	stream.indirect_vreg.gather [hbm4b:s2+s3], $0x80, v3, vm0, $0xb8;
	[tilespmem:$0x1D800] =	vst v63  }
0x58: {  	v3 =	vld [tilespmem:$0x20];
	_ =	sdelay $0x4  }
0x59: {  	v52 =	vshll.u32 v3, $0x1  }
0x5a: {  	v3 =	vand.u32 $0x7, v3;
	v4 =	vand.u32 $0xFFFFFFF0, v52  }
0x5b: {  	v3 =	vor.u32 v3, v4  }
0x5c: {  	v4 =	vperm.xlane v3, v0;
	_ =	sdelay $0x1  }
0x5d: {  	v3 =	vperm.xlane v3, v2;
	v4 =	vadd.s32 v1, v4;
	_ =	sdelay $0x1  }
0x5e: {  	v3 =	vadd.s32 v1, v3;
	_ =	sdelay $0x1  }
0x5f: {  	s23 =	simm.s32 $0x4800  }
0x60: {  	[tilespmem:s23], [sflag:$0x1] =	stream.indirect_vreg.gather [hbm4b:s2+s3], $0x80, v4, vm0, $0xb8;
	[tilespmem:$0x1D800] =	vst v63  }
0x61: {  	s20 =	simm.s32 $0x5000  }
0x62: {  	[tilespmem:s20], [sflag:$0x1] =	stream.indirect_vreg.gather [hbm4b:s2+s3], $0x80, v3, vm0, $0xb8;
	[tilespmem:$0x1D800] =	vst v63  }
0x63: {  	v3 =	vld [tilespmem:$0x30];
	_ =	sdelay $0x4  }
0x64: {  	v53 =	vshll.u32 v3, $0x1  }
0x65: {  	v3 =	vand.u32 $0x7, v3;
	v4 =	vand.u32 $0xFFFFFFF0, v53  }
0x66: {  	v3 =	vor.u32 v3, v4  }
0x67: {  	v4 =	vperm.xlane v3, v0;
	_ =	sdelay $0x1  }
0x68: {  	v3 =	vperm.xlane v3, v2;
	v4 =	vadd.s32 v1, v4;
	_ =	sdelay $0x1  }
0x69: {  	v3 =	vadd.s32 v1, v3;
	_ =	sdelay $0x1  }
0x6a: {  	s21 =	simm.s32 $0x5800  }
0x6b: {  	[tilespmem:s21], [sflag:$0x1] =	stream.indirect_vreg.gather [hbm4b:s2+s3], $0x80, v4, vm0, $0xb8;
	[tilespmem:$0x1D800] =	vst v63  }
0x6c: {  	s22 =	simm.s32 $0x6000  }
0x6d: {  	[tilespmem:s22], [sflag:$0x1] =	stream.indirect_vreg.gather [hbm4b:s2+s3], $0x80, v3, vm0, $0xb8;
	[tilespmem:$0x1D800] =	vst v63  }
0x6e: {  	v3 =	vld [tilespmem:$0x40];
	_ =	sdelay $0x4  }
0x6f: {  	v54 =	vshll.u32 v3, $0x1  }
0x70: {  	v3 =	vand.u32 $0x7, v3;
	v4 =	vand.u32 $0xFFFFFFF0, v54  }
0x71: {  	v3 =	vor.u32 v3, v4  }
0x72: {  	v4 =	vperm.xlane v3, v0;
	_ =	sdelay $0x1  }
0x73: {  	v3 =	vperm.xlane v3, v2;
	v4 =	vadd.s32 v1, v4;
	_ =	sdelay $0x1  }
0x74: {  	v3 =	vadd.s32 v1, v3;
	_ =	sdelay $0x1  }
0x75: {  	s23 =	simm.s32 $0x6800  }
0x76: {  	[tilespmem:s23], [sflag:$0x1] =	stream.indirect_vreg.gather [hbm4b:s2+s3], $0x80, v4, vm0, $0xb8;
	[tilespmem:$0x1D800] =	vst v63  }
0x77: {  	s20 =	simm.s32 $0x7000  }
0x78: {  	[tilespmem:s20], [sflag:$0x1] =	stream.indirect_vreg.gather [hbm4b:s2+s3], $0x80, v3, vm0, $0xb8;
	[tilespmem:$0x1D800] =	vst v63  }
0x79: {  	v3 =	vld [tilespmem:$0x50];
	_ =	sdelay $0x4  }
0x7a: {  	v55 =	vshll.u32 v3, $0x1  }
0x7b: {  	v3 =	vand.u32 $0x7, v3;
	v4 =	vand.u32 $0xFFFFFFF0, v55  }
0x7c: {  	v3 =	vor.u32 v3, v4  }
0x7d: {  	v4 =	vperm.xlane v3, v0;
	_ =	sdelay $0x1  }
0x7e: {  	v3 =	vperm.xlane v3, v2;
	v4 =	vadd.s32 v1, v4;
	_ =	sdelay $0x1  }
0x7f: {  	v3 =	vadd.s32 v1, v3;
	_ =	sdelay $0x1  }
0x80: {  	s21 =	simm.s32 $0x7800  }
0x81: {  	[tilespmem:s21], [sflag:$0x1] =	stream.indirect_vreg.gather [hbm4b:s2+s3], $0x80, v4, vm0, $0xb8;
	[tilespmem:$0x1D800] =	vst v63  }
0x82: {  	s22 =	simm.s32 $0x8000  }
0x83: {  	[tilespmem:s22], [sflag:$0x1] =	stream.indirect_vreg.gather [hbm4b:s2+s3], $0x80, v3, vm0, $0xb8;
	[tilespmem:$0x1D800] =	vst v63  }
0x84: {  	v3 =	vld.msk [tilespmem:$0x60], $0xff;
	_ =	sdelay $0x4  }
0x85: {  	v56 =	vshll.u32 v3, $0x1  }
0x86: {  	v3 =	vand.u32 $0x7, v3;
	v4 =	vand.u32 $0xFFFFFFF0, v56  }
0x87: {  	v3 =	vor.u32 v3, v4  }
0x88: {  	v3 =	vperm.xlane v3, v0;
	_ =	sdelay $0x1  }
0x89: {  	v3 =	vadd.s32 v1, v3;
	_ =	sdelay $0x3  }
0x8a: {  	s23 =	simm.s32 $0x8800  }
0x8b: {  	[tilespmem:s23], [sflag:$0x1] =	stream.indirect_vreg.gather [hbm4b:s2+s3], $0x80, v3, vm0, $0xb8;
	[tilespmem:$0x1D800] =	vst v63  }
0x8c: {  	v3 =	vld [tilespmem:$0x1400];
	_ =	sdelay $0x4  }
0x8d: {  	v57 =	vshll.u32 v3, $0x1  }
0x8e: {  	v3 =	vand.u32 $0x7, v3;
	v4 =	vand.u32 $0xFFFFFFF0, v57  }
0x8f: {  	v3 =	vor.u32 v3, v4  }
0x90: {  	v4 =	vperm.xlane v3, v0;
	_ =	sdelay $0x1  }
0x91: {  	v3 =	vperm.xlane v3, v2;
	v4 =	vadd.s32 v1, v4;
	_ =	sdelay $0x1  }
0x92: {  	v3 =	vadd.s32 v1, v3;
	_ =	sdelay $0x2  }
0x93: {  	[tilespmem:s26], [sflag:$0x1] =	stream.indirect_vreg.gather [hbm4b:s2+s3], $0x80, v4, vm0, $0xb8;
	[tilespmem:$0x1D800] =	vst v63  }
0x94: {  	s20 =	simm.s32 $0x9800  }
0x95: {  	[tilespmem:s20], [sflag:$0x1] =	stream.indirect_vreg.gather [hbm4b:s2+s3], $0x80, v3, vm0, $0xb8;
	[tilespmem:$0x1D800] =	vst v63  }
0x96: {  	v3 =	vld [tilespmem:$0x1410];
	_ =	sdelay $0x4  }
0x97: {  	v58 =	vshll.u32 v3, $0x1  }
0x98: {  	v3 =	vand.u32 $0x7, v3;
	v4 =	vand.u32 $0xFFFFFFF0, v58  }
0x99: {  	v3 =	vor.u32 v3, v4  }
0x9a: {  	v4 =	vperm.xlane v3, v0;
	_ =	sdelay $0x1  }
0x9b: {  	v3 =	vperm.xlane v3, v2;
	v4 =	vadd.s32 v1, v4;
	_ =	sdelay $0x1  }
0x9c: {  	v3 =	vadd.s32 v1, v3;
	_ =	sdelay $0x1  }
0x9d: {  	s21 =	simm.s32 $0xA000  }
0x9e: {  	[tilespmem:s21], [sflag:$0x1] =	stream.indirect_vreg.gather [hbm4b:s2+s3], $0x80, v4, vm0, $0xb8;
	[tilespmem:$0x1D800] =	vst v63  }
0x9f: {  	s22 =	simm.s32 $0xA800  }
0xa0: {  	[tilespmem:s22], [sflag:$0x1] =	stream.indirect_vreg.gather [hbm4b:s2+s3], $0x80, v3, vm0, $0xb8;
	[tilespmem:$0x1D800] =	vst v63  }
0xa1: {  	v3 =	vld [tilespmem:$0x1420];
	_ =	sdelay $0x4  }
0xa2: {  	v59 =	vshll.u32 v3, $0x1  }
0xa3: {  	v3 =	vand.u32 $0x7, v3;
	v4 =	vand.u32 $0xFFFFFFF0, v59  }
0xa4: {  	v3 =	vor.u32 v3, v4  }
0xa5: {  	v4 =	vperm.xlane v3, v0;
	_ =	sdelay $0x1  }
0xa6: {  	v3 =	vperm.xlane v3, v2;
	v4 =	vadd.s32 v1, v4;
	_ =	sdelay $0x1  }
0xa7: {  	v3 =	vadd.s32 v1, v3;
	_ =	sdelay $0x1  }
0xa8: {  	s23 =	simm.s32 $0xB000  }
0xa9: {  	[tilespmem:s23], [sflag:$0x1] =	stream.indirect_vreg.gather [hbm4b:s2+s3], $0x80, v4, vm0, $0xb8;
	[tilespmem:$0x1D800] =	vst v63  }
0xaa: {  	s20 =	simm.s32 $0xB800  }
0xab: {  	[tilespmem:s20], [sflag:$0x1] =	stream.indirect_vreg.gather [hbm4b:s2+s3], $0x80, v3, vm0, $0xb8;
	[tilespmem:$0x1D800] =	vst v63  }
0xac: {  	v3 =	vld [tilespmem:$0x1430];
	_ =	sdelay $0x4  }
0xad: {  	v60 =	vshll.u32 v3, $0x1  }
0xae: {  	v3 =	vand.u32 $0x7, v3;
	v4 =	vand.u32 $0xFFFFFFF0, v60  }
0xaf: {  	v3 =	vor.u32 v3, v4  }
0xb0: {  	v4 =	vperm.xlane v3, v0;
	_ =	sdelay $0x1  }
0xb1: {  	v3 =	vperm.xlane v3, v2;
	v4 =	vadd.s32 v1, v4;
	_ =	sdelay $0x1  }
0xb2: {  	v3 =	vadd.s32 v1, v3;
	_ =	sdelay $0x1  }
0xb3: {  	s21 =	simm.s32 $0xC000  }
0xb4: {  	[tilespmem:s21], [sflag:$0x1] =	stream.indirect_vreg.gather [hbm4b:s2+s3], $0x80, v4, vm0, $0xb8;
	[tilespmem:$0x1D800] =	vst v63  }
0xb5: {  	s22 =	simm.s32 $0xC800  }
0xb6: {  	[tilespmem:s22], [sflag:$0x1] =	stream.indirect_vreg.gather [hbm4b:s2+s3], $0x80, v3, vm0, $0xb8;
	[tilespmem:$0x1D800] =	vst v63  }
0xb7: {  	v3 =	vld [tilespmem:$0x1440];
	_ =	sdelay $0x4  }
0xb8: {  	v61 =	vshll.u32 v3, $0x1  }
0xb9: {  	v3 =	vand.u32 $0x7, v3;
	v4 =	vand.u32 $0xFFFFFFF0, v61  }
0xba: {  	v3 =	vor.u32 v3, v4  }
0xbb: {  	v4 =	vperm.xlane v3, v0;
	_ =	sdelay $0x1  }
0xbc: {  	v3 =	vperm.xlane v3, v2;
	v4 =	vadd.s32 v1, v4;
	_ =	sdelay $0x1  }
0xbd: {  	v3 =	vadd.s32 v1, v3;
	_ =	sdelay $0x1  }
0xbe: {  	s23 =	simm.s32 $0xD000  }
0xbf: {  	[tilespmem:s23], [sflag:$0x1] =	stream.indirect_vreg.gather [hbm4b:s2+s3], $0x80, v4, vm0, $0xb8;
	[tilespmem:$0x1D800] =	vst v63  }
0xc0: {  	s20 =	simm.s32 $0xD800  }
0xc1: {  	[tilespmem:s20], [sflag:$0x1] =	stream.indirect_vreg.gather [hbm4b:s2+s3], $0x80, v3, vm0, $0xb8;
	[tilespmem:$0x1D800] =	vst v63  }
0xc2: {  	v3 =	vld [tilespmem:$0x1450];
	_ =	sdelay $0x4  }
0xc3: {  	v62 =	vshll.u32 v3, $0x1  }
0xc4: {  	v3 =	vand.u32 $0x7, v3;
	v4 =	vand.u32 $0xFFFFFFF0, v62  }
0xc5: {  	v3 =	vor.u32 v3, v4  }
0xc6: {  	v4 =	vperm.xlane v3, v0;
	_ =	sdelay $0x1  }
0xc7: {  	v3 =	vperm.xlane v3, v2;
	v4 =	vadd.s32 v1, v4;
	_ =	sdelay $0x1  }
0xc8: {  	v3 =	vadd.s32 v1, v3;
	_ =	sdelay $0x1  }
0xc9: {  	s21 =	simm.s32 $0xE000  }
0xca: {  	[tilespmem:s21], [sflag:$0x1] =	stream.indirect_vreg.gather [hbm4b:s2+s3], $0x80, v4, vm0, $0xb8;
	[tilespmem:$0x1D800] =	vst v63  }
0xcb: {  	s22 =	simm.s32 $0xE800  }
0xcc: {  	[tilespmem:s22], [sflag:$0x1] =	stream.indirect_vreg.gather [hbm4b:s2+s3], $0x80, v3, vm0, $0xb8;
	[tilespmem:$0x1D800] =	vst v63  }
0xcd: {  	v3 =	vld.msk [tilespmem:$0x1460], $0xff;
	_ =	sdelay $0x4  }
0xce: {  	v63 =	vshll.u32 v3, $0x1  }
0xcf: {  	v3 =	vand.u32 $0x7, v3;
	v4 =	vand.u32 $0xFFFFFFF0, v63  }
0xd0: {  	v3 =	vor.u32 v3, v4  }
0xd1: {  	v3 =	vperm.xlane v3, v0;
	_ =	sdelay $0x1  }
0xd2: {  	v3 =	vadd.s32 v1, v3  }
.Ltmp2:
0xd3: {  	_ = 	snop;
	(pc) =	sbr.rel .LBB2_2-.Ltmp2, $4  }
0xd4: {  	_ = 	snop  }
0xd5: {  	s19 =	simm.s32 $0x98  }
0xd6: {  	s23 =	simm.s32 $0xF000;
	s20 =	simm.s32 $0x1498;
	s21 =	simm.s32 $0x0  }
0xd7: {  	[tilespmem:s23], [sflag:$0x1] =	stream.indirect_vreg.gather [hbm4b:s2+s3], $0x80, v3, vm0, $0xb8;
	[tilespmem:$0x1D800] =	vst v63  }
.LBB2_4:
0xd8: {  	_ =	swait.ge [sflag:s18], $0x6800  }
0xd9: {  	[sflag:s18] =	ssyncset.done $0x0  }
0xda: {  	[sflag:s18] =	ssyncadd.s32 $0xFFFF9800  }
0xdb: {  	_ =	swait.ge [sflag:s18], $0x6800  }
0xdc: {  	[sflag:s18] =	ssyncset.done $0x0  }
0xdd: {  	s22 =	sadd.s32 $0xD00, s22;
	[sflag:s18] =	ssyncadd.s32 $0xFFFF9800  }
0xde: {  	[hbm4b:s22+s3] =	stream.linear.scatter [tilespmem:s14], [sflag:$0x3], $0x6800, $0x38;
	[tilespmem:$0x1D800] =	vst v63  }
0xdf: {  	s21 =	sadd.s32 $0x1A00, s21;
	_ =	swait.ge [sflag:s11], $0x6800  }
0xe0: {  	p0 =	sne.s32 s21, $0x27000;
	[sflag:s11] =	ssyncset.done $0x0  }
.Ltmp3:
0xe1: {  	s23 =	sadd.s32 $0xD00, s23;
	[sflag:s11] =	ssyncadd.s32 $0xFFFF9800;
	(pc) =	sbr.rel @!p0 .LBB2_5-.Ltmp3, $4  }
0xe2: {  	[hbm4b:s23+s3] =	stream.linear.scatter [tilespmem:s29], [sflag:$0x3], $0x6800, $0x38;
	[tilespmem:$0x1D800] =	vst v63  }
0xe3: {  	_ =	swait.ge [sflag:s11], $0x6800  }
0xe4: {  	[sflag:s11] =	ssyncset.done $0x0  }
0xe5: {  	s19 =	sadd.s32 $0xD0, s19;
	s20 =	sadd.s32 $0xD0, s20;
	[sflag:s11] =	ssyncadd.s32 $0xFFFF9800  }
.LBB2_2:
0xe6: {  	v3 =	vld [tilespmem:s19+$0xFFFFFFD0];
	_ =	sdelay $0x4  }
0xe7: {  	v4 =	vshll.u32 v3, $0x1  }
0xe8: {  	v3 =	vand.u32 $0x7, v3;
	v4 =	vand.u32 $0xFFFFFFF0, v4  }
0xe9: {  	v3 =	vor.u32 v3, v4  }
0xea: {  	v4 =	vperm.xlane v3, v0;
	_ =	sdelay $0x1  }
0xeb: {  	v3 =	vperm.xlane v3, v2;
	v4 =	vadd.s32 v1, v4;
	_ =	sdelay $0x1  }
0xec: {  	v3 =	vadd.s32 v1, v3;
	_ =	sdelay $0x2  }
0xed: {  	[tilespmem:s14], [sflag:$0x2] =	stream.indirect_vreg.gather [hbm4b:s2+s3], $0x80, v4, vm0, $0xb8;
	[tilespmem:$0x1D800] =	vst v63  }
0xee: {  	_ = 	snop  }
0xef: {  	[tilespmem:s24], [sflag:$0x2] =	stream.indirect_vreg.gather [hbm4b:s2+s3], $0x80, v3, vm0, $0xb8;
	[tilespmem:$0x1D800] =	vst v63  }
0xf0: {  	v3 =	vld [tilespmem:s19+$0xFFFFFFE0];
	_ =	sdelay $0x4  }
0xf1: {  	v51 =	vshll.u32 v3, $0x1  }
0xf2: {  	v3 =	vand.u32 $0x7, v3;
	v4 =	vand.u32 $0xFFFFFFF0, v51  }
0xf3: {  	v3 =	vor.u32 v3, v4  }
0xf4: {  	v4 =	vperm.xlane v3, v0;
	_ =	sdelay $0x1  }
0xf5: {  	v3 =	vperm.xlane v3, v2;
	v4 =	vadd.s32 v1, v4;
	_ =	sdelay $0x1  }
0xf6: {  	v3 =	vadd.s32 v1, v3;
	_ =	sdelay $0x1  }
0xf7: {  	s22 =	simm.s32 $0x10800  }
0xf8: {  	[tilespmem:s22], [sflag:$0x2] =	stream.indirect_vreg.gather [hbm4b:s2+s3], $0x80, v4, vm0, $0xb8;
	[tilespmem:$0x1D800] =	vst v63  }
0xf9: {  	s23 =	simm.s32 $0x11000  }
0xfa: {  	[tilespmem:s23], [sflag:$0x2] =	stream.indirect_vreg.gather [hbm4b:s2+s3], $0x80, v3, vm0, $0xb8;
	[tilespmem:$0x1D800] =	vst v63  }
0xfb: {  	v3 =	vld [tilespmem:s19+$0xFFFFFFF0];
	_ =	sdelay $0x4  }
0xfc: {  	v52 =	vshll.u32 v3, $0x1  }
0xfd: {  	v3 =	vand.u32 $0x7, v3;
	v4 =	vand.u32 $0xFFFFFFF0, v52  }
0xfe: {  	v3 =	vor.u32 v3, v4  }
0xff: {  	v4 =	vperm.xlane v3, v0;
	_ =	sdelay $0x1  }
0x100: {  	v3 =	vperm.xlane v3, v2;
	v4 =	vadd.s32 v1, v4;
	_ =	sdelay $0x1  }
0x101: {  	v3 =	vadd.s32 v1, v3;
	_ =	sdelay $0x1  }
0x102: {  	s23 =	simm.s32 $0x11800  }
0x103: {  	[tilespmem:s23], [sflag:$0x2] =	stream.indirect_vreg.gather [hbm4b:s2+s3], $0x80, v4, vm0, $0xb8;
	[tilespmem:$0x1D800] =	vst v63  }
0x104: {  	s23 =	simm.s32 $0x12000  }
0x105: {  	[tilespmem:s23], [sflag:$0x2] =	stream.indirect_vreg.gather [hbm4b:s2+s3], $0x80, v3, vm0, $0xb8;
	[tilespmem:$0x1D800] =	vst v63  }
0x106: {  	v3 =	vld [tilespmem:s19+$0x0];
	_ =	sdelay $0x4  }
0x107: {  	v53 =	vshll.u32 v3, $0x1  }
0x108: {  	v3 =	vand.u32 $0x7, v3;
	v4 =	vand.u32 $0xFFFFFFF0, v53  }
0x109: {  	v3 =	vor.u32 v3, v4  }
0x10a: {  	v4 =	vperm.xlane v3, v0;
	_ =	sdelay $0x1  }
0x10b: {  	v3 =	vperm.xlane v3, v2;
	v4 =	vadd.s32 v1, v4;
	_ =	sdelay $0x1  }
0x10c: {  	v3 =	vadd.s32 v1, v3;
	_ =	sdelay $0x1  }
0x10d: {  	s23 =	simm.s32 $0x12800  }
0x10e: {  	[tilespmem:s23], [sflag:$0x2] =	stream.indirect_vreg.gather [hbm4b:s2+s3], $0x80, v4, vm0, $0xb8;
	[tilespmem:$0x1D800] =	vst v63  }
0x10f: {  	s23 =	simm.s32 $0x13000  }
0x110: {  	[tilespmem:s23], [sflag:$0x2] =	stream.indirect_vreg.gather [hbm4b:s2+s3], $0x80, v3, vm0, $0xb8;
	[tilespmem:$0x1D800] =	vst v63  }
0x111: {  	v3 =	vld [tilespmem:s19+$0x10];
	_ =	sdelay $0x4  }
0x112: {  	v54 =	vshll.u32 v3, $0x1  }
0x113: {  	v3 =	vand.u32 $0x7, v3;
	v4 =	vand.u32 $0xFFFFFFF0, v54  }
0x114: {  	v3 =	vor.u32 v3, v4  }
0x115: {  	v4 =	vperm.xlane v3, v0;
	_ =	sdelay $0x1  }
0x116: {  	v3 =	vperm.xlane v3, v2;
	v4 =	vadd.s32 v1, v4;
	_ =	sdelay $0x1  }
0x117: {  	v3 =	vadd.s32 v1, v3;
	_ =	sdelay $0x1  }
0x118: {  	s23 =	simm.s32 $0x13800  }
0x119: {  	[tilespmem:s23], [sflag:$0x2] =	stream.indirect_vreg.gather [hbm4b:s2+s3], $0x80, v4, vm0, $0xb8;
	[tilespmem:$0x1D800] =	vst v63  }
0x11a: {  	s23 =	simm.s32 $0x14000  }
0x11b: {  	[tilespmem:s23], [sflag:$0x2] =	stream.indirect_vreg.gather [hbm4b:s2+s3], $0x80, v3, vm0, $0xb8;
	[tilespmem:$0x1D800] =	vst v63  }
0x11c: {  	v3 =	vld [tilespmem:s19+$0x20];
	_ =	sdelay $0x4  }
0x11d: {  	v55 =	vshll.u32 v3, $0x1  }
0x11e: {  	v3 =	vand.u32 $0x7, v3;
	v4 =	vand.u32 $0xFFFFFFF0, v55  }
0x11f: {  	v3 =	vor.u32 v3, v4  }
0x120: {  	v4 =	vperm.xlane v3, v0;
	_ =	sdelay $0x1  }
0x121: {  	v3 =	vperm.xlane v3, v2;
	v4 =	vadd.s32 v1, v4;
	_ =	sdelay $0x1  }
0x122: {  	v3 =	vadd.s32 v1, v3;
	_ =	sdelay $0x1  }
0x123: {  	s23 =	simm.s32 $0x14800  }
0x124: {  	[tilespmem:s23], [sflag:$0x2] =	stream.indirect_vreg.gather [hbm4b:s2+s3], $0x80, v4, vm0, $0xb8;
	[tilespmem:$0x1D800] =	vst v63  }
0x125: {  	_ = 	snop  }
0x126: {  	[tilespmem:s25], [sflag:$0x2] =	stream.indirect_vreg.gather [hbm4b:s2+s3], $0x80, v3, vm0, $0xb8;
	[tilespmem:$0x1D800] =	vst v63  }
0x127: {  	v3 =	vld.msk [tilespmem:s19+$0x30], $0xff;
	_ =	sdelay $0x4  }
0x128: {  	v56 =	vshll.u32 v3, $0x1  }
0x129: {  	v3 =	vand.u32 $0x7, v3;
	v4 =	vand.u32 $0xFFFFFFF0, v56  }
0x12a: {  	v3 =	vor.u32 v3, v4  }
0x12b: {  	v3 =	vperm.xlane v3, v0;
	_ =	sdelay $0x1  }
0x12c: {  	v3 =	vadd.s32 v1, v3;
	_ =	sdelay $0x4  }
0x12d: {  	[tilespmem:s28], [sflag:$0x2] =	stream.indirect_vreg.gather [hbm4b:s2+s3], $0x80, v3, vm0, $0xb8;
	[tilespmem:$0x1D800] =	vst v63  }
0x12e: {  	v3 =	vld [tilespmem:s20+$0xFFFFFFD0];
	_ =	sdelay $0x4  }
0x12f: {  	v57 =	vshll.u32 v3, $0x1  }
0x130: {  	v3 =	vand.u32 $0x7, v3;
	v4 =	vand.u32 $0xFFFFFFF0, v57  }
0x131: {  	v3 =	vor.u32 v3, v4  }
0x132: {  	v4 =	vperm.xlane v3, v0;
	_ =	sdelay $0x1  }
0x133: {  	v3 =	vperm.xlane v3, v2;
	v4 =	vadd.s32 v1, v4;
	_ =	sdelay $0x1  }
0x134: {  	v3 =	vadd.s32 v1, v3;
	_ =	sdelay $0x2  }
0x135: {  	[tilespmem:s29], [sflag:$0x2] =	stream.indirect_vreg.gather [hbm4b:s2+s3], $0x80, v4, vm0, $0xb8;
	[tilespmem:$0x1D800] =	vst v63  }
0x136: {  	_ = 	snop  }
0x137: {  	[tilespmem:s30], [sflag:$0x2] =	stream.indirect_vreg.gather [hbm4b:s2+s3], $0x80, v3, vm0, $0xb8;
	[tilespmem:$0x1D800] =	vst v63  }
0x138: {  	v3 =	vld [tilespmem:s20+$0xFFFFFFE0];
	_ =	sdelay $0x4  }
0x139: {  	v58 =	vshll.u32 v3, $0x1  }
0x13a: {  	v3 =	vand.u32 $0x7, v3;
	v4 =	vand.u32 $0xFFFFFFF0, v58  }
0x13b: {  	v3 =	vor.u32 v3, v4  }
0x13c: {  	v4 =	vperm.xlane v3, v0;
	_ =	sdelay $0x1  }
0x13d: {  	v3 =	vperm.xlane v3, v2;
	v4 =	vadd.s32 v1, v4;
	_ =	sdelay $0x1  }
0x13e: {  	v3 =	vadd.s32 v1, v3;
	_ =	sdelay $0x2  }
0x13f: {  	[tilespmem:s31], [sflag:$0x2] =	stream.indirect_vreg.gather [hbm4b:s2+s3], $0x80, v4, vm0, $0xb8;
	[tilespmem:$0x1D800] =	vst v63  }
0x140: {  	_ = 	snop  }
0x141: {  	[tilespmem:s1], [sflag:$0x2] =	stream.indirect_vreg.gather [hbm4b:s2+s3], $0x80, v3, vm0, $0xb8;
	[tilespmem:$0x1D800] =	vst v63  }
0x142: {  	v3 =	vld [tilespmem:s20+$0xFFFFFFF0];
	_ =	sdelay $0x4  }
0x143: {  	v59 =	vshll.u32 v3, $0x1  }
0x144: {  	v3 =	vand.u32 $0x7, v3;
	v4 =	vand.u32 $0xFFFFFFF0, v59  }
0x145: {  	v3 =	vor.u32 v3, v4  }
0x146: {  	v4 =	vperm.xlane v3, v0;
	_ =	sdelay $0x1  }
0x147: {  	v3 =	vperm.xlane v3, v2;
	v4 =	vadd.s32 v1, v4;
	_ =	sdelay $0x1  }
0x148: {  	v3 =	vadd.s32 v1, v3;
	_ =	sdelay $0x2  }
0x149: {  	[tilespmem:s0], [sflag:$0x2] =	stream.indirect_vreg.gather [hbm4b:s2+s3], $0x80, v4, vm0, $0xb8;
	[tilespmem:$0x1D800] =	vst v63  }
0x14a: {  	_ = 	snop  }
0x14b: {  	[tilespmem:s12], [sflag:$0x2] =	stream.indirect_vreg.gather [hbm4b:s2+s3], $0x80, v3, vm0, $0xb8;
	[tilespmem:$0x1D800] =	vst v63  }
0x14c: {  	v3 =	vld [tilespmem:s20+$0x0];
	_ =	sdelay $0x4  }
0x14d: {  	v60 =	vshll.u32 v3, $0x1  }
0x14e: {  	v3 =	vand.u32 $0x7, v3;
	v4 =	vand.u32 $0xFFFFFFF0, v60  }
0x14f: {  	v3 =	vor.u32 v3, v4  }
0x150: {  	v4 =	vperm.xlane v3, v0;
	_ =	sdelay $0x1  }
0x151: {  	v3 =	vperm.xlane v3, v2;
	v4 =	vadd.s32 v1, v4;
	_ =	sdelay $0x1  }
0x152: {  	v3 =	vadd.s32 v1, v3;
	_ =	sdelay $0x2  }
0x153: {  	[tilespmem:s4], [sflag:$0x2] =	stream.indirect_vreg.gather [hbm4b:s2+s3], $0x80, v4, vm0, $0xb8;
	[tilespmem:$0x1D800] =	vst v63  }
0x154: {  	_ = 	snop  }
0x155: {  	[tilespmem:s5], [sflag:$0x2] =	stream.indirect_vreg.gather [hbm4b:s2+s3], $0x80, v3, vm0, $0xb8;
	[tilespmem:$0x1D800] =	vst v63  }
0x156: {  	v3 =	vld [tilespmem:s20+$0x10];
	_ =	sdelay $0x4  }
0x157: {  	v61 =	vshll.u32 v3, $0x1  }
0x158: {  	v3 =	vand.u32 $0x7, v3;
	v4 =	vand.u32 $0xFFFFFFF0, v61  }
0x159: {  	v3 =	vor.u32 v3, v4  }
0x15a: {  	v4 =	vperm.xlane v3, v0;
	_ =	sdelay $0x1  }
0x15b: {  	v3 =	vperm.xlane v3, v2;
	v4 =	vadd.s32 v1, v4;
	_ =	sdelay $0x1  }
0x15c: {  	v3 =	vadd.s32 v1, v3;
	_ =	sdelay $0x2  }
0x15d: {  	[tilespmem:s6], [sflag:$0x2] =	stream.indirect_vreg.gather [hbm4b:s2+s3], $0x80, v4, vm0, $0xb8;
	[tilespmem:$0x1D800] =	vst v63  }
0x15e: {  	_ = 	snop  }
0x15f: {  	[tilespmem:s7], [sflag:$0x2] =	stream.indirect_vreg.gather [hbm4b:s2+s3], $0x80, v3, vm0, $0xb8;
	[tilespmem:$0x1D800] =	vst v63  }
0x160: {  	v3 =	vld [tilespmem:s20+$0x20];
	_ =	sdelay $0x4  }
0x161: {  	v62 =	vshll.u32 v3, $0x1  }
0x162: {  	v3 =	vand.u32 $0x7, v3;
	v4 =	vand.u32 $0xFFFFFFF0, v62  }
0x163: {  	v3 =	vor.u32 v3, v4  }
0x164: {  	v4 =	vperm.xlane v3, v0;
	_ =	sdelay $0x1  }
0x165: {  	v3 =	vperm.xlane v3, v2;
	v4 =	vadd.s32 v1, v4;
	_ =	sdelay $0x1  }
0x166: {  	v3 =	vadd.s32 v1, v3;
	_ =	sdelay $0x2  }
0x167: {  	[tilespmem:s8], [sflag:$0x2] =	stream.indirect_vreg.gather [hbm4b:s2+s3], $0x80, v4, vm0, $0xb8;
	[tilespmem:$0x1D800] =	vst v63  }
0x168: {  	_ = 	snop  }
0x169: {  	[tilespmem:s15], [sflag:$0x2] =	stream.indirect_vreg.gather [hbm4b:s2+s3], $0x80, v3, vm0, $0xb8;
	[tilespmem:$0x1D800] =	vst v63  }
0x16a: {  	v3 =	vld.msk [tilespmem:s20+$0x30], $0xff;
	_ =	sdelay $0x4  }
0x16b: {  	v63 =	vshll.u32 v3, $0x1  }
0x16c: {  	v3 =	vand.u32 $0x7, v3;
	v4 =	vand.u32 $0xFFFFFFF0, v63  }
0x16d: {  	v3 =	vor.u32 v3, v4  }
0x16e: {  	v3 =	vperm.xlane v3, v0;
	_ =	sdelay $0x1  }
0x16f: {  	v3 =	vadd.s32 v1, v3;
	_ =	sdelay $0x4  }
0x170: {  	[tilespmem:s16], [sflag:$0x2] =	stream.indirect_vreg.gather [hbm4b:s2+s3], $0x80, v3, vm0, $0xb8;
	[tilespmem:$0x1D800] =	vst v63  }
0x171: {  	_ =	swait.ge [sflag:s17], $0x6800  }
0x172: {  	[sflag:s17] =	ssyncset.done $0x0  }
0x173: {  	[sflag:s17] =	ssyncadd.s32 $0xFFFF9800  }
0x174: {  	_ =	swait.ge [sflag:s17], $0x6800  }
0x175: {  	[sflag:s17] =	ssyncset.done $0x0  }
0x176: {  	s22 =	sadd.s32 s21, s10;
	[sflag:s17] =	ssyncadd.s32 $0xFFFF9800  }
0x177: {  	[hbm4b:s22+s3] =	stream.linear.scatter [tilespmem:s13], [sflag:$0x3], $0x6800, $0x38;
	[tilespmem:$0x1D800] =	vst v63  }
0x178: {  	_ =	swait.ge [sflag:s11], $0x6800  }
0x179: {  	p0 =	seq.s32 s21, $0x25600;
	[sflag:s11] =	ssyncset.done $0x0  }
.Ltmp4:
0x17a: {  	s23 =	sadd.s32 s21, s9;
	[sflag:s11] =	ssyncadd.s32 $0xFFFF9800;
	(pc) =	sbr.rel @p0 .LBB2_4-.Ltmp4, $4  }
0x17b: {  	[hbm4b:s23+s3] =	stream.linear.scatter [tilespmem:s26], [sflag:$0x3], $0x6800, $0x38;
	[tilespmem:$0x1D800] =	vst v63  }
0x17c: {  	_ =	swait.ge [sflag:s11], $0x6800  }
0x17d: {  	[sflag:s11] =	ssyncset.done $0x0  }
0x17e: {  	[sflag:s11] =	ssyncadd.s32 $0xFFFF9800  }
0x17f: {  	v3 =	vld [tilespmem:s19+$0x38];
	_ =	sdelay $0x4  }
0x180: {  	v4 =	vshll.u32 v3, $0x1  }
0x181: {  	v3 =	vand.u32 $0x7, v3;
	v4 =	vand.u32 $0xFFFFFFF0, v4  }
0x182: {  	v3 =	vor.u32 v3, v4  }
0x183: {  	v4 =	vperm.xlane v3, v0;
	_ =	sdelay $0x1  }
0x184: {  	v3 =	vperm.xlane v3, v2;
	v4 =	vadd.s32 v1, v4;
	_ =	sdelay $0x1  }
0x185: {  	v3 =	vadd.s32 v1, v3;
	_ =	sdelay $0x2  }
0x186: {  	[tilespmem:s13], [sflag:$0x1] =	stream.indirect_vreg.gather [hbm4b:s2+s3], $0x80, v4, vm0, $0xb8;
	[tilespmem:$0x1D800] =	vst v63  }
0x187: {  	s24 =	simm.s32 $0x3000  }
0x188: {  	[tilespmem:s24], [sflag:$0x1] =	stream.indirect_vreg.gather [hbm4b:s2+s3], $0x80, v3, vm0, $0xb8;
	[tilespmem:$0x1D800] =	vst v63  }
0x189: {  	v3 =	vld [tilespmem:s19+$0x48];
	_ =	sdelay $0x4  }
0x18a: {  	v51 =	vshll.u32 v3, $0x1  }
0x18b: {  	v3 =	vand.u32 $0x7, v3;
	v4 =	vand.u32 $0xFFFFFFF0, v51  }
0x18c: {  	v3 =	vor.u32 v3, v4  }
0x18d: {  	v4 =	vperm.xlane v3, v0;
	_ =	sdelay $0x1  }
0x18e: {  	v3 =	vperm.xlane v3, v2;
	v4 =	vadd.s32 v1, v4;
	_ =	sdelay $0x1  }
0x18f: {  	v3 =	vadd.s32 v1, v3;
	_ =	sdelay $0x1  }
0x190: {  	s24 =	simm.s32 $0x3800  }
0x191: {  	[tilespmem:s24], [sflag:$0x1] =	stream.indirect_vreg.gather [hbm4b:s2+s3], $0x80, v4, vm0, $0xb8;
	[tilespmem:$0x1D800] =	vst v63  }
0x192: {  	s24 =	simm.s32 $0x4000  }
0x193: {  	[tilespmem:s24], [sflag:$0x1] =	stream.indirect_vreg.gather [hbm4b:s2+s3], $0x80, v3, vm0, $0xb8;
	[tilespmem:$0x1D800] =	vst v63  }
0x194: {  	v3 =	vld [tilespmem:s19+$0x58];
	_ =	sdelay $0x4  }
0x195: {  	v52 =	vshll.u32 v3, $0x1  }
0x196: {  	v3 =	vand.u32 $0x7, v3;
	v4 =	vand.u32 $0xFFFFFFF0, v52  }
0x197: {  	v3 =	vor.u32 v3, v4  }
0x198: {  	v4 =	vperm.xlane v3, v0;
	_ =	sdelay $0x1  }
0x199: {  	v3 =	vperm.xlane v3, v2;
	v4 =	vadd.s32 v1, v4;
	_ =	sdelay $0x1  }
0x19a: {  	v3 =	vadd.s32 v1, v3;
	_ =	sdelay $0x1  }
0x19b: {  	s24 =	simm.s32 $0x4800  }
0x19c: {  	[tilespmem:s24], [sflag:$0x1] =	stream.indirect_vreg.gather [hbm4b:s2+s3], $0x80, v4, vm0, $0xb8;
	[tilespmem:$0x1D800] =	vst v63  }
0x19d: {  	s24 =	simm.s32 $0x5000  }
0x19e: {  	[tilespmem:s24], [sflag:$0x1] =	stream.indirect_vreg.gather [hbm4b:s2+s3], $0x80, v3, vm0, $0xb8;
	[tilespmem:$0x1D800] =	vst v63  }
0x19f: {  	v3 =	vld [tilespmem:s19+$0x68];
	_ =	sdelay $0x4  }
0x1a0: {  	v53 =	vshll.u32 v3, $0x1  }
0x1a1: {  	v3 =	vand.u32 $0x7, v3;
	v4 =	vand.u32 $0xFFFFFFF0, v53  }
0x1a2: {  	v3 =	vor.u32 v3, v4  }
0x1a3: {  	v4 =	vperm.xlane v3, v0;
	_ =	sdelay $0x1  }
0x1a4: {  	v3 =	vperm.xlane v3, v2;
	v4 =	vadd.s32 v1, v4;
	_ =	sdelay $0x1  }
0x1a5: {  	v3 =	vadd.s32 v1, v3;
	_ =	sdelay $0x1  }
0x1a6: {  	s24 =	simm.s32 $0x5800  }
0x1a7: {  	[tilespmem:s24], [sflag:$0x1] =	stream.indirect_vreg.gather [hbm4b:s2+s3], $0x80, v4, vm0, $0xb8;
	[tilespmem:$0x1D800] =	vst v63  }
0x1a8: {  	s24 =	simm.s32 $0x6000  }
0x1a9: {  	[tilespmem:s24], [sflag:$0x1] =	stream.indirect_vreg.gather [hbm4b:s2+s3], $0x80, v3, vm0, $0xb8;
	[tilespmem:$0x1D800] =	vst v63  }
0x1aa: {  	v3 =	vld [tilespmem:s19+$0x78];
	_ =	sdelay $0x4  }
0x1ab: {  	v54 =	vshll.u32 v3, $0x1  }
0x1ac: {  	v3 =	vand.u32 $0x7, v3;
	v4 =	vand.u32 $0xFFFFFFF0, v54  }
0x1ad: {  	v3 =	vor.u32 v3, v4  }
0x1ae: {  	v4 =	vperm.xlane v3, v0;
	_ =	sdelay $0x1  }
0x1af: {  	v3 =	vperm.xlane v3, v2;
	v4 =	vadd.s32 v1, v4;
	_ =	sdelay $0x1  }
0x1b0: {  	v3 =	vadd.s32 v1, v3;
	_ =	sdelay $0x1  }
0x1b1: {  	s24 =	simm.s32 $0x6800  }
0x1b2: {  	[tilespmem:s24], [sflag:$0x1] =	stream.indirect_vreg.gather [hbm4b:s2+s3], $0x80, v4, vm0, $0xb8;
	[tilespmem:$0x1D800] =	vst v63  }
0x1b3: {  	s24 =	simm.s32 $0x7000  }
0x1b4: {  	[tilespmem:s24], [sflag:$0x1] =	stream.indirect_vreg.gather [hbm4b:s2+s3], $0x80, v3, vm0, $0xb8;
	[tilespmem:$0x1D800] =	vst v63  }
0x1b5: {  	v3 =	vld [tilespmem:s19+$0x88];
	_ =	sdelay $0x4  }
0x1b6: {  	v55 =	vshll.u32 v3, $0x1  }
0x1b7: {  	v3 =	vand.u32 $0x7, v3;
	v4 =	vand.u32 $0xFFFFFFF0, v55  }
0x1b8: {  	v3 =	vor.u32 v3, v4  }
0x1b9: {  	v4 =	vperm.xlane v3, v0;
	_ =	sdelay $0x1  }
0x1ba: {  	v3 =	vperm.xlane v3, v2;
	v4 =	vadd.s32 v1, v4;
	_ =	sdelay $0x1  }
0x1bb: {  	v3 =	vadd.s32 v1, v3;
	_ =	sdelay $0x1  }
0x1bc: {  	s24 =	simm.s32 $0x7800  }
0x1bd: {  	[tilespmem:s24], [sflag:$0x1] =	stream.indirect_vreg.gather [hbm4b:s2+s3], $0x80, v4, vm0, $0xb8;
	[tilespmem:$0x1D800] =	vst v63  }
0x1be: {  	s24 =	simm.s32 $0x8000  }
0x1bf: {  	[tilespmem:s24], [sflag:$0x1] =	stream.indirect_vreg.gather [hbm4b:s2+s3], $0x80, v3, vm0, $0xb8;
	[tilespmem:$0x1D800] =	vst v63  }
0x1c0: {  	v3 =	vld.msk [tilespmem:s19+$0x98], $0xff;
	_ =	sdelay $0x4  }
0x1c1: {  	v56 =	vshll.u32 v3, $0x1  }
0x1c2: {  	v3 =	vand.u32 $0x7, v3;
	v4 =	vand.u32 $0xFFFFFFF0, v56  }
0x1c3: {  	v3 =	vor.u32 v3, v4  }
0x1c4: {  	v3 =	vperm.xlane v3, v0;
	_ =	sdelay $0x1  }
0x1c5: {  	v3 =	vadd.s32 v1, v3;
	_ =	sdelay $0x3  }
0x1c6: {  	s24 =	simm.s32 $0x8800  }
0x1c7: {  	[tilespmem:s24], [sflag:$0x1] =	stream.indirect_vreg.gather [hbm4b:s2+s3], $0x80, v3, vm0, $0xb8;
	[tilespmem:$0x1D800] =	vst v63  }
0x1c8: {  	v3 =	vld [tilespmem:s20+$0x38];
	_ =	sdelay $0x4  }
0x1c9: {  	v57 =	vshll.u32 v3, $0x1  }
0x1ca: {  	v3 =	vand.u32 $0x7, v3;
	v4 =	vand.u32 $0xFFFFFFF0, v57  }
0x1cb: {  	v3 =	vor.u32 v3, v4  }
0x1cc: {  	v4 =	vperm.xlane v3, v0;
	_ =	sdelay $0x1  }
0x1cd: {  	v3 =	vperm.xlane v3, v2;
	v4 =	vadd.s32 v1, v4;
	_ =	sdelay $0x1  }
0x1ce: {  	v3 =	vadd.s32 v1, v3;
	_ =	sdelay $0x2  }
0x1cf: {  	[tilespmem:s26], [sflag:$0x1] =	stream.indirect_vreg.gather [hbm4b:s2+s3], $0x80, v4, vm0, $0xb8;
	[tilespmem:$0x1D800] =	vst v63  }
0x1d0: {  	s24 =	simm.s32 $0x9800  }
0x1d1: {  	[tilespmem:s24], [sflag:$0x1] =	stream.indirect_vreg.gather [hbm4b:s2+s3], $0x80, v3, vm0, $0xb8;
	[tilespmem:$0x1D800] =	vst v63  }
0x1d2: {  	v3 =	vld [tilespmem:s20+$0x48];
	_ =	sdelay $0x4  }
0x1d3: {  	v58 =	vshll.u32 v3, $0x1  }
0x1d4: {  	v3 =	vand.u32 $0x7, v3;
	v4 =	vand.u32 $0xFFFFFFF0, v58  }
0x1d5: {  	v3 =	vor.u32 v3, v4  }
0x1d6: {  	v4 =	vperm.xlane v3, v0;
	_ =	sdelay $0x1  }
0x1d7: {  	v3 =	vperm.xlane v3, v2;
	v4 =	vadd.s32 v1, v4;
	_ =	sdelay $0x1  }
0x1d8: {  	v3 =	vadd.s32 v1, v3;
	_ =	sdelay $0x1  }
0x1d9: {  	s24 =	simm.s32 $0xA000  }
0x1da: {  	[tilespmem:s24], [sflag:$0x1] =	stream.indirect_vreg.gather [hbm4b:s2+s3], $0x80, v4, vm0, $0xb8;
	[tilespmem:$0x1D800] =	vst v63  }
0x1db: {  	s24 =	simm.s32 $0xA800  }
0x1dc: {  	[tilespmem:s24], [sflag:$0x1] =	stream.indirect_vreg.gather [hbm4b:s2+s3], $0x80, v3, vm0, $0xb8;
	[tilespmem:$0x1D800] =	vst v63  }
0x1dd: {  	v3 =	vld [tilespmem:s20+$0x58];
	_ =	sdelay $0x4  }
0x1de: {  	v59 =	vshll.u32 v3, $0x1  }
0x1df: {  	v3 =	vand.u32 $0x7, v3;
	v4 =	vand.u32 $0xFFFFFFF0, v59  }
0x1e0: {  	v3 =	vor.u32 v3, v4  }
0x1e1: {  	v4 =	vperm.xlane v3, v0;
	_ =	sdelay $0x1  }
0x1e2: {  	v3 =	vperm.xlane v3, v2;
	v4 =	vadd.s32 v1, v4;
	_ =	sdelay $0x1  }
0x1e3: {  	v3 =	vadd.s32 v1, v3;
	_ =	sdelay $0x1  }
0x1e4: {  	s24 =	simm.s32 $0xB000  }
0x1e5: {  	[tilespmem:s24], [sflag:$0x1] =	stream.indirect_vreg.gather [hbm4b:s2+s3], $0x80, v4, vm0, $0xb8;
	[tilespmem:$0x1D800] =	vst v63  }
0x1e6: {  	s24 =	simm.s32 $0xB800  }
0x1e7: {  	[tilespmem:s24], [sflag:$0x1] =	stream.indirect_vreg.gather [hbm4b:s2+s3], $0x80, v3, vm0, $0xb8;
	[tilespmem:$0x1D800] =	vst v63  }
0x1e8: {  	v3 =	vld [tilespmem:s20+$0x68];
	_ =	sdelay $0x4  }
0x1e9: {  	v60 =	vshll.u32 v3, $0x1  }
0x1ea: {  	v3 =	vand.u32 $0x7, v3;
	v4 =	vand.u32 $0xFFFFFFF0, v60  }
0x1eb: {  	v3 =	vor.u32 v3, v4  }
0x1ec: {  	v4 =	vperm.xlane v3, v0;
	_ =	sdelay $0x1  }
0x1ed: {  	v3 =	vperm.xlane v3, v2;
	v4 =	vadd.s32 v1, v4;
	_ =	sdelay $0x1  }
0x1ee: {  	v3 =	vadd.s32 v1, v3;
	_ =	sdelay $0x1  }
0x1ef: {  	s24 =	simm.s32 $0xC000  }
0x1f0: {  	[tilespmem:s24], [sflag:$0x1] =	stream.indirect_vreg.gather [hbm4b:s2+s3], $0x80, v4, vm0, $0xb8;
	[tilespmem:$0x1D800] =	vst v63  }
0x1f1: {  	s24 =	simm.s32 $0xC800  }
0x1f2: {  	[tilespmem:s24], [sflag:$0x1] =	stream.indirect_vreg.gather [hbm4b:s2+s3], $0x80, v3, vm0, $0xb8;
	[tilespmem:$0x1D800] =	vst v63  }
0x1f3: {  	v3 =	vld [tilespmem:s20+$0x78];
	_ =	sdelay $0x4  }
0x1f4: {  	v61 =	vshll.u32 v3, $0x1  }
0x1f5: {  	v3 =	vand.u32 $0x7, v3;
	v4 =	vand.u32 $0xFFFFFFF0, v61  }
0x1f6: {  	v3 =	vor.u32 v3, v4  }
0x1f7: {  	v4 =	vperm.xlane v3, v0;
	_ =	sdelay $0x1  }
0x1f8: {  	v3 =	vperm.xlane v3, v2;
	v4 =	vadd.s32 v1, v4;
	_ =	sdelay $0x1  }
0x1f9: {  	v3 =	vadd.s32 v1, v3;
	_ =	sdelay $0x1  }
0x1fa: {  	s24 =	simm.s32 $0xD000  }
0x1fb: {  	[tilespmem:s24], [sflag:$0x1] =	stream.indirect_vreg.gather [hbm4b:s2+s3], $0x80, v4, vm0, $0xb8;
	[tilespmem:$0x1D800] =	vst v63  }
0x1fc: {  	s24 =	simm.s32 $0xD800  }
0x1fd: {  	[tilespmem:s24], [sflag:$0x1] =	stream.indirect_vreg.gather [hbm4b:s2+s3], $0x80, v3, vm0, $0xb8;
	[tilespmem:$0x1D800] =	vst v63  }
0x1fe: {  	v3 =	vld [tilespmem:s20+$0x88];
	_ =	sdelay $0x4  }
0x1ff: {  	v62 =	vshll.u32 v3, $0x1  }
0x200: {  	v3 =	vand.u32 $0x7, v3;
	v4 =	vand.u32 $0xFFFFFFF0, v62  }
0x201: {  	v3 =	vor.u32 v3, v4  }
0x202: {  	v4 =	vperm.xlane v3, v0;
	_ =	sdelay $0x1  }
0x203: {  	v3 =	vperm.xlane v3, v2;
	v4 =	vadd.s32 v1, v4;
	_ =	sdelay $0x1  }
0x204: {  	v3 =	vadd.s32 v1, v3;
	_ =	sdelay $0x1  }
0x205: {  	s24 =	simm.s32 $0xE000  }
0x206: {  	[tilespmem:s24], [sflag:$0x1] =	stream.indirect_vreg.gather [hbm4b:s2+s3], $0x80, v4, vm0, $0xb8;
	[tilespmem:$0x1D800] =	vst v63  }
0x207: {  	s24 =	simm.s32 $0xE800  }
0x208: {  	[tilespmem:s24], [sflag:$0x1] =	stream.indirect_vreg.gather [hbm4b:s2+s3], $0x80, v3, vm0, $0xb8;
	[tilespmem:$0x1D800] =	vst v63  }
0x209: {  	v3 =	vld.msk [tilespmem:s20+$0x98], $0xff;
	_ =	sdelay $0x4  }
0x20a: {  	v63 =	vshll.u32 v3, $0x1  }
0x20b: {  	v3 =	vand.u32 $0x7, v3;
	v4 =	vand.u32 $0xFFFFFFF0, v63  }
0x20c: {  	v3 =	vor.u32 v3, v4  }
0x20d: {  	v3 =	vperm.xlane v3, v0;
	_ =	sdelay $0x1  }
0x20e: {  	v3 =	vadd.s32 v1, v3;
	_ =	sdelay $0x1  }
.Ltmp5:
0x20f: {  	_ = 	snop;
	(pc) =	sbr.rel .LBB2_4-.Ltmp5, $4  }
0x210: {  	_ = 	snop  }
0x211: {  	s24 =	simm.s32 $0xF000  }
0x212: {  	[tilespmem:s24], [sflag:$0x1] =	stream.indirect_vreg.gather [hbm4b:s2+s3], $0x80, v3, vm0, $0xb8;
	[tilespmem:$0x1D800] =	vst v63  }
0x213: {  	s24 =	simm.s32 $0x10000  }
.LBB2_6:
0x214: {  	_ =	sfence.sel $0x180000  }
0x215: {  	[bflag:$0x0] =	sbarrier.arrive $0xFFFF  }
0x216: {  	_ =	strace $0x90000050  }
0x217: {  	s0 =	stileid.u32;
	[bflag:$0x2] =	sbarrier.arrive $0xFFFF  }
0x218: {  	p0 =	sne.s32 s0, $0x0;
	s0 =	rddreg [dreg:$0x2]  }
0x219: {  	s0 =	sadd.s32 @!p0 $0x100000, s0  }
0x21a: {  	[sflag:s0] =	ssyncadd.tile.s32 @!p0 $0x1;
	_ =	shalt  }
.Lfunc_end2:
_tile_overlayer_lowered:
.L_overlay_start_2:
0x21b: {  	(tag) =	ssettag $0x2  }
0x21c: {  	s0 =	rddreg [dreg:$0x0];
	s2 =	stileid.u32  }
0x21d: {  	s1 =	rddreg [dreg:$0x1];
	p0 =	sne.s32 s2, $0x0  }
0x21e: {  	s3 =	rddreg [dreg:$0x2];
	[bflag:$0x3] =	sbarrier.arrive $0xFFFF;
	s2 =	simm.s32 @!p0 $0x1C03  }
0x21f: {  	[timem:s3], [sflag:s2] =	dma.local @!p0 [hbm:s0], s1  }
0x220: {  	s0 =	simm.s32 @!p0 $0x3  }
0x221: {  	_ =	swait.ge @!p0 [sflag:s0], s1  }
0x222: {  	s1 =	ssub.s32 @!p0 $0x0, s1;
	[sflag:s0] =	ssyncset.done @!p0 $0x0  }
0x223: {  	[sflag:s0] =	ssyncadd.s32 @!p0 s1  }
0x224: {  	[bflag:$0x3] =	sbarrier.arrive $0xFFFF  }
0x225: {  	_ =	shalt  }

// kernel: kernel.25.cloned.1.call-start
scs
__scs_entry_jumppad:
0x0: {  	(pc) =	sbr.rel $0x88, $3  }
0x1: {  	(tag) =	ssettag $0x0;
	lr =	simm.s32 $0x1  }
0x2: {  	[smem:$0x3F9A] =	sst lr;
	_ =	strace $0xD0000000  }
0x3: {  	_ = 	snop  }
0x4: {  	_ = 	snop  }
0x5: {  	_ = 	snop  }
0x6: {  	_ = 	snop  }
0x7: {  	_ = 	snop  }
__scs_overlays_trampoline_lowered:
0x8: {  	[smem:$0x3FA9] =	sst s0  }
0x9: {  	[smem:$0x3FAA] =	sst s1  }
0xa: {  	[smem:$0x3FAB] =	sst s2  }
0xb: {  	[smem:$0x3FAC] =	sst s3  }
0xc: {  	[smem:$0x3FAD] =	sst s4  }
0xd: {  	[smem:$0x3FAE] =	sst s5  }
0xe: {  	[smem:$0x3FAF] =	sst s6  }
0xf: {  	[smem:$0x3FB0] =	sst s7  }
0x10: {  	[smem:$0x3FB1] =	sst s8  }
0x11: {  	[smem:$0x3FB2] =	sst s9;
	s0 =	simm.s32 @!p0 $0x0  }
0x12: {  	s1 =	sld [smem:$0x3F98];
	s0 =	simm.s32 @p0 $0x1  }
0x13: {  	[smem:$0x3FB3] =	sst s0;
	s0 =	simm.s32 @!p1 $0x0  }
0x14: {  	s2 =	sld [smem:$0x3F97];
	s0 =	simm.s32 @p1 $0x1  }
0x15: {  	[smem:$0x3FB4] =	sst s0;
	s0 =	simm.s32 @!p2 $0x0  }
0x16: {  	s3 =	sld [smem:$0x3FDB];
	s0 =	simm.s32 @p2 $0x1  }
0x17: {  	s4 =	simm.s32 $0x1BF5;
	[smem:$0x3FB6] =	sst s0  }
0x18: {  	s0 =	sld [smem:$0x3F99];
	_ =	swait.ge [sflag:s4], $0x0  }
0x19: {  	s7 =	sld [smem:$0x3F9A]  }
0x1a: {  	s8 =	sadd.s32 $0xFFFFE003, lr  }
0x1b: {  	s9 =	sadd.s32 $0xFFFFFEF7, lr;
	s5 =	simm.s32 $0xFFFFFFFF;
	p2 =	slt.u32 s8, $0xFFFFF086  }
0x1c: {  	p1 =	slt.u32 s9, $0xF7A;
	s5 =	simm.s32 @!p2 $0x0  }
0x1d: {  	s5 =	simm.s32 @p1 $0x1;
	p0 =	seq.s32 s7, s2  }
0x1e: {  	s7 =	smul.u32 @!p0 $0xF7A, s2;
	p2 =	seq.s32 @!p0 s5, $0x0  }
0x1f: {  	s9 =	smul.u32 $0xF7A, s1;
	s8 =	simm.s32 @!p0 $0x1BF5;
	p2 =	por !p2, p0  }
0x20: {  	[sflag:s8] =	ssyncset.s32 @!p0 $0xFFFFF086;
	s6 =	sadd.s32 @!p0 s3, s7;
	s7 =	simm.s32 @!p0 $0x108  }
0x21: {  	s3 =	sadd.s32 s3, s9;
	s6 =	sadd.s32 @!p0 $0x88, s6;
	s7 =	simm.s32 @p2 $0x1082  }
0x22: {  	[simem:s7], [sflag:s8] =	dma.local @!p0 [hbm:s6], $0xF7A  }
0x23: {  	s9 =	sor.u32 $0xD0000000, s2;
	s6 =	simm.s32 $0x108;
	_ =	swait.ge @!p0 [sflag:s8], $0x0  }
0x24: {  	s3 =	sadd.s32 $0x88, s3;
	s6 =	simm.s32 @!p1 $0x1082;
	[sflag:s4] =	ssyncset.s32 $0xFFFFF086  }
0x25: {  	[simem:s6], [sflag:s4] =	dma.local [hbm:s3], $0xF7A  }
0x26: {  	[smem:$0x3F9A] =	sst s1;
	(tag) =	ssettag s2;
	_ =	strace s9  }
0x27: {  	s1 =	sld [smem:$0x3FAA]  }
0x28: {  	s2 =	sld [smem:$0x3FAB]  }
0x29: {  	s4 =	sld [smem:$0x3FAD]  }
0x2a: {  	p0 =	seq.s32 s5, $0x0;
	s5 =	sld [smem:$0x3FAE]  }
0x2b: {  	s6 =	sld [smem:$0x3FAF]  }
0x2c: {  	s7 =	sld [smem:$0x3FB0]  }
0x2d: {  	s3 =	simm.s32 $0x108;
	s8 =	sld [smem:$0x3FB1]  }
0x2e: {  	s3 =	simm.s32 @!p0 $0x1082;
	s9 =	sld [smem:$0x3FB2]  }
0x2f: {  	lr =	sadd.s32 s0, s3;
	s0 =	sld [smem:$0x3FA9]  }
0x30: {  	s3 =	sld [smem:$0x3FAC]  }
0x31: {  	[smem:$0x3FB5] =	sst s10  }
0x32: {  	s10 =	sld [smem:$0x3FB3];
	_ =	sdelay $0x3  }
0x33: {  	p0 =	seq.s32 s10, $0x1;
	s10 =	sld [smem:$0x3FB5];
	_ =	sdelay $0x3  }
0x34: {  	[smem:$0x3FB5] =	sst s10  }
0x35: {  	s10 =	sld [smem:$0x3FB4];
	_ =	sdelay $0x3  }
0x36: {  	p1 =	seq.s32 s10, $0x1;
	s10 =	sld [smem:$0x3FB5];
	_ =	sdelay $0x3  }
0x37: {  	[smem:$0x3FB5] =	sst s10  }
0x38: {  	s10 =	sld [smem:$0x3FB6]  }
0x39: {  	_ = 	snop;
	(pc) =	sbr.ind lr, $3  }
0x3a: {  	_ = 	snop  }
0x3b: {  	_ = 	snop  }
0x3c: {  	p2 =	seq.s32 s10, $0x1;
	s10 =	sld [smem:$0x3FB5]  }
0x3d: {  	_ =	shalt  }
0x3e: {  	_ =	shalt  }
0x3f: {  	_ =	shalt  }
0x40: {  	_ =	shalt  }
0x41: {  	_ =	shalt  }
0x42: {  	_ =	shalt  }
0x43: {  	_ =	shalt  }
0x44: {  	_ =	shalt  }
0x45: {  	_ =	shalt  }
0x46: {  	_ =	shalt  }
0x47: {  	_ =	shalt  }
0x48: {  	_ =	shalt  }
0x49: {  	_ =	shalt  }
0x4a: {  	_ =	shalt  }
0x4b: {  	_ =	shalt  }
0x4c: {  	_ =	shalt  }
0x4d: {  	_ =	shalt  }
0x4e: {  	_ =	shalt  }
0x4f: {  	_ =	shalt  }
0x50: {  	_ =	shalt  }
0x51: {  	_ =	shalt  }
0x52: {  	_ =	shalt  }
0x53: {  	_ =	shalt  }
0x54: {  	_ =	shalt  }
0x55: {  	_ =	shalt  }
0x56: {  	_ =	shalt  }
0x57: {  	_ =	shalt  }
0x58: {  	_ =	shalt  }
0x59: {  	_ =	shalt  }
0x5a: {  	_ =	shalt  }
0x5b: {  	_ =	shalt  }
0x5c: {  	_ =	shalt  }
0x5d: {  	_ =	shalt  }
0x5e: {  	_ =	shalt  }
0x5f: {  	_ =	shalt  }
0x60: {  	_ =	shalt  }
0x61: {  	_ =	shalt  }
0x62: {  	_ =	shalt  }
0x63: {  	_ =	shalt  }
0x64: {  	_ =	shalt  }
0x65: {  	_ =	shalt  }
0x66: {  	_ =	shalt  }
0x67: {  	_ =	shalt  }
0x68: {  	_ =	shalt  }
0x69: {  	_ =	shalt  }
0x6a: {  	_ =	shalt  }
0x6b: {  	_ =	shalt  }
0x6c: {  	_ =	shalt  }
0x6d: {  	_ =	shalt  }
0x6e: {  	_ =	shalt  }
0x6f: {  	_ =	shalt  }
0x70: {  	_ =	shalt  }
0x71: {  	_ =	shalt  }
0x72: {  	_ =	shalt  }
0x73: {  	_ =	shalt  }
0x74: {  	_ =	shalt  }
0x75: {  	_ =	shalt  }
0x76: {  	_ =	shalt  }
0x77: {  	_ =	shalt  }
0x78: {  	_ =	shalt  }
0x79: {  	_ =	shalt  }
0x7a: {  	_ =	shalt  }
0x7b: {  	_ =	shalt  }
0x7c: {  	_ =	shalt  }
0x7d: {  	_ =	shalt  }
0x7e: {  	_ =	shalt  }
0x7f: {  	_ =	shalt  }
0x80: {  	_ =	shalt  }
0x81: {  	_ =	shalt  }
0x82: {  	_ =	shalt  }
0x83: {  	_ =	shalt  }
0x84: {  	_ =	shalt  }
0x85: {  	_ =	shalt  }
0x86: {  	_ =	shalt  }
0x87: {  	_ =	shalt  }
.Lfunc_end0:
.L_simem_size_0:
called_computation.4_lowered:
.L_overlay_start_0:
0x88: {  	s2 =	sld [smem:$0x3FD9]  }
0x89: {  	s3 =	sld [smem:$0x3FFE];
	_ =	sdelay $0x1  }
0x8a: {  	s1 =	srdreg.scid  }
0x8b: {  	s0 =	sand.u32 $0x1, s1  }
0x8c: {  	s16 =	sshll.u32 s0, $0xA;
	s2 =	sadd.s32 s3, s2  }
0x8d: {  	s2 =	sadd.s32 s2, s16  }
0x8e: {  	[smem:$0x3FC1] =	sst s2  }
0x8f: {  	_ = 	snop  }
0x90: {  	(tm) =	ssettm $0x1  }
0x91: {  	s17 =	sld [smem:$0x3FFB];
	_ =	sdelay $0x3  }
0x92: {  	_ =	strace s17  }
0x93: {  	s2 =	sld [smem:$0x3FFC];
	_ =	sdelay $0x3  }
0x94: {  	_ =	strace s2  }
0x95: {  	s2 =	sld [smem:$0x3FFD];
	_ =	sdelay $0x3  }
0x96: {  	_ =	strace s2  }
0x97: {  	_ =	strace $0x8FFFFFFF  }
0x98: {  	s18 =	sld [smem:$0x3FDB];
	_ =	sdelay $0x1  }
0x99: {  	s19 =	simm.s32 $_scs_section_size  }
0x9a: {  	s4 =	simm.s32 $_size__tile_overlayer_lowered;
	s5 =	simm.s32 $_tile_overlayer_lowered  }
0x9b: {  	s22 =	simm.s32 $0x1BFF;
	s21 =	sshll.u32 s5, $0x1;
	s2 =	sadd.s32 s19, s18  }
0x9c: {  	s6 =	simm.s32 $0x0;
	s20 =	sshll.u32 s4, $0x1;
	s4 =	sadd.s32 s21, s2  }
0x9d: {  	[timem:s6], [sflag:s22] =	dma.local [hbm:s4], s20  }
0x9e: {  	_ =	swait.ge [sflag:s22], s20  }
0x9f: {  	s3 =	ssub.s32 $0x0, s20;
	[sflag:s22] =	ssyncset.done $0x0  }
0xa0: {  	[sflag:s22] =	ssyncadd.s32 s3;
	_ =	sdelay $0x1  }
0xa1: {  	s23 =	simm.s32 $0x1B8B  }
0xa2: {  	_ =	swait.ge [sflag:s23], $0x1  }
0xa3: {  	[sflag:s23] =	ssyncset.done $0x0  }
0xa4: {  	s25 =	simm.s32 $0x1B8E;
	s24 =	sld [smem:$0x3FFE];
	[sflag:s23] =	ssyncadd.s32 $0xFFFFFFFF  }
0xa5: {  	s26 =	simm.s32 $execute0_lowered;
	[smem:$0x3FD2] =	sst s25  }
0xa6: {  	s4 =	sshll.u32 s26, $0x1;
	_ =	strace $0x80000052;
	[dreg:$0x1] =	wrdreg $0xFFFFFFFF  }
0xa7: {  	s28 =	simm.s32 $_size_execute0_lowered;
	s2 =	sadd.s32 s2, s4;
	[dreg:$0x0] =	wrdreg $0x0  }
0xa8: {  	s4 =	sshll.u32 s28, $0x1;
	[dreg:$0x2] =	wrdreg s2  }
0xa9: {  	[dreg:$0x3] =	wrdreg s4  }
0xaa: {  	[dreg:$0x4] =	wrdreg $0xC0  }
0xab: {  	_ =	task [dreg:s6], $0x5FFFF  }
0xac: {  	[dreg:$0x1] =	wrdreg $0xFFFFFFFF  }
0xad: {  	[dreg:$0x0] =	wrdreg $0x60  }
0xae: {  	[dreg:$0x2] =	wrdreg s24  }
0xaf: {  	[dreg:$0x3] =	wrdreg $0x9  }
0xb0: {  	_ =	task.clear_ibuf [dreg:s6], $0x4FFFF;
	_ =	strace $0x90000052  }
0xb1: {  	s29 =	simm.s32 $0x9;
	_ =	strace $0x80000054  }
0xb2: {  	_ =	swait.ge [sflag:s29], $0x1  }
0xb3: {  	[sflag:s29] =	ssyncadd.s32 $0xFFFFFFFF  }
0xb4: {  	_ =	strace $0x90000054  }
0xb5: {  	_ =	sfence  }
0xb6: {  	s30 =	sld [smem:$0x0];
	_ =	sdelay $0x2  }
0xb7: {  	s31 =	sshll.u32 s1, $0xD;
	s1 =	sshrl.u32 s1, $0x2  }
0xb8: {  	s3 =	sand.u32 $0x4000, s31;
	s1 =	sadd.s32 s1, s30  }
0xb9: {  	s0 =	sor.u32 s3, s0;
	s1 =	sshll.u32 s1, $0x11  }
0xba: {  	s0 =	sor.u32 s1, s0  }
0xbb: {  	s0 =	sadd.s32 $0x8F2B, s0  }
0xbc: {  	[sflag:s0] =	ssyncadd.remote.s32 $0x1  }
0xbd: {  	_ =	sfence.sel $0xFFFF  }
0xbe: {  	[dreg:$0x0] =	wrdreg $0xFFFFFFFF;
	(pc) =	sbr.abs _section_cstart, $3  }
0xbf: {  	[dreg:$0x1] =	wrdreg $0xFFFFFFFF  }
0xc0: {  	_ =	task.clear_ibuf [dreg:s6], $0x2FFFF;
	_ =	strace $0x9FFFFFFF  }
0xc1: {  	(tm) =	ssettm $0x7FFFFFFF  }
tec
execute0_lowered:
.L_overlay_start_1:
0x0: {  	(tag) =	ssettag $0x1  }
0x1: {  	s1 =	srdreg.scid;
	s3 =	stileid.u32  }
0x2: {  	s1 =	sand.u32 $0x1, s1;
	s3 =	sshll.u32 s3, $0x1  }
0x3: {  	s0 =	rddreg [dreg:$0x0];
	s2 =	simm.s32 $0x0;
	s5 =	sor.u32 s1, s3  }
0x4: {  	[smem:$0x7FF] =	sst s2;
	s1 =	ssub.s32 $0x2, s1;
	s3 =	smul.u32 $0x138800, s5  }
0x5: {  	s4 =	sadd.s32 $0x9D2000, s0;
	s6 =	smul.u32 $0x2800, s5;
	s7 =	sshrl.u32 s1, $0x1  }
0x6: {  	_ =	strace $0x80000053;
	s5 =	sadd.s32 $0x9000, s0;
	s1 =	ssub.s32 s1, s7  }
0x7: {  	s8 =	sshrl.u32 s3, $0x3;
	s9 =	sadd.s32 s6, s0;
	s0 =	sadd.s32 $0x9050, s0  }
.Ltmp0:
0x8: {  	s31 =	smax.u32 s1, $0x1;
	[dreg:$0x3] =	wrdreg s0;
	(pc) =	sbr.rel .LBB2_1-.Ltmp0, $4  }
0x9: {  	s28 =	sadd.s32 s4, s8;
	[dreg:$0x6] =	wrdreg s31  }
0xa: {  	s30 =	sadd.s32 $0xE000, s9;
	[dreg:$0x2] =	wrdreg s28  }
0xb: {  	s11 =	simm.s32 $0x1;
	s29 =	sadd.s32 $0x280, s28;
	[dreg:$0x5] =	wrdreg s30  }
0xc: {  	v0 =	vimm.f32 $0.0e+00;
	s16 =	simm.s32 $0x2;
	s6 =	simm.s32 $0x0;
	[dreg:$0x4] =	wrdreg s29  }
.LBB2_10:
0xd: {  	s0 =	rddreg [dreg:$0x5];
	s1 =	simm.s32 $0x3  }
0xe: {  	[hbm4b:s0+s2] =	stream.linear.scatter [tilespmem:s2], [sflag:$0x3], $0x14000, $0x38;
	[tilespmem:$0x16D00] =	vst v63  }
0xf: {  	_ =	swait.ge [sflag:s1], $0x14000  }
0x10: {  	s6 =	rddreg [dreg:$0x7]  }
0x11: {  	s31 =	rddreg [dreg:$0x6];
	s6 =	sadd.s32 $0x1, s6  }
0x12: {  	p0 =	sne.s32 s6, s31  }
.Ltmp1:
0x13: {  	_ = 	snop;
	(pc) =	sbr.rel @!p0 .LBB2_11-.Ltmp1, $3  }
0x14: {  	_ =	sdelay $0x1  }
0x15: {  	[sflag:s1] =	ssyncset.done $0x0  }
0x16: {  	[sflag:s1] =	ssyncadd.s32 $0xFFFEC000  }
.LBB2_1:
0x17: {  	s0 =	sand.u32 $0x40, s2;
	s1 =	sand.u32 $0x1FC00, s2  }
0x18: {  	[dreg:$0x7] =	wrdreg s6;
	s0 =	sor.u32 s0, s1  }
0x19: {  	[tilespmem:s0+$0x1B0] =	vst v0  }
0x1a: {  	[tilespmem:s0+$0x180] =	vst v0  }
0x1b: {  	[tilespmem:s0+$0x130] =	vst v0  }
0x1c: {  	[tilespmem:s0+$0xB0] =	vst v0  }
0x1d: {  	[tilespmem:s0+$0x100] =	vst v0  }
0x1e: {  	[tilespmem:s0+$0x110] =	vst v0  }
0x1f: {  	[tilespmem:s0+$0x30] =	vst v0  }
0x20: {  	[tilespmem:s0+$0x80] =	vst v0  }
0x21: {  	[tilespmem:s0+$0x190] =	vst v0  }
0x22: {  	[tilespmem:s0+$0x90] =	vst v0  }
0x23: {  	[tilespmem:s0+$0x1A0] =	vst v0  }
0x24: {  	p0 =	por $0x0, $0x0;
	s1 =	simm.s32 $0x1;
	[tilespmem:s0+$0x120] =	vst v0  }
0x25: {  	s1 =	simm.s32 @!p0 $0x0;
	[tilespmem:s0+$0xA0] =	vst v0  }
0x26: {  	[tilespmem:s0+$0x0] =	vst v0;
	s1 =	sshll.u32 s1, $0x6  }
0x27: {  	[tilespmem:s0+$0x10] =	vst v0;
	s1 =	sadd.s32 $0x0, s1  }
0x28: {  	[tilespmem:s0+$0x20] =	vst v0;
	s7 =	sadd.s32 $0x30, s1;
	s19 =	sor.u32 $0x200, s1  }
0x29: {  	s8 =	sor.u32 $0x200, s7;
	[tilespmem:s19+$0x0] =	vst v0  }
0x2a: {  	s9 =	sor.u32 $0x280, s1;
	s20 =	sor.u32 $0x300, s1;
	s22 =	sadd.s32 $0x10, s1;
	[tilespmem:s8+$0x0] =	vst v0  }
0x2b: {  	s21 =	sor.u32 $0x380, s1;
	s1 =	sadd.s32 $0x20, s1;
	s23 =	sor.u32 $0x200, s22;
	[tilespmem:s9+$0x0] =	vst v0  }
0x2c: {  	s26 =	sor.u32 $0x200, s1;
	[tilespmem:s23+$0x0] =	vst v0  }
0x2d: {  	s18 =	sor.u32 $0x280, s7;
	[tilespmem:s26+$0x0] =	vst v0  }
0x2e: {  	[tilespmem:s18+$0x0] =	vst v0  }
0x2f: {  	s24 =	sor.u32 $0x280, s22;
	[tilespmem:s20+$0x0] =	vst v0  }
0x30: {  	s28 =	sor.u32 $0x280, s1;
	[tilespmem:s24+$0x0] =	vst v0  }
0x31: {  	[tilespmem:s28+$0x0] =	vst v0  }
0x32: {  	s25 =	sor.u32 $0x300, s22;
	[tilespmem:s21+$0x0] =	vst v0  }
0x33: {  	s29 =	sor.u32 $0x300, s1;
	[tilespmem:s25+$0x0] =	vst v0  }
0x34: {  	p0 =	por !p0, !p0;
	s31 =	sor.u32 $0x300, s7;
	[tilespmem:s29+$0x0] =	vst v0  }
0x35: {  	s19 =	simm.s32 $0x0;
	s30 =	sor.u32 $0x380, s1;
	s0 =	sor.u32 $0x380, s22;
	[tilespmem:s31+$0x0] =	vst v0  }
0x36: {  	s1 =	sor.u32 $0x380, s7;
	s20 =	simm.s32 $0x40;
	s21 =	simm.s32 $0x200;
	[tilespmem:s30+$0x0] =	vst v0  }
.LBB2_2:
0x37: {  	s7 =	simm.s32 $0x1  }
0x38: {  	s8 =	sand.u32 $0x40, s20;
	s9 =	sand.u32 $0x1FC00, s21;
	[tilespmem:s1+$0x0] =	vst v0;
	s7 =	simm.s32 @!p0 $0x0  }
0x39: {  	s19 =	sadd.s32 $0x4, s19;
	s1 =	sor.u32 s8, s9;
	s7 =	sshll.u32 s7, $0x6;
	[tilespmem:s0+$0x0] =	vst v0  }
0x3a: {  	p1 =	slt.u32 s19, $0x27C;
	s7 =	sadd.s32 s7, s21;
	[tilespmem:s1+$0x1B0] =	vst v0  }
0x3b: {  	[tilespmem:s1+$0x180] =	vst v0;
	s0 =	sadd.s32 $0x10, s7;
	s12 =	sadd.s32 $0x20, s7;
	s22 =	sadd.s32 $0x30, s7  }
0x3c: {  	s8 =	sor.u32 $0x200, s0;
	[tilespmem:s1+$0x130] =	vst v0  }
0x3d: {  	s9 =	sor.u32 $0x200, s12;
	[tilespmem:s1+$0xB0] =	vst v0  }
0x3e: {  	s13 =	sor.u32 $0x280, s12;
	[tilespmem:s1+$0x100] =	vst v0  }
0x3f: {  	s23 =	sor.u32 $0x300, s12;
	[tilespmem:s1+$0x110] =	vst v0  }
0x40: {  	s24 =	sor.u32 $0x200, s22;
	[tilespmem:s1+$0x30] =	vst v0  }
0x41: {  	s25 =	sor.u32 $0x200, s7;
	[tilespmem:s24+$0x0] =	vst v0;
	s24 =	sor.u32 $0x280, s22  }
0x42: {  	s26 =	sor.u32 $0x280, s7;
	[tilespmem:s24+$0x0] =	vst v0  }
0x43: {  	s24 =	sor.u32 $0x300, s7;
	[tilespmem:s1+$0x80] =	vst v0  }
0x44: {  	s7 =	sor.u32 $0x380, s7;
	[tilespmem:s1+$0x190] =	vst v0  }
0x45: {  	[tilespmem:s1+$0x90] =	vst v0  }
0x46: {  	[tilespmem:s1+$0x1A0] =	vst v0  }
0x47: {  	[tilespmem:s1+$0x120] =	vst v0  }
0x48: {  	[tilespmem:s1+$0xA0] =	vst v0  }
0x49: {  	[tilespmem:s1+$0x0] =	vst v0  }
0x4a: {  	[tilespmem:s25+$0x0] =	vst v0  }
0x4b: {  	[tilespmem:s26+$0x0] =	vst v0  }
0x4c: {  	[tilespmem:s24+$0x0] =	vst v0  }
0x4d: {  	[tilespmem:s7+$0x0] =	vst v0  }
0x4e: {  	[tilespmem:s1+$0x10] =	vst v0  }
0x4f: {  	s7 =	sor.u32 $0x280, s0;
	[tilespmem:s8+$0x0] =	vst v0  }
0x50: {  	[tilespmem:s7+$0x0] =	vst v0  }
0x51: {  	s7 =	sor.u32 $0x300, s0;
	[tilespmem:s1+$0x20] =	vst v0  }
0x52: {  	[tilespmem:s7+$0x0] =	vst v0  }
.Ltmp2:
0x53: {  	[tilespmem:s9+$0x0] =	vst v0;
	(pc) =	sbr.rel @p1 .LBB2_2-.Ltmp2, $4  }
0x54: {  	[tilespmem:s13+$0x0] =	vst v0  }
0x55: {  	s1 =	sor.u32 $0x380, s12;
	[tilespmem:s23+$0x0] =	vst v0  }
0x56: {  	s20 =	sadd.s32 $0x40, s20;
	p0 =	por !p0, !p0;
	[tilespmem:s1+$0x0] =	vst v0;
	s1 =	sor.u32 $0x300, s22  }
0x57: {  	s21 =	sadd.s32 $0x200, s21;
	s0 =	sor.u32 $0x380, s0;
	[tilespmem:s1+$0x0] =	vst v0;
	s1 =	sor.u32 $0x380, s22  }
0x58: {  	[tilespmem:s1+$0x0] =	vst v0  }
0x59: {  	[tilespmem:s0+$0x0] =	vst v0;
	s19 =	simm.s32 $0x0;
	s24 =	simm.s32 $0x14000  }
0x5a: {  	[tilespmem:s24], [sflag:$0x1] =	stream.linear.gather [hbm4b:s5+s19], $0x280, $0x38;
	[tilespmem:$0x16D00] =	vst v63  }
0x5b: {  	s26 =	simm.s32 $0x14500;
	s25 =	rddreg [dreg:$0x2]  }
0x5c: {  	[tilespmem:s26], [sflag:$0x1] =	stream.linear.gather [hbm4b:s25+s19], $0x1400, $0x38;
	[tilespmem:$0x16D00] =	vst v63  }
0x5d: {  	s29 =	simm.s32 $0x14280;
	s28 =	rddreg [dreg:$0x3]  }
0x5e: {  	[tilespmem:s29], [sflag:$0x2] =	stream.linear.gather [hbm4b:s28+s19], $0x280, $0x38;
	[tilespmem:$0x16D00] =	vst v63  }
0x5f: {  	s31 =	simm.s32 $0x15900;
	s20 =	simm.s32 $0x0;
	s30 =	rddreg [dreg:$0x4]  }
0x60: {  	[tilespmem:s31], [sflag:$0x2] =	stream.linear.gather [hbm4b:s30+s19], $0x1400, $0x38;
	[tilespmem:$0x16D00] =	vst v63  }
.LBB2_4:
0x61: {  	_ =	swait.ge [sflag:s11], $0x280  }
0x62: {  	[sflag:s11] =	ssyncset.done $0x0  }
0x63: {  	[sflag:s11] =	ssyncadd.s32 $0xFFFFFD80  }
0x64: {  	s0 =	sand.u32 $0x40, s19;
	s1 =	sand.u32 $0x380, s19;
	_ =	swait.ge [sflag:s11], $0x1400  }
0x65: {  	s1 =	sor.u32 $0x14000, s1;
	s7 =	sor.u32 $0x30, s0;
	[sflag:s11] =	ssyncset.done $0x0  }
0x66: {  	s8 =	sor.u32 s7, s1;
	[sflag:s11] =	ssyncadd.s32 $0xFFFFEC00  }
0x67: {  	s9 =	simm.s32 $0x14000;
	s12 =	sor.u32 $0x10, s0;
	v1 =	vld [tilespmem:s8+$0x0]  }
0x68: {  	s25 =	sor.u32 $0x20, s0;
	s26 =	sor.u32 s12, s1;
	v2 =	vld [tilespmem:s9+$0x0]  }
0x69: {  	s1 =	sor.u32 s25, s1;
	v3 =	vld [tilespmem:s26+$0x0]  }
0x6a: {  	v4 =	vld [tilespmem:s1+$0x0]  }
0x6b: {  	s29 =	sand.u32 $0x1C00, s19  }
0x6c: {  	s1 =	sadd.s32 $0x14500, s29;
	v5 =	vshll.u32 v1, $0x3  }
0x6d: {  	s7 =	sor.u32 s7, s1;
	v1 =	vand.u32 $0x7F, v1;
	v5 =	vand.u32 $0xFFFFFC00, v5  }
0x6e: {  	v8 =	vld [tilespmem:s7+$0x0];
	v6 =	vshll.u32 v2, $0x3;
	v7 =	vshll.u32 v3, $0x3;
	v5 =	vor.u32 v1, v5  }
0x6f: {  	s30 =	sor.u32 s12, s1;
	v3 =	vand.u32 $0x7F, v3;
	v1 =	vand.u32 $0xFFFFFC00, v7;
	v7 =	vshll.u32 v4, $0x3  }
0x70: {  	s8 =	sor.u32 s25, s1;
	v9 =	vld [tilespmem:s30+$0x0];
	v4 =	vand.u32 $0x7F, v4;
	v7 =	vand.u32 $0xFFFFFC00, v7;
	v3 =	vor.u32 v3, v1  }
0x71: {  	s1 =	sor.u32 s0, s1;
	v1 =	vand.u32 $0x7F, v2;
	v2 =	vand.u32 $0xFFFFFC00, v6;
	v6 =	vor.u32 v4, v7;
	v4 =	vld [tilespmem:s8+$0x0]  }
0x72: {  	v7 =	vld [tilespmem:s1+$0x0];
	v1 =	vor.u32 v1, v2  }
0x73: {  	[tilespmem:v5+s2+$0x0] =	vst.idx.add.f32.msk $0xffff, v8  }
0x74: {  	v2 =	vld [tilespmem:s7+$0x80]  }
0x75: {  	[tilespmem:v3+s2+$0x0] =	vst.idx.add.f32.msk $0xffff, v9  }
0x76: {  	v8 =	vor.u32 $0x80, v5;
	[tilespmem:v6+s2+$0x0] =	vst.idx.add.f32.msk $0xffff, v4  }
0x77: {  	[tilespmem:v1+s2+$0x0] =	vst.idx.add.f32.msk $0xffff, v7  }
0x78: {  	v4 =	vor.u32 $0x80, v3;
	v7 =	vld [tilespmem:s30+$0x80]  }
0x79: {  	v10 =	vor.u32 $0x80, v6;
	v54 =	vld [tilespmem:s8+$0x80]  }
0x7a: {  	v12 =	vor.u32 $0x80, v1;
	v11 =	vld [tilespmem:s1+$0x80]  }
0x7b: {  	[tilespmem:v8+s2+$0x0] =	vst.idx.add.f32.msk $0xffff, v2  }
0x7c: {  	v2 =	vld [tilespmem:s7+$0x100]  }
0x7d: {  	v8 =	vor.u32 $0x100, v5;
	[tilespmem:v4+s2+$0x0] =	vst.idx.add.f32.msk $0xffff, v7  }
0x7e: {  	[tilespmem:v10+s2+$0x0] =	vst.idx.add.f32.msk $0xffff, v54  }
0x7f: {  	[tilespmem:v12+s2+$0x0] =	vst.idx.add.f32.msk $0xffff, v11  }
0x80: {  	v55 =	vor.u32 $0x100, v6;
	v10 =	vld [tilespmem:s8+$0x100]  }
0x81: {  	v56 =	vor.u32 $0x100, v1;
	v11 =	vld [tilespmem:s1+$0x100]  }
0x82: {  	[tilespmem:v8+s2+$0x0] =	vst.idx.add.f32.msk $0xffff, v2  }
0x83: {  	p0 =	por $0x0, $0x0;
	s0 =	simm.s32 $0x1;
	v7 =	vor.u32 $0x180, v5;
	v2 =	vld [tilespmem:s7+$0x180]  }
0x84: {  	s0 =	simm.s32 @!p0 $0x0;
	v4 =	vld [tilespmem:s30+$0x100]  }
0x85: {  	s0 =	sshll.u32 s0, $0x6;
	[tilespmem:v55+s2+$0x0] =	vst.idx.add.f32.msk $0xffff, v10  }
0x86: {  	s0 =	sadd.s32 $0x0, s0;
	v8 =	vor.u32 $0x100, v3;
	[tilespmem:v56+s2+$0x0] =	vst.idx.add.f32.msk $0xffff, v11  }
0x87: {  	s6 =	sadd.s32 $0x30, s0;
	v9 =	vld [tilespmem:s8+$0x180]  }
0x88: {  	s10 =	sor.u32 $0x200, s6;
	v57 =	vor.u32 $0x180, v6;
	[tilespmem:v7+s2+$0x0] =	vst.idx.add.f32.msk $0xffff, v2  }
0x89: {  	v7 =	vor.u32 $0x200, v5;
	v2 =	vld [tilespmem:s10+$0x14500]  }
0x8a: {  	v11 =	vld [tilespmem:s1+$0x180]  }
0x8b: {  	v58 =	vor.u32 $0x180, v1;
	[tilespmem:v8+s2+$0x0] =	vst.idx.add.f32.msk $0xffff, v4  }
0x8c: {  	v8 =	vld [tilespmem:s30+$0x180]  }
0x8d: {  	v4 =	vor.u32 $0x180, v3;
	[tilespmem:v57+s2+$0x0] =	vst.idx.add.f32.msk $0xffff, v9  }
0x8e: {  	s13 =	sor.u32 $0x280, s6;
	[tilespmem:v7+s2+$0x0] =	vst.idx.add.f32.msk $0xffff, v2  }
0x8f: {  	v7 =	vor.u32 $0x280, v5;
	v2 =	vld [tilespmem:s13+$0x14500]  }
0x90: {  	s22 =	sor.u32 $0x200, s0;
	[tilespmem:v58+s2+$0x0] =	vst.idx.add.f32.msk $0xffff, v11  }
0x91: {  	s14 =	sadd.s32 $0x10, s0;
	v11 =	vld [tilespmem:s22+$0x14500]  }
0x92: {  	s15 =	sor.u32 $0x200, s14;
	v60 =	vor.u32 $0x200, v1;
	[tilespmem:v4+s2+$0x0] =	vst.idx.add.f32.msk $0xffff, v8  }
0x93: {  	v4 =	vld [tilespmem:s15+$0x14500]  }
0x94: {  	s18 =	sadd.s32 $0x20, s0;
	s17 =	sor.u32 $0x300, s6;
	v8 =	vor.u32 $0x200, v3;
	[tilespmem:v7+s2+$0x0] =	vst.idx.add.f32.msk $0xffff, v2  }
0x95: {  	s21 =	sor.u32 $0x200, s18;
	v7 =	vor.u32 $0x300, v5;
	v2 =	vld [tilespmem:s17+$0x14500]  }
0x96: {  	v10 =	vld [tilespmem:s21+$0x14500]  }
0x97: {  	s25 =	sor.u32 $0x280, s0;
	v59 =	vor.u32 $0x200, v6;
	[tilespmem:v60+s2+$0x0] =	vst.idx.add.f32.msk $0xffff, v11  }
0x98: {  	v61 =	vld [tilespmem:s25+$0x14500]  }
0x99: {  	v62 =	vor.u32 $0x280, v1;
	[tilespmem:v8+s2+$0x0] =	vst.idx.add.f32.msk $0xffff, v4  }
0x9a: {  	s23 =	sor.u32 $0x280, s14;
	[tilespmem:v7+s2+$0x0] =	vst.idx.add.f32.msk $0xffff, v2  }
0x9b: {  	v4 =	vor.u32 $0x380, v5;
	v5 =	vor.u32 $0x280, v3;
	v7 =	vld [tilespmem:s23+$0x14500]  }
0x9c: {  	s24 =	sor.u32 $0x280, s18;
	[tilespmem:v59+s2+$0x0] =	vst.idx.add.f32.msk $0xffff, v10  }
0x9d: {  	v9 =	vld [tilespmem:s24+$0x14500];
	v8 =	vor.u32 $0x280, v6  }
0x9e: {  	s7 =	sor.u32 $0x380, s6;
	[tilespmem:v62+s2+$0x0] =	vst.idx.add.f32.msk $0xffff, v61  }
0x9f: {  	v2 =	vld [tilespmem:s7+$0x14500]  }
0xa0: {  	s26 =	sor.u32 $0x300, s14;
	[tilespmem:v5+s2+$0x0] =	vst.idx.add.f32.msk $0xffff, v7  }
0xa1: {  	v63 =	vor.u32 $0x300, v3;
	v13 =	vld [tilespmem:s26+$0x14500]  }
0xa2: {  	s29 =	sor.u32 $0x300, s18;
	[tilespmem:v8+s2+$0x0] =	vst.idx.add.f32.msk $0xffff, v9  }
0xa3: {  	v7 =	vld [tilespmem:s29+$0x14500]  }
0xa4: {  	s0 =	sor.u32 $0x300, s0;
	s31 =	sor.u32 $0x380, s14;
	s30 =	sor.u32 s19, s19;
	v5 =	vor.u32 $0x300, v6;
	[tilespmem:v4+s2+$0x0] =	vst.idx.add.f32.msk $0xffff, v2  }
0xa5: {  	s28 =	sor.u32 $0x380, s18;
	s22 =	simm.s32 $0x0;
	s21 =	sor.u32 $0x380, s30;
	v4 =	vld [tilespmem:s0+$0x14500]  }
0xa6: {  	s24 =	simm.s32 $0x14040;
	s25 =	simm.s32 $0x0;
	v3 =	vor.u32 $0x380, v3;
	s23 =	simm.s32 $0x40;
	v2 =	vor.u32 $0x380, v6;
	[tilespmem:v63+s2+$0x0] =	vst.idx.add.f32.msk $0xffff, v13  }
.LBB2_5:
0xa7: {  	s0 =	sand.u32 $0x40, s23;
	s1 =	sand.u32 $0x380, s23;
	s22 =	sadd.s32 $0x4, s22;
	v6 =	vld [tilespmem:s31+$0x14500]  }
0xa8: {  	v9 =	vor.u32 $0x300, v1;
	v8 =	vld [tilespmem:s24+$0x0];
	s1 =	sor.u32 $0x14000, s1;
	s7 =	sor.u32 $0x30, s0;
	p1 =	slt.u32 s22, $0x24  }
0xa9: {  	s8 =	sor.u32 $0x10, s0;
	s9 =	sor.u32 $0x20, s0;
	s12 =	sor.u32 s7, s1;
	[tilespmem:v5+s2+$0x0] =	vst.idx.add.f32.msk $0xffff, v7  }
0xaa: {  	s13 =	sor.u32 s8, s1;
	s1 =	sor.u32 s9, s1;
	v5 =	vld [tilespmem:s12+$0x0]  }
0xab: {  	v7 =	vld [tilespmem:s13+$0x0]  }
0xac: {  	v10 =	vld [tilespmem:s1+$0x0]  }
0xad: {  	s25 =	sadd.s32 $0x200, s25;
	[tilespmem:v9+s2+$0x0] =	vst.idx.add.f32.msk $0xffff, v4  }
0xae: {  	s12 =	sor.u32 s25, s23;
	s1 =	sand.u32 $0x1C00, s25;
	v4 =	vshll.u32 v8, $0x3;
	v9 =	vld [tilespmem:s28+$0x14500]  }
0xaf: {  	s1 =	sadd.s32 $0x14500, s1;
	v11 =	vand.u32 $0x7F, v8;
	v12 =	vand.u32 $0xFFFFFC00, v4;
	v8 =	vshll.u32 v5, $0x3;
	v4 =	vld [tilespmem:s21+$0x14500];
	s21 =	sor.u32 $0x380, s12  }
0xb0: {  	s26 =	sor.u32 s0, s1;
	s29 =	sor.u32 s8, s1;
	s0 =	sor.u32 s7, s1;
	v5 =	vand.u32 $0x7F, v5;
	v13 =	vshll.u32 v7, $0x3;
	v8 =	vand.u32 $0xFFFFFC00, v8;
	[tilespmem:v3+s2+$0x0] =	vst.idx.add.f32.msk $0xffff, v6  }
0xb1: {  	s30 =	sor.u32 s9, s1;
	v3 =	vand.u32 $0xFFFFFC00, v13;
	v6 =	vshll.u32 v10, $0x3;
	v13 =	vld [tilespmem:s0+$0x0];
	v8 =	vor.u32 v5, v8  }
0xb2: {  	v5 =	vand.u32 $0x7F, v7;
	v10 =	vand.u32 $0x7F, v10;
	v14 =	vld [tilespmem:s26+$0x0];
	v6 =	vand.u32 $0xFFFFFC00, v6  }
0xb3: {  	v7 =	vor.u32 v11, v12;
	v3 =	vor.u32 v5, v3;
	v11 =	vld [tilespmem:s29+$0x0];
	v12 =	vor.u32 v10, v6  }
0xb4: {  	v15 =	vor.u32 $0x80, v3;
	v16 =	vor.u32 $0x100, v3;
	v17 =	vld [tilespmem:s30+$0x0];
	v18 =	vor.u32 $0x80, v12  }
0xb5: {  	v19 =	vor.u32 $0x180, v3;
	v20 =	vor.u32 $0x100, v12;
	v21 =	vor.u32 $0x180, v12;
	[tilespmem:v2+s2+$0x0] =	vst.idx.add.f32.msk $0xffff, v9  }
0xb6: {  	v22 =	vor.u32 $0x200, v3;
	v23 =	vor.u32 $0x200, v12;
	v9 =	vor.u32 $0x280, v3;
	[tilespmem:v8+s2+$0x0] =	vst.idx.add.f32.msk $0xffff, v13  }
0xb7: {  	v24 =	vor.u32 $0x80, v8;
	v6 =	vor.u32 $0x300, v3;
	v10 =	vor.u32 $0x280, v12;
	v13 =	vld [tilespmem:s0+$0x80]  }
0xb8: {  	v5 =	vor.u32 $0x300, v12;
	v2 =	vor.u32 $0x380, v12;
	[tilespmem:v3+s2+$0x0] =	vst.idx.add.f32.msk $0xffff, v11;
	v3 =	vor.u32 $0x380, v3  }
0xb9: {  	[tilespmem:v12+s2+$0x0] =	vst.idx.add.f32.msk $0xffff, v17  }
0xba: {  	[tilespmem:v7+s2+$0x0] =	vst.idx.add.f32.msk $0xffff, v14  }
0xbb: {  	v11 =	vld [tilespmem:s29+$0x80]  }
0xbc: {  	[tilespmem:v24+s2+$0x0] =	vst.idx.add.f32.msk $0xffff, v13  }
0xbd: {  	v13 =	vor.u32 $0x100, v8;
	v12 =	vld [tilespmem:s0+$0x100]  }
0xbe: {  	v14 =	vld [tilespmem:s30+$0x80]  }
0xbf: {  	v17 =	vld [tilespmem:s26+$0x80]  }
0xc0: {  	v24 =	vor.u32 $0x80, v7;
	[tilespmem:v15+s2+$0x0] =	vst.idx.add.f32.msk $0xffff, v11  }
0xc1: {  	v11 =	vld [tilespmem:s29+$0x100]  }
0xc2: {  	[tilespmem:v13+s2+$0x0] =	vst.idx.add.f32.msk $0xffff, v12  }
0xc3: {  	p0 =	por !p0, !p0;
	v13 =	vor.u32 $0x180, v8;
	v12 =	vld [tilespmem:s0+$0x180];
	s0 =	simm.s32 $0x1  }
0xc4: {  	s0 =	simm.s32 @!p0 $0x0;
	[tilespmem:v18+s2+$0x0] =	vst.idx.add.f32.msk $0xffff, v14  }
0xc5: {  	s0 =	sshll.u32 s0, $0x6;
	[tilespmem:v24+s2+$0x0] =	vst.idx.add.f32.msk $0xffff, v17  }
0xc6: {  	s0 =	sadd.s32 s0, s25;
	v14 =	vld [tilespmem:s30+$0x100]  }
0xc7: {  	v17 =	vor.u32 $0x100, v7;
	v15 =	vld [tilespmem:s26+$0x100];
	s9 =	sadd.s32 $0x10, s0;
	s28 =	sadd.s32 $0x20, s0;
	s10 =	sadd.s32 $0x30, s0  }
0xc8: {  	s6 =	sor.u32 $0x200, s9;
	s17 =	sor.u32 $0x200, s28;
	[tilespmem:v13+s2+$0x0] =	vst.idx.add.f32.msk $0xffff, v12;
	s1 =	sor.u32 $0x200, s10  }
0xc9: {  	s18 =	sor.u32 $0x200, s0;
	s8 =	sor.u32 $0x280, s9;
	s13 =	sor.u32 $0x280, s28;
	v13 =	vor.u32 $0x200, v8;
	v12 =	vld [tilespmem:s1+$0x14500]  }
0xca: {  	s7 =	sor.u32 $0x280, s0;
	s12 =	sor.u32 $0x300, s9;
	s1 =	sor.u32 $0x300, s28;
	[tilespmem:v16+s2+$0x0] =	vst.idx.add.f32.msk $0xffff, v11  }
0xcb: {  	s0 =	sor.u32 $0x300, s0;
	s31 =	sor.u32 $0x380, s9;
	s28 =	sor.u32 $0x380, s28;
	[tilespmem:v20+s2+$0x0] =	vst.idx.add.f32.msk $0xffff, v14  }
0xcc: {  	[tilespmem:v17+s2+$0x0] =	vst.idx.add.f32.msk $0xffff, v15  }
0xcd: {  	v11 =	vld [tilespmem:s29+$0x180]  }
0xce: {  	s9 =	sor.u32 $0x280, s10;
	[tilespmem:v13+s2+$0x0] =	vst.idx.add.f32.msk $0xffff, v12  }
0xcf: {  	v13 =	vor.u32 $0x280, v8;
	v12 =	vld [tilespmem:s9+$0x14500]  }
0xd0: {  	v14 =	vld [tilespmem:s30+$0x180]  }
0xd1: {  	v15 =	vld [tilespmem:s26+$0x180]  }
0xd2: {  	v16 =	vor.u32 $0x180, v7;
	[tilespmem:v19+s2+$0x0] =	vst.idx.add.f32.msk $0xffff, v11  }
0xd3: {  	v11 =	vld [tilespmem:s6+$0x14500]  }
0xd4: {  	s6 =	sor.u32 $0x300, s10;
	[tilespmem:v13+s2+$0x0] =	vst.idx.add.f32.msk $0xffff, v12  }
0xd5: {  	v13 =	vor.u32 $0x300, v8;
	v12 =	vld [tilespmem:s6+$0x14500]  }
0xd6: {  	[tilespmem:v21+s2+$0x0] =	vst.idx.add.f32.msk $0xffff, v14  }
0xd7: {  	[tilespmem:v16+s2+$0x0] =	vst.idx.add.f32.msk $0xffff, v15  }
0xd8: {  	v14 =	vld [tilespmem:s17+$0x14500]  }
0xd9: {  	v16 =	vor.u32 $0x200, v7;
	v15 =	vld [tilespmem:s18+$0x14500]  }
0xda: {  	s6 =	sor.u32 $0x380, s10;
	[tilespmem:v13+s2+$0x0] =	vst.idx.add.f32.msk $0xffff, v12  }
0xdb: {  	v8 =	vor.u32 $0x380, v8;
	v12 =	vld [tilespmem:s6+$0x14500]  }
0xdc: {  	[tilespmem:v22+s2+$0x0] =	vst.idx.add.f32.msk $0xffff, v11  }
0xdd: {  	[tilespmem:v23+s2+$0x0] =	vst.idx.add.f32.msk $0xffff, v14  }
0xde: {  	v11 =	vor.u32 $0x380, v1;
	v1 =	vmov v7;
	[tilespmem:v16+s2+$0x0] =	vst.idx.add.f32.msk $0xffff, v15  }
0xdf: {  	v7 =	vld [tilespmem:s8+$0x14500]  }
0xe0: {  	[tilespmem:v8+s2+$0x0] =	vst.idx.add.f32.msk $0xffff, v12  }
0xe1: {  	v8 =	vld [tilespmem:s13+$0x14500]  }
0xe2: {  	v13 =	vor.u32 $0x280, v1;
	v12 =	vld [tilespmem:s7+$0x14500]  }
0xe3: {  	[tilespmem:v11+s2+$0x0] =	vst.idx.add.f32.msk $0xffff, v4  }
0xe4: {  	[tilespmem:v9+s2+$0x0] =	vst.idx.add.f32.msk $0xffff, v7  }
0xe5: {  	v9 =	vld [tilespmem:s12+$0x14500]  }
.Ltmp3:
0xe6: {  	[tilespmem:v10+s2+$0x0] =	vst.idx.add.f32.msk $0xffff, v8;
	(pc) =	sbr.rel @p1 .LBB2_5-.Ltmp3, $4  }
0xe7: {  	[tilespmem:v13+s2+$0x0] =	vst.idx.add.f32.msk $0xffff, v12  }
0xe8: {  	v7 =	vld [tilespmem:s1+$0x14500]  }
0xe9: {  	v4 =	vld [tilespmem:s0+$0x14500]  }
0xea: {  	s24 =	sadd.s32 $0x40, s24;
	s23 =	sadd.s32 $0x40, s23;
	[tilespmem:v6+s2+$0x0] =	vst.idx.add.f32.msk $0xffff, v9  }
0xeb: {  	v6 =	vor.u32 $0x300, v1;
	_ =	sdelay $0x2  }
0xec: {  	v8 =	vld [tilespmem:s31+$0x14500]  }
0xed: {  	[tilespmem:v5+s2+$0x0] =	vst.idx.add.f32.msk $0xffff, v7  }
0xee: {  	[tilespmem:v6+s2+$0x0] =	vst.idx.add.f32.msk $0xffff, v4  }
0xef: {  	v4 =	vld [tilespmem:s28+$0x14500]  }
0xf0: {  	p0 =	seq.s32 s20, $0x7C;
	v5 =	vld [tilespmem:s21+$0x14500];
	s21 =	sshll.u32 s20, $0x1  }
0xf1: {  	v1 =	vor.u32 $0x380, v1;
	s0 =	sadd.s32 @!p0 $0x2, s21  }
0xf2: {  	s1 =	smul.u32 @!p0 $0x50, s0  }
0xf3: {  	s0 =	smul.u32 @!p0 $0x1400, s0  }
0xf4: {  	[tilespmem:v3+s2+$0x0] =	vst.idx.add.f32.msk $0xffff, v8  }
0xf5: {  	s6 =	simm.s32 @!p0 $0x0;
	[tilespmem:v2+s2+$0x0] =	vst.idx.add.f32.msk $0xffff, v4;
	s0 =	sadd.s32 @!p0 s3, s0  }
0xf6: {  	s7 =	simm.s32 @!p0 $0x14000;
	s1 =	sadd.s32 @!p0 s5, s1;
	[tilespmem:v1+s2+$0x0] =	vst.idx.add.f32.msk $0xffff, v5;
	s0 =	sshrl.u32 @!p0 s0, $0x3  }
0xf7: {  	[tilespmem:s7], [sflag:$0x1] =	stream.linear.gather @!p0 [hbm4b:s1+s6], $0x280, $0x38;
	[tilespmem:$0x16D00] =	vst v63  }
0xf8: {  	s0 =	sadd.s32 @!p0 s4, s0;
	s1 =	simm.s32 @!p0 $0x14500  }
0xf9: {  	[tilespmem:s1], [sflag:$0x1] =	stream.linear.gather @!p0 [hbm4b:s0+s6], $0x1400, $0x38;
	[tilespmem:$0x16D00] =	vst v63  }
0xfa: {  	_ =	swait.ge [sflag:s16], $0x280  }
0xfb: {  	[sflag:s16] =	ssyncset.done $0x0  }
0xfc: {  	s22 =	simm.s32 $0x0;
	[sflag:s16] =	ssyncadd.s32 $0xFFFFFD80  }
0xfd: {  	s15 =	sand.u32 $0x40, s22;
	s17 =	sand.u32 $0x380, s22;
	_ =	swait.ge [sflag:s16], $0x1400  }
0xfe: {  	s18 =	sor.u32 $0x30, s15;
	s1 =	sadd.s32 $0x14280, s17;
	[sflag:s16] =	ssyncset.done $0x0  }
0xff: {  	s23 =	sor.u32 s18, s1;
	[sflag:s16] =	ssyncadd.s32 $0xFFFFEC00  }
0x100: {  	s8 =	simm.s32 $0x14280;
	s9 =	sor.u32 $0x10, s15;
	v1 =	vld [tilespmem:s23+$0x0]  }
0x101: {  	s24 =	sor.u32 $0x20, s15;
	s25 =	sor.u32 s9, s1;
	v2 =	vld [tilespmem:s8+$0x0]  }
0x102: {  	s1 =	sor.u32 s24, s1;
	v3 =	vld [tilespmem:s25+$0x0]  }
0x103: {  	v4 =	vld [tilespmem:s1+$0x0]  }
0x104: {  	s26 =	sand.u32 $0x1C00, s22  }
0x105: {  	s1 =	sadd.s32 $0x15900, s26;
	v5 =	vshll.u32 v1, $0x3  }
0x106: {  	s6 =	sor.u32 s18, s1;
	v1 =	vand.u32 $0x7F, v1;
	v5 =	vand.u32 $0xFFFFFC00, v5  }
0x107: {  	v8 =	vld [tilespmem:s6+$0x0];
	v6 =	vshll.u32 v2, $0x3;
	v7 =	vshll.u32 v3, $0x3;
	v5 =	vor.u32 v1, v5  }
0x108: {  	s28 =	sor.u32 s9, s1;
	v3 =	vand.u32 $0x7F, v3;
	v1 =	vand.u32 $0xFFFFFC00, v7;
	v7 =	vshll.u32 v4, $0x3  }
0x109: {  	s7 =	sor.u32 s24, s1;
	v9 =	vld [tilespmem:s28+$0x0];
	v4 =	vand.u32 $0x7F, v4;
	v7 =	vand.u32 $0xFFFFFC00, v7;
	v3 =	vor.u32 v3, v1  }
0x10a: {  	s1 =	sor.u32 s15, s1;
	v1 =	vand.u32 $0x7F, v2;
	v2 =	vand.u32 $0xFFFFFC00, v6;
	v6 =	vor.u32 v4, v7;
	v4 =	vld [tilespmem:s7+$0x0]  }
0x10b: {  	v7 =	vld [tilespmem:s1+$0x0];
	v1 =	vor.u32 v1, v2  }
0x10c: {  	[tilespmem:v5+s2+$0x0] =	vst.idx.add.f32.msk $0xffff, v8  }
0x10d: {  	v2 =	vld [tilespmem:s6+$0x80]  }
0x10e: {  	[tilespmem:v3+s2+$0x0] =	vst.idx.add.f32.msk $0xffff, v9  }
0x10f: {  	v8 =	vor.u32 $0x80, v5;
	[tilespmem:v6+s2+$0x0] =	vst.idx.add.f32.msk $0xffff, v4  }
0x110: {  	[tilespmem:v1+s2+$0x0] =	vst.idx.add.f32.msk $0xffff, v7  }
0x111: {  	v4 =	vor.u32 $0x80, v3;
	v7 =	vld [tilespmem:s28+$0x80]  }
0x112: {  	v10 =	vor.u32 $0x80, v6;
	v54 =	vld [tilespmem:s7+$0x80]  }
0x113: {  	v12 =	vor.u32 $0x80, v1;
	v11 =	vld [tilespmem:s1+$0x80]  }
0x114: {  	[tilespmem:v8+s2+$0x0] =	vst.idx.add.f32.msk $0xffff, v2  }
0x115: {  	v2 =	vld [tilespmem:s6+$0x100]  }
0x116: {  	v8 =	vor.u32 $0x100, v5;
	[tilespmem:v4+s2+$0x0] =	vst.idx.add.f32.msk $0xffff, v7  }
0x117: {  	[tilespmem:v10+s2+$0x0] =	vst.idx.add.f32.msk $0xffff, v54  }
0x118: {  	[tilespmem:v12+s2+$0x0] =	vst.idx.add.f32.msk $0xffff, v11  }
0x119: {  	v55 =	vor.u32 $0x100, v6;
	v10 =	vld [tilespmem:s7+$0x100]  }
0x11a: {  	v56 =	vor.u32 $0x100, v1;
	v11 =	vld [tilespmem:s1+$0x100]  }
0x11b: {  	[tilespmem:v8+s2+$0x0] =	vst.idx.add.f32.msk $0xffff, v2  }
0x11c: {  	p1 =	por $0x0, $0x0;
	s0 =	simm.s32 $0x1;
	v7 =	vor.u32 $0x180, v5;
	v2 =	vld [tilespmem:s6+$0x180]  }
0x11d: {  	s0 =	simm.s32 @!p1 $0x0;
	v4 =	vld [tilespmem:s28+$0x100]  }
0x11e: {  	s0 =	sshll.u32 s0, $0x6;
	[tilespmem:v55+s2+$0x0] =	vst.idx.add.f32.msk $0xffff, v10  }
0x11f: {  	s0 =	sadd.s32 $0x0, s0;
	v8 =	vor.u32 $0x100, v3;
	[tilespmem:v56+s2+$0x0] =	vst.idx.add.f32.msk $0xffff, v11  }
0x120: {  	s30 =	sadd.s32 $0x30, s0;
	v9 =	vld [tilespmem:s7+$0x180]  }
0x121: {  	s31 =	sor.u32 $0x200, s30;
	v57 =	vor.u32 $0x180, v6;
	[tilespmem:v7+s2+$0x0] =	vst.idx.add.f32.msk $0xffff, v2  }
0x122: {  	v7 =	vor.u32 $0x200, v5;
	v2 =	vld [tilespmem:s31+$0x15900]  }
0x123: {  	v11 =	vld [tilespmem:s1+$0x180]  }
0x124: {  	v58 =	vor.u32 $0x180, v1;
	[tilespmem:v8+s2+$0x0] =	vst.idx.add.f32.msk $0xffff, v4  }
0x125: {  	v8 =	vld [tilespmem:s28+$0x180]  }
0x126: {  	v4 =	vor.u32 $0x180, v3;
	[tilespmem:v57+s2+$0x0] =	vst.idx.add.f32.msk $0xffff, v9  }
0x127: {  	s10 =	sor.u32 $0x280, s30;
	[tilespmem:v7+s2+$0x0] =	vst.idx.add.f32.msk $0xffff, v2  }
0x128: {  	v7 =	vor.u32 $0x280, v5;
	v2 =	vld [tilespmem:s10+$0x15900]  }
0x129: {  	s18 =	sor.u32 $0x200, s0;
	[tilespmem:v58+s2+$0x0] =	vst.idx.add.f32.msk $0xffff, v11  }
0x12a: {  	s12 =	sadd.s32 $0x10, s0;
	v11 =	vld [tilespmem:s18+$0x15900]  }
0x12b: {  	s13 =	sor.u32 $0x200, s12;
	v60 =	vor.u32 $0x200, v1;
	[tilespmem:v4+s2+$0x0] =	vst.idx.add.f32.msk $0xffff, v8  }
0x12c: {  	v4 =	vld [tilespmem:s13+$0x15900]  }
0x12d: {  	s14 =	sor.u32 $0x300, s30;
	s15 =	sadd.s32 $0x20, s0;
	v8 =	vor.u32 $0x200, v3;
	[tilespmem:v7+s2+$0x0] =	vst.idx.add.f32.msk $0xffff, v2  }
0x12e: {  	s17 =	sor.u32 $0x200, s15;
	v7 =	vor.u32 $0x300, v5;
	v2 =	vld [tilespmem:s14+$0x15900]  }
0x12f: {  	v10 =	vld [tilespmem:s17+$0x15900]  }
0x130: {  	s25 =	sor.u32 $0x280, s0;
	v59 =	vor.u32 $0x200, v6;
	[tilespmem:v60+s2+$0x0] =	vst.idx.add.f32.msk $0xffff, v11  }
0x131: {  	v61 =	vld [tilespmem:s25+$0x15900]  }
0x132: {  	v62 =	vor.u32 $0x280, v1;
	[tilespmem:v8+s2+$0x0] =	vst.idx.add.f32.msk $0xffff, v4  }
0x133: {  	s23 =	sor.u32 $0x280, s12;
	[tilespmem:v7+s2+$0x0] =	vst.idx.add.f32.msk $0xffff, v2  }
0x134: {  	v4 =	vor.u32 $0x380, v5;
	v5 =	vor.u32 $0x280, v3;
	v7 =	vld [tilespmem:s23+$0x15900]  }
0x135: {  	s24 =	sor.u32 $0x280, s15;
	[tilespmem:v59+s2+$0x0] =	vst.idx.add.f32.msk $0xffff, v10  }
0x136: {  	v9 =	vld [tilespmem:s24+$0x15900];
	v8 =	vor.u32 $0x280, v6  }
0x137: {  	s6 =	sor.u32 $0x380, s30;
	[tilespmem:v62+s2+$0x0] =	vst.idx.add.f32.msk $0xffff, v61  }
0x138: {  	v2 =	vld [tilespmem:s6+$0x15900]  }
0x139: {  	s26 =	sor.u32 $0x300, s12;
	[tilespmem:v5+s2+$0x0] =	vst.idx.add.f32.msk $0xffff, v7  }
0x13a: {  	v63 =	vor.u32 $0x300, v3;
	v13 =	vld [tilespmem:s26+$0x15900]  }
0x13b: {  	s28 =	sor.u32 $0x300, s15;
	[tilespmem:v8+s2+$0x0] =	vst.idx.add.f32.msk $0xffff, v9  }
0x13c: {  	v7 =	vld [tilespmem:s28+$0x15900]  }
0x13d: {  	s29 =	sor.u32 $0x380, s15;
	s31 =	sor.u32 $0x300, s0;
	v5 =	vor.u32 $0x300, v6;
	[tilespmem:v4+s2+$0x0] =	vst.idx.add.f32.msk $0xffff, v2  }
0x13e: {  	s30 =	sor.u32 s22, s22;
	s0 =	sor.u32 $0x380, s12;
	s24 =	simm.s32 $0x0;
	v4 =	vld [tilespmem:s31+$0x15900]  }
0x13f: {  	s25 =	simm.s32 $0x40;
	v3 =	vor.u32 $0x380, v3;
	s23 =	sor.u32 $0x380, s30;
	v2 =	vor.u32 $0x380, v6;
	s26 =	simm.s32 $0x142C0;
	[tilespmem:v63+s2+$0x0] =	vst.idx.add.f32.msk $0xffff, v13  }
.LBB2_7:
0x140: {  	s1 =	sand.u32 $0x40, s25;
	s6 =	sand.u32 $0x380, s25;
	s24 =	sadd.s32 $0x4, s24;
	v6 =	vld [tilespmem:s0+$0x15900]  }
0x141: {  	v9 =	vor.u32 $0x300, v1;
	v8 =	vld [tilespmem:s26+$0x0];
	s0 =	sadd.s32 $0x14280, s6;
	s6 =	sor.u32 $0x30, s1;
	p2 =	slt.u32 s24, $0x24  }
0x142: {  	s7 =	sor.u32 $0x10, s1;
	s8 =	sor.u32 $0x20, s1;
	s9 =	sor.u32 s6, s0;
	[tilespmem:v5+s2+$0x0] =	vst.idx.add.f32.msk $0xffff, v7  }
0x143: {  	s10 =	sor.u32 s7, s0;
	s0 =	sor.u32 s8, s0;
	v5 =	vld [tilespmem:s9+$0x0]  }
0x144: {  	v7 =	vld [tilespmem:s10+$0x0]  }
0x145: {  	v10 =	vld [tilespmem:s0+$0x0]  }
0x146: {  	s22 =	sadd.s32 $0x200, s22;
	[tilespmem:v9+s2+$0x0] =	vst.idx.add.f32.msk $0xffff, v4  }
0x147: {  	s9 =	sor.u32 s22, s25;
	s0 =	sand.u32 $0x1C00, s22;
	v4 =	vshll.u32 v8, $0x3;
	v9 =	vld [tilespmem:s29+$0x15900]  }
0x148: {  	s10 =	sadd.s32 $0x15900, s0;
	v11 =	vand.u32 $0x7F, v8;
	v12 =	vand.u32 $0xFFFFFC00, v4;
	v8 =	vshll.u32 v5, $0x3;
	v4 =	vld [tilespmem:s23+$0x15900];
	s23 =	sor.u32 $0x380, s9  }
0x149: {  	s28 =	sor.u32 s1, s10;
	s30 =	sor.u32 s7, s10;
	s0 =	sor.u32 s6, s10;
	v5 =	vand.u32 $0x7F, v5;
	v13 =	vshll.u32 v7, $0x3;
	v8 =	vand.u32 $0xFFFFFC00, v8;
	[tilespmem:v3+s2+$0x0] =	vst.idx.add.f32.msk $0xffff, v6  }
0x14a: {  	s31 =	sor.u32 s8, s10;
	v3 =	vand.u32 $0xFFFFFC00, v13;
	v6 =	vshll.u32 v10, $0x3;
	v13 =	vld [tilespmem:s0+$0x0];
	v8 =	vor.u32 v5, v8  }
0x14b: {  	v5 =	vand.u32 $0x7F, v7;
	v10 =	vand.u32 $0x7F, v10;
	v14 =	vld [tilespmem:s28+$0x0];
	v6 =	vand.u32 $0xFFFFFC00, v6  }
0x14c: {  	v7 =	vor.u32 v11, v12;
	v3 =	vor.u32 v5, v3;
	v11 =	vld [tilespmem:s30+$0x0];
	v12 =	vor.u32 v10, v6  }
0x14d: {  	v15 =	vor.u32 $0x80, v3;
	v16 =	vor.u32 $0x100, v3;
	v17 =	vld [tilespmem:s31+$0x0];
	v18 =	vor.u32 $0x80, v12  }
0x14e: {  	v19 =	vor.u32 $0x180, v3;
	v20 =	vor.u32 $0x100, v12;
	v21 =	vor.u32 $0x180, v12;
	[tilespmem:v2+s2+$0x0] =	vst.idx.add.f32.msk $0xffff, v9  }
0x14f: {  	v22 =	vor.u32 $0x200, v3;
	v23 =	vor.u32 $0x200, v12;
	v9 =	vor.u32 $0x280, v3;
	[tilespmem:v8+s2+$0x0] =	vst.idx.add.f32.msk $0xffff, v13  }
0x150: {  	v24 =	vor.u32 $0x80, v8;
	v6 =	vor.u32 $0x300, v3;
	v10 =	vor.u32 $0x280, v12;
	v13 =	vld [tilespmem:s0+$0x80]  }
0x151: {  	v5 =	vor.u32 $0x300, v12;
	v2 =	vor.u32 $0x380, v12;
	[tilespmem:v3+s2+$0x0] =	vst.idx.add.f32.msk $0xffff, v11;
	v3 =	vor.u32 $0x380, v3  }
0x152: {  	[tilespmem:v12+s2+$0x0] =	vst.idx.add.f32.msk $0xffff, v17  }
0x153: {  	[tilespmem:v7+s2+$0x0] =	vst.idx.add.f32.msk $0xffff, v14  }
0x154: {  	v11 =	vld [tilespmem:s30+$0x80]  }
0x155: {  	[tilespmem:v24+s2+$0x0] =	vst.idx.add.f32.msk $0xffff, v13  }
0x156: {  	v13 =	vor.u32 $0x100, v8;
	v12 =	vld [tilespmem:s0+$0x100]  }
0x157: {  	v14 =	vld [tilespmem:s31+$0x80]  }
0x158: {  	v17 =	vld [tilespmem:s28+$0x80]  }
0x159: {  	v24 =	vor.u32 $0x80, v7;
	[tilespmem:v15+s2+$0x0] =	vst.idx.add.f32.msk $0xffff, v11  }
0x15a: {  	v11 =	vld [tilespmem:s30+$0x100]  }
0x15b: {  	[tilespmem:v13+s2+$0x0] =	vst.idx.add.f32.msk $0xffff, v12  }
0x15c: {  	p1 =	por !p1, !p1;
	v13 =	vor.u32 $0x180, v8;
	v12 =	vld [tilespmem:s0+$0x180];
	s0 =	simm.s32 $0x1  }
0x15d: {  	s0 =	simm.s32 @!p1 $0x0;
	[tilespmem:v18+s2+$0x0] =	vst.idx.add.f32.msk $0xffff, v14  }
0x15e: {  	s0 =	sshll.u32 s0, $0x6;
	[tilespmem:v24+s2+$0x0] =	vst.idx.add.f32.msk $0xffff, v17  }
0x15f: {  	s0 =	sadd.s32 s0, s22;
	v14 =	vld [tilespmem:s31+$0x100]  }
0x160: {  	v17 =	vor.u32 $0x100, v7;
	v15 =	vld [tilespmem:s28+$0x100];
	s6 =	sadd.s32 $0x10, s0;
	s10 =	sadd.s32 $0x20, s0;
	s17 =	sadd.s32 $0x30, s0  }
0x161: {  	s18 =	sor.u32 $0x200, s6;
	s14 =	sor.u32 $0x200, s10;
	[tilespmem:v13+s2+$0x0] =	vst.idx.add.f32.msk $0xffff, v12;
	s1 =	sor.u32 $0x200, s17  }
0x162: {  	s15 =	sor.u32 $0x200, s0;
	s9 =	sor.u32 $0x280, s6;
	s7 =	sor.u32 $0x280, s10;
	v13 =	vor.u32 $0x200, v8;
	v12 =	vld [tilespmem:s1+$0x15900]  }
0x163: {  	s8 =	sor.u32 $0x280, s0;
	s13 =	sor.u32 $0x300, s6;
	s12 =	sor.u32 $0x300, s10;
	[tilespmem:v16+s2+$0x0] =	vst.idx.add.f32.msk $0xffff, v11  }
0x164: {  	s29 =	sor.u32 $0x380, s10;
	s1 =	sor.u32 $0x300, s0;
	s0 =	sor.u32 $0x380, s6;
	[tilespmem:v20+s2+$0x0] =	vst.idx.add.f32.msk $0xffff, v14  }
0x165: {  	[tilespmem:v17+s2+$0x0] =	vst.idx.add.f32.msk $0xffff, v15  }
0x166: {  	v11 =	vld [tilespmem:s30+$0x180]  }
0x167: {  	s6 =	sor.u32 $0x280, s17;
	[tilespmem:v13+s2+$0x0] =	vst.idx.add.f32.msk $0xffff, v12  }
0x168: {  	v13 =	vor.u32 $0x280, v8;
	v12 =	vld [tilespmem:s6+$0x15900]  }
0x169: {  	v14 =	vld [tilespmem:s31+$0x180]  }
0x16a: {  	v15 =	vld [tilespmem:s28+$0x180]  }
0x16b: {  	v16 =	vor.u32 $0x180, v7;
	[tilespmem:v19+s2+$0x0] =	vst.idx.add.f32.msk $0xffff, v11  }
0x16c: {  	v11 =	vld [tilespmem:s18+$0x15900]  }
0x16d: {  	s6 =	sor.u32 $0x300, s17;
	[tilespmem:v13+s2+$0x0] =	vst.idx.add.f32.msk $0xffff, v12  }
0x16e: {  	v13 =	vor.u32 $0x300, v8;
	v12 =	vld [tilespmem:s6+$0x15900]  }
0x16f: {  	[tilespmem:v21+s2+$0x0] =	vst.idx.add.f32.msk $0xffff, v14  }
0x170: {  	[tilespmem:v16+s2+$0x0] =	vst.idx.add.f32.msk $0xffff, v15  }
0x171: {  	v14 =	vld [tilespmem:s14+$0x15900]  }
0x172: {  	v16 =	vor.u32 $0x200, v7;
	v15 =	vld [tilespmem:s15+$0x15900]  }
0x173: {  	s6 =	sor.u32 $0x380, s17;
	[tilespmem:v13+s2+$0x0] =	vst.idx.add.f32.msk $0xffff, v12  }
0x174: {  	v8 =	vor.u32 $0x380, v8;
	v12 =	vld [tilespmem:s6+$0x15900]  }
0x175: {  	[tilespmem:v22+s2+$0x0] =	vst.idx.add.f32.msk $0xffff, v11  }
0x176: {  	[tilespmem:v23+s2+$0x0] =	vst.idx.add.f32.msk $0xffff, v14  }
0x177: {  	v11 =	vor.u32 $0x380, v1;
	v1 =	vmov v7;
	[tilespmem:v16+s2+$0x0] =	vst.idx.add.f32.msk $0xffff, v15  }
0x178: {  	v7 =	vld [tilespmem:s9+$0x15900]  }
0x179: {  	[tilespmem:v8+s2+$0x0] =	vst.idx.add.f32.msk $0xffff, v12  }
0x17a: {  	v8 =	vld [tilespmem:s7+$0x15900]  }
0x17b: {  	v13 =	vor.u32 $0x280, v1;
	v12 =	vld [tilespmem:s8+$0x15900]  }
0x17c: {  	[tilespmem:v11+s2+$0x0] =	vst.idx.add.f32.msk $0xffff, v4  }
0x17d: {  	[tilespmem:v9+s2+$0x0] =	vst.idx.add.f32.msk $0xffff, v7  }
0x17e: {  	v9 =	vld [tilespmem:s13+$0x15900]  }
.Ltmp4:
0x17f: {  	[tilespmem:v10+s2+$0x0] =	vst.idx.add.f32.msk $0xffff, v8;
	(pc) =	sbr.rel @p2 .LBB2_7-.Ltmp4, $4  }
0x180: {  	[tilespmem:v13+s2+$0x0] =	vst.idx.add.f32.msk $0xffff, v12  }
0x181: {  	v7 =	vld [tilespmem:s12+$0x15900]  }
0x182: {  	v4 =	vld [tilespmem:s1+$0x15900]  }
0x183: {  	s26 =	sadd.s32 $0x40, s26;
	s25 =	sadd.s32 $0x40, s25;
	[tilespmem:v6+s2+$0x0] =	vst.idx.add.f32.msk $0xffff, v9  }
0x184: {  	_ = 	snop  }
0x185: {  	v6 =	vor.u32 $0x300, v1;
	_ =	sdelay $0x1  }
0x186: {  	v8 =	vld [tilespmem:s0+$0x15900]  }
0x187: {  	[tilespmem:v5+s2+$0x0] =	vst.idx.add.f32.msk $0xffff, v7  }
0x188: {  	v62 =	vld [tilespmem:s29+$0x15900]  }
0x189: {  	[tilespmem:v6+s2+$0x0] =	vst.idx.add.f32.msk $0xffff, v4  }
0x18a: {  	v1 =	vor.u32 $0x380, v1;
	v63 =	vld [tilespmem:s23+$0x15900]  }
.Ltmp5:
0x18b: {  	_ = 	snop;
	(pc) =	sbr.rel @p0 .LBB2_10-.Ltmp5, $4  }
0x18c: {  	_ = 	snop  }
0x18d: {  	[tilespmem:v3+s2+$0x0] =	vst.idx.add.f32.msk $0xffff, v8  }
0x18e: {  	[tilespmem:v2+s2+$0x0] =	vst.idx.add.f32.msk $0xffff, v62  }
0x18f: {  	[tilespmem:v1+s2+$0x0] =	vst.idx.add.f32.msk $0xffff, v63  }
0x190: {  	s0 =	sadd.s32 $0x3, s21  }
0x191: {  	s1 =	smul.u32 $0x50, s0  }
0x192: {  	s0 =	smul.u32 $0x1400, s0  }
0x193: {  	s6 =	simm.s32 $0x14280  }
.Ltmp6:
0x194: {  	s1 =	sadd.s32 s5, s1;
	s0 =	sadd.s32 s3, s0;
	(pc) =	sbr.rel .LBB2_4-.Ltmp6, $4  }
0x195: {  	[tilespmem:s6], [sflag:$0x2] =	stream.linear.gather [hbm4b:s1+s2], $0x280, $0x38;
	[tilespmem:$0x16D00] =	vst v63  }
0x196: {  	s0 =	sshrl.u32 s0, $0x3  }
0x197: {  	s31 =	simm.s32 $0x15900;
	s20 =	sadd.s32 $0x1, s20;
	s0 =	sadd.s32 s4, s0  }
0x198: {  	[tilespmem:s31], [sflag:$0x2] =	stream.linear.gather [hbm4b:s0+s2], $0x1400, $0x38;
	[tilespmem:$0x16D00] =	vst v63  }
.LBB2_11:
0x199: {  	_ =	sfence.sel $0x180000  }
0x19a: {  	[bflag:$0x0] =	sbarrier.arrive $0xFFFF  }
0x19b: {  	_ =	strace $0x90000053  }
0x19c: {  	s0 =	stileid.u32;
	[bflag:$0x2] =	sbarrier.arrive $0xFFFF  }
0x19d: {  	p0 =	sne.s32 s0, $0x0;
	s0 =	rddreg [dreg:$0x1]  }
0x19e: {  	s0 =	sadd.s32 @!p0 $0x100000, s0  }
0x19f: {  	[sflag:s0] =	ssyncadd.tile.s32 @!p0 $0x1;
	_ =	shalt  }
.Lfunc_end2:
_tile_overlayer_lowered:
.L_overlay_start_2:
0x1a0: {  	(tag) =	ssettag $0x2  }
0x1a1: {  	s0 =	rddreg [dreg:$0x0];
	s2 =	stileid.u32  }
0x1a2: {  	s1 =	rddreg [dreg:$0x1];
	p0 =	sne.s32 s2, $0x0  }
0x1a3: {  	s3 =	rddreg [dreg:$0x2];
	[bflag:$0x3] =	sbarrier.arrive $0xFFFF;
	s2 =	simm.s32 @!p0 $0x1C03  }
0x1a4: {  	[timem:s3], [sflag:s2] =	dma.local @!p0 [hbm:s0], s1  }
0x1a5: {  	s0 =	simm.s32 @!p0 $0x3  }
0x1a6: {  	_ =	swait.ge @!p0 [sflag:s0], s1  }
0x1a7: {  	s1 =	ssub.s32 @!p0 $0x0, s1;
	[sflag:s0] =	ssyncset.done @!p0 $0x0  }
0x1a8: {  	[sflag:s0] =	ssyncadd.s32 @!p0 s1  }
0x1a9: {  	[bflag:$0x3] =	sbarrier.arrive $0xFFFF  }
0x1aa: {  	_ =	shalt  }

</sc_bundles>
